<compile_context>
chip_gen: v7x
topology: tpu7x:2x2x1
jax: 0.10.2.dev20260603
libtpu: 0.0.44.dev20260713+nightly
codegen_flags: <defaults>
</compile_context>

<pallas_src>
import functools

import jax
import jax.numpy as jnp
from jax import lax
from jax.experimental import pallas as pl
from jax.experimental.pallas import tpu as pltpu
from jax.experimental.pallas import tpu_sc as plsc

_N, _E, _D, _H, _B, _C = 10000, 320000, 128, 128, 8, 2
_NC, _NS = 2, 16
_NW = _NC * _NS
_CH = 80
_EPT = _E // _NW
_NCHUNK = _EPT // _CH
_NACC = _N
_RPT = 624
_ZR = _CH
_RTAIL = _N - _NS * _RPT

_PPT = 312
_PCH = 104
_PTAIL = _N - _NW * _PPT

_sc_mesh = plsc.VectorSubcoreMesh(core_axis_name="c", subcore_axis_name="s")


def _edge_aggr_body(h_hbm, src_hbm, dst_hbm, zeros_hbm, out_hbm,
                    acc_sh, src_v, dst_v, rows, gsems, ssems):
    c = lax.axis_index("c")
    s = lax.axis_index("s")
    wid = c * _NS + s

    pltpu.sync_copy(zeros_hbm, rows[0])
    for k in range(7):
        pltpu.sync_copy(rows[0], acc_sh.at[pl.ds(s * _RPT + k * _CH, _CH)])
    pltpu.sync_copy(rows[0].at[pl.ds(0, 64)],
                    acc_sh.at[pl.ds(s * _RPT + 7 * _CH, 64)])

    @pl.when(s == 0)
    def _zero_tail():
        pltpu.sync_copy(rows[0].at[pl.ds(0, _RTAIL)],
                        acc_sh.at[pl.ds(_NS * _RPT, _RTAIL)])

    plsc.subcore_barrier()

    def gather(j, b):
        pltpu.async_copy(h_hbm.at[src_v.at[j]], rows[b], gsems[b])

    def gather_wait(j, b):
        pltpu.make_async_copy(h_hbm.at[src_v.at[j]], rows[b],
                              gsems[b]).wait()

    def scatter(j, b):
        pltpu.async_copy(rows[b], acc_sh.at[dst_v.at[j]], ssems[b],
                         add=True)

    def scatter_wait(j, b):
        pltpu.make_async_copy(rows[b], acc_sh.at[dst_v.at[j]],
                              ssems[b]).wait()

    def run_phase(nchunks):
        m = (nchunks - 4) // 3

        def body(k, carry):
            a = 3 * k + 1
            gather_wait(a, 1)
            scatter(a, 1)
            scatter_wait(a - 1, 0)
            gather(a + 2, 0)
            gather_wait(a + 1, 2)
            scatter(a + 1, 2)
            scatter_wait(a, 1)
            gather(a + 3, 1)
            gather_wait(a + 2, 0)
            scatter(a + 2, 0)
            scatter_wait(a + 1, 2)
            gather(a + 4, 2)
            return carry

        gather(0, 0)
        gather(1, 1)
        gather(2, 2)
        gather_wait(0, 0)
        scatter(0, 0)
        lax.fori_loop(0, m, body, 0)
        for j in range(3 * m + 1, nchunks):
            b = j % 3
            gather_wait(j, b)
            scatter(j, b)
            scatter_wait(j - 1, (j - 1) % 3)
            if j + 2 < nchunks:
                gather(j + 2, (j - 1) % 3)
        scatter_wait(nchunks - 1, (nchunks - 1) % 3)

    pltpu.sync_copy(src_hbm.at[wid, pl.ds(0, 64)], src_v)
    pltpu.sync_copy(dst_hbm.at[wid, pl.ds(0, 64)], dst_v)
    run_phase(64)
    pltpu.sync_copy(src_hbm.at[wid, pl.ds(64, 61)], src_v.at[pl.ds(0, 61)])
    pltpu.sync_copy(dst_hbm.at[wid, pl.ds(64, 61)], dst_v.at[pl.ds(0, 61)])
    run_phase(61)

    plsc.subcore_barrier()

    for k in range(7):
        r0 = s * _RPT + k * _CH
        pltpu.sync_copy(acc_sh.at[pl.ds(r0, _CH)], rows[0])
        pltpu.sync_copy(rows[0], out_hbm.at[c, pl.ds(r0, _CH)])
    r1 = s * _RPT + 7 * _CH
    pltpu.sync_copy(acc_sh.at[pl.ds(r1, 64)], rows[0].at[pl.ds(0, 64)])
    pltpu.sync_copy(rows[0].at[pl.ds(0, 64)], out_hbm.at[c, pl.ds(r1, 64)])

    @pl.when(s == 0)
    def _out_tail():
        r0 = _NS * _RPT
        pltpu.sync_copy(acc_sh.at[pl.ds(r0, _RTAIL)],
                        rows[0].at[pl.ds(0, _RTAIL)])
        pltpu.sync_copy(rows[0].at[pl.ds(0, _RTAIL)],
                        out_hbm.at[c, pl.ds(r0, _RTAIL)])


@functools.partial(
    pl.kernel,
    out_type=jax.ShapeDtypeStruct((_NC, _N, _H), jnp.float32),
    mesh=_sc_mesh,
    scratch_types=[
        pltpu.VMEM_SHARED((_NACC, _H), jnp.float32),
        pltpu.VMEM((64, _CH), jnp.int32),
        pltpu.VMEM((64, _CH), jnp.int32),
        pltpu.VMEM((_CH, _H), jnp.float32),
        pltpu.VMEM((_CH, _H), jnp.float32),
        pltpu.VMEM((_CH, _H), jnp.float32),
        pltpu.SemaphoreType.DMA,
        pltpu.SemaphoreType.DMA,
        pltpu.SemaphoreType.DMA,
        pltpu.SemaphoreType.DMA,
        pltpu.SemaphoreType.DMA,
        pltpu.SemaphoreType.DMA,
    ],
)
def _edge_aggr(h_hbm, src_hbm, dst_hbm, zeros_hbm, out_hbm,
               acc_sh, src_v, dst_v, rows0, rows1, rows2,
               g0, g1, g2, s0, s1, s2):
    _edge_aggr_body(h_hbm, src_hbm, dst_hbm, zeros_hbm, out_hbm,
                    acc_sh, src_v, dst_v, (rows0, rows1, rows2),
                    (g0, g1, g2), (s0, s1, s2))


def _pool_body(h_hbm, a0_hbm, a1_hbm, batch_hbm, zeros_hbm, out_hbm,
               g_sh, a0_v, a1_v, idxb_v, rows_v, zg_v,
               a0t_v, a1t_v, idxbt_v, rowst_v, sem, sem2):
    c = lax.axis_index("c")
    s = lax.axis_index("s")
    wid = c * _NS + s

    @pl.when(s == 0)
    def _init():
        pltpu.sync_copy(zeros_hbm.at[pl.ds(0, _B)], zg_v)
        pltpu.sync_copy(zg_v, g_sh)

    plsc.subcore_barrier()

    base = wid * _PPT
    for j in range(_PPT // _PCH):
        off = base + j * _PCH
        pltpu.sync_copy(a0_hbm.at[pl.ds(off, _PCH)], a0_v)
        pltpu.sync_copy(a1_hbm.at[pl.ds(off, _PCH)], a1_v)
        cp_rows = pltpu.async_copy(h_hbm.at[a1_v], rows_v, sem)
        cp_idx = pltpu.async_copy(batch_hbm.at[a0_v], idxb_v, sem2)
        cp_rows.wait()
        cp_idx.wait()
        pltpu.sync_copy(rows_v, g_sh.at[idxb_v], add=True)

    @pl.when(wid == 0)
    def _tail():
        off = _NW * _PPT
        pltpu.sync_copy(a0_hbm.at[pl.ds(off, _PTAIL)], a0t_v)
        pltpu.sync_copy(a1_hbm.at[pl.ds(off, _PTAIL)], a1t_v)
        cp_rows = pltpu.async_copy(h_hbm.at[a1t_v], rowst_v, sem)
        cp_idx = pltpu.async_copy(batch_hbm.at[a0t_v], idxbt_v, sem2)
        cp_rows.wait()
        cp_idx.wait()
        pltpu.sync_copy(rowst_v, g_sh.at[idxbt_v], add=True)

    plsc.subcore_barrier()

    @pl.when(s == 0)
    def _out():
        pltpu.sync_copy(g_sh, zg_v)
        pltpu.sync_copy(zg_v, out_hbm.at[c])


@functools.partial(
    pl.kernel,
    out_type=jax.ShapeDtypeStruct((_NC, _B, _H), jnp.float32),
    mesh=_sc_mesh,
    scratch_types=[
        pltpu.VMEM_SHARED((_B, _H), jnp.float32),
        pltpu.VMEM((_PCH,), jnp.int32),
        pltpu.VMEM((_PCH,), jnp.int32),
        pltpu.VMEM((_PCH,), jnp.int32),
        pltpu.VMEM((_PCH, _H), jnp.float32),
        pltpu.VMEM((_B, _H), jnp.float32),
        pltpu.VMEM((_PTAIL,), jnp.int32),
        pltpu.VMEM((_PTAIL,), jnp.int32),
        pltpu.VMEM((_PTAIL,), jnp.int32),
        pltpu.VMEM((_PTAIL, _H), jnp.float32),
        pltpu.SemaphoreType.DMA,
        pltpu.SemaphoreType.DMA,
    ],
)
def _pool(h_hbm, a0_hbm, a1_hbm, batch_hbm, zeros_hbm, out_hbm,
          g_sh, a0_v, a1_v, idxb_v, rows_v, zg_v,
          a0t_v, a1t_v, idxbt_v, rowst_v, sem, sem2):
    _pool_body(h_hbm, a0_hbm, a1_hbm, batch_hbm, zeros_hbm, out_hbm,
               g_sh, a0_v, a1_v, idxb_v, rows_v, zg_v,
               a0t_v, a1t_v, idxbt_v, rowst_v, sem, sem2)


_ROWS = 1000


def _enc_block(x_ref, w_ref, b_ref, a_ref, o_ref):
    h = jnp.dot(x_ref[...], w_ref[...], preferred_element_type=jnp.float32)
    h = h + b_ref[...]
    o_ref[...] = jnp.where(h >= 0.0, h, a_ref[...] * h)


def _enc(x, w, b, a):
    return pl.pallas_call(
        _enc_block,
        grid=(_N // _ROWS,),
        in_specs=[
            pl.BlockSpec((_ROWS, _D), lambda i: (i, 0)),
            pl.BlockSpec((_D, _H), lambda i: (0, 0)),
            pl.BlockSpec((1, _H), lambda i: (0, 0)),
            pl.BlockSpec((1, _H), lambda i: (0, 0)),
        ],
        out_specs=pl.BlockSpec((_ROWS, _H), lambda i: (i, 0)),
        out_shape=jax.ShapeDtypeStruct((_N, _H), jnp.float32),
    )(x, w, b, a)


def _mlp_block(h_ref, ag_ref, w1_ref, b1_ref, w2_ref, b2_ref, g_ref, be_ref,
               o_ref):
    t = h_ref[...] + ag_ref[0] + ag_ref[1]
    t = jnp.maximum(jnp.dot(t, w1_ref[...], preferred_element_type=jnp.float32)
                    + b1_ref[...], 0.0)
    t = jnp.maximum(jnp.dot(t, w2_ref[...], preferred_element_type=jnp.float32)
                    + b2_ref[...], 0.0)
    o_ref[...] = t * g_ref[...] + be_ref[...]


def _mlp(h, ag, w1, b1, w2, b2, gamma, beta):
    return pl.pallas_call(
        _mlp_block,
        grid=(_N // _ROWS,),
        in_specs=[
            pl.BlockSpec((_ROWS, _H), lambda i: (i, 0)),
            pl.BlockSpec((_NC, _ROWS, _H), lambda i: (0, i, 0)),
            pl.BlockSpec((_H, _H), lambda i: (0, 0)),
            pl.BlockSpec((1, _H), lambda i: (0, 0)),
            pl.BlockSpec((_H, _H), lambda i: (0, 0)),
            pl.BlockSpec((1, _H), lambda i: (0, 0)),
            pl.BlockSpec((1, _H), lambda i: (0, 0)),
            pl.BlockSpec((1, _H), lambda i: (0, 0)),
        ],
        out_specs=pl.BlockSpec((_ROWS, _H), lambda i: (i, 0)),
        out_shape=jax.ShapeDtypeStruct((_N, _H), jnp.float32),
    )(h, ag, w1, b1, w2, b2, gamma, beta)


def _cls_block(g_ref, w1_ref, b1_ref, w2_ref, b2_ref, o_ref):
    g = g_ref[0] + g_ref[1]
    t = jnp.maximum(jnp.dot(g, w1_ref[...], preferred_element_type=jnp.float32)
                    + b1_ref[...], 0.0)
    o_ref[...] = jnp.dot(t, w2_ref[...],
                         preferred_element_type=jnp.float32) + b2_ref[...]


def _cls(gparts, w1, b1, w2p, b2p):
    return pl.pallas_call(
        _cls_block,
        in_specs=[
            pl.BlockSpec((_NC, _B, _H), lambda: (0, 0, 0)),
            pl.BlockSpec((_H, _H), lambda: (0, 0)),
            pl.BlockSpec((1, _H), lambda: (0, 0)),
            pl.BlockSpec((_H, _H), lambda: (0, 0)),
            pl.BlockSpec((1, _H), lambda: (0, 0)),
        ],
        out_specs=pl.BlockSpec((_B, _H), lambda: (0, 0)),
        out_shape=jax.ShapeDtypeStruct((_B, _H), jnp.float32),
    )(gparts, w1, b1, w2p, b2p)


def kernel(x, edge_index, assign_index, batch, enc_W, enc_b, prelu_a,
           conv0_W1, conv0_b1, conv0_W2, conv0_b2, conv0_gamma, conv0_beta,
           conv1_W1, conv1_b1, conv1_W2, conv1_b2, conv1_gamma, conv1_beta,
           cls_W1, cls_b1, cls_W2, cls_b2):
    src3 = edge_index[0].reshape(_NW, _NCHUNK, _CH)
    dst3 = edge_index[1].reshape(_NW, _NCHUNK, _CH)
    zeros = jnp.zeros((_ZR, _H), jnp.float32)

    h = _enc(x, enc_W, enc_b.reshape(1, _H), prelu_a.reshape(1, _H))
    ag = _edge_aggr(h, src3, dst3, zeros)
    h = _mlp(h, ag, conv0_W1, conv0_b1.reshape(1, _H),
             conv0_W2, conv0_b2.reshape(1, _H),
             conv0_gamma.reshape(1, _H), conv0_beta.reshape(1, _H))
    ag = _edge_aggr(h, src3, dst3, zeros)
    h = _mlp(h, ag, conv1_W1, conv1_b1.reshape(1, _H),
             conv1_W2, conv1_b2.reshape(1, _H),
             conv1_gamma.reshape(1, _H), conv1_beta.reshape(1, _H))

    gparts = _pool(h, assign_index[0], assign_index[1], batch, zeros)

    w2p = jnp.pad(cls_W2, ((0, 0), (0, _H - _C)))
    b2p = jnp.pad(cls_b2, (0, _H - _C)).reshape(1, _H)
    out = _cls(gparts, cls_W1, cls_b1.reshape(1, _H), w2p, b2p)
    return out[:, :_C]

# --- scband reference (transcript-rebuilt; emitter-appended) ---
"""Pipeline reference for scband-sep-g-4492535791675 (READ-ONLY COPY).

The authoritative reference and input builder live on the scoring server;
editing this copy changes nothing except your own understanding.
"""

import jax, jax.numpy as jnp
import numpy as np

N = 10000
E = 320000
D = 128
H = 128
B = 8
C = 2


def setup_inputs(seed: int = 0):
    key = jax.random.key(seed)
    ks = jax.random.split(key, 24)
    inp = {}
    inp['x'] = jax.random.normal(ks[0], (N, D), dtype=jnp.float32)
    inp['edge_index'] = jax.random.randint(ks[1], (2, E), 0, N, dtype=jnp.int32)
    inp['assign_index'] = jax.random.randint(ks[2], (2, N), 0, N, dtype=jnp.int32)
    inp['batch'] = jnp.sort(jax.random.randint(ks[3], (N,), 0, B, dtype=jnp.int32))

    def lin(k, fan_in, fan_out):
        bound = 1.0 / np.sqrt(fan_in)
        return jax.random.uniform(k, (fan_in, fan_out), minval=-bound, maxval=bound, dtype=jnp.float32)

    inp['enc_W'] = lin(ks[4], D, H)
    inp['enc_b'] = jnp.zeros((H,), dtype=jnp.float32)
    inp['prelu_a'] = jnp.full((H,), 0.25, dtype=jnp.float32)
    for i in range(2):
        inp['conv%d_W1' % i] = lin(ks[5 + 4 * i], H, H)
        inp['conv%d_b1' % i] = jnp.zeros((H,), dtype=jnp.float32)
        inp['conv%d_W2' % i] = lin(ks[6 + 4 * i], H, H)
        inp['conv%d_b2' % i] = jnp.zeros((H,), dtype=jnp.float32)
        inp['conv%d_gamma' % i] = jnp.ones((H,), dtype=jnp.float32)
        inp['conv%d_beta' % i] = jnp.zeros((H,), dtype=jnp.float32)
    inp['cls_W1'] = lin(ks[14], H, H)
    inp['cls_b1'] = jnp.zeros((H,), dtype=jnp.float32)
    inp['cls_W2'] = lin(ks[15], H, C)
    inp['cls_b2'] = jnp.zeros((C,), dtype=jnp.float32)
    return inp


def _mlp_bn(h, W1, b1, W2, b2, gamma, beta):
    h = jax.nn.relu(h @ W1 + b1)
    h = jax.nn.relu(h @ W2 + b2)
    # BatchNorm1d in eval mode with running_mean=0, running_var=1 -> affine only
    return h * gamma + beta


def reference(x, edge_index, assign_index, batch, enc_W, enc_b, prelu_a, conv0_W1, conv0_b1, conv0_W2, conv0_b2, conv0_gamma, conv0_beta, conv1_W1, conv1_b1, conv1_W2, conv1_b2, conv1_gamma, conv1_beta, cls_W1, cls_b1, cls_W2, cls_b2):
    # FeatureEncoder (non twibot-20 path): Linear + PReLU
    h = x @ enc_W + enc_b
    h = jnp.where(h >= 0, h, prelu_a * h)
    # GINConv x2: nn((1+eps)*x + sum_{j in N(i)} x_j), train_eps=False -> eps=0
    src, dst = edge_index[0], edge_index[1]
    aggr = jnp.zeros_like(h).at[dst].add(h[src])
    h = _mlp_bn(h + aggr, conv0_W1, conv0_b1, conv0_W2, conv0_b2, conv0_gamma, conv0_beta)
    aggr = jnp.zeros_like(h).at[dst].add(h[src])
    h = _mlp_bn(h + aggr, conv1_W1, conv1_b1, conv1_W2, conv1_b2, conv1_gamma, conv1_beta)
    # SEPooling: MessagePassing with flow='target_to_source', aggr='add'
    # -> out[idx0] += x[idx1]; forward returns the propagated output directly
    pooled = jnp.zeros_like(h).at[assign_index[0]].add(h[assign_index[1]])
    # global sum pooling per graph
    g = jax.ops.segment_sum(pooled, batch, num_segments=B)
    # classifier head
    logits = jax.nn.relu(g @ cls_W1 + cls_b1) @ cls_W2 + cls_b2
    return logits

if __name__ == "__main__":
    import jax
    _d = setup_inputs()
    print(jax.jit(kernel)(*tuple(_d.values())))

</pallas_src>

<mosaic_0001>
#map = affine_map<(d0, d1) -> (0, 0)>
#map1 = affine_map<(d0, d1) -> (0, 0, 0)>
module attributes {stable_mosaic.version = 14 : i64} {
  func.func @_edge_aggr(%arg0: i32, %arg1: i32, %arg2: memref<10000x128xf32, #tpu.memory_space<hbm>>, %arg3: memref<32x125x80xi32, #tpu.memory_space<hbm>>, %arg4: memref<32x125x80xi32, #tpu.memory_space<hbm>>, %arg5: memref<80x128xf32, #tpu.memory_space<hbm>>, %arg6: memref<2x10000x128xf32, #tpu.memory_space<hbm>>, %arg7: memref<10000x128xf32, #tpu.memory_space<vmem_shared>>, %arg8: memref<64x80xi32, #tpu.memory_space<vmem>>, %arg9: memref<64x80xi32, #tpu.memory_space<vmem>>, %arg10: memref<80x128xf32, #tpu.memory_space<vmem>>, %arg11: memref<80x128xf32, #tpu.memory_space<vmem>>, %arg12: memref<80x128xf32, #tpu.memory_space<vmem>>, %arg13: memref<!tpu.dma_semaphore, #tpu.memory_space<semaphore_mem>>, %arg14: memref<!tpu.dma_semaphore, #tpu.memory_space<semaphore_mem>>, %arg15: memref<!tpu.dma_semaphore, #tpu.memory_space<semaphore_mem>>, %arg16: memref<!tpu.dma_semaphore, #tpu.memory_space<semaphore_mem>>, %arg17: memref<!tpu.dma_semaphore, #tpu.memory_space<semaphore_mem>>, %arg18: memref<!tpu.dma_semaphore, #tpu.memory_space<semaphore_mem>>) attributes {dimension_semantics = [#tpu.dimension_semantics<core_parallel>, #tpu.dimension_semantics<subcore_parallel>], iteration_bounds = array<i64: 2, 16>, scalar_prefetch = 0 : i64, scratch_operands = 12 : i64, tpu.core_type = #tpu.core_type<sc_vector_subcore>, window_params = [{transform_indices = #map}, {transform_indices = #map1}, {transform_indices = #map1}, {transform_indices = #map}, {transform_indices = #map1}]} {
    %mul3A = arith.constant 16 : i32
    %mul3A_0 = arith.muli %arg0, %mul3A : i32
    %add3A = arith.addi %mul3A_0, %arg1 : i32
    "tpu.region"() ({
      %run_scoped3A = tpu.sem_alloc : memref<!tpu.dma_semaphore, #tpu.memory_space<semaphore_mem>>
      tpu.enqueue_dma source(%arg5 : memref<80x128xf32, #tpu.memory_space<hbm>>) target(%arg10 : memref<80x128xf32, #tpu.memory_space<vmem>>) target_semaphore(%run_scoped3A : memref<!tpu.dma_semaphore, #tpu.memory_space<semaphore_mem>>)
      tpu.wait_dma2 semaphore(%run_scoped3A : memref<!tpu.dma_semaphore, #tpu.memory_space<semaphore_mem>>) src(%arg5 : memref<80x128xf32, #tpu.memory_space<hbm>>) dst(%arg10 : memref<80x128xf32, #tpu.memory_space<vmem>>)
      tpu.yield
    }) : () -> ()
    %mul3A_1 = arith.constant 624 : i32
    %mul3A_2 = arith.muli %arg1, %mul3A_1 : i32
    %add3A_3 = arith.constant 0 : i32
    %add3A_4 = arith.addi %mul3A_2, %add3A_3 : i32
    "tpu.region"() ({
      %run_scoped3A = tpu.sem_alloc : memref<!tpu.dma_semaphore, #tpu.memory_space<semaphore_mem>>
      %dma_start3A_306 = arith.constant 0 : i32
      %dma_start3A_307 = tpu.memref_slice %arg7[%add3A_4, %dma_start3A_306] : memref<10000x128xf32, #tpu.memory_space<vmem_shared>> -> memref<80x128xf32, #tpu.memory_space<vmem_shared>>
      %dma_start3A_308 = arith.constant 0 : i32
      %dma_start3A_309 = tpu.memref_slice %arg7[%add3A_4, %dma_start3A_308] : memref<10000x128xf32, #tpu.memory_space<vmem_shared>> -> memref<80x128xf32, #tpu.memory_space<vmem_shared>>
      tpu.enqueue_dma source(%arg10 : memref<80x128xf32, #tpu.memory_space<vmem>>) target(%dma_start3A_309 : memref<80x128xf32, #tpu.memory_space<vmem_shared>>) target_semaphore(%run_scoped3A : memref<!tpu.dma_semaphore, #tpu.memory_space<semaphore_mem>>)
      %dma_wait3A_310 = arith.constant 0 : i32
      %dma_wait3A_311 = tpu.memref_slice %arg7[%add3A_4, %dma_wait3A_310] : memref<10000x128xf32, #tpu.memory_space<vmem_shared>> -> memref<80x128xf32, #tpu.memory_space<vmem_shared>>
      %dma_wait3A_312 = arith.constant 0 : i32
      %dma_wait3A_313 = tpu.memref_slice %arg7[%add3A_4, %dma_wait3A_312] : memref<10000x128xf32, #tpu.memory_space<vmem_shared>> -> memref<80x128xf32, #tpu.memory_space<vmem_shared>>
      tpu.wait_dma2 semaphore(%run_scoped3A : memref<!tpu.dma_semaphore, #tpu.memory_space<semaphore_mem>>) src(%arg10 : memref<80x128xf32, #tpu.memory_space<vmem>>) dst(%dma_wait3A_313 : memref<80x128xf32, #tpu.memory_space<vmem_shared>>)
      tpu.yield
    }) : () -> ()
    %mul3A_5 = arith.constant 624 : i32
    %mul3A_6 = arith.muli %arg1, %mul3A_5 : i32
    %add3A_7 = arith.constant 80 : i32
    %add3A_8 = arith.addi %mul3A_6, %add3A_7 : i32
    "tpu.region"() ({
      %run_scoped3A = tpu.sem_alloc : memref<!tpu.dma_semaphore, #tpu.memory_space<semaphore_mem>>
      %dma_start3A_306 = arith.constant 0 : i32
      %dma_start3A_307 = tpu.memref_slice %arg7[%add3A_8, %dma_start3A_306] : memref<10000x128xf32, #tpu.memory_space<vmem_shared>> -> memref<80x128xf32, #tpu.memory_space<vmem_shared>>
      %dma_start3A_308 = arith.constant 0 : i32
      %dma_start3A_309 = tpu.memref_slice %arg7[%add3A_8, %dma_start3A_308] : memref<10000x128xf32, #tpu.memory_space<vmem_shared>> -> memref<80x128xf32, #tpu.memory_space<vmem_shared>>
      tpu.enqueue_dma source(%arg10 : memref<80x128xf32, #tpu.memory_space<vmem>>) target(%dma_start3A_309 : memref<80x128xf32, #tpu.memory_space<vmem_shared>>) target_semaphore(%run_scoped3A : memref<!tpu.dma_semaphore, #tpu.memory_space<semaphore_mem>>)
      %dma_wait3A_310 = arith.constant 0 : i32
      %dma_wait3A_311 = tpu.memref_slice %arg7[%add3A_8, %dma_wait3A_310] : memref<10000x128xf32, #tpu.memory_space<vmem_shared>> -> memref<80x128xf32, #tpu.memory_space<vmem_shared>>
      %dma_wait3A_312 = arith.constant 0 : i32
      %dma_wait3A_313 = tpu.memref_slice %arg7[%add3A_8, %dma_wait3A_312] : memref<10000x128xf32, #tpu.memory_space<vmem_shared>> -> memref<80x128xf32, #tpu.memory_space<vmem_shared>>
      tpu.wait_dma2 semaphore(%run_scoped3A : memref<!tpu.dma_semaphore, #tpu.memory_space<semaphore_mem>>) src(%arg10 : memref<80x128xf32, #tpu.memory_space<vmem>>) dst(%dma_wait3A_313 : memref<80x128xf32, #tpu.memory_space<vmem_shared>>)
      tpu.yield
    }) : () -> ()
    %mul3A_9 = arith.constant 624 : i32
    %mul3A_10 = arith.muli %arg1, %mul3A_9 : i32
    %add3A_11 = arith.constant 160 : i32
    %add3A_12 = arith.addi %mul3A_10, %add3A_11 : i32
    "tpu.region"() ({
      %run_scoped3A = tpu.sem_alloc : memref<!tpu.dma_semaphore, #tpu.memory_space<semaphore_mem>>
      %dma_start3A_306 = arith.constant 0 : i32
      %dma_start3A_307 = tpu.memref_slice %arg7[%add3A_12, %dma_start3A_306] : memref<10000x128xf32, #tpu.memory_space<vmem_shared>> -> memref<80x128xf32, #tpu.memory_space<vmem_shared>>
      %dma_start3A_308 = arith.constant 0 : i32
      %dma_start3A_309 = tpu.memref_slice %arg7[%add3A_12, %dma_start3A_308] : memref<10000x128xf32, #tpu.memory_space<vmem_shared>> -> memref<80x128xf32, #tpu.memory_space<vmem_shared>>
      tpu.enqueue_dma source(%arg10 : memref<80x128xf32, #tpu.memory_space<vmem>>) target(%dma_start3A_309 : memref<80x128xf32, #tpu.memory_space<vmem_shared>>) target_semaphore(%run_scoped3A : memref<!tpu.dma_semaphore, #tpu.memory_space<semaphore_mem>>)
      %dma_wait3A_310 = arith.constant 0 : i32
      %dma_wait3A_311 = tpu.memref_slice %arg7[%add3A_12, %dma_wait3A_310] : memref<10000x128xf32, #tpu.memory_space<vmem_shared>> -> memref<80x128xf32, #tpu.memory_space<vmem_shared>>
      %dma_wait3A_312 = arith.constant 0 : i32
      %dma_wait3A_313 = tpu.memref_slice %arg7[%add3A_12, %dma_wait3A_312] : memref<10000x128xf32, #tpu.memory_space<vmem_shared>> -> memref<80x128xf32, #tpu.memory_space<vmem_shared>>
      tpu.wait_dma2 semaphore(%run_scoped3A : memref<!tpu.dma_semaphore, #tpu.memory_space<semaphore_mem>>) src(%arg10 : memref<80x128xf32, #tpu.memory_space<vmem>>) dst(%dma_wait3A_313 : memref<80x128xf32, #tpu.memory_space<vmem_shared>>)
      tpu.yield
    }) : () -> ()
    %mul3A_13 = arith.constant 624 : i32
    %mul3A_14 = arith.muli %arg1, %mul3A_13 : i32
    %add3A_15 = arith.constant 240 : i32
    %add3A_16 = arith.addi %mul3A_14, %add3A_15 : i32
    "tpu.region"() ({
      %run_scoped3A = tpu.sem_alloc : memref<!tpu.dma_semaphore, #tpu.memory_space<semaphore_mem>>
      %dma_start3A_306 = arith.constant 0 : i32
      %dma_start3A_307 = tpu.memref_slice %arg7[%add3A_16, %dma_start3A_306] : memref<10000x128xf32, #tpu.memory_space<vmem_shared>> -> memref<80x128xf32, #tpu.memory_space<vmem_shared>>
      %dma_start3A_308 = arith.constant 0 : i32
      %dma_start3A_309 = tpu.memref_slice %arg7[%add3A_16, %dma_start3A_308] : memref<10000x128xf32, #tpu.memory_space<vmem_shared>> -> memref<80x128xf32, #tpu.memory_space<vmem_shared>>
      tpu.enqueue_dma source(%arg10 : memref<80x128xf32, #tpu.memory_space<vmem>>) target(%dma_start3A_309 : memref<80x128xf32, #tpu.memory_space<vmem_shared>>) target_semaphore(%run_scoped3A : memref<!tpu.dma_semaphore, #tpu.memory_space<semaphore_mem>>)
      %dma_wait3A_310 = arith.constant 0 : i32
      %dma_wait3A_311 = tpu.memref_slice %arg7[%add3A_16, %dma_wait3A_310] : memref<10000x128xf32, #tpu.memory_space<vmem_shared>> -> memref<80x128xf32, #tpu.memory_space<vmem_shared>>
      %dma_wait3A_312 = arith.constant 0 : i32
      %dma_wait3A_313 = tpu.memref_slice %arg7[%add3A_16, %dma_wait3A_312] : memref<10000x128xf32, #tpu.memory_space<vmem_shared>> -> memref<80x128xf32, #tpu.memory_space<vmem_shared>>
      tpu.wait_dma2 semaphore(%run_scoped3A : memref<!tpu.dma_semaphore, #tpu.memory_space<semaphore_mem>>) src(%arg10 : memref<80x128xf32, #tpu.memory_space<vmem>>) dst(%dma_wait3A_313 : memref<80x128xf32, #tpu.memory_space<vmem_shared>>)
      tpu.yield
    }) : () -> ()
    %mul3A_17 = arith.constant 624 : i32
    %mul3A_18 = arith.muli %arg1, %mul3A_17 : i32
    %add3A_19 = arith.constant 320 : i32
    %add3A_20 = arith.addi %mul3A_18, %add3A_19 : i32
    "tpu.region"() ({
      %run_scoped3A = tpu.sem_alloc : memref<!tpu.dma_semaphore, #tpu.memory_space<semaphore_mem>>
      %dma_start3A_306 = arith.constant 0 : i32
      %dma_start3A_307 = tpu.memref_slice %arg7[%add3A_20, %dma_start3A_306] : memref<10000x128xf32, #tpu.memory_space<vmem_shared>> -> memref<80x128xf32, #tpu.memory_space<vmem_shared>>
      %dma_start3A_308 = arith.constant 0 : i32
      %dma_start3A_309 = tpu.memref_slice %arg7[%add3A_20, %dma_start3A_308] : memref<10000x128xf32, #tpu.memory_space<vmem_shared>> -> memref<80x128xf32, #tpu.memory_space<vmem_shared>>
      tpu.enqueue_dma source(%arg10 : memref<80x128xf32, #tpu.memory_space<vmem>>) target(%dma_start3A_309 : memref<80x128xf32, #tpu.memory_space<vmem_shared>>) target_semaphore(%run_scoped3A : memref<!tpu.dma_semaphore, #tpu.memory_space<semaphore_mem>>)
      %dma_wait3A_310 = arith.constant 0 : i32
      %dma_wait3A_311 = tpu.memref_slice %arg7[%add3A_20, %dma_wait3A_310] : memref<10000x128xf32, #tpu.memory_space<vmem_shared>> -> memref<80x128xf32, #tpu.memory_space<vmem_shared>>
      %dma_wait3A_312 = arith.constant 0 : i32
      %dma_wait3A_313 = tpu.memref_slice %arg7[%add3A_20, %dma_wait3A_312] : memref<10000x128xf32, #tpu.memory_space<vmem_shared>> -> memref<80x128xf32, #tpu.memory_space<vmem_shared>>
      tpu.wait_dma2 semaphore(%run_scoped3A : memref<!tpu.dma_semaphore, #tpu.memory_space<semaphore_mem>>) src(%arg10 : memref<80x128xf32, #tpu.memory_space<vmem>>) dst(%dma_wait3A_313 : memref<80x128xf32, #tpu.memory_space<vmem_shared>>)
      tpu.yield
    }) : () -> ()
    %mul3A_21 = arith.constant 624 : i32
    %mul3A_22 = arith.muli %arg1, %mul3A_21 : i32
    %add3A_23 = arith.constant 400 : i32
    %add3A_24 = arith.addi %mul3A_22, %add3A_23 : i32
    "tpu.region"() ({
      %run_scoped3A = tpu.sem_alloc : memref<!tpu.dma_semaphore, #tpu.memory_space<semaphore_mem>>
      %dma_start3A_306 = arith.constant 0 : i32
      %dma_start3A_307 = tpu.memref_slice %arg7[%add3A_24, %dma_start3A_306] : memref<10000x128xf32, #tpu.memory_space<vmem_shared>> -> memref<80x128xf32, #tpu.memory_space<vmem_shared>>
      %dma_start3A_308 = arith.constant 0 : i32
      %dma_start3A_309 = tpu.memref_slice %arg7[%add3A_24, %dma_start3A_308] : memref<10000x128xf32, #tpu.memory_space<vmem_shared>> -> memref<80x128xf32, #tpu.memory_space<vmem_shared>>
      tpu.enqueue_dma source(%arg10 : memref<80x128xf32, #tpu.memory_space<vmem>>) target(%dma_start3A_309 : memref<80x128xf32, #tpu.memory_space<vmem_shared>>) target_semaphore(%run_scoped3A : memref<!tpu.dma_semaphore, #tpu.memory_space<semaphore_mem>>)
      %dma_wait3A_310 = arith.constant 0 : i32
      %dma_wait3A_311 = tpu.memref_slice %arg7[%add3A_24, %dma_wait3A_310] : memref<10000x128xf32, #tpu.memory_space<vmem_shared>> -> memref<80x128xf32, #tpu.memory_space<vmem_shared>>
      %dma_wait3A_312 = arith.constant 0 : i32
      %dma_wait3A_313 = tpu.memref_slice %arg7[%add3A_24, %dma_wait3A_312] : memref<10000x128xf32, #tpu.memory_space<vmem_shared>> -> memref<80x128xf32, #tpu.memory_space<vmem_shared>>
      tpu.wait_dma2 semaphore(%run_scoped3A : memref<!tpu.dma_semaphore, #tpu.memory_space<semaphore_mem>>) src(%arg10 : memref<80x128xf32, #tpu.memory_space<vmem>>) dst(%dma_wait3A_313 : memref<80x128xf32, #tpu.memory_space<vmem_shared>>)
      tpu.yield
    }) : () -> ()
    %mul3A_25 = arith.constant 624 : i32
    %mul3A_26 = arith.muli %arg1, %mul3A_25 : i32
    %add3A_27 = arith.constant 480 : i32
    %add3A_28 = arith.addi %mul3A_26, %add3A_27 : i32
    "tpu.region"() ({
      %run_scoped3A = tpu.sem_alloc : memref<!tpu.dma_semaphore, #tpu.memory_space<semaphore_mem>>
      %dma_start3A_306 = arith.constant 0 : i32
      %dma_start3A_307 = tpu.memref_slice %arg7[%add3A_28, %dma_start3A_306] : memref<10000x128xf32, #tpu.memory_space<vmem_shared>> -> memref<80x128xf32, #tpu.memory_space<vmem_shared>>
      %dma_start3A_308 = arith.constant 0 : i32
      %dma_start3A_309 = tpu.memref_slice %arg7[%add3A_28, %dma_start3A_308] : memref<10000x128xf32, #tpu.memory_space<vmem_shared>> -> memref<80x128xf32, #tpu.memory_space<vmem_shared>>
      tpu.enqueue_dma source(%arg10 : memref<80x128xf32, #tpu.memory_space<vmem>>) target(%dma_start3A_309 : memref<80x128xf32, #tpu.memory_space<vmem_shared>>) target_semaphore(%run_scoped3A : memref<!tpu.dma_semaphore, #tpu.memory_space<semaphore_mem>>)
      %dma_wait3A_310 = arith.constant 0 : i32
      %dma_wait3A_311 = tpu.memref_slice %arg7[%add3A_28, %dma_wait3A_310] : memref<10000x128xf32, #tpu.memory_space<vmem_shared>> -> memref<80x128xf32, #tpu.memory_space<vmem_shared>>
      %dma_wait3A_312 = arith.constant 0 : i32
      %dma_wait3A_313 = tpu.memref_slice %arg7[%add3A_28, %dma_wait3A_312] : memref<10000x128xf32, #tpu.memory_space<vmem_shared>> -> memref<80x128xf32, #tpu.memory_space<vmem_shared>>
      tpu.wait_dma2 semaphore(%run_scoped3A : memref<!tpu.dma_semaphore, #tpu.memory_space<semaphore_mem>>) src(%arg10 : memref<80x128xf32, #tpu.memory_space<vmem>>) dst(%dma_wait3A_313 : memref<80x128xf32, #tpu.memory_space<vmem_shared>>)
      tpu.yield
    }) : () -> ()
    %mul3A_29 = arith.constant 624 : i32
    %mul3A_30 = arith.muli %arg1, %mul3A_29 : i32
    %add3A_31 = arith.constant 560 : i32
    %add3A_32 = arith.addi %mul3A_30, %add3A_31 : i32
    "tpu.region"() ({
      %run_scoped3A = tpu.sem_alloc : memref<!tpu.dma_semaphore, #tpu.memory_space<semaphore_mem>>
      %dma_start3A_306 = arith.constant 0 : i32
      %dma_start3A_307 = arith.constant 0 : i32
      %dma_start3A_308 = tpu.memref_slice %arg10[%dma_start3A_306, %dma_start3A_307] : memref<80x128xf32, #tpu.memory_space<vmem>> -> memref<64x128xf32, #tpu.memory_space<vmem>>
      %dma_start3A_309 = arith.constant 0 : i32
      %dma_start3A_310 = tpu.memref_slice %arg7[%add3A_32, %dma_start3A_309] : memref<10000x128xf32, #tpu.memory_space<vmem_shared>> -> memref<64x128xf32, #tpu.memory_space<vmem_shared>>
      %dma_start3A_311 = arith.constant 0 : i32
      %dma_start3A_312 = tpu.memref_slice %arg7[%add3A_32, %dma_start3A_311] : memref<10000x128xf32, #tpu.memory_space<vmem_shared>> -> memref<64x128xf32, #tpu.memory_space<vmem_shared>>
      %dma_start3A_313 = arith.constant 0 : i32
      %dma_start3A_314 = arith.constant 0 : i32
      %dma_start3A_315 = tpu.memref_slice %arg10[%dma_start3A_313, %dma_start3A_314] : memref<80x128xf32, #tpu.memory_space<vmem>> -> memref<64x128xf32, #tpu.memory_space<vmem>>
      tpu.enqueue_dma source(%dma_start3A_315 : memref<64x128xf32, #tpu.memory_space<vmem>>) target(%dma_start3A_312 : memref<64x128xf32, #tpu.memory_space<vmem_shared>>) target_semaphore(%run_scoped3A : memref<!tpu.dma_semaphore, #tpu.memory_space<semaphore_mem>>)
      %dma_wait3A_316 = arith.constant 0 : i32
      %dma_wait3A_317 = arith.constant 0 : i32
      %dma_wait3A_318 = tpu.memref_slice %arg10[%dma_wait3A_316, %dma_wait3A_317] : memref<80x128xf32, #tpu.memory_space<vmem>> -> memref<64x128xf32, #tpu.memory_space<vmem>>
      %dma_wait3A_319 = arith.constant 0 : i32
      %dma_wait3A_320 = tpu.memref_slice %arg7[%add3A_32, %dma_wait3A_319] : memref<10000x128xf32, #tpu.memory_space<vmem_shared>> -> memref<64x128xf32, #tpu.memory_space<vmem_shared>>
      %dma_wait3A_321 = arith.constant 0 : i32
      %dma_wait3A_322 = tpu.memref_slice %arg7[%add3A_32, %dma_wait3A_321] : memref<10000x128xf32, #tpu.memory_space<vmem_shared>> -> memref<64x128xf32, #tpu.memory_space<vmem_shared>>
      %dma_wait3A_323 = arith.constant 0 : i32
      %dma_wait3A_324 = arith.constant 0 : i32
      %dma_wait3A_325 = tpu.memref_slice %arg10[%dma_wait3A_323, %dma_wait3A_324] : memref<80x128xf32, #tpu.memory_space<vmem>> -> memref<64x128xf32, #tpu.memory_space<vmem>>
      tpu.wait_dma2 semaphore(%run_scoped3A : memref<!tpu.dma_semaphore, #tpu.memory_space<semaphore_mem>>) src(%dma_wait3A_325 : memref<64x128xf32, #tpu.memory_space<vmem>>) dst(%dma_wait3A_322 : memref<64x128xf32, #tpu.memory_space<vmem_shared>>)
      tpu.yield
    }) : () -> ()
    %eq3A = arith.constant 0 : i32
    %eq3A_33 = arith.cmpi eq, %arg1, %eq3A : i32
    %convert_element_type3A = arith.extui %eq3A_33 : i1 to i32
    %cond3A = arith.constant 0 : i32
    %cond3A_34 = arith.cmpi ne, %convert_element_type3A, %cond3A : i32
    scf.if %cond3A_34 {
      "tpu.region"() ({
        %run_scoped3A = tpu.sem_alloc : memref<!tpu.dma_semaphore, #tpu.memory_space<semaphore_mem>>
        %dma_start3A_306 = arith.constant 0 : i32
        %dma_start3A_307 = arith.constant 0 : i32
        %dma_start3A_308 = tpu.memref_slice %arg10[%dma_start3A_306, %dma_start3A_307] : memref<80x128xf32, #tpu.memory_space<vmem>> -> memref<16x128xf32, #tpu.memory_space<vmem>>
        %dma_start3A_309 = arith.constant 9984 : i32
        %dma_start3A_310 = arith.constant 0 : i32
        %dma_start3A_311 = tpu.memref_slice %arg7[%dma_start3A_309, %dma_start3A_310] : memref<10000x128xf32, #tpu.memory_space<vmem_shared>> -> memref<16x128xf32, #tpu.memory_space<vmem_shared>>
        %dma_start3A_312 = arith.constant 9984 : i32
        %dma_start3A_313 = arith.constant 0 : i32
        %dma_start3A_314 = tpu.memref_slice %arg7[%dma_start3A_312, %dma_start3A_313] : memref<10000x128xf32, #tpu.memory_space<vmem_shared>> -> memref<16x128xf32, #tpu.memory_space<vmem_shared>>
        %dma_start3A_315 = arith.constant 0 : i32
        %dma_start3A_316 = arith.constant 0 : i32
        %dma_start3A_317 = tpu.memref_slice %arg10[%dma_start3A_315, %dma_start3A_316] : memref<80x128xf32, #tpu.memory_space<vmem>> -> memref<16x128xf32, #tpu.memory_space<vmem>>
        tpu.enqueue_dma source(%dma_start3A_317 : memref<16x128xf32, #tpu.memory_space<vmem>>) target(%dma_start3A_314 : memref<16x128xf32, #tpu.memory_space<vmem_shared>>) target_semaphore(%run_scoped3A : memref<!tpu.dma_semaphore, #tpu.memory_space<semaphore_mem>>)
        %dma_wait3A_318 = arith.constant 0 : i32
        %dma_wait3A_319 = arith.constant 0 : i32
        %dma_wait3A_320 = tpu.memref_slice %arg10[%dma_wait3A_318, %dma_wait3A_319] : memref<80x128xf32, #tpu.memory_space<vmem>> -> memref<16x128xf32, #tpu.memory_space<vmem>>
        %dma_wait3A_321 = arith.constant 9984 : i32
        %dma_wait3A_322 = arith.constant 0 : i32
        %dma_wait3A_323 = tpu.memref_slice %arg7[%dma_wait3A_321, %dma_wait3A_322] : memref<10000x128xf32, #tpu.memory_space<vmem_shared>> -> memref<16x128xf32, #tpu.memory_space<vmem_shared>>
        %dma_wait3A_324 = arith.constant 9984 : i32
        %dma_wait3A_325 = arith.constant 0 : i32
        %dma_wait3A_326 = tpu.memref_slice %arg7[%dma_wait3A_324, %dma_wait3A_325] : memref<10000x128xf32, #tpu.memory_space<vmem_shared>> -> memref<16x128xf32, #tpu.memory_space<vmem_shared>>
        %dma_wait3A_327 = arith.constant 0 : i32
        %dma_wait3A_328 = arith.constant 0 : i32
        %dma_wait3A_329 = tpu.memref_slice %arg10[%dma_wait3A_327, %dma_wait3A_328] : memref<80x128xf32, #tpu.memory_space<vmem>> -> memref<16x128xf32, #tpu.memory_space<vmem>>
        tpu.wait_dma2 semaphore(%run_scoped3A : memref<!tpu.dma_semaphore, #tpu.memory_space<semaphore_mem>>) src(%dma_wait3A_329 : memref<16x128xf32, #tpu.memory_space<vmem>>) dst(%dma_wait3A_326 : memref<16x128xf32, #tpu.memory_space<vmem_shared>>)
        tpu.yield
      }) : () -> ()
    } else {
    }
    %barrier3A = arith.constant 0 : index
    tpu.barrier barrier_id(%barrier3A)
    "tpu.region"() ({
      %run_scoped3A = tpu.sem_alloc : memref<!tpu.dma_semaphore, #tpu.memory_space<semaphore_mem>>
      %dma_start3A_306 = arith.constant 0 : i32
      %dma_start3A_307 = arith.constant 0 : i32
      %dma_start3A_308 = tpu.memref_slice %arg3[%add3A, %dma_start3A_306, %dma_start3A_307] : memref<32x125x80xi32, #tpu.memory_space<hbm>> -> memref<1x64x80xi32, #tpu.memory_space<hbm>>
      %dma_start3A_309 = tpu.memref_squeeze %dma_start3A_308 : memref<1x64x80xi32, #tpu.memory_space<hbm>> -> memref<64x80xi32, #tpu.memory_space<hbm>>
      %dma_start3A_310 = arith.constant 0 : i32
      %dma_start3A_311 = arith.constant 0 : i32
      %dma_start3A_312 = tpu.memref_slice %arg3[%add3A, %dma_start3A_310, %dma_start3A_311] : memref<32x125x80xi32, #tpu.memory_space<hbm>> -> memref<1x64x80xi32, #tpu.memory_space<hbm>>
      %dma_start3A_313 = tpu.memref_squeeze %dma_start3A_312 : memref<1x64x80xi32, #tpu.memory_space<hbm>> -> memref<64x80xi32, #tpu.memory_space<hbm>>
      tpu.enqueue_dma source(%dma_start3A_313 : memref<64x80xi32, #tpu.memory_space<hbm>>) target(%arg8 : memref<64x80xi32, #tpu.memory_space<vmem>>) target_semaphore(%run_scoped3A : memref<!tpu.dma_semaphore, #tpu.memory_space<semaphore_mem>>)
      %dma_wait3A_314 = arith.constant 0 : i32
      %dma_wait3A_315 = arith.constant 0 : i32
      %dma_wait3A_316 = tpu.memref_slice %arg3[%add3A, %dma_wait3A_314, %dma_wait3A_315] : memref<32x125x80xi32, #tpu.memory_space<hbm>> -> memref<1x64x80xi32, #tpu.memory_space<hbm>>
      %dma_wait3A_317 = tpu.memref_squeeze %dma_wait3A_316 : memref<1x64x80xi32, #tpu.memory_space<hbm>> -> memref<64x80xi32, #tpu.memory_space<hbm>>
      %dma_wait3A_318 = arith.constant 0 : i32
      %dma_wait3A_319 = arith.constant 0 : i32
      %dma_wait3A_320 = tpu.memref_slice %arg3[%add3A, %dma_wait3A_318, %dma_wait3A_319] : memref<32x125x80xi32, #tpu.memory_space<hbm>> -> memref<1x64x80xi32, #tpu.memory_space<hbm>>
      %dma_wait3A_321 = tpu.memref_squeeze %dma_wait3A_320 : memref<1x64x80xi32, #tpu.memory_space<hbm>> -> memref<64x80xi32, #tpu.memory_space<hbm>>
      tpu.wait_dma2 semaphore(%run_scoped3A : memref<!tpu.dma_semaphore, #tpu.memory_space<semaphore_mem>>) src(%dma_wait3A_321 : memref<64x80xi32, #tpu.memory_space<hbm>>) dst(%arg8 : memref<64x80xi32, #tpu.memory_space<vmem>>)
      tpu.yield
    }) : () -> ()
    "tpu.region"() ({
      %run_scoped3A = tpu.sem_alloc : memref<!tpu.dma_semaphore, #tpu.memory_space<semaphore_mem>>
      %dma_start3A_306 = arith.constant 0 : i32
      %dma_start3A_307 = arith.constant 0 : i32
      %dma_start3A_308 = tpu.memref_slice %arg4[%add3A, %dma_start3A_306, %dma_start3A_307] : memref<32x125x80xi32, #tpu.memory_space<hbm>> -> memref<1x64x80xi32, #tpu.memory_space<hbm>>
      %dma_start3A_309 = tpu.memref_squeeze %dma_start3A_308 : memref<1x64x80xi32, #tpu.memory_space<hbm>> -> memref<64x80xi32, #tpu.memory_space<hbm>>
      %dma_start3A_310 = arith.constant 0 : i32
      %dma_start3A_311 = arith.constant 0 : i32
      %dma_start3A_312 = tpu.memref_slice %arg4[%add3A, %dma_start3A_310, %dma_start3A_311] : memref<32x125x80xi32, #tpu.memory_space<hbm>> -> memref<1x64x80xi32, #tpu.memory_space<hbm>>
      %dma_start3A_313 = tpu.memref_squeeze %dma_start3A_312 : memref<1x64x80xi32, #tpu.memory_space<hbm>> -> memref<64x80xi32, #tpu.memory_space<hbm>>
      tpu.enqueue_dma source(%dma_start3A_313 : memref<64x80xi32, #tpu.memory_space<hbm>>) target(%arg9 : memref<64x80xi32, #tpu.memory_space<vmem>>) target_semaphore(%run_scoped3A : memref<!tpu.dma_semaphore, #tpu.memory_space<semaphore_mem>>)
      %dma_wait3A_314 = arith.constant 0 : i32
      %dma_wait3A_315 = arith.constant 0 : i32
      %dma_wait3A_316 = tpu.memref_slice %arg4[%add3A, %dma_wait3A_314, %dma_wait3A_315] : memref<32x125x80xi32, #tpu.memory_space<hbm>> -> memref<1x64x80xi32, #tpu.memory_space<hbm>>
      %dma_wait3A_317 = tpu.memref_squeeze %dma_wait3A_316 : memref<1x64x80xi32, #tpu.memory_space<hbm>> -> memref<64x80xi32, #tpu.memory_space<hbm>>
      %dma_wait3A_318 = arith.constant 0 : i32
      %dma_wait3A_319 = arith.constant 0 : i32
      %dma_wait3A_320 = tpu.memref_slice %arg4[%add3A, %dma_wait3A_318, %dma_wait3A_319] : memref<32x125x80xi32, #tpu.memory_space<hbm>> -> memref<1x64x80xi32, #tpu.memory_space<hbm>>
      %dma_wait3A_321 = tpu.memref_squeeze %dma_wait3A_320 : memref<1x64x80xi32, #tpu.memory_space<hbm>> -> memref<64x80xi32, #tpu.memory_space<hbm>>
      tpu.wait_dma2 semaphore(%run_scoped3A : memref<!tpu.dma_semaphore, #tpu.memory_space<semaphore_mem>>) src(%dma_wait3A_321 : memref<64x80xi32, #tpu.memory_space<hbm>>) dst(%arg9 : memref<64x80xi32, #tpu.memory_space<vmem>>)
      tpu.yield
    }) : () -> ()
    %dma_start3A = arith.constant 0 : i32
    %dma_start3A_35 = arith.constant 0 : i32
    %dma_start3A_36 = tpu.memref_slice %arg8[%dma_start3A, %dma_start3A_35] : memref<64x80xi32, #tpu.memory_space<vmem>> -> memref<1x80xi32, #tpu.memory_space<vmem>>
    %dma_start3A_37 = tpu.memref_squeeze %dma_start3A_36 : memref<1x80xi32, #tpu.memory_space<vmem>> -> memref<80xi32, #tpu.memory_space<vmem>>
    %dma_start3A_38 = arith.constant 0 : i32
    %dma_start3A_39 = arith.constant 0 : i32
    %dma_start3A_40 = tpu.memref_slice %arg2[%dma_start3A_38, %dma_start3A_39] : memref<10000x128xf32, #tpu.memory_space<hbm>> -> memref<10000x128xf32, #tpu.memory_space<hbm>>
    tpu.enqueue_indirect_dma source(%dma_start3A_40 : memref<10000x128xf32, #tpu.memory_space<hbm>>) target(%arg10 : memref<80x128xf32, #tpu.memory_space<vmem>>) offsets(%dma_start3A_37 : memref<80xi32, #tpu.memory_space<vmem>>) semaphore(%arg13 : memref<!tpu.dma_semaphore, #tpu.memory_space<semaphore_mem>>)
    %dma_start3A_41 = arith.constant 1 : i32
    %dma_start3A_42 = arith.constant 0 : i32
    %dma_start3A_43 = tpu.memref_slice %arg8[%dma_start3A_41, %dma_start3A_42] : memref<64x80xi32, #tpu.memory_space<vmem>> -> memref<1x80xi32, #tpu.memory_space<vmem>>
    %dma_start3A_44 = tpu.memref_squeeze %dma_start3A_43 : memref<1x80xi32, #tpu.memory_space<vmem>> -> memref<80xi32, #tpu.memory_space<vmem>>
    %dma_start3A_45 = arith.constant 0 : i32
    %dma_start3A_46 = arith.constant 0 : i32
    %dma_start3A_47 = tpu.memref_slice %arg2[%dma_start3A_45, %dma_start3A_46] : memref<10000x128xf32, #tpu.memory_space<hbm>> -> memref<10000x128xf32, #tpu.memory_space<hbm>>
    tpu.enqueue_indirect_dma source(%dma_start3A_47 : memref<10000x128xf32, #tpu.memory_space<hbm>>) target(%arg11 : memref<80x128xf32, #tpu.memory_space<vmem>>) offsets(%dma_start3A_44 : memref<80xi32, #tpu.memory_space<vmem>>) semaphore(%arg14 : memref<!tpu.dma_semaphore, #tpu.memory_space<semaphore_mem>>)
    %dma_start3A_48 = arith.constant 2 : i32
    %dma_start3A_49 = arith.constant 0 : i32
    %dma_start3A_50 = tpu.memref_slice %arg8[%dma_start3A_48, %dma_start3A_49] : memref<64x80xi32, #tpu.memory_space<vmem>> -> memref<1x80xi32, #tpu.memory_space<vmem>>
    %dma_start3A_51 = tpu.memref_squeeze %dma_start3A_50 : memref<1x80xi32, #tpu.memory_space<vmem>> -> memref<80xi32, #tpu.memory_space<vmem>>
    %dma_start3A_52 = arith.constant 0 : i32
    %dma_start3A_53 = arith.constant 0 : i32
    %dma_start3A_54 = tpu.memref_slice %arg2[%dma_start3A_52, %dma_start3A_53] : memref<10000x128xf32, #tpu.memory_space<hbm>> -> memref<10000x128xf32, #tpu.memory_space<hbm>>
    tpu.enqueue_indirect_dma source(%dma_start3A_54 : memref<10000x128xf32, #tpu.memory_space<hbm>>) target(%arg12 : memref<80x128xf32, #tpu.memory_space<vmem>>) offsets(%dma_start3A_51 : memref<80xi32, #tpu.memory_space<vmem>>) semaphore(%arg15 : memref<!tpu.dma_semaphore, #tpu.memory_space<semaphore_mem>>)
    %dma_wait3A = arith.constant 0 : i32
    %dma_wait3A_55 = arith.constant 0 : i32
    %dma_wait3A_56 = tpu.memref_slice %arg8[%dma_wait3A, %dma_wait3A_55] : memref<64x80xi32, #tpu.memory_space<vmem>> -> memref<1x80xi32, #tpu.memory_space<vmem>>
    %dma_wait3A_57 = tpu.memref_squeeze %dma_wait3A_56 : memref<1x80xi32, #tpu.memory_space<vmem>> -> memref<80xi32, #tpu.memory_space<vmem>>
    %dma_wait3A_58 = arith.constant 0 : i32
    %dma_wait3A_59 = arith.constant 0 : i32
    %dma_wait3A_60 = tpu.memref_slice %arg2[%dma_wait3A_58, %dma_wait3A_59] : memref<10000x128xf32, #tpu.memory_space<hbm>> -> memref<10000x128xf32, #tpu.memory_space<hbm>>
    tpu.wait_indirect_dma semaphore(%arg13 : memref<!tpu.dma_semaphore, #tpu.memory_space<semaphore_mem>>) src(%dma_wait3A_60 : memref<10000x128xf32, #tpu.memory_space<hbm>>) dst(%arg10 : memref<80x128xf32, #tpu.memory_space<vmem>>)
    %dma_start3A_61 = arith.constant 0 : i32
    %dma_start3A_62 = arith.constant 0 : i32
    %dma_start3A_63 = tpu.memref_slice %arg9[%dma_start3A_61, %dma_start3A_62] : memref<64x80xi32, #tpu.memory_space<vmem>> -> memref<1x80xi32, #tpu.memory_space<vmem>>
    %dma_start3A_64 = tpu.memref_squeeze %dma_start3A_63 : memref<1x80xi32, #tpu.memory_space<vmem>> -> memref<80xi32, #tpu.memory_space<vmem>>
    %dma_start3A_65 = arith.constant 0 : i32
    %dma_start3A_66 = arith.constant 0 : i32
    %dma_start3A_67 = tpu.memref_slice %arg7[%dma_start3A_65, %dma_start3A_66] : memref<10000x128xf32, #tpu.memory_space<vmem_shared>> -> memref<10000x128xf32, #tpu.memory_space<vmem_shared>>
    tpu.enqueue_indirect_dma source(%arg10 : memref<80x128xf32, #tpu.memory_space<vmem>>) target(%dma_start3A_67 : memref<10000x128xf32, #tpu.memory_space<vmem_shared>>) offsets(%dma_start3A_64 : memref<80xi32, #tpu.memory_space<vmem>>) semaphore(%arg16 : memref<!tpu.dma_semaphore, #tpu.memory_space<semaphore_mem>>) {add = true}
    %scan3A = arith.constant 0 : i32
    %scan3A_68 = arith.constant 0 : i32
    %scan3A_69 = arith.constant 20 : i32
    %scan3A_70 = arith.addi %scan3A_68, %scan3A_69 : i32
    %scan3A_71 = arith.constant 1 : i32
    scf.for %scan3A_306 = %scan3A_68 to %scan3A_70 step %scan3A_71  : i32 {
      %mul3A_307 = arith.constant 3 : i32
      %mul3A_308 = arith.muli %mul3A_307, %scan3A_306 : i32
      %add3A_309 = arith.constant 1 : i32
      %add3A_310 = arith.addi %mul3A_308, %add3A_309 : i32
      %dma_wait3A_311 = arith.constant 0 : i32
      %dma_wait3A_312 = tpu.memref_slice %arg8[%add3A_310, %dma_wait3A_311] : memref<64x80xi32, #tpu.memory_space<vmem>> -> memref<1x80xi32, #tpu.memory_space<vmem>>
      %dma_wait3A_313 = tpu.memref_squeeze %dma_wait3A_312 : memref<1x80xi32, #tpu.memory_space<vmem>> -> memref<80xi32, #tpu.memory_space<vmem>>
      %dma_wait3A_314 = arith.constant 0 : i32
      %dma_wait3A_315 = arith.constant 0 : i32
      %dma_wait3A_316 = tpu.memref_slice %arg2[%dma_wait3A_314, %dma_wait3A_315] : memref<10000x128xf32, #tpu.memory_space<hbm>> -> memref<10000x128xf32, #tpu.memory_space<hbm>>
      tpu.wait_indirect_dma semaphore(%arg14 : memref<!tpu.dma_semaphore, #tpu.memory_space<semaphore_mem>>) src(%dma_wait3A_316 : memref<10000x128xf32, #tpu.memory_space<hbm>>) dst(%arg11 : memref<80x128xf32, #tpu.memory_space<vmem>>)
      %dma_start3A_317 = arith.constant 0 : i32
      %dma_start3A_318 = tpu.memref_slice %arg9[%add3A_310, %dma_start3A_317] : memref<64x80xi32, #tpu.memory_space<vmem>> -> memref<1x80xi32, #tpu.memory_space<vmem>>
      %dma_start3A_319 = tpu.memref_squeeze %dma_start3A_318 : memref<1x80xi32, #tpu.memory_space<vmem>> -> memref<80xi32, #tpu.memory_space<vmem>>
      %dma_start3A_320 = arith.constant 0 : i32
      %dma_start3A_321 = arith.constant 0 : i32
      %dma_start3A_322 = tpu.memref_slice %arg7[%dma_start3A_320, %dma_start3A_321] : memref<10000x128xf32, #tpu.memory_space<vmem_shared>> -> memref<10000x128xf32, #tpu.memory_space<vmem_shared>>
      tpu.enqueue_indirect_dma source(%arg11 : memref<80x128xf32, #tpu.memory_space<vmem>>) target(%dma_start3A_322 : memref<10000x128xf32, #tpu.memory_space<vmem_shared>>) offsets(%dma_start3A_319 : memref<80xi32, #tpu.memory_space<vmem>>) semaphore(%arg17 : memref<!tpu.dma_semaphore, #tpu.memory_space<semaphore_mem>>) {add = true}
      %sub3A = arith.constant 1 : i32
      %sub3A_323 = arith.subi %add3A_310, %sub3A : i32
      %dma_wait3A_324 = arith.constant 0 : i32
      %dma_wait3A_325 = tpu.memref_slice %arg9[%sub3A_323, %dma_wait3A_324] : memref<64x80xi32, #tpu.memory_space<vmem>> -> memref<1x80xi32, #tpu.memory_space<vmem>>
      %dma_wait3A_326 = tpu.memref_squeeze %dma_wait3A_325 : memref<1x80xi32, #tpu.memory_space<vmem>> -> memref<80xi32, #tpu.memory_space<vmem>>
      %dma_wait3A_327 = arith.constant 0 : i32
      %dma_wait3A_328 = arith.constant 0 : i32
      %dma_wait3A_329 = tpu.memref_slice %arg7[%dma_wait3A_327, %dma_wait3A_328] : memref<10000x128xf32, #tpu.memory_space<vmem_shared>> -> memref<10000x128xf32, #tpu.memory_space<vmem_shared>>
      tpu.wait_indirect_dma semaphore(%arg16 : memref<!tpu.dma_semaphore, #tpu.memory_space<semaphore_mem>>) src(%arg10 : memref<80x128xf32, #tpu.memory_space<vmem>>) dst(%dma_wait3A_329 : memref<10000x128xf32, #tpu.memory_space<vmem_shared>>)
      %add3A_330 = arith.constant 2 : i32
      %add3A_331 = arith.addi %add3A_310, %add3A_330 : i32
      %dma_start3A_332 = arith.constant 0 : i32
      %dma_start3A_333 = tpu.memref_slice %arg8[%add3A_331, %dma_start3A_332] : memref<64x80xi32, #tpu.memory_space<vmem>> -> memref<1x80xi32, #tpu.memory_space<vmem>>
      %dma_start3A_334 = tpu.memref_squeeze %dma_start3A_333 : memref<1x80xi32, #tpu.memory_space<vmem>> -> memref<80xi32, #tpu.memory_space<vmem>>
      %dma_start3A_335 = arith.constant 0 : i32
      %dma_start3A_336 = arith.constant 0 : i32
      %dma_start3A_337 = tpu.memref_slice %arg2[%dma_start3A_335, %dma_start3A_336] : memref<10000x128xf32, #tpu.memory_space<hbm>> -> memref<10000x128xf32, #tpu.memory_space<hbm>>
      tpu.enqueue_indirect_dma source(%dma_start3A_337 : memref<10000x128xf32, #tpu.memory_space<hbm>>) target(%arg10 : memref<80x128xf32, #tpu.memory_space<vmem>>) offsets(%dma_start3A_334 : memref<80xi32, #tpu.memory_space<vmem>>) semaphore(%arg13 : memref<!tpu.dma_semaphore, #tpu.memory_space<semaphore_mem>>)
      %add3A_338 = arith.constant 1 : i32
      %add3A_339 = arith.addi %add3A_310, %add3A_338 : i32
      %dma_wait3A_340 = arith.constant 0 : i32
      %dma_wait3A_341 = tpu.memref_slice %arg8[%add3A_339, %dma_wait3A_340] : memref<64x80xi32, #tpu.memory_space<vmem>> -> memref<1x80xi32, #tpu.memory_space<vmem>>
      %dma_wait3A_342 = tpu.memref_squeeze %dma_wait3A_341 : memref<1x80xi32, #tpu.memory_space<vmem>> -> memref<80xi32, #tpu.memory_space<vmem>>
      %dma_wait3A_343 = arith.constant 0 : i32
      %dma_wait3A_344 = arith.constant 0 : i32
      %dma_wait3A_345 = tpu.memref_slice %arg2[%dma_wait3A_343, %dma_wait3A_344] : memref<10000x128xf32, #tpu.memory_space<hbm>> -> memref<10000x128xf32, #tpu.memory_space<hbm>>
      tpu.wait_indirect_dma semaphore(%arg15 : memref<!tpu.dma_semaphore, #tpu.memory_space<semaphore_mem>>) src(%dma_wait3A_345 : memref<10000x128xf32, #tpu.memory_space<hbm>>) dst(%arg12 : memref<80x128xf32, #tpu.memory_space<vmem>>)
      %add3A_346 = arith.constant 1 : i32
      %add3A_347 = arith.addi %add3A_310, %add3A_346 : i32
      %dma_start3A_348 = arith.constant 0 : i32
      %dma_start3A_349 = tpu.memref_slice %arg9[%add3A_347, %dma_start3A_348] : memref<64x80xi32, #tpu.memory_space<vmem>> -> memref<1x80xi32, #tpu.memory_space<vmem>>
      %dma_start3A_350 = tpu.memref_squeeze %dma_start3A_349 : memref<1x80xi32, #tpu.memory_space<vmem>> -> memref<80xi32, #tpu.memory_space<vmem>>
      %dma_start3A_351 = arith.constant 0 : i32
      %dma_start3A_352 = arith.constant 0 : i32
      %dma_start3A_353 = tpu.memref_slice %arg7[%dma_start3A_351, %dma_start3A_352] : memref<10000x128xf32, #tpu.memory_space<vmem_shared>> -> memref<10000x128xf32, #tpu.memory_space<vmem_shared>>
      tpu.enqueue_indirect_dma source(%arg12 : memref<80x128xf32, #tpu.memory_space<vmem>>) target(%dma_start3A_353 : memref<10000x128xf32, #tpu.memory_space<vmem_shared>>) offsets(%dma_start3A_350 : memref<80xi32, #tpu.memory_space<vmem>>) semaphore(%arg18 : memref<!tpu.dma_semaphore, #tpu.memory_space<semaphore_mem>>) {add = true}
      %dma_wait3A_354 = arith.constant 0 : i32
      %dma_wait3A_355 = tpu.memref_slice %arg9[%add3A_310, %dma_wait3A_354] : memref<64x80xi32, #tpu.memory_space<vmem>> -> memref<1x80xi32, #tpu.memory_space<vmem>>
      %dma_wait3A_356 = tpu.memref_squeeze %dma_wait3A_355 : memref<1x80xi32, #tpu.memory_space<vmem>> -> memref<80xi32, #tpu.memory_space<vmem>>
      %dma_wait3A_357 = arith.constant 0 : i32
      %dma_wait3A_358 = arith.constant 0 : i32
      %dma_wait3A_359 = tpu.memref_slice %arg7[%dma_wait3A_357, %dma_wait3A_358] : memref<10000x128xf32, #tpu.memory_space<vmem_shared>> -> memref<10000x128xf32, #tpu.memory_space<vmem_shared>>
      tpu.wait_indirect_dma semaphore(%arg17 : memref<!tpu.dma_semaphore, #tpu.memory_space<semaphore_mem>>) src(%arg11 : memref<80x128xf32, #tpu.memory_space<vmem>>) dst(%dma_wait3A_359 : memref<10000x128xf32, #tpu.memory_space<vmem_shared>>)
      %add3A_360 = arith.constant 3 : i32
      %add3A_361 = arith.addi %add3A_310, %add3A_360 : i32
      %dma_start3A_362 = arith.constant 0 : i32
      %dma_start3A_363 = tpu.memref_slice %arg8[%add3A_361, %dma_start3A_362] : memref<64x80xi32, #tpu.memory_space<vmem>> -> memref<1x80xi32, #tpu.memory_space<vmem>>
      %dma_start3A_364 = tpu.memref_squeeze %dma_start3A_363 : memref<1x80xi32, #tpu.memory_space<vmem>> -> memref<80xi32, #tpu.memory_space<vmem>>
      %dma_start3A_365 = arith.constant 0 : i32
      %dma_start3A_366 = arith.constant 0 : i32
      %dma_start3A_367 = tpu.memref_slice %arg2[%dma_start3A_365, %dma_start3A_366] : memref<10000x128xf32, #tpu.memory_space<hbm>> -> memref<10000x128xf32, #tpu.memory_space<hbm>>
      tpu.enqueue_indirect_dma source(%dma_start3A_367 : memref<10000x128xf32, #tpu.memory_space<hbm>>) target(%arg11 : memref<80x128xf32, #tpu.memory_space<vmem>>) offsets(%dma_start3A_364 : memref<80xi32, #tpu.memory_space<vmem>>) semaphore(%arg14 : memref<!tpu.dma_semaphore, #tpu.memory_space<semaphore_mem>>)
      %add3A_368 = arith.constant 2 : i32
      %add3A_369 = arith.addi %add3A_310, %add3A_368 : i32
      %dma_wait3A_370 = arith.constant 0 : i32
      %dma_wait3A_371 = tpu.memref_slice %arg8[%add3A_369, %dma_wait3A_370] : memref<64x80xi32, #tpu.memory_space<vmem>> -> memref<1x80xi32, #tpu.memory_space<vmem>>
      %dma_wait3A_372 = tpu.memref_squeeze %dma_wait3A_371 : memref<1x80xi32, #tpu.memory_space<vmem>> -> memref<80xi32, #tpu.memory_space<vmem>>
      %dma_wait3A_373 = arith.constant 0 : i32
      %dma_wait3A_374 = arith.constant 0 : i32
      %dma_wait3A_375 = tpu.memref_slice %arg2[%dma_wait3A_373, %dma_wait3A_374] : memref<10000x128xf32, #tpu.memory_space<hbm>> -> memref<10000x128xf32, #tpu.memory_space<hbm>>
      tpu.wait_indirect_dma semaphore(%arg13 : memref<!tpu.dma_semaphore, #tpu.memory_space<semaphore_mem>>) src(%dma_wait3A_375 : memref<10000x128xf32, #tpu.memory_space<hbm>>) dst(%arg10 : memref<80x128xf32, #tpu.memory_space<vmem>>)
      %add3A_376 = arith.constant 2 : i32
      %add3A_377 = arith.addi %add3A_310, %add3A_376 : i32
      %dma_start3A_378 = arith.constant 0 : i32
      %dma_start3A_379 = tpu.memref_slice %arg9[%add3A_377, %dma_start3A_378] : memref<64x80xi32, #tpu.memory_space<vmem>> -> memref<1x80xi32, #tpu.memory_space<vmem>>
      %dma_start3A_380 = tpu.memref_squeeze %dma_start3A_379 : memref<1x80xi32, #tpu.memory_space<vmem>> -> memref<80xi32, #tpu.memory_space<vmem>>
      %dma_start3A_381 = arith.constant 0 : i32
      %dma_start3A_382 = arith.constant 0 : i32
      %dma_start3A_383 = tpu.memref_slice %arg7[%dma_start3A_381, %dma_start3A_382] : memref<10000x128xf32, #tpu.memory_space<vmem_shared>> -> memref<10000x128xf32, #tpu.memory_space<vmem_shared>>
      tpu.enqueue_indirect_dma source(%arg10 : memref<80x128xf32, #tpu.memory_space<vmem>>) target(%dma_start3A_383 : memref<10000x128xf32, #tpu.memory_space<vmem_shared>>) offsets(%dma_start3A_380 : memref<80xi32, #tpu.memory_space<vmem>>) semaphore(%arg16 : memref<!tpu.dma_semaphore, #tpu.memory_space<semaphore_mem>>) {add = true}
      %add3A_384 = arith.constant 1 : i32
      %add3A_385 = arith.addi %add3A_310, %add3A_384 : i32
      %dma_wait3A_386 = arith.constant 0 : i32
      %dma_wait3A_387 = tpu.memref_slice %arg9[%add3A_385, %dma_wait3A_386] : memref<64x80xi32, #tpu.memory_space<vmem>> -> memref<1x80xi32, #tpu.memory_space<vmem>>
      %dma_wait3A_388 = tpu.memref_squeeze %dma_wait3A_387 : memref<1x80xi32, #tpu.memory_space<vmem>> -> memref<80xi32, #tpu.memory_space<vmem>>
      %dma_wait3A_389 = arith.constant 0 : i32
      %dma_wait3A_390 = arith.constant 0 : i32
      %dma_wait3A_391 = tpu.memref_slice %arg7[%dma_wait3A_389, %dma_wait3A_390] : memref<10000x128xf32, #tpu.memory_space<vmem_shared>> -> memref<10000x128xf32, #tpu.memory_space<vmem_shared>>
      tpu.wait_indirect_dma semaphore(%arg18 : memref<!tpu.dma_semaphore, #tpu.memory_space<semaphore_mem>>) src(%arg12 : memref<80x128xf32, #tpu.memory_space<vmem>>) dst(%dma_wait3A_391 : memref<10000x128xf32, #tpu.memory_space<vmem_shared>>)
      %add3A_392 = arith.constant 4 : i32
      %add3A_393 = arith.addi %add3A_310, %add3A_392 : i32
      %dma_start3A_394 = arith.constant 0 : i32
      %dma_start3A_395 = tpu.memref_slice %arg8[%add3A_393, %dma_start3A_394] : memref<64x80xi32, #tpu.memory_space<vmem>> -> memref<1x80xi32, #tpu.memory_space<vmem>>
      %dma_start3A_396 = tpu.memref_squeeze %dma_start3A_395 : memref<1x80xi32, #tpu.memory_space<vmem>> -> memref<80xi32, #tpu.memory_space<vmem>>
      %dma_start3A_397 = arith.constant 0 : i32
      %dma_start3A_398 = arith.constant 0 : i32
      %dma_start3A_399 = tpu.memref_slice %arg2[%dma_start3A_397, %dma_start3A_398] : memref<10000x128xf32, #tpu.memory_space<hbm>> -> memref<10000x128xf32, #tpu.memory_space<hbm>>
      tpu.enqueue_indirect_dma source(%dma_start3A_399 : memref<10000x128xf32, #tpu.memory_space<hbm>>) target(%arg12 : memref<80x128xf32, #tpu.memory_space<vmem>>) offsets(%dma_start3A_396 : memref<80xi32, #tpu.memory_space<vmem>>) semaphore(%arg15 : memref<!tpu.dma_semaphore, #tpu.memory_space<semaphore_mem>>)
    }
    %scan3A_72 = arith.constant 20 : i32
    %dma_wait3A_73 = arith.constant 61 : i32
    %dma_wait3A_74 = arith.constant 0 : i32
    %dma_wait3A_75 = tpu.memref_slice %arg8[%dma_wait3A_73, %dma_wait3A_74] : memref<64x80xi32, #tpu.memory_space<vmem>> -> memref<1x80xi32, #tpu.memory_space<vmem>>
    %dma_wait3A_76 = tpu.memref_squeeze %dma_wait3A_75 : memref<1x80xi32, #tpu.memory_space<vmem>> -> memref<80xi32, #tpu.memory_space<vmem>>
    %dma_wait3A_77 = arith.constant 0 : i32
    %dma_wait3A_78 = arith.constant 0 : i32
    %dma_wait3A_79 = tpu.memref_slice %arg2[%dma_wait3A_77, %dma_wait3A_78] : memref<10000x128xf32, #tpu.memory_space<hbm>> -> memref<10000x128xf32, #tpu.memory_space<hbm>>
    tpu.wait_indirect_dma semaphore(%arg14 : memref<!tpu.dma_semaphore, #tpu.memory_space<semaphore_mem>>) src(%dma_wait3A_79 : memref<10000x128xf32, #tpu.memory_space<hbm>>) dst(%arg11 : memref<80x128xf32, #tpu.memory_space<vmem>>)
    %dma_start3A_80 = arith.constant 61 : i32
    %dma_start3A_81 = arith.constant 0 : i32
    %dma_start3A_82 = tpu.memref_slice %arg9[%dma_start3A_80, %dma_start3A_81] : memref<64x80xi32, #tpu.memory_space<vmem>> -> memref<1x80xi32, #tpu.memory_space<vmem>>
    %dma_start3A_83 = tpu.memref_squeeze %dma_start3A_82 : memref<1x80xi32, #tpu.memory_space<vmem>> -> memref<80xi32, #tpu.memory_space<vmem>>
    %dma_start3A_84 = arith.constant 0 : i32
    %dma_start3A_85 = arith.constant 0 : i32
    %dma_start3A_86 = tpu.memref_slice %arg7[%dma_start3A_84, %dma_start3A_85] : memref<10000x128xf32, #tpu.memory_space<vmem_shared>> -> memref<10000x128xf32, #tpu.memory_space<vmem_shared>>
    tpu.enqueue_indirect_dma source(%arg11 : memref<80x128xf32, #tpu.memory_space<vmem>>) target(%dma_start3A_86 : memref<10000x128xf32, #tpu.memory_space<vmem_shared>>) offsets(%dma_start3A_83 : memref<80xi32, #tpu.memory_space<vmem>>) semaphore(%arg17 : memref<!tpu.dma_semaphore, #tpu.memory_space<semaphore_mem>>) {add = true}
    %dma_wait3A_87 = arith.constant 60 : i32
    %dma_wait3A_88 = arith.constant 0 : i32
    %dma_wait3A_89 = tpu.memref_slice %arg9[%dma_wait3A_87, %dma_wait3A_88] : memref<64x80xi32, #tpu.memory_space<vmem>> -> memref<1x80xi32, #tpu.memory_space<vmem>>
    %dma_wait3A_90 = tpu.memref_squeeze %dma_wait3A_89 : memref<1x80xi32, #tpu.memory_space<vmem>> -> memref<80xi32, #tpu.memory_space<vmem>>
    %dma_wait3A_91 = arith.constant 0 : i32
    %dma_wait3A_92 = arith.constant 0 : i32
    %dma_wait3A_93 = tpu.memref_slice %arg7[%dma_wait3A_91, %dma_wait3A_92] : memref<10000x128xf32, #tpu.memory_space<vmem_shared>> -> memref<10000x128xf32, #tpu.memory_space<vmem_shared>>
    tpu.wait_indirect_dma semaphore(%arg16 : memref<!tpu.dma_semaphore, #tpu.memory_space<semaphore_mem>>) src(%arg10 : memref<80x128xf32, #tpu.memory_space<vmem>>) dst(%dma_wait3A_93 : memref<10000x128xf32, #tpu.memory_space<vmem_shared>>)
    %dma_start3A_94 = arith.constant 63 : i32
    %dma_start3A_95 = arith.constant 0 : i32
    %dma_start3A_96 = tpu.memref_slice %arg8[%dma_start3A_94, %dma_start3A_95] : memref<64x80xi32, #tpu.memory_space<vmem>> -> memref<1x80xi32, #tpu.memory_space<vmem>>
    %dma_start3A_97 = tpu.memref_squeeze %dma_start3A_96 : memref<1x80xi32, #tpu.memory_space<vmem>> -> memref<80xi32, #tpu.memory_space<vmem>>
    %dma_start3A_98 = arith.constant 0 : i32
    %dma_start3A_99 = arith.constant 0 : i32
    %dma_start3A_100 = tpu.memref_slice %arg2[%dma_start3A_98, %dma_start3A_99] : memref<10000x128xf32, #tpu.memory_space<hbm>> -> memref<10000x128xf32, #tpu.memory_space<hbm>>
    tpu.enqueue_indirect_dma source(%dma_start3A_100 : memref<10000x128xf32, #tpu.memory_space<hbm>>) target(%arg10 : memref<80x128xf32, #tpu.memory_space<vmem>>) offsets(%dma_start3A_97 : memref<80xi32, #tpu.memory_space<vmem>>) semaphore(%arg13 : memref<!tpu.dma_semaphore, #tpu.memory_space<semaphore_mem>>)
    %dma_wait3A_101 = arith.constant 62 : i32
    %dma_wait3A_102 = arith.constant 0 : i32
    %dma_wait3A_103 = tpu.memref_slice %arg8[%dma_wait3A_101, %dma_wait3A_102] : memref<64x80xi32, #tpu.memory_space<vmem>> -> memref<1x80xi32, #tpu.memory_space<vmem>>
    %dma_wait3A_104 = tpu.memref_squeeze %dma_wait3A_103 : memref<1x80xi32, #tpu.memory_space<vmem>> -> memref<80xi32, #tpu.memory_space<vmem>>
    %dma_wait3A_105 = arith.constant 0 : i32
    %dma_wait3A_106 = arith.constant 0 : i32
    %dma_wait3A_107 = tpu.memref_slice %arg2[%dma_wait3A_105, %dma_wait3A_106] : memref<10000x128xf32, #tpu.memory_space<hbm>> -> memref<10000x128xf32, #tpu.memory_space<hbm>>
    tpu.wait_indirect_dma semaphore(%arg15 : memref<!tpu.dma_semaphore, #tpu.memory_space<semaphore_mem>>) src(%dma_wait3A_107 : memref<10000x128xf32, #tpu.memory_space<hbm>>) dst(%arg12 : memref<80x128xf32, #tpu.memory_space<vmem>>)
    %dma_start3A_108 = arith.constant 62 : i32
    %dma_start3A_109 = arith.constant 0 : i32
    %dma_start3A_110 = tpu.memref_slice %arg9[%dma_start3A_108, %dma_start3A_109] : memref<64x80xi32, #tpu.memory_space<vmem>> -> memref<1x80xi32, #tpu.memory_space<vmem>>
    %dma_start3A_111 = tpu.memref_squeeze %dma_start3A_110 : memref<1x80xi32, #tpu.memory_space<vmem>> -> memref<80xi32, #tpu.memory_space<vmem>>
    %dma_start3A_112 = arith.constant 0 : i32
    %dma_start3A_113 = arith.constant 0 : i32
    %dma_start3A_114 = tpu.memref_slice %arg7[%dma_start3A_112, %dma_start3A_113] : memref<10000x128xf32, #tpu.memory_space<vmem_shared>> -> memref<10000x128xf32, #tpu.memory_space<vmem_shared>>
    tpu.enqueue_indirect_dma source(%arg12 : memref<80x128xf32, #tpu.memory_space<vmem>>) target(%dma_start3A_114 : memref<10000x128xf32, #tpu.memory_space<vmem_shared>>) offsets(%dma_start3A_111 : memref<80xi32, #tpu.memory_space<vmem>>) semaphore(%arg18 : memref<!tpu.dma_semaphore, #tpu.memory_space<semaphore_mem>>) {add = true}
    %dma_wait3A_115 = arith.constant 61 : i32
    %dma_wait3A_116 = arith.constant 0 : i32
    %dma_wait3A_117 = tpu.memref_slice %arg9[%dma_wait3A_115, %dma_wait3A_116] : memref<64x80xi32, #tpu.memory_space<vmem>> -> memref<1x80xi32, #tpu.memory_space<vmem>>
    %dma_wait3A_118 = tpu.memref_squeeze %dma_wait3A_117 : memref<1x80xi32, #tpu.memory_space<vmem>> -> memref<80xi32, #tpu.memory_space<vmem>>
    %dma_wait3A_119 = arith.constant 0 : i32
    %dma_wait3A_120 = arith.constant 0 : i32
    %dma_wait3A_121 = tpu.memref_slice %arg7[%dma_wait3A_119, %dma_wait3A_120] : memref<10000x128xf32, #tpu.memory_space<vmem_shared>> -> memref<10000x128xf32, #tpu.memory_space<vmem_shared>>
    tpu.wait_indirect_dma semaphore(%arg17 : memref<!tpu.dma_semaphore, #tpu.memory_space<semaphore_mem>>) src(%arg11 : memref<80x128xf32, #tpu.memory_space<vmem>>) dst(%dma_wait3A_121 : memref<10000x128xf32, #tpu.memory_space<vmem_shared>>)
    %dma_wait3A_122 = arith.constant 63 : i32
    %dma_wait3A_123 = arith.constant 0 : i32
    %dma_wait3A_124 = tpu.memref_slice %arg8[%dma_wait3A_122, %dma_wait3A_123] : memref<64x80xi32, #tpu.memory_space<vmem>> -> memref<1x80xi32, #tpu.memory_space<vmem>>
    %dma_wait3A_125 = tpu.memref_squeeze %dma_wait3A_124 : memref<1x80xi32, #tpu.memory_space<vmem>> -> memref<80xi32, #tpu.memory_space<vmem>>
    %dma_wait3A_126 = arith.constant 0 : i32
    %dma_wait3A_127 = arith.constant 0 : i32
    %dma_wait3A_128 = tpu.memref_slice %arg2[%dma_wait3A_126, %dma_wait3A_127] : memref<10000x128xf32, #tpu.memory_space<hbm>> -> memref<10000x128xf32, #tpu.memory_space<hbm>>
    tpu.wait_indirect_dma semaphore(%arg13 : memref<!tpu.dma_semaphore, #tpu.memory_space<semaphore_mem>>) src(%dma_wait3A_128 : memref<10000x128xf32, #tpu.memory_space<hbm>>) dst(%arg10 : memref<80x128xf32, #tpu.memory_space<vmem>>)
    %dma_start3A_129 = arith.constant 63 : i32
    %dma_start3A_130 = arith.constant 0 : i32
    %dma_start3A_131 = tpu.memref_slice %arg9[%dma_start3A_129, %dma_start3A_130] : memref<64x80xi32, #tpu.memory_space<vmem>> -> memref<1x80xi32, #tpu.memory_space<vmem>>
    %dma_start3A_132 = tpu.memref_squeeze %dma_start3A_131 : memref<1x80xi32, #tpu.memory_space<vmem>> -> memref<80xi32, #tpu.memory_space<vmem>>
    %dma_start3A_133 = arith.constant 0 : i32
    %dma_start3A_134 = arith.constant 0 : i32
    %dma_start3A_135 = tpu.memref_slice %arg7[%dma_start3A_133, %dma_start3A_134] : memref<10000x128xf32, #tpu.memory_space<vmem_shared>> -> memref<10000x128xf32, #tpu.memory_space<vmem_shared>>
    tpu.enqueue_indirect_dma source(%arg10 : memref<80x128xf32, #tpu.memory_space<vmem>>) target(%dma_start3A_135 : memref<10000x128xf32, #tpu.memory_space<vmem_shared>>) offsets(%dma_start3A_132 : memref<80xi32, #tpu.memory_space<vmem>>) semaphore(%arg16 : memref<!tpu.dma_semaphore, #tpu.memory_space<semaphore_mem>>) {add = true}
    %dma_wait3A_136 = arith.constant 62 : i32
    %dma_wait3A_137 = arith.constant 0 : i32
    %dma_wait3A_138 = tpu.memref_slice %arg9[%dma_wait3A_136, %dma_wait3A_137] : memref<64x80xi32, #tpu.memory_space<vmem>> -> memref<1x80xi32, #tpu.memory_space<vmem>>
    %dma_wait3A_139 = tpu.memref_squeeze %dma_wait3A_138 : memref<1x80xi32, #tpu.memory_space<vmem>> -> memref<80xi32, #tpu.memory_space<vmem>>
    %dma_wait3A_140 = arith.constant 0 : i32
    %dma_wait3A_141 = arith.constant 0 : i32
    %dma_wait3A_142 = tpu.memref_slice %arg7[%dma_wait3A_140, %dma_wait3A_141] : memref<10000x128xf32, #tpu.memory_space<vmem_shared>> -> memref<10000x128xf32, #tpu.memory_space<vmem_shared>>
    tpu.wait_indirect_dma semaphore(%arg18 : memref<!tpu.dma_semaphore, #tpu.memory_space<semaphore_mem>>) src(%arg12 : memref<80x128xf32, #tpu.memory_space<vmem>>) dst(%dma_wait3A_142 : memref<10000x128xf32, #tpu.memory_space<vmem_shared>>)
    %dma_wait3A_143 = arith.constant 63 : i32
    %dma_wait3A_144 = arith.constant 0 : i32
    %dma_wait3A_145 = tpu.memref_slice %arg9[%dma_wait3A_143, %dma_wait3A_144] : memref<64x80xi32, #tpu.memory_space<vmem>> -> memref<1x80xi32, #tpu.memory_space<vmem>>
    %dma_wait3A_146 = tpu.memref_squeeze %dma_wait3A_145 : memref<1x80xi32, #tpu.memory_space<vmem>> -> memref<80xi32, #tpu.memory_space<vmem>>
    %dma_wait3A_147 = arith.constant 0 : i32
    %dma_wait3A_148 = arith.constant 0 : i32
    %dma_wait3A_149 = tpu.memref_slice %arg7[%dma_wait3A_147, %dma_wait3A_148] : memref<10000x128xf32, #tpu.memory_space<vmem_shared>> -> memref<10000x128xf32, #tpu.memory_space<vmem_shared>>
    tpu.wait_indirect_dma semaphore(%arg16 : memref<!tpu.dma_semaphore, #tpu.memory_space<semaphore_mem>>) src(%arg10 : memref<80x128xf32, #tpu.memory_space<vmem>>) dst(%dma_wait3A_149 : memref<10000x128xf32, #tpu.memory_space<vmem_shared>>)
    "tpu.region"() ({
      %run_scoped3A = tpu.sem_alloc : memref<!tpu.dma_semaphore, #tpu.memory_space<semaphore_mem>>
      %dma_start3A_306 = arith.constant 0 : i32
      %dma_start3A_307 = arith.constant 0 : i32
      %dma_start3A_308 = tpu.memref_slice %arg8[%dma_start3A_306, %dma_start3A_307] : memref<64x80xi32, #tpu.memory_space<vmem>> -> memref<61x80xi32, #tpu.memory_space<vmem>>
      %dma_start3A_309 = arith.constant 64 : i32
      %dma_start3A_310 = arith.constant 0 : i32
      %dma_start3A_311 = tpu.memref_slice %arg3[%add3A, %dma_start3A_309, %dma_start3A_310] : memref<32x125x80xi32, #tpu.memory_space<hbm>> -> memref<1x61x80xi32, #tpu.memory_space<hbm>>
      %dma_start3A_312 = tpu.memref_squeeze %dma_start3A_311 : memref<1x61x80xi32, #tpu.memory_space<hbm>> -> memref<61x80xi32, #tpu.memory_space<hbm>>
      %dma_start3A_313 = arith.constant 0 : i32
      %dma_start3A_314 = arith.constant 0 : i32
      %dma_start3A_315 = tpu.memref_slice %arg8[%dma_start3A_313, %dma_start3A_314] : memref<64x80xi32, #tpu.memory_space<vmem>> -> memref<61x80xi32, #tpu.memory_space<vmem>>
      %dma_start3A_316 = arith.constant 64 : i32
      %dma_start3A_317 = arith.constant 0 : i32
      %dma_start3A_318 = tpu.memref_slice %arg3[%add3A, %dma_start3A_316, %dma_start3A_317] : memref<32x125x80xi32, #tpu.memory_space<hbm>> -> memref<1x61x80xi32, #tpu.memory_space<hbm>>
      %dma_start3A_319 = tpu.memref_squeeze %dma_start3A_318 : memref<1x61x80xi32, #tpu.memory_space<hbm>> -> memref<61x80xi32, #tpu.memory_space<hbm>>
      tpu.enqueue_dma source(%dma_start3A_319 : memref<61x80xi32, #tpu.memory_space<hbm>>) target(%dma_start3A_315 : memref<61x80xi32, #tpu.memory_space<vmem>>) target_semaphore(%run_scoped3A : memref<!tpu.dma_semaphore, #tpu.memory_space<semaphore_mem>>)
      %dma_wait3A_320 = arith.constant 0 : i32
      %dma_wait3A_321 = arith.constant 0 : i32
      %dma_wait3A_322 = tpu.memref_slice %arg8[%dma_wait3A_320, %dma_wait3A_321] : memref<64x80xi32, #tpu.memory_space<vmem>> -> memref<61x80xi32, #tpu.memory_space<vmem>>
      %dma_wait3A_323 = arith.constant 64 : i32
      %dma_wait3A_324 = arith.constant 0 : i32
      %dma_wait3A_325 = tpu.memref_slice %arg3[%add3A, %dma_wait3A_323, %dma_wait3A_324] : memref<32x125x80xi32, #tpu.memory_space<hbm>> -> memref<1x61x80xi32, #tpu.memory_space<hbm>>
      %dma_wait3A_326 = tpu.memref_squeeze %dma_wait3A_325 : memref<1x61x80xi32, #tpu.memory_space<hbm>> -> memref<61x80xi32, #tpu.memory_space<hbm>>
      %dma_wait3A_327 = arith.constant 0 : i32
      %dma_wait3A_328 = arith.constant 0 : i32
      %dma_wait3A_329 = tpu.memref_slice %arg8[%dma_wait3A_327, %dma_wait3A_328] : memref<64x80xi32, #tpu.memory_space<vmem>> -> memref<61x80xi32, #tpu.memory_space<vmem>>
      %dma_wait3A_330 = arith.constant 64 : i32
      %dma_wait3A_331 = arith.constant 0 : i32
      %dma_wait3A_332 = tpu.memref_slice %arg3[%add3A, %dma_wait3A_330, %dma_wait3A_331] : memref<32x125x80xi32, #tpu.memory_space<hbm>> -> memref<1x61x80xi32, #tpu.memory_space<hbm>>
      %dma_wait3A_333 = tpu.memref_squeeze %dma_wait3A_332 : memref<1x61x80xi32, #tpu.memory_space<hbm>> -> memref<61x80xi32, #tpu.memory_space<hbm>>
      tpu.wait_dma2 semaphore(%run_scoped3A : memref<!tpu.dma_semaphore, #tpu.memory_space<semaphore_mem>>) src(%dma_wait3A_333 : memref<61x80xi32, #tpu.memory_space<hbm>>) dst(%dma_wait3A_329 : memref<61x80xi32, #tpu.memory_space<vmem>>)
      tpu.yield
    }) : () -> ()
    "tpu.region"() ({
      %run_scoped3A = tpu.sem_alloc : memref<!tpu.dma_semaphore, #tpu.memory_space<semaphore_mem>>
      %dma_start3A_306 = arith.constant 0 : i32
      %dma_start3A_307 = arith.constant 0 : i32
      %dma_start3A_308 = tpu.memref_slice %arg9[%dma_start3A_306, %dma_start3A_307] : memref<64x80xi32, #tpu.memory_space<vmem>> -> memref<61x80xi32, #tpu.memory_space<vmem>>
      %dma_start3A_309 = arith.constant 64 : i32
      %dma_start3A_310 = arith.constant 0 : i32
      %dma_start3A_311 = tpu.memref_slice %arg4[%add3A, %dma_start3A_309, %dma_start3A_310] : memref<32x125x80xi32, #tpu.memory_space<hbm>> -> memref<1x61x80xi32, #tpu.memory_space<hbm>>
      %dma_start3A_312 = tpu.memref_squeeze %dma_start3A_311 : memref<1x61x80xi32, #tpu.memory_space<hbm>> -> memref<61x80xi32, #tpu.memory_space<hbm>>
      %dma_start3A_313 = arith.constant 0 : i32
      %dma_start3A_314 = arith.constant 0 : i32
      %dma_start3A_315 = tpu.memref_slice %arg9[%dma_start3A_313, %dma_start3A_314] : memref<64x80xi32, #tpu.memory_space<vmem>> -> memref<61x80xi32, #tpu.memory_space<vmem>>
      %dma_start3A_316 = arith.constant 64 : i32
      %dma_start3A_317 = arith.constant 0 : i32
      %dma_start3A_318 = tpu.memref_slice %arg4[%add3A, %dma_start3A_316, %dma_start3A_317] : memref<32x125x80xi32, #tpu.memory_space<hbm>> -> memref<1x61x80xi32, #tpu.memory_space<hbm>>
      %dma_start3A_319 = tpu.memref_squeeze %dma_start3A_318 : memref<1x61x80xi32, #tpu.memory_space<hbm>> -> memref<61x80xi32, #tpu.memory_space<hbm>>
      tpu.enqueue_dma source(%dma_start3A_319 : memref<61x80xi32, #tpu.memory_space<hbm>>) target(%dma_start3A_315 : memref<61x80xi32, #tpu.memory_space<vmem>>) target_semaphore(%run_scoped3A : memref<!tpu.dma_semaphore, #tpu.memory_space<semaphore_mem>>)
      %dma_wait3A_320 = arith.constant 0 : i32
      %dma_wait3A_321 = arith.constant 0 : i32
      %dma_wait3A_322 = tpu.memref_slice %arg9[%dma_wait3A_320, %dma_wait3A_321] : memref<64x80xi32, #tpu.memory_space<vmem>> -> memref<61x80xi32, #tpu.memory_space<vmem>>
      %dma_wait3A_323 = arith.constant 64 : i32
      %dma_wait3A_324 = arith.constant 0 : i32
      %dma_wait3A_325 = tpu.memref_slice %arg4[%add3A, %dma_wait3A_323, %dma_wait3A_324] : memref<32x125x80xi32, #tpu.memory_space<hbm>> -> memref<1x61x80xi32, #tpu.memory_space<hbm>>
      %dma_wait3A_326 = tpu.memref_squeeze %dma_wait3A_325 : memref<1x61x80xi32, #tpu.memory_space<hbm>> -> memref<61x80xi32, #tpu.memory_space<hbm>>
      %dma_wait3A_327 = arith.constant 0 : i32
      %dma_wait3A_328 = arith.constant 0 : i32
      %dma_wait3A_329 = tpu.memref_slice %arg9[%dma_wait3A_327, %dma_wait3A_328] : memref<64x80xi32, #tpu.memory_space<vmem>> -> memref<61x80xi32, #tpu.memory_space<vmem>>
      %dma_wait3A_330 = arith.constant 64 : i32
      %dma_wait3A_331 = arith.constant 0 : i32
      %dma_wait3A_332 = tpu.memref_slice %arg4[%add3A, %dma_wait3A_330, %dma_wait3A_331] : memref<32x125x80xi32, #tpu.memory_space<hbm>> -> memref<1x61x80xi32, #tpu.memory_space<hbm>>
      %dma_wait3A_333 = tpu.memref_squeeze %dma_wait3A_332 : memref<1x61x80xi32, #tpu.memory_space<hbm>> -> memref<61x80xi32, #tpu.memory_space<hbm>>
      tpu.wait_dma2 semaphore(%run_scoped3A : memref<!tpu.dma_semaphore, #tpu.memory_space<semaphore_mem>>) src(%dma_wait3A_333 : memref<61x80xi32, #tpu.memory_space<hbm>>) dst(%dma_wait3A_329 : memref<61x80xi32, #tpu.memory_space<vmem>>)
      tpu.yield
    }) : () -> ()
    %dma_start3A_150 = arith.constant 0 : i32
    %dma_start3A_151 = arith.constant 0 : i32
    %dma_start3A_152 = tpu.memref_slice %arg8[%dma_start3A_150, %dma_start3A_151] : memref<64x80xi32, #tpu.memory_space<vmem>> -> memref<1x80xi32, #tpu.memory_space<vmem>>
    %dma_start3A_153 = tpu.memref_squeeze %dma_start3A_152 : memref<1x80xi32, #tpu.memory_space<vmem>> -> memref<80xi32, #tpu.memory_space<vmem>>
    %dma_start3A_154 = arith.constant 0 : i32
    %dma_start3A_155 = arith.constant 0 : i32
    %dma_start3A_156 = tpu.memref_slice %arg2[%dma_start3A_154, %dma_start3A_155] : memref<10000x128xf32, #tpu.memory_space<hbm>> -> memref<10000x128xf32, #tpu.memory_space<hbm>>
    tpu.enqueue_indirect_dma source(%dma_start3A_156 : memref<10000x128xf32, #tpu.memory_space<hbm>>) target(%arg10 : memref<80x128xf32, #tpu.memory_space<vmem>>) offsets(%dma_start3A_153 : memref<80xi32, #tpu.memory_space<vmem>>) semaphore(%arg13 : memref<!tpu.dma_semaphore, #tpu.memory_space<semaphore_mem>>)
    %dma_start3A_157 = arith.constant 1 : i32
    %dma_start3A_158 = arith.constant 0 : i32
    %dma_start3A_159 = tpu.memref_slice %arg8[%dma_start3A_157, %dma_start3A_158] : memref<64x80xi32, #tpu.memory_space<vmem>> -> memref<1x80xi32, #tpu.memory_space<vmem>>
    %dma_start3A_160 = tpu.memref_squeeze %dma_start3A_159 : memref<1x80xi32, #tpu.memory_space<vmem>> -> memref<80xi32, #tpu.memory_space<vmem>>
    %dma_start3A_161 = arith.constant 0 : i32
    %dma_start3A_162 = arith.constant 0 : i32
    %dma_start3A_163 = tpu.memref_slice %arg2[%dma_start3A_161, %dma_start3A_162] : memref<10000x128xf32, #tpu.memory_space<hbm>> -> memref<10000x128xf32, #tpu.memory_space<hbm>>
    tpu.enqueue_indirect_dma source(%dma_start3A_163 : memref<10000x128xf32, #tpu.memory_space<hbm>>) target(%arg11 : memref<80x128xf32, #tpu.memory_space<vmem>>) offsets(%dma_start3A_160 : memref<80xi32, #tpu.memory_space<vmem>>) semaphore(%arg14 : memref<!tpu.dma_semaphore, #tpu.memory_space<semaphore_mem>>)
    %dma_start3A_164 = arith.constant 2 : i32
    %dma_start3A_165 = arith.constant 0 : i32
    %dma_start3A_166 = tpu.memref_slice %arg8[%dma_start3A_164, %dma_start3A_165] : memref<64x80xi32, #tpu.memory_space<vmem>> -> memref<1x80xi32, #tpu.memory_space<vmem>>
    %dma_start3A_167 = tpu.memref_squeeze %dma_start3A_166 : memref<1x80xi32, #tpu.memory_space<vmem>> -> memref<80xi32, #tpu.memory_space<vmem>>
    %dma_start3A_168 = arith.constant 0 : i32
    %dma_start3A_169 = arith.constant 0 : i32
    %dma_start3A_170 = tpu.memref_slice %arg2[%dma_start3A_168, %dma_start3A_169] : memref<10000x128xf32, #tpu.memory_space<hbm>> -> memref<10000x128xf32, #tpu.memory_space<hbm>>
    tpu.enqueue_indirect_dma source(%dma_start3A_170 : memref<10000x128xf32, #tpu.memory_space<hbm>>) target(%arg12 : memref<80x128xf32, #tpu.memory_space<vmem>>) offsets(%dma_start3A_167 : memref<80xi32, #tpu.memory_space<vmem>>) semaphore(%arg15 : memref<!tpu.dma_semaphore, #tpu.memory_space<semaphore_mem>>)
    %dma_wait3A_171 = arith.constant 0 : i32
    %dma_wait3A_172 = arith.constant 0 : i32
    %dma_wait3A_173 = tpu.memref_slice %arg8[%dma_wait3A_171, %dma_wait3A_172] : memref<64x80xi32, #tpu.memory_space<vmem>> -> memref<1x80xi32, #tpu.memory_space<vmem>>
    %dma_wait3A_174 = tpu.memref_squeeze %dma_wait3A_173 : memref<1x80xi32, #tpu.memory_space<vmem>> -> memref<80xi32, #tpu.memory_space<vmem>>
    %dma_wait3A_175 = arith.constant 0 : i32
    %dma_wait3A_176 = arith.constant 0 : i32
    %dma_wait3A_177 = tpu.memref_slice %arg2[%dma_wait3A_175, %dma_wait3A_176] : memref<10000x128xf32, #tpu.memory_space<hbm>> -> memref<10000x128xf32, #tpu.memory_space<hbm>>
    tpu.wait_indirect_dma semaphore(%arg13 : memref<!tpu.dma_semaphore, #tpu.memory_space<semaphore_mem>>) src(%dma_wait3A_177 : memref<10000x128xf32, #tpu.memory_space<hbm>>) dst(%arg10 : memref<80x128xf32, #tpu.memory_space<vmem>>)
    %dma_start3A_178 = arith.constant 0 : i32
    %dma_start3A_179 = arith.constant 0 : i32
    %dma_start3A_180 = tpu.memref_slice %arg9[%dma_start3A_178, %dma_start3A_179] : memref<64x80xi32, #tpu.memory_space<vmem>> -> memref<1x80xi32, #tpu.memory_space<vmem>>
    %dma_start3A_181 = tpu.memref_squeeze %dma_start3A_180 : memref<1x80xi32, #tpu.memory_space<vmem>> -> memref<80xi32, #tpu.memory_space<vmem>>
    %dma_start3A_182 = arith.constant 0 : i32
    %dma_start3A_183 = arith.constant 0 : i32
    %dma_start3A_184 = tpu.memref_slice %arg7[%dma_start3A_182, %dma_start3A_183] : memref<10000x128xf32, #tpu.memory_space<vmem_shared>> -> memref<10000x128xf32, #tpu.memory_space<vmem_shared>>
    tpu.enqueue_indirect_dma source(%arg10 : memref<80x128xf32, #tpu.memory_space<vmem>>) target(%dma_start3A_184 : memref<10000x128xf32, #tpu.memory_space<vmem_shared>>) offsets(%dma_start3A_181 : memref<80xi32, #tpu.memory_space<vmem>>) semaphore(%arg16 : memref<!tpu.dma_semaphore, #tpu.memory_space<semaphore_mem>>) {add = true}
    %scan3A_185 = arith.constant 0 : i32
    %scan3A_186 = arith.constant 0 : i32
    %scan3A_187 = arith.constant 19 : i32
    %scan3A_188 = arith.addi %scan3A_186, %scan3A_187 : i32
    %scan3A_189 = arith.constant 1 : i32
    scf.for %scan3A_306 = %scan3A_186 to %scan3A_188 step %scan3A_189  : i32 {
      %mul3A_307 = arith.constant 3 : i32
      %mul3A_308 = arith.muli %mul3A_307, %scan3A_306 : i32
      %add3A_309 = arith.constant 1 : i32
      %add3A_310 = arith.addi %mul3A_308, %add3A_309 : i32
      %dma_wait3A_311 = arith.constant 0 : i32
      %dma_wait3A_312 = tpu.memref_slice %arg8[%add3A_310, %dma_wait3A_311] : memref<64x80xi32, #tpu.memory_space<vmem>> -> memref<1x80xi32, #tpu.memory_space<vmem>>
      %dma_wait3A_313 = tpu.memref_squeeze %dma_wait3A_312 : memref<1x80xi32, #tpu.memory_space<vmem>> -> memref<80xi32, #tpu.memory_space<vmem>>
      %dma_wait3A_314 = arith.constant 0 : i32
      %dma_wait3A_315 = arith.constant 0 : i32
      %dma_wait3A_316 = tpu.memref_slice %arg2[%dma_wait3A_314, %dma_wait3A_315] : memref<10000x128xf32, #tpu.memory_space<hbm>> -> memref<10000x128xf32, #tpu.memory_space<hbm>>
      tpu.wait_indirect_dma semaphore(%arg14 : memref<!tpu.dma_semaphore, #tpu.memory_space<semaphore_mem>>) src(%dma_wait3A_316 : memref<10000x128xf32, #tpu.memory_space<hbm>>) dst(%arg11 : memref<80x128xf32, #tpu.memory_space<vmem>>)
      %dma_start3A_317 = arith.constant 0 : i32
      %dma_start3A_318 = tpu.memref_slice %arg9[%add3A_310, %dma_start3A_317] : memref<64x80xi32, #tpu.memory_space<vmem>> -> memref<1x80xi32, #tpu.memory_space<vmem>>
      %dma_start3A_319 = tpu.memref_squeeze %dma_start3A_318 : memref<1x80xi32, #tpu.memory_space<vmem>> -> memref<80xi32, #tpu.memory_space<vmem>>
      %dma_start3A_320 = arith.constant 0 : i32
      %dma_start3A_321 = arith.constant 0 : i32
      %dma_start3A_322 = tpu.memref_slice %arg7[%dma_start3A_320, %dma_start3A_321] : memref<10000x128xf32, #tpu.memory_space<vmem_shared>> -> memref<10000x128xf32, #tpu.memory_space<vmem_shared>>
      tpu.enqueue_indirect_dma source(%arg11 : memref<80x128xf32, #tpu.memory_space<vmem>>) target(%dma_start3A_322 : memref<10000x128xf32, #tpu.memory_space<vmem_shared>>) offsets(%dma_start3A_319 : memref<80xi32, #tpu.memory_space<vmem>>) semaphore(%arg17 : memref<!tpu.dma_semaphore, #tpu.memory_space<semaphore_mem>>) {add = true}
      %sub3A = arith.constant 1 : i32
      %sub3A_323 = arith.subi %add3A_310, %sub3A : i32
      %dma_wait3A_324 = arith.constant 0 : i32
      %dma_wait3A_325 = tpu.memref_slice %arg9[%sub3A_323, %dma_wait3A_324] : memref<64x80xi32, #tpu.memory_space<vmem>> -> memref<1x80xi32, #tpu.memory_space<vmem>>
      %dma_wait3A_326 = tpu.memref_squeeze %dma_wait3A_325 : memref<1x80xi32, #tpu.memory_space<vmem>> -> memref<80xi32, #tpu.memory_space<vmem>>
      %dma_wait3A_327 = arith.constant 0 : i32
      %dma_wait3A_328 = arith.constant 0 : i32
      %dma_wait3A_329 = tpu.memref_slice %arg7[%dma_wait3A_327, %dma_wait3A_328] : memref<10000x128xf32, #tpu.memory_space<vmem_shared>> -> memref<10000x128xf32, #tpu.memory_space<vmem_shared>>
      tpu.wait_indirect_dma semaphore(%arg16 : memref<!tpu.dma_semaphore, #tpu.memory_space<semaphore_mem>>) src(%arg10 : memref<80x128xf32, #tpu.memory_space<vmem>>) dst(%dma_wait3A_329 : memref<10000x128xf32, #tpu.memory_space<vmem_shared>>)
      %add3A_330 = arith.constant 2 : i32
      %add3A_331 = arith.addi %add3A_310, %add3A_330 : i32
      %dma_start3A_332 = arith.constant 0 : i32
      %dma_start3A_333 = tpu.memref_slice %arg8[%add3A_331, %dma_start3A_332] : memref<64x80xi32, #tpu.memory_space<vmem>> -> memref<1x80xi32, #tpu.memory_space<vmem>>
      %dma_start3A_334 = tpu.memref_squeeze %dma_start3A_333 : memref<1x80xi32, #tpu.memory_space<vmem>> -> memref<80xi32, #tpu.memory_space<vmem>>
      %dma_start3A_335 = arith.constant 0 : i32
      %dma_start3A_336 = arith.constant 0 : i32
      %dma_start3A_337 = tpu.memref_slice %arg2[%dma_start3A_335, %dma_start3A_336] : memref<10000x128xf32, #tpu.memory_space<hbm>> -> memref<10000x128xf32, #tpu.memory_space<hbm>>
      tpu.enqueue_indirect_dma source(%dma_start3A_337 : memref<10000x128xf32, #tpu.memory_space<hbm>>) target(%arg10 : memref<80x128xf32, #tpu.memory_space<vmem>>) offsets(%dma_start3A_334 : memref<80xi32, #tpu.memory_space<vmem>>) semaphore(%arg13 : memref<!tpu.dma_semaphore, #tpu.memory_space<semaphore_mem>>)
      %add3A_338 = arith.constant 1 : i32
      %add3A_339 = arith.addi %add3A_310, %add3A_338 : i32
      %dma_wait3A_340 = arith.constant 0 : i32
      %dma_wait3A_341 = tpu.memref_slice %arg8[%add3A_339, %dma_wait3A_340] : memref<64x80xi32, #tpu.memory_space<vmem>> -> memref<1x80xi32, #tpu.memory_space<vmem>>
      %dma_wait3A_342 = tpu.memref_squeeze %dma_wait3A_341 : memref<1x80xi32, #tpu.memory_space<vmem>> -> memref<80xi32, #tpu.memory_space<vmem>>
      %dma_wait3A_343 = arith.constant 0 : i32
      %dma_wait3A_344 = arith.constant 0 : i32
      %dma_wait3A_345 = tpu.memref_slice %arg2[%dma_wait3A_343, %dma_wait3A_344] : memref<10000x128xf32, #tpu.memory_space<hbm>> -> memref<10000x128xf32, #tpu.memory_space<hbm>>
      tpu.wait_indirect_dma semaphore(%arg15 : memref<!tpu.dma_semaphore, #tpu.memory_space<semaphore_mem>>) src(%dma_wait3A_345 : memref<10000x128xf32, #tpu.memory_space<hbm>>) dst(%arg12 : memref<80x128xf32, #tpu.memory_space<vmem>>)
      %add3A_346 = arith.constant 1 : i32
      %add3A_347 = arith.addi %add3A_310, %add3A_346 : i32
      %dma_start3A_348 = arith.constant 0 : i32
      %dma_start3A_349 = tpu.memref_slice %arg9[%add3A_347, %dma_start3A_348] : memref<64x80xi32, #tpu.memory_space<vmem>> -> memref<1x80xi32, #tpu.memory_space<vmem>>
      %dma_start3A_350 = tpu.memref_squeeze %dma_start3A_349 : memref<1x80xi32, #tpu.memory_space<vmem>> -> memref<80xi32, #tpu.memory_space<vmem>>
      %dma_start3A_351 = arith.constant 0 : i32
      %dma_start3A_352 = arith.constant 0 : i32
      %dma_start3A_353 = tpu.memref_slice %arg7[%dma_start3A_351, %dma_start3A_352] : memref<10000x128xf32, #tpu.memory_space<vmem_shared>> -> memref<10000x128xf32, #tpu.memory_space<vmem_shared>>
      tpu.enqueue_indirect_dma source(%arg12 : memref<80x128xf32, #tpu.memory_space<vmem>>) target(%dma_start3A_353 : memref<10000x128xf32, #tpu.memory_space<vmem_shared>>) offsets(%dma_start3A_350 : memref<80xi32, #tpu.memory_space<vmem>>) semaphore(%arg18 : memref<!tpu.dma_semaphore, #tpu.memory_space<semaphore_mem>>) {add = true}
      %dma_wait3A_354 = arith.constant 0 : i32
      %dma_wait3A_355 = tpu.memref_slice %arg9[%add3A_310, %dma_wait3A_354] : memref<64x80xi32, #tpu.memory_space<vmem>> -> memref<1x80xi32, #tpu.memory_space<vmem>>
      %dma_wait3A_356 = tpu.memref_squeeze %dma_wait3A_355 : memref<1x80xi32, #tpu.memory_space<vmem>> -> memref<80xi32, #tpu.memory_space<vmem>>
      %dma_wait3A_357 = arith.constant 0 : i32
      %dma_wait3A_358 = arith.constant 0 : i32
      %dma_wait3A_359 = tpu.memref_slice %arg7[%dma_wait3A_357, %dma_wait3A_358] : memref<10000x128xf32, #tpu.memory_space<vmem_shared>> -> memref<10000x128xf32, #tpu.memory_space<vmem_shared>>
      tpu.wait_indirect_dma semaphore(%arg17 : memref<!tpu.dma_semaphore, #tpu.memory_space<semaphore_mem>>) src(%arg11 : memref<80x128xf32, #tpu.memory_space<vmem>>) dst(%dma_wait3A_359 : memref<10000x128xf32, #tpu.memory_space<vmem_shared>>)
      %add3A_360 = arith.constant 3 : i32
      %add3A_361 = arith.addi %add3A_310, %add3A_360 : i32
      %dma_start3A_362 = arith.constant 0 : i32
      %dma_start3A_363 = tpu.memref_slice %arg8[%add3A_361, %dma_start3A_362] : memref<64x80xi32, #tpu.memory_space<vmem>> -> memref<1x80xi32, #tpu.memory_space<vmem>>
      %dma_start3A_364 = tpu.memref_squeeze %dma_start3A_363 : memref<1x80xi32, #tpu.memory_space<vmem>> -> memref<80xi32, #tpu.memory_space<vmem>>
      %dma_start3A_365 = arith.constant 0 : i32
      %dma_start3A_366 = arith.constant 0 : i32
      %dma_start3A_367 = tpu.memref_slice %arg2[%dma_start3A_365, %dma_start3A_366] : memref<10000x128xf32, #tpu.memory_space<hbm>> -> memref<10000x128xf32, #tpu.memory_space<hbm>>
      tpu.enqueue_indirect_dma source(%dma_start3A_367 : memref<10000x128xf32, #tpu.memory_space<hbm>>) target(%arg11 : memref<80x128xf32, #tpu.memory_space<vmem>>) offsets(%dma_start3A_364 : memref<80xi32, #tpu.memory_space<vmem>>) semaphore(%arg14 : memref<!tpu.dma_semaphore, #tpu.memory_space<semaphore_mem>>)
      %add3A_368 = arith.constant 2 : i32
      %add3A_369 = arith.addi %add3A_310, %add3A_368 : i32
      %dma_wait3A_370 = arith.constant 0 : i32
      %dma_wait3A_371 = tpu.memref_slice %arg8[%add3A_369, %dma_wait3A_370] : memref<64x80xi32, #tpu.memory_space<vmem>> -> memref<1x80xi32, #tpu.memory_space<vmem>>
      %dma_wait3A_372 = tpu.memref_squeeze %dma_wait3A_371 : memref<1x80xi32, #tpu.memory_space<vmem>> -> memref<80xi32, #tpu.memory_space<vmem>>
      %dma_wait3A_373 = arith.constant 0 : i32
      %dma_wait3A_374 = arith.constant 0 : i32
      %dma_wait3A_375 = tpu.memref_slice %arg2[%dma_wait3A_373, %dma_wait3A_374] : memref<10000x128xf32, #tpu.memory_space<hbm>> -> memref<10000x128xf32, #tpu.memory_space<hbm>>
      tpu.wait_indirect_dma semaphore(%arg13 : memref<!tpu.dma_semaphore, #tpu.memory_space<semaphore_mem>>) src(%dma_wait3A_375 : memref<10000x128xf32, #tpu.memory_space<hbm>>) dst(%arg10 : memref<80x128xf32, #tpu.memory_space<vmem>>)
      %add3A_376 = arith.constant 2 : i32
      %add3A_377 = arith.addi %add3A_310, %add3A_376 : i32
      %dma_start3A_378 = arith.constant 0 : i32
      %dma_start3A_379 = tpu.memref_slice %arg9[%add3A_377, %dma_start3A_378] : memref<64x80xi32, #tpu.memory_space<vmem>> -> memref<1x80xi32, #tpu.memory_space<vmem>>
      %dma_start3A_380 = tpu.memref_squeeze %dma_start3A_379 : memref<1x80xi32, #tpu.memory_space<vmem>> -> memref<80xi32, #tpu.memory_space<vmem>>
      %dma_start3A_381 = arith.constant 0 : i32
      %dma_start3A_382 = arith.constant 0 : i32
      %dma_start3A_383 = tpu.memref_slice %arg7[%dma_start3A_381, %dma_start3A_382] : memref<10000x128xf32, #tpu.memory_space<vmem_shared>> -> memref<10000x128xf32, #tpu.memory_space<vmem_shared>>
      tpu.enqueue_indirect_dma source(%arg10 : memref<80x128xf32, #tpu.memory_space<vmem>>) target(%dma_start3A_383 : memref<10000x128xf32, #tpu.memory_space<vmem_shared>>) offsets(%dma_start3A_380 : memref<80xi32, #tpu.memory_space<vmem>>) semaphore(%arg16 : memref<!tpu.dma_semaphore, #tpu.memory_space<semaphore_mem>>) {add = true}
      %add3A_384 = arith.constant 1 : i32
      %add3A_385 = arith.addi %add3A_310, %add3A_384 : i32
      %dma_wait3A_386 = arith.constant 0 : i32
      %dma_wait3A_387 = tpu.memref_slice %arg9[%add3A_385, %dma_wait3A_386] : memref<64x80xi32, #tpu.memory_space<vmem>> -> memref<1x80xi32, #tpu.memory_space<vmem>>
      %dma_wait3A_388 = tpu.memref_squeeze %dma_wait3A_387 : memref<1x80xi32, #tpu.memory_space<vmem>> -> memref<80xi32, #tpu.memory_space<vmem>>
      %dma_wait3A_389 = arith.constant 0 : i32
      %dma_wait3A_390 = arith.constant 0 : i32
      %dma_wait3A_391 = tpu.memref_slice %arg7[%dma_wait3A_389, %dma_wait3A_390] : memref<10000x128xf32, #tpu.memory_space<vmem_shared>> -> memref<10000x128xf32, #tpu.memory_space<vmem_shared>>
      tpu.wait_indirect_dma semaphore(%arg18 : memref<!tpu.dma_semaphore, #tpu.memory_space<semaphore_mem>>) src(%arg12 : memref<80x128xf32, #tpu.memory_space<vmem>>) dst(%dma_wait3A_391 : memref<10000x128xf32, #tpu.memory_space<vmem_shared>>)
      %add3A_392 = arith.constant 4 : i32
      %add3A_393 = arith.addi %add3A_310, %add3A_392 : i32
      %dma_start3A_394 = arith.constant 0 : i32
      %dma_start3A_395 = tpu.memref_slice %arg8[%add3A_393, %dma_start3A_394] : memref<64x80xi32, #tpu.memory_space<vmem>> -> memref<1x80xi32, #tpu.memory_space<vmem>>
      %dma_start3A_396 = tpu.memref_squeeze %dma_start3A_395 : memref<1x80xi32, #tpu.memory_space<vmem>> -> memref<80xi32, #tpu.memory_space<vmem>>
      %dma_start3A_397 = arith.constant 0 : i32
      %dma_start3A_398 = arith.constant 0 : i32
      %dma_start3A_399 = tpu.memref_slice %arg2[%dma_start3A_397, %dma_start3A_398] : memref<10000x128xf32, #tpu.memory_space<hbm>> -> memref<10000x128xf32, #tpu.memory_space<hbm>>
      tpu.enqueue_indirect_dma source(%dma_start3A_399 : memref<10000x128xf32, #tpu.memory_space<hbm>>) target(%arg12 : memref<80x128xf32, #tpu.memory_space<vmem>>) offsets(%dma_start3A_396 : memref<80xi32, #tpu.memory_space<vmem>>) semaphore(%arg15 : memref<!tpu.dma_semaphore, #tpu.memory_space<semaphore_mem>>)
    }
    %scan3A_190 = arith.constant 19 : i32
    %dma_wait3A_191 = arith.constant 58 : i32
    %dma_wait3A_192 = arith.constant 0 : i32
    %dma_wait3A_193 = tpu.memref_slice %arg8[%dma_wait3A_191, %dma_wait3A_192] : memref<64x80xi32, #tpu.memory_space<vmem>> -> memref<1x80xi32, #tpu.memory_space<vmem>>
    %dma_wait3A_194 = tpu.memref_squeeze %dma_wait3A_193 : memref<1x80xi32, #tpu.memory_space<vmem>> -> memref<80xi32, #tpu.memory_space<vmem>>
    %dma_wait3A_195 = arith.constant 0 : i32
    %dma_wait3A_196 = arith.constant 0 : i32
    %dma_wait3A_197 = tpu.memref_slice %arg2[%dma_wait3A_195, %dma_wait3A_196] : memref<10000x128xf32, #tpu.memory_space<hbm>> -> memref<10000x128xf32, #tpu.memory_space<hbm>>
    tpu.wait_indirect_dma semaphore(%arg14 : memref<!tpu.dma_semaphore, #tpu.memory_space<semaphore_mem>>) src(%dma_wait3A_197 : memref<10000x128xf32, #tpu.memory_space<hbm>>) dst(%arg11 : memref<80x128xf32, #tpu.memory_space<vmem>>)
    %dma_start3A_198 = arith.constant 58 : i32
    %dma_start3A_199 = arith.constant 0 : i32
    %dma_start3A_200 = tpu.memref_slice %arg9[%dma_start3A_198, %dma_start3A_199] : memref<64x80xi32, #tpu.memory_space<vmem>> -> memref<1x80xi32, #tpu.memory_space<vmem>>
    %dma_start3A_201 = tpu.memref_squeeze %dma_start3A_200 : memref<1x80xi32, #tpu.memory_space<vmem>> -> memref<80xi32, #tpu.memory_space<vmem>>
    %dma_start3A_202 = arith.constant 0 : i32
    %dma_start3A_203 = arith.constant 0 : i32
    %dma_start3A_204 = tpu.memref_slice %arg7[%dma_start3A_202, %dma_start3A_203] : memref<10000x128xf32, #tpu.memory_space<vmem_shared>> -> memref<10000x128xf32, #tpu.memory_space<vmem_shared>>
    tpu.enqueue_indirect_dma source(%arg11 : memref<80x128xf32, #tpu.memory_space<vmem>>) target(%dma_start3A_204 : memref<10000x128xf32, #tpu.memory_space<vmem_shared>>) offsets(%dma_start3A_201 : memref<80xi32, #tpu.memory_space<vmem>>) semaphore(%arg17 : memref<!tpu.dma_semaphore, #tpu.memory_space<semaphore_mem>>) {add = true}
    %dma_wait3A_205 = arith.constant 57 : i32
    %dma_wait3A_206 = arith.constant 0 : i32
    %dma_wait3A_207 = tpu.memref_slice %arg9[%dma_wait3A_205, %dma_wait3A_206] : memref<64x80xi32, #tpu.memory_space<vmem>> -> memref<1x80xi32, #tpu.memory_space<vmem>>
    %dma_wait3A_208 = tpu.memref_squeeze %dma_wait3A_207 : memref<1x80xi32, #tpu.memory_space<vmem>> -> memref<80xi32, #tpu.memory_space<vmem>>
    %dma_wait3A_209 = arith.constant 0 : i32
    %dma_wait3A_210 = arith.constant 0 : i32
    %dma_wait3A_211 = tpu.memref_slice %arg7[%dma_wait3A_209, %dma_wait3A_210] : memref<10000x128xf32, #tpu.memory_space<vmem_shared>> -> memref<10000x128xf32, #tpu.memory_space<vmem_shared>>
    tpu.wait_indirect_dma semaphore(%arg16 : memref<!tpu.dma_semaphore, #tpu.memory_space<semaphore_mem>>) src(%arg10 : memref<80x128xf32, #tpu.memory_space<vmem>>) dst(%dma_wait3A_211 : memref<10000x128xf32, #tpu.memory_space<vmem_shared>>)
    %dma_start3A_212 = arith.constant 60 : i32
    %dma_start3A_213 = arith.constant 0 : i32
    %dma_start3A_214 = tpu.memref_slice %arg8[%dma_start3A_212, %dma_start3A_213] : memref<64x80xi32, #tpu.memory_space<vmem>> -> memref<1x80xi32, #tpu.memory_space<vmem>>
    %dma_start3A_215 = tpu.memref_squeeze %dma_start3A_214 : memref<1x80xi32, #tpu.memory_space<vmem>> -> memref<80xi32, #tpu.memory_space<vmem>>
    %dma_start3A_216 = arith.constant 0 : i32
    %dma_start3A_217 = arith.constant 0 : i32
    %dma_start3A_218 = tpu.memref_slice %arg2[%dma_start3A_216, %dma_start3A_217] : memref<10000x128xf32, #tpu.memory_space<hbm>> -> memref<10000x128xf32, #tpu.memory_space<hbm>>
    tpu.enqueue_indirect_dma source(%dma_start3A_218 : memref<10000x128xf32, #tpu.memory_space<hbm>>) target(%arg10 : memref<80x128xf32, #tpu.memory_space<vmem>>) offsets(%dma_start3A_215 : memref<80xi32, #tpu.memory_space<vmem>>) semaphore(%arg13 : memref<!tpu.dma_semaphore, #tpu.memory_space<semaphore_mem>>)
    %dma_wait3A_219 = arith.constant 59 : i32
    %dma_wait3A_220 = arith.constant 0 : i32
    %dma_wait3A_221 = tpu.memref_slice %arg8[%dma_wait3A_219, %dma_wait3A_220] : memref<64x80xi32, #tpu.memory_space<vmem>> -> memref<1x80xi32, #tpu.memory_space<vmem>>
    %dma_wait3A_222 = tpu.memref_squeeze %dma_wait3A_221 : memref<1x80xi32, #tpu.memory_space<vmem>> -> memref<80xi32, #tpu.memory_space<vmem>>
    %dma_wait3A_223 = arith.constant 0 : i32
    %dma_wait3A_224 = arith.constant 0 : i32
    %dma_wait3A_225 = tpu.memref_slice %arg2[%dma_wait3A_223, %dma_wait3A_224] : memref<10000x128xf32, #tpu.memory_space<hbm>> -> memref<10000x128xf32, #tpu.memory_space<hbm>>
    tpu.wait_indirect_dma semaphore(%arg15 : memref<!tpu.dma_semaphore, #tpu.memory_space<semaphore_mem>>) src(%dma_wait3A_225 : memref<10000x128xf32, #tpu.memory_space<hbm>>) dst(%arg12 : memref<80x128xf32, #tpu.memory_space<vmem>>)
    %dma_start3A_226 = arith.constant 59 : i32
    %dma_start3A_227 = arith.constant 0 : i32
    %dma_start3A_228 = tpu.memref_slice %arg9[%dma_start3A_226, %dma_start3A_227] : memref<64x80xi32, #tpu.memory_space<vmem>> -> memref<1x80xi32, #tpu.memory_space<vmem>>
    %dma_start3A_229 = tpu.memref_squeeze %dma_start3A_228 : memref<1x80xi32, #tpu.memory_space<vmem>> -> memref<80xi32, #tpu.memory_space<vmem>>
    %dma_start3A_230 = arith.constant 0 : i32
    %dma_start3A_231 = arith.constant 0 : i32
    %dma_start3A_232 = tpu.memref_slice %arg7[%dma_start3A_230, %dma_start3A_231] : memref<10000x128xf32, #tpu.memory_space<vmem_shared>> -> memref<10000x128xf32, #tpu.memory_space<vmem_shared>>
    tpu.enqueue_indirect_dma source(%arg12 : memref<80x128xf32, #tpu.memory_space<vmem>>) target(%dma_start3A_232 : memref<10000x128xf32, #tpu.memory_space<vmem_shared>>) offsets(%dma_start3A_229 : memref<80xi32, #tpu.memory_space<vmem>>) semaphore(%arg18 : memref<!tpu.dma_semaphore, #tpu.memory_space<semaphore_mem>>) {add = true}
    %dma_wait3A_233 = arith.constant 58 : i32
    %dma_wait3A_234 = arith.constant 0 : i32
    %dma_wait3A_235 = tpu.memref_slice %arg9[%dma_wait3A_233, %dma_wait3A_234] : memref<64x80xi32, #tpu.memory_space<vmem>> -> memref<1x80xi32, #tpu.memory_space<vmem>>
    %dma_wait3A_236 = tpu.memref_squeeze %dma_wait3A_235 : memref<1x80xi32, #tpu.memory_space<vmem>> -> memref<80xi32, #tpu.memory_space<vmem>>
    %dma_wait3A_237 = arith.constant 0 : i32
    %dma_wait3A_238 = arith.constant 0 : i32
    %dma_wait3A_239 = tpu.memref_slice %arg7[%dma_wait3A_237, %dma_wait3A_238] : memref<10000x128xf32, #tpu.memory_space<vmem_shared>> -> memref<10000x128xf32, #tpu.memory_space<vmem_shared>>
    tpu.wait_indirect_dma semaphore(%arg17 : memref<!tpu.dma_semaphore, #tpu.memory_space<semaphore_mem>>) src(%arg11 : memref<80x128xf32, #tpu.memory_space<vmem>>) dst(%dma_wait3A_239 : memref<10000x128xf32, #tpu.memory_space<vmem_shared>>)
    %dma_wait3A_240 = arith.constant 60 : i32
    %dma_wait3A_241 = arith.constant 0 : i32
    %dma_wait3A_242 = tpu.memref_slice %arg8[%dma_wait3A_240, %dma_wait3A_241] : memref<64x80xi32, #tpu.memory_space<vmem>> -> memref<1x80xi32, #tpu.memory_space<vmem>>
    %dma_wait3A_243 = tpu.memref_squeeze %dma_wait3A_242 : memref<1x80xi32, #tpu.memory_space<vmem>> -> memref<80xi32, #tpu.memory_space<vmem>>
    %dma_wait3A_244 = arith.constant 0 : i32
    %dma_wait3A_245 = arith.constant 0 : i32
    %dma_wait3A_246 = tpu.memref_slice %arg2[%dma_wait3A_244, %dma_wait3A_245] : memref<10000x128xf32, #tpu.memory_space<hbm>> -> memref<10000x128xf32, #tpu.memory_space<hbm>>
    tpu.wait_indirect_dma semaphore(%arg13 : memref<!tpu.dma_semaphore, #tpu.memory_space<semaphore_mem>>) src(%dma_wait3A_246 : memref<10000x128xf32, #tpu.memory_space<hbm>>) dst(%arg10 : memref<80x128xf32, #tpu.memory_space<vmem>>)
    %dma_start3A_247 = arith.constant 60 : i32
    %dma_start3A_248 = arith.constant 0 : i32
    %dma_start3A_249 = tpu.memref_slice %arg9[%dma_start3A_247, %dma_start3A_248] : memref<64x80xi32, #tpu.memory_space<vmem>> -> memref<1x80xi32, #tpu.memory_space<vmem>>
    %dma_start3A_250 = tpu.memref_squeeze %dma_start3A_249 : memref<1x80xi32, #tpu.memory_space<vmem>> -> memref<80xi32, #tpu.memory_space<vmem>>
    %dma_start3A_251 = arith.constant 0 : i32
    %dma_start3A_252 = arith.constant 0 : i32
    %dma_start3A_253 = tpu.memref_slice %arg7[%dma_start3A_251, %dma_start3A_252] : memref<10000x128xf32, #tpu.memory_space<vmem_shared>> -> memref<10000x128xf32, #tpu.memory_space<vmem_shared>>
    tpu.enqueue_indirect_dma source(%arg10 : memref<80x128xf32, #tpu.memory_space<vmem>>) target(%dma_start3A_253 : memref<10000x128xf32, #tpu.memory_space<vmem_shared>>) offsets(%dma_start3A_250 : memref<80xi32, #tpu.memory_space<vmem>>) semaphore(%arg16 : memref<!tpu.dma_semaphore, #tpu.memory_space<semaphore_mem>>) {add = true}
    %dma_wait3A_254 = arith.constant 59 : i32
    %dma_wait3A_255 = arith.constant 0 : i32
    %dma_wait3A_256 = tpu.memref_slice %arg9[%dma_wait3A_254, %dma_wait3A_255] : memref<64x80xi32, #tpu.memory_space<vmem>> -> memref<1x80xi32, #tpu.memory_space<vmem>>
    %dma_wait3A_257 = tpu.memref_squeeze %dma_wait3A_256 : memref<1x80xi32, #tpu.memory_space<vmem>> -> memref<80xi32, #tpu.memory_space<vmem>>
    %dma_wait3A_258 = arith.constant 0 : i32
    %dma_wait3A_259 = arith.constant 0 : i32
    %dma_wait3A_260 = tpu.memref_slice %arg7[%dma_wait3A_258, %dma_wait3A_259] : memref<10000x128xf32, #tpu.memory_space<vmem_shared>> -> memref<10000x128xf32, #tpu.memory_space<vmem_shared>>
    tpu.wait_indirect_dma semaphore(%arg18 : memref<!tpu.dma_semaphore, #tpu.memory_space<semaphore_mem>>) src(%arg12 : memref<80x128xf32, #tpu.memory_space<vmem>>) dst(%dma_wait3A_260 : memref<10000x128xf32, #tpu.memory_space<vmem_shared>>)
    %dma_wait3A_261 = arith.constant 60 : i32
    %dma_wait3A_262 = arith.constant 0 : i32
    %dma_wait3A_263 = tpu.memref_slice %arg9[%dma_wait3A_261, %dma_wait3A_262] : memref<64x80xi32, #tpu.memory_space<vmem>> -> memref<1x80xi32, #tpu.memory_space<vmem>>
    %dma_wait3A_264 = tpu.memref_squeeze %dma_wait3A_263 : memref<1x80xi32, #tpu.memory_space<vmem>> -> memref<80xi32, #tpu.memory_space<vmem>>
    %dma_wait3A_265 = arith.constant 0 : i32
    %dma_wait3A_266 = arith.constant 0 : i32
    %dma_wait3A_267 = tpu.memref_slice %arg7[%dma_wait3A_265, %dma_wait3A_266] : memref<10000x128xf32, #tpu.memory_space<vmem_shared>> -> memref<10000x128xf32, #tpu.memory_space<vmem_shared>>
    tpu.wait_indirect_dma semaphore(%arg16 : memref<!tpu.dma_semaphore, #tpu.memory_space<semaphore_mem>>) src(%arg10 : memref<80x128xf32, #tpu.memory_space<vmem>>) dst(%dma_wait3A_267 : memref<10000x128xf32, #tpu.memory_space<vmem_shared>>)
    %barrier3A_268 = arith.constant 0 : index
    tpu.barrier barrier_id(%barrier3A_268)
    %mul3A_269 = arith.constant 624 : i32
    %mul3A_270 = arith.muli %arg1, %mul3A_269 : i32
    %add3A_271 = arith.constant 0 : i32
    %add3A_272 = arith.addi %mul3A_270, %add3A_271 : i32
    "tpu.region"() ({
      %run_scoped3A = tpu.sem_alloc : memref<!tpu.dma_semaphore, #tpu.memory_space<semaphore_mem>>
      %dma_start3A_306 = arith.constant 0 : i32
      %dma_start3A_307 = tpu.memref_slice %arg7[%add3A_272, %dma_start3A_306] : memref<10000x128xf32, #tpu.memory_space<vmem_shared>> -> memref<80x128xf32, #tpu.memory_space<vmem_shared>>
      %dma_start3A_308 = arith.constant 0 : i32
      %dma_start3A_309 = tpu.memref_slice %arg7[%add3A_272, %dma_start3A_308] : memref<10000x128xf32, #tpu.memory_space<vmem_shared>> -> memref<80x128xf32, #tpu.memory_space<vmem_shared>>
      tpu.enqueue_dma source(%dma_start3A_309 : memref<80x128xf32, #tpu.memory_space<vmem_shared>>) target(%arg10 : memref<80x128xf32, #tpu.memory_space<vmem>>) target_semaphore(%run_scoped3A : memref<!tpu.dma_semaphore, #tpu.memory_space<semaphore_mem>>)
      %dma_wait3A_310 = arith.constant 0 : i32
      %dma_wait3A_311 = tpu.memref_slice %arg7[%add3A_272, %dma_wait3A_310] : memref<10000x128xf32, #tpu.memory_space<vmem_shared>> -> memref<80x128xf32, #tpu.memory_space<vmem_shared>>
      %dma_wait3A_312 = arith.constant 0 : i32
      %dma_wait3A_313 = tpu.memref_slice %arg7[%add3A_272, %dma_wait3A_312] : memref<10000x128xf32, #tpu.memory_space<vmem_shared>> -> memref<80x128xf32, #tpu.memory_space<vmem_shared>>
      tpu.wait_dma2 semaphore(%run_scoped3A : memref<!tpu.dma_semaphore, #tpu.memory_space<semaphore_mem>>) src(%dma_wait3A_313 : memref<80x128xf32, #tpu.memory_space<vmem_shared>>) dst(%arg10 : memref<80x128xf32, #tpu.memory_space<vmem>>)
      tpu.yield
    }) : () -> ()
    "tpu.region"() ({
      %run_scoped3A = tpu.sem_alloc : memref<!tpu.dma_semaphore, #tpu.memory_space<semaphore_mem>>
      %dma_start3A_306 = arith.constant 0 : i32
      %dma_start3A_307 = tpu.memref_slice %arg6[%arg0, %add3A_272, %dma_start3A_306] : memref<2x10000x128xf32, #tpu.memory_space<hbm>> -> memref<1x80x128xf32, #tpu.memory_space<hbm>>
      %dma_start3A_308 = tpu.memref_squeeze %dma_start3A_307 : memref<1x80x128xf32, #tpu.memory_space<hbm>> -> memref<80x128xf32, #tpu.memory_space<hbm>>
      %dma_start3A_309 = arith.constant 0 : i32
      %dma_start3A_310 = tpu.memref_slice %arg6[%arg0, %add3A_272, %dma_start3A_309] : memref<2x10000x128xf32, #tpu.memory_space<hbm>> -> memref<1x80x128xf32, #tpu.memory_space<hbm>>
      %dma_start3A_311 = tpu.memref_squeeze %dma_start3A_310 : memref<1x80x128xf32, #tpu.memory_space<hbm>> -> memref<80x128xf32, #tpu.memory_space<hbm>>
      tpu.enqueue_dma source(%arg10 : memref<80x128xf32, #tpu.memory_space<vmem>>) target(%dma_start3A_311 : memref<80x128xf32, #tpu.memory_space<hbm>>) target_semaphore(%run_scoped3A : memref<!tpu.dma_semaphore, #tpu.memory_space<semaphore_mem>>)
      %dma_wait3A_312 = arith.constant 0 : i32
      %dma_wait3A_313 = tpu.memref_slice %arg6[%arg0, %add3A_272, %dma_wait3A_312] : memref<2x10000x128xf32, #tpu.memory_space<hbm>> -> memref<1x80x128xf32, #tpu.memory_space<hbm>>
      %dma_wait3A_314 = tpu.memref_squeeze %dma_wait3A_313 : memref<1x80x128xf32, #tpu.memory_space<hbm>> -> memref<80x128xf32, #tpu.memory_space<hbm>>
      %dma_wait3A_315 = arith.constant 0 : i32
      %dma_wait3A_316 = tpu.memref_slice %arg6[%arg0, %add3A_272, %dma_wait3A_315] : memref<2x10000x128xf32, #tpu.memory_space<hbm>> -> memref<1x80x128xf32, #tpu.memory_space<hbm>>
      %dma_wait3A_317 = tpu.memref_squeeze %dma_wait3A_316 : memref<1x80x128xf32, #tpu.memory_space<hbm>> -> memref<80x128xf32, #tpu.memory_space<hbm>>
      tpu.wait_dma2 semaphore(%run_scoped3A : memref<!tpu.dma_semaphore, #tpu.memory_space<semaphore_mem>>) src(%arg10 : memref<80x128xf32, #tpu.memory_space<vmem>>) dst(%dma_wait3A_317 : memref<80x128xf32, #tpu.memory_space<hbm>>)
      tpu.yield
    }) : () -> ()
    %mul3A_273 = arith.constant 624 : i32
    %mul3A_274 = arith.muli %arg1, %mul3A_273 : i32
    %add3A_275 = arith.constant 80 : i32
    %add3A_276 = arith.addi %mul3A_274, %add3A_275 : i32
    "tpu.region"() ({
      %run_scoped3A = tpu.sem_alloc : memref<!tpu.dma_semaphore, #tpu.memory_space<semaphore_mem>>
      %dma_start3A_306 = arith.constant 0 : i32
      %dma_start3A_307 = tpu.memref_slice %arg7[%add3A_276, %dma_start3A_306] : memref<10000x128xf32, #tpu.memory_space<vmem_shared>> -> memref<80x128xf32, #tpu.memory_space<vmem_shared>>
      %dma_start3A_308 = arith.constant 0 : i32
      %dma_start3A_309 = tpu.memref_slice %arg7[%add3A_276, %dma_start3A_308] : memref<10000x128xf32, #tpu.memory_space<vmem_shared>> -> memref<80x128xf32, #tpu.memory_space<vmem_shared>>
      tpu.enqueue_dma source(%dma_start3A_309 : memref<80x128xf32, #tpu.memory_space<vmem_shared>>) target(%arg10 : memref<80x128xf32, #tpu.memory_space<vmem>>) target_semaphore(%run_scoped3A : memref<!tpu.dma_semaphore, #tpu.memory_space<semaphore_mem>>)
      %dma_wait3A_310 = arith.constant 0 : i32
      %dma_wait3A_311 = tpu.memref_slice %arg7[%add3A_276, %dma_wait3A_310] : memref<10000x128xf32, #tpu.memory_space<vmem_shared>> -> memref<80x128xf32, #tpu.memory_space<vmem_shared>>
      %dma_wait3A_312 = arith.constant 0 : i32
      %dma_wait3A_313 = tpu.memref_slice %arg7[%add3A_276, %dma_wait3A_312] : memref<10000x128xf32, #tpu.memory_space<vmem_shared>> -> memref<80x128xf32, #tpu.memory_space<vmem_shared>>
      tpu.wait_dma2 semaphore(%run_scoped3A : memref<!tpu.dma_semaphore, #tpu.memory_space<semaphore_mem>>) src(%dma_wait3A_313 : memref<80x128xf32, #tpu.memory_space<vmem_shared>>) dst(%arg10 : memref<80x128xf32, #tpu.memory_space<vmem>>)
      tpu.yield
    }) : () -> ()
    "tpu.region"() ({
      %run_scoped3A = tpu.sem_alloc : memref<!tpu.dma_semaphore, #tpu.memory_space<semaphore_mem>>
      %dma_start3A_306 = arith.constant 0 : i32
      %dma_start3A_307 = tpu.memref_slice %arg6[%arg0, %add3A_276, %dma_start3A_306] : memref<2x10000x128xf32, #tpu.memory_space<hbm>> -> memref<1x80x128xf32, #tpu.memory_space<hbm>>
      %dma_start3A_308 = tpu.memref_squeeze %dma_start3A_307 : memref<1x80x128xf32, #tpu.memory_space<hbm>> -> memref<80x128xf32, #tpu.memory_space<hbm>>
      %dma_start3A_309 = arith.constant 0 : i32
      %dma_start3A_310 = tpu.memref_slice %arg6[%arg0, %add3A_276, %dma_start3A_309] : memref<2x10000x128xf32, #tpu.memory_space<hbm>> -> memref<1x80x128xf32, #tpu.memory_space<hbm>>
      %dma_start3A_311 = tpu.memref_squeeze %dma_start3A_310 : memref<1x80x128xf32, #tpu.memory_space<hbm>> -> memref<80x128xf32, #tpu.memory_space<hbm>>
      tpu.enqueue_dma source(%arg10 : memref<80x128xf32, #tpu.memory_space<vmem>>) target(%dma_start3A_311 : memref<80x128xf32, #tpu.memory_space<hbm>>) target_semaphore(%run_scoped3A : memref<!tpu.dma_semaphore, #tpu.memory_space<semaphore_mem>>)
      %dma_wait3A_312 = arith.constant 0 : i32
      %dma_wait3A_313 = tpu.memref_slice %arg6[%arg0, %add3A_276, %dma_wait3A_312] : memref<2x10000x128xf32, #tpu.memory_space<hbm>> -> memref<1x80x128xf32, #tpu.memory_space<hbm>>
      %dma_wait3A_314 = tpu.memref_squeeze %dma_wait3A_313 : memref<1x80x128xf32, #tpu.memory_space<hbm>> -> memref<80x128xf32, #tpu.memory_space<hbm>>
      %dma_wait3A_315 = arith.constant 0 : i32
      %dma_wait3A_316 = tpu.memref_slice %arg6[%arg0, %add3A_276, %dma_wait3A_315] : memref<2x10000x128xf32, #tpu.memory_space<hbm>> -> memref<1x80x128xf32, #tpu.memory_space<hbm>>
      %dma_wait3A_317 = tpu.memref_squeeze %dma_wait3A_316 : memref<1x80x128xf32, #tpu.memory_space<hbm>> -> memref<80x128xf32, #tpu.memory_space<hbm>>
      tpu.wait_dma2 semaphore(%run_scoped3A : memref<!tpu.dma_semaphore, #tpu.memory_space<semaphore_mem>>) src(%arg10 : memref<80x128xf32, #tpu.memory_space<vmem>>) dst(%dma_wait3A_317 : memref<80x128xf32, #tpu.memory_space<hbm>>)
      tpu.yield
    }) : () -> ()
    %mul3A_277 = arith.constant 624 : i32
    %mul3A_278 = arith.muli %arg1, %mul3A_277 : i32
    %add3A_279 = arith.constant 160 : i32
    %add3A_280 = arith.addi %mul3A_278, %add3A_279 : i32
    "tpu.region"() ({
      %run_scoped3A = tpu.sem_alloc : memref<!tpu.dma_semaphore, #tpu.memory_space<semaphore_mem>>
      %dma_start3A_306 = arith.constant 0 : i32
      %dma_start3A_307 = tpu.memref_slice %arg7[%add3A_280, %dma_start3A_306] : memref<10000x128xf32, #tpu.memory_space<vmem_shared>> -> memref<80x128xf32, #tpu.memory_space<vmem_shared>>
      %dma_start3A_308 = arith.constant 0 : i32
      %dma_start3A_309 = tpu.memref_slice %arg7[%add3A_280, %dma_start3A_308] : memref<10000x128xf32, #tpu.memory_space<vmem_shared>> -> memref<80x128xf32, #tpu.memory_space<vmem_shared>>
      tpu.enqueue_dma source(%dma_start3A_309 : memref<80x128xf32, #tpu.memory_space<vmem_shared>>) target(%arg10 : memref<80x128xf32, #tpu.memory_space<vmem>>) target_semaphore(%run_scoped3A : memref<!tpu.dma_semaphore, #tpu.memory_space<semaphore_mem>>)
      %dma_wait3A_310 = arith.constant 0 : i32
      %dma_wait3A_311 = tpu.memref_slice %arg7[%add3A_280, %dma_wait3A_310] : memref<10000x128xf32, #tpu.memory_space<vmem_shared>> -> memref<80x128xf32, #tpu.memory_space<vmem_shared>>
      %dma_wait3A_312 = arith.constant 0 : i32
      %dma_wait3A_313 = tpu.memref_slice %arg7[%add3A_280, %dma_wait3A_312] : memref<10000x128xf32, #tpu.memory_space<vmem_shared>> -> memref<80x128xf32, #tpu.memory_space<vmem_shared>>
      tpu.wait_dma2 semaphore(%run_scoped3A : memref<!tpu.dma_semaphore, #tpu.memory_space<semaphore_mem>>) src(%dma_wait3A_313 : memref<80x128xf32, #tpu.memory_space<vmem_shared>>) dst(%arg10 : memref<80x128xf32, #tpu.memory_space<vmem>>)
      tpu.yield
    }) : () -> ()
    "tpu.region"() ({
      %run_scoped3A = tpu.sem_alloc : memref<!tpu.dma_semaphore, #tpu.memory_space<semaphore_mem>>
      %dma_start3A_306 = arith.constant 0 : i32
      %dma_start3A_307 = tpu.memref_slice %arg6[%arg0, %add3A_280, %dma_start3A_306] : memref<2x10000x128xf32, #tpu.memory_space<hbm>> -> memref<1x80x128xf32, #tpu.memory_space<hbm>>
      %dma_start3A_308 = tpu.memref_squeeze %dma_start3A_307 : memref<1x80x128xf32, #tpu.memory_space<hbm>> -> memref<80x128xf32, #tpu.memory_space<hbm>>
      %dma_start3A_309 = arith.constant 0 : i32
      %dma_start3A_310 = tpu.memref_slice %arg6[%arg0, %add3A_280, %dma_start3A_309] : memref<2x10000x128xf32, #tpu.memory_space<hbm>> -> memref<1x80x128xf32, #tpu.memory_space<hbm>>
      %dma_start3A_311 = tpu.memref_squeeze %dma_start3A_310 : memref<1x80x128xf32, #tpu.memory_space<hbm>> -> memref<80x128xf32, #tpu.memory_space<hbm>>
      tpu.enqueue_dma source(%arg10 : memref<80x128xf32, #tpu.memory_space<vmem>>) target(%dma_start3A_311 : memref<80x128xf32, #tpu.memory_space<hbm>>) target_semaphore(%run_scoped3A : memref<!tpu.dma_semaphore, #tpu.memory_space<semaphore_mem>>)
      %dma_wait3A_312 = arith.constant 0 : i32
      %dma_wait3A_313 = tpu.memref_slice %arg6[%arg0, %add3A_280, %dma_wait3A_312] : memref<2x10000x128xf32, #tpu.memory_space<hbm>> -> memref<1x80x128xf32, #tpu.memory_space<hbm>>
      %dma_wait3A_314 = tpu.memref_squeeze %dma_wait3A_313 : memref<1x80x128xf32, #tpu.memory_space<hbm>> -> memref<80x128xf32, #tpu.memory_space<hbm>>
      %dma_wait3A_315 = arith.constant 0 : i32
      %dma_wait3A_316 = tpu.memref_slice %arg6[%arg0, %add3A_280, %dma_wait3A_315] : memref<2x10000x128xf32, #tpu.memory_space<hbm>> -> memref<1x80x128xf32, #tpu.memory_space<hbm>>
      %dma_wait3A_317 = tpu.memref_squeeze %dma_wait3A_316 : memref<1x80x128xf32, #tpu.memory_space<hbm>> -> memref<80x128xf32, #tpu.memory_space<hbm>>
      tpu.wait_dma2 semaphore(%run_scoped3A : memref<!tpu.dma_semaphore, #tpu.memory_space<semaphore_mem>>) src(%arg10 : memref<80x128xf32, #tpu.memory_space<vmem>>) dst(%dma_wait3A_317 : memref<80x128xf32, #tpu.memory_space<hbm>>)
      tpu.yield
    }) : () -> ()
    %mul3A_281 = arith.constant 624 : i32
    %mul3A_282 = arith.muli %arg1, %mul3A_281 : i32
    %add3A_283 = arith.constant 240 : i32
    %add3A_284 = arith.addi %mul3A_282, %add3A_283 : i32
    "tpu.region"() ({
      %run_scoped3A = tpu.sem_alloc : memref<!tpu.dma_semaphore, #tpu.memory_space<semaphore_mem>>
      %dma_start3A_306 = arith.constant 0 : i32
      %dma_start3A_307 = tpu.memref_slice %arg7[%add3A_284, %dma_start3A_306] : memref<10000x128xf32, #tpu.memory_space<vmem_shared>> -> memref<80x128xf32, #tpu.memory_space<vmem_shared>>
      %dma_start3A_308 = arith.constant 0 : i32
      %dma_start3A_309 = tpu.memref_slice %arg7[%add3A_284, %dma_start3A_308] : memref<10000x128xf32, #tpu.memory_space<vmem_shared>> -> memref<80x128xf32, #tpu.memory_space<vmem_shared>>
      tpu.enqueue_dma source(%dma_start3A_309 : memref<80x128xf32, #tpu.memory_space<vmem_shared>>) target(%arg10 : memref<80x128xf32, #tpu.memory_space<vmem>>) target_semaphore(%run_scoped3A : memref<!tpu.dma_semaphore, #tpu.memory_space<semaphore_mem>>)
      %dma_wait3A_310 = arith.constant 0 : i32
      %dma_wait3A_311 = tpu.memref_slice %arg7[%add3A_284, %dma_wait3A_310] : memref<10000x128xf32, #tpu.memory_space<vmem_shared>> -> memref<80x128xf32, #tpu.memory_space<vmem_shared>>
      %dma_wait3A_312 = arith.constant 0 : i32
      %dma_wait3A_313 = tpu.memref_slice %arg7[%add3A_284, %dma_wait3A_312] : memref<10000x128xf32, #tpu.memory_space<vmem_shared>> -> memref<80x128xf32, #tpu.memory_space<vmem_shared>>
      tpu.wait_dma2 semaphore(%run_scoped3A : memref<!tpu.dma_semaphore, #tpu.memory_space<semaphore_mem>>) src(%dma_wait3A_313 : memref<80x128xf32, #tpu.memory_space<vmem_shared>>) dst(%arg10 : memref<80x128xf32, #tpu.memory_space<vmem>>)
      tpu.yield
    }) : () -> ()
    "tpu.region"() ({
      %run_scoped3A = tpu.sem_alloc : memref<!tpu.dma_semaphore, #tpu.memory_space<semaphore_mem>>
      %dma_start3A_306 = arith.constant 0 : i32
      %dma_start3A_307 = tpu.memref_slice %arg6[%arg0, %add3A_284, %dma_start3A_306] : memref<2x10000x128xf32, #tpu.memory_space<hbm>> -> memref<1x80x128xf32, #tpu.memory_space<hbm>>
      %dma_start3A_308 = tpu.memref_squeeze %dma_start3A_307 : memref<1x80x128xf32, #tpu.memory_space<hbm>> -> memref<80x128xf32, #tpu.memory_space<hbm>>
      %dma_start3A_309 = arith.constant 0 : i32
      %dma_start3A_310 = tpu.memref_slice %arg6[%arg0, %add3A_284, %dma_start3A_309] : memref<2x10000x128xf32, #tpu.memory_space<hbm>> -> memref<1x80x128xf32, #tpu.memory_space<hbm>>
      %dma_start3A_311 = tpu.memref_squeeze %dma_start3A_310 : memref<1x80x128xf32, #tpu.memory_space<hbm>> -> memref<80x128xf32, #tpu.memory_space<hbm>>
      tpu.enqueue_dma source(%arg10 : memref<80x128xf32, #tpu.memory_space<vmem>>) target(%dma_start3A_311 : memref<80x128xf32, #tpu.memory_space<hbm>>) target_semaphore(%run_scoped3A : memref<!tpu.dma_semaphore, #tpu.memory_space<semaphore_mem>>)
      %dma_wait3A_312 = arith.constant 0 : i32
      %dma_wait3A_313 = tpu.memref_slice %arg6[%arg0, %add3A_284, %dma_wait3A_312] : memref<2x10000x128xf32, #tpu.memory_space<hbm>> -> memref<1x80x128xf32, #tpu.memory_space<hbm>>
      %dma_wait3A_314 = tpu.memref_squeeze %dma_wait3A_313 : memref<1x80x128xf32, #tpu.memory_space<hbm>> -> memref<80x128xf32, #tpu.memory_space<hbm>>
      %dma_wait3A_315 = arith.constant 0 : i32
      %dma_wait3A_316 = tpu.memref_slice %arg6[%arg0, %add3A_284, %dma_wait3A_315] : memref<2x10000x128xf32, #tpu.memory_space<hbm>> -> memref<1x80x128xf32, #tpu.memory_space<hbm>>
      %dma_wait3A_317 = tpu.memref_squeeze %dma_wait3A_316 : memref<1x80x128xf32, #tpu.memory_space<hbm>> -> memref<80x128xf32, #tpu.memory_space<hbm>>
      tpu.wait_dma2 semaphore(%run_scoped3A : memref<!tpu.dma_semaphore, #tpu.memory_space<semaphore_mem>>) src(%arg10 : memref<80x128xf32, #tpu.memory_space<vmem>>) dst(%dma_wait3A_317 : memref<80x128xf32, #tpu.memory_space<hbm>>)
      tpu.yield
    }) : () -> ()
    %mul3A_285 = arith.constant 624 : i32
    %mul3A_286 = arith.muli %arg1, %mul3A_285 : i32
    %add3A_287 = arith.constant 320 : i32
    %add3A_288 = arith.addi %mul3A_286, %add3A_287 : i32
    "tpu.region"() ({
      %run_scoped3A = tpu.sem_alloc : memref<!tpu.dma_semaphore, #tpu.memory_space<semaphore_mem>>
      %dma_start3A_306 = arith.constant 0 : i32
      %dma_start3A_307 = tpu.memref_slice %arg7[%add3A_288, %dma_start3A_306] : memref<10000x128xf32, #tpu.memory_space<vmem_shared>> -> memref<80x128xf32, #tpu.memory_space<vmem_shared>>
      %dma_start3A_308 = arith.constant 0 : i32
      %dma_start3A_309 = tpu.memref_slice %arg7[%add3A_288, %dma_start3A_308] : memref<10000x128xf32, #tpu.memory_space<vmem_shared>> -> memref<80x128xf32, #tpu.memory_space<vmem_shared>>
      tpu.enqueue_dma source(%dma_start3A_309 : memref<80x128xf32, #tpu.memory_space<vmem_shared>>) target(%arg10 : memref<80x128xf32, #tpu.memory_space<vmem>>) target_semaphore(%run_scoped3A : memref<!tpu.dma_semaphore, #tpu.memory_space<semaphore_mem>>)
      %dma_wait3A_310 = arith.constant 0 : i32
      %dma_wait3A_311 = tpu.memref_slice %arg7[%add3A_288, %dma_wait3A_310] : memref<10000x128xf32, #tpu.memory_space<vmem_shared>> -> memref<80x128xf32, #tpu.memory_space<vmem_shared>>
      %dma_wait3A_312 = arith.constant 0 : i32
      %dma_wait3A_313 = tpu.memref_slice %arg7[%add3A_288, %dma_wait3A_312] : memref<10000x128xf32, #tpu.memory_space<vmem_shared>> -> memref<80x128xf32, #tpu.memory_space<vmem_shared>>
      tpu.wait_dma2 semaphore(%run_scoped3A : memref<!tpu.dma_semaphore, #tpu.memory_space<semaphore_mem>>) src(%dma_wait3A_313 : memref<80x128xf32, #tpu.memory_space<vmem_shared>>) dst(%arg10 : memref<80x128xf32, #tpu.memory_space<vmem>>)
      tpu.yield
    }) : () -> ()
    "tpu.region"() ({
      %run_scoped3A = tpu.sem_alloc : memref<!tpu.dma_semaphore, #tpu.memory_space<semaphore_mem>>
      %dma_start3A_306 = arith.constant 0 : i32
      %dma_start3A_307 = tpu.memref_slice %arg6[%arg0, %add3A_288, %dma_start3A_306] : memref<2x10000x128xf32, #tpu.memory_space<hbm>> -> memref<1x80x128xf32, #tpu.memory_space<hbm>>
      %dma_start3A_308 = tpu.memref_squeeze %dma_start3A_307 : memref<1x80x128xf32, #tpu.memory_space<hbm>> -> memref<80x128xf32, #tpu.memory_space<hbm>>
      %dma_start3A_309 = arith.constant 0 : i32
      %dma_start3A_310 = tpu.memref_slice %arg6[%arg0, %add3A_288, %dma_start3A_309] : memref<2x10000x128xf32, #tpu.memory_space<hbm>> -> memref<1x80x128xf32, #tpu.memory_space<hbm>>
      %dma_start3A_311 = tpu.memref_squeeze %dma_start3A_310 : memref<1x80x128xf32, #tpu.memory_space<hbm>> -> memref<80x128xf32, #tpu.memory_space<hbm>>
      tpu.enqueue_dma source(%arg10 : memref<80x128xf32, #tpu.memory_space<vmem>>) target(%dma_start3A_311 : memref<80x128xf32, #tpu.memory_space<hbm>>) target_semaphore(%run_scoped3A : memref<!tpu.dma_semaphore, #tpu.memory_space<semaphore_mem>>)
      %dma_wait3A_312 = arith.constant 0 : i32
      %dma_wait3A_313 = tpu.memref_slice %arg6[%arg0, %add3A_288, %dma_wait3A_312] : memref<2x10000x128xf32, #tpu.memory_space<hbm>> -> memref<1x80x128xf32, #tpu.memory_space<hbm>>
      %dma_wait3A_314 = tpu.memref_squeeze %dma_wait3A_313 : memref<1x80x128xf32, #tpu.memory_space<hbm>> -> memref<80x128xf32, #tpu.memory_space<hbm>>
      %dma_wait3A_315 = arith.constant 0 : i32
      %dma_wait3A_316 = tpu.memref_slice %arg6[%arg0, %add3A_288, %dma_wait3A_315] : memref<2x10000x128xf32, #tpu.memory_space<hbm>> -> memref<1x80x128xf32, #tpu.memory_space<hbm>>
      %dma_wait3A_317 = tpu.memref_squeeze %dma_wait3A_316 : memref<1x80x128xf32, #tpu.memory_space<hbm>> -> memref<80x128xf32, #tpu.memory_space<hbm>>
      tpu.wait_dma2 semaphore(%run_scoped3A : memref<!tpu.dma_semaphore, #tpu.memory_space<semaphore_mem>>) src(%arg10 : memref<80x128xf32, #tpu.memory_space<vmem>>) dst(%dma_wait3A_317 : memref<80x128xf32, #tpu.memory_space<hbm>>)
      tpu.yield
    }) : () -> ()
    %mul3A_289 = arith.constant 624 : i32
    %mul3A_290 = arith.muli %arg1, %mul3A_289 : i32
    %add3A_291 = arith.constant 400 : i32
    %add3A_292 = arith.addi %mul3A_290, %add3A_291 : i32
    "tpu.region"() ({
      %run_scoped3A = tpu.sem_alloc : memref<!tpu.dma_semaphore, #tpu.memory_space<semaphore_mem>>
      %dma_start3A_306 = arith.constant 0 : i32
      %dma_start3A_307 = tpu.memref_slice %arg7[%add3A_292, %dma_start3A_306] : memref<10000x128xf32, #tpu.memory_space<vmem_shared>> -> memref<80x128xf32, #tpu.memory_space<vmem_shared>>
      %dma_start3A_308 = arith.constant 0 : i32
      %dma_start3A_309 = tpu.memref_slice %arg7[%add3A_292, %dma_start3A_308] : memref<10000x128xf32, #tpu.memory_space<vmem_shared>> -> memref<80x128xf32, #tpu.memory_space<vmem_shared>>
      tpu.enqueue_dma source(%dma_start3A_309 : memref<80x128xf32, #tpu.memory_space<vmem_shared>>) target(%arg10 : memref<80x128xf32, #tpu.memory_space<vmem>>) target_semaphore(%run_scoped3A : memref<!tpu.dma_semaphore, #tpu.memory_space<semaphore_mem>>)
      %dma_wait3A_310 = arith.constant 0 : i32
      %dma_wait3A_311 = tpu.memref_slice %arg7[%add3A_292, %dma_wait3A_310] : memref<10000x128xf32, #tpu.memory_space<vmem_shared>> -> memref<80x128xf32, #tpu.memory_space<vmem_shared>>
      %dma_wait3A_312 = arith.constant 0 : i32
      %dma_wait3A_313 = tpu.memref_slice %arg7[%add3A_292, %dma_wait3A_312] : memref<10000x128xf32, #tpu.memory_space<vmem_shared>> -> memref<80x128xf32, #tpu.memory_space<vmem_shared>>
      tpu.wait_dma2 semaphore(%run_scoped3A : memref<!tpu.dma_semaphore, #tpu.memory_space<semaphore_mem>>) src(%dma_wait3A_313 : memref<80x128xf32, #tpu.memory_space<vmem_shared>>) dst(%arg10 : memref<80x128xf32, #tpu.memory_space<vmem>>)
      tpu.yield
    }) : () -> ()
    "tpu.region"() ({
      %run_scoped3A = tpu.sem_alloc : memref<!tpu.dma_semaphore, #tpu.memory_space<semaphore_mem>>
      %dma_start3A_306 = arith.constant 0 : i32
      %dma_start3A_307 = tpu.memref_slice %arg6[%arg0, %add3A_292, %dma_start3A_306] : memref<2x10000x128xf32, #tpu.memory_space<hbm>> -> memref<1x80x128xf32, #tpu.memory_space<hbm>>
      %dma_start3A_308 = tpu.memref_squeeze %dma_start3A_307 : memref<1x80x128xf32, #tpu.memory_space<hbm>> -> memref<80x128xf32, #tpu.memory_space<hbm>>
      %dma_start3A_309 = arith.constant 0 : i32
      %dma_start3A_310 = tpu.memref_slice %arg6[%arg0, %add3A_292, %dma_start3A_309] : memref<2x10000x128xf32, #tpu.memory_space<hbm>> -> memref<1x80x128xf32, #tpu.memory_space<hbm>>
      %dma_start3A_311 = tpu.memref_squeeze %dma_start3A_310 : memref<1x80x128xf32, #tpu.memory_space<hbm>> -> memref<80x128xf32, #tpu.memory_space<hbm>>
      tpu.enqueue_dma source(%arg10 : memref<80x128xf32, #tpu.memory_space<vmem>>) target(%dma_start3A_311 : memref<80x128xf32, #tpu.memory_space<hbm>>) target_semaphore(%run_scoped3A : memref<!tpu.dma_semaphore, #tpu.memory_space<semaphore_mem>>)
      %dma_wait3A_312 = arith.constant 0 : i32
      %dma_wait3A_313 = tpu.memref_slice %arg6[%arg0, %add3A_292, %dma_wait3A_312] : memref<2x10000x128xf32, #tpu.memory_space<hbm>> -> memref<1x80x128xf32, #tpu.memory_space<hbm>>
      %dma_wait3A_314 = tpu.memref_squeeze %dma_wait3A_313 : memref<1x80x128xf32, #tpu.memory_space<hbm>> -> memref<80x128xf32, #tpu.memory_space<hbm>>
      %dma_wait3A_315 = arith.constant 0 : i32
      %dma_wait3A_316 = tpu.memref_slice %arg6[%arg0, %add3A_292, %dma_wait3A_315] : memref<2x10000x128xf32, #tpu.memory_space<hbm>> -> memref<1x80x128xf32, #tpu.memory_space<hbm>>
      %dma_wait3A_317 = tpu.memref_squeeze %dma_wait3A_316 : memref<1x80x128xf32, #tpu.memory_space<hbm>> -> memref<80x128xf32, #tpu.memory_space<hbm>>
      tpu.wait_dma2 semaphore(%run_scoped3A : memref<!tpu.dma_semaphore, #tpu.memory_space<semaphore_mem>>) src(%arg10 : memref<80x128xf32, #tpu.memory_space<vmem>>) dst(%dma_wait3A_317 : memref<80x128xf32, #tpu.memory_space<hbm>>)
      tpu.yield
    }) : () -> ()
    %mul3A_293 = arith.constant 624 : i32
    %mul3A_294 = arith.muli %arg1, %mul3A_293 : i32
    %add3A_295 = arith.constant 480 : i32
    %add3A_296 = arith.addi %mul3A_294, %add3A_295 : i32
    "tpu.region"() ({
      %run_scoped3A = tpu.sem_alloc : memref<!tpu.dma_semaphore, #tpu.memory_space<semaphore_mem>>
      %dma_start3A_306 = arith.constant 0 : i32
      %dma_start3A_307 = tpu.memref_slice %arg7[%add3A_296, %dma_start3A_306] : memref<10000x128xf32, #tpu.memory_space<vmem_shared>> -> memref<80x128xf32, #tpu.memory_space<vmem_shared>>
      %dma_start3A_308 = arith.constant 0 : i32
      %dma_start3A_309 = tpu.memref_slice %arg7[%add3A_296, %dma_start3A_308] : memref<10000x128xf32, #tpu.memory_space<vmem_shared>> -> memref<80x128xf32, #tpu.memory_space<vmem_shared>>
      tpu.enqueue_dma source(%dma_start3A_309 : memref<80x128xf32, #tpu.memory_space<vmem_shared>>) target(%arg10 : memref<80x128xf32, #tpu.memory_space<vmem>>) target_semaphore(%run_scoped3A : memref<!tpu.dma_semaphore, #tpu.memory_space<semaphore_mem>>)
      %dma_wait3A_310 = arith.constant 0 : i32
      %dma_wait3A_311 = tpu.memref_slice %arg7[%add3A_296, %dma_wait3A_310] : memref<10000x128xf32, #tpu.memory_space<vmem_shared>> -> memref<80x128xf32, #tpu.memory_space<vmem_shared>>
      %dma_wait3A_312 = arith.constant 0 : i32
      %dma_wait3A_313 = tpu.memref_slice %arg7[%add3A_296, %dma_wait3A_312] : memref<10000x128xf32, #tpu.memory_space<vmem_shared>> -> memref<80x128xf32, #tpu.memory_space<vmem_shared>>
      tpu.wait_dma2 semaphore(%run_scoped3A : memref<!tpu.dma_semaphore, #tpu.memory_space<semaphore_mem>>) src(%dma_wait3A_313 : memref<80x128xf32, #tpu.memory_space<vmem_shared>>) dst(%arg10 : memref<80x128xf32, #tpu.memory_space<vmem>>)
      tpu.yield
    }) : () -> ()
    "tpu.region"() ({
      %run_scoped3A = tpu.sem_alloc : memref<!tpu.dma_semaphore, #tpu.memory_space<semaphore_mem>>
      %dma_start3A_306 = arith.constant 0 : i32
      %dma_start3A_307 = tpu.memref_slice %arg6[%arg0, %add3A_296, %dma_start3A_306] : memref<2x10000x128xf32, #tpu.memory_space<hbm>> -> memref<1x80x128xf32, #tpu.memory_space<hbm>>
      %dma_start3A_308 = tpu.memref_squeeze %dma_start3A_307 : memref<1x80x128xf32, #tpu.memory_space<hbm>> -> memref<80x128xf32, #tpu.memory_space<hbm>>
      %dma_start3A_309 = arith.constant 0 : i32
      %dma_start3A_310 = tpu.memref_slice %arg6[%arg0, %add3A_296, %dma_start3A_309] : memref<2x10000x128xf32, #tpu.memory_space<hbm>> -> memref<1x80x128xf32, #tpu.memory_space<hbm>>
      %dma_start3A_311 = tpu.memref_squeeze %dma_start3A_310 : memref<1x80x128xf32, #tpu.memory_space<hbm>> -> memref<80x128xf32, #tpu.memory_space<hbm>>
      tpu.enqueue_dma source(%arg10 : memref<80x128xf32, #tpu.memory_space<vmem>>) target(%dma_start3A_311 : memref<80x128xf32, #tpu.memory_space<hbm>>) target_semaphore(%run_scoped3A : memref<!tpu.dma_semaphore, #tpu.memory_space<semaphore_mem>>)
      %dma_wait3A_312 = arith.constant 0 : i32
      %dma_wait3A_313 = tpu.memref_slice %arg6[%arg0, %add3A_296, %dma_wait3A_312] : memref<2x10000x128xf32, #tpu.memory_space<hbm>> -> memref<1x80x128xf32, #tpu.memory_space<hbm>>
      %dma_wait3A_314 = tpu.memref_squeeze %dma_wait3A_313 : memref<1x80x128xf32, #tpu.memory_space<hbm>> -> memref<80x128xf32, #tpu.memory_space<hbm>>
      %dma_wait3A_315 = arith.constant 0 : i32
      %dma_wait3A_316 = tpu.memref_slice %arg6[%arg0, %add3A_296, %dma_wait3A_315] : memref<2x10000x128xf32, #tpu.memory_space<hbm>> -> memref<1x80x128xf32, #tpu.memory_space<hbm>>
      %dma_wait3A_317 = tpu.memref_squeeze %dma_wait3A_316 : memref<1x80x128xf32, #tpu.memory_space<hbm>> -> memref<80x128xf32, #tpu.memory_space<hbm>>
      tpu.wait_dma2 semaphore(%run_scoped3A : memref<!tpu.dma_semaphore, #tpu.memory_space<semaphore_mem>>) src(%arg10 : memref<80x128xf32, #tpu.memory_space<vmem>>) dst(%dma_wait3A_317 : memref<80x128xf32, #tpu.memory_space<hbm>>)
      tpu.yield
    }) : () -> ()
    %mul3A_297 = arith.constant 624 : i32
    %mul3A_298 = arith.muli %arg1, %mul3A_297 : i32
    %add3A_299 = arith.constant 560 : i32
    %add3A_300 = arith.addi %mul3A_298, %add3A_299 : i32
    "tpu.region"() ({
      %run_scoped3A = tpu.sem_alloc : memref<!tpu.dma_semaphore, #tpu.memory_space<semaphore_mem>>
      %dma_start3A_306 = arith.constant 0 : i32
      %dma_start3A_307 = arith.constant 0 : i32
      %dma_start3A_308 = tpu.memref_slice %arg10[%dma_start3A_306, %dma_start3A_307] : memref<80x128xf32, #tpu.memory_space<vmem>> -> memref<64x128xf32, #tpu.memory_space<vmem>>
      %dma_start3A_309 = arith.constant 0 : i32
      %dma_start3A_310 = tpu.memref_slice %arg7[%add3A_300, %dma_start3A_309] : memref<10000x128xf32, #tpu.memory_space<vmem_shared>> -> memref<64x128xf32, #tpu.memory_space<vmem_shared>>
      %dma_start3A_311 = arith.constant 0 : i32
      %dma_start3A_312 = arith.constant 0 : i32
      %dma_start3A_313 = tpu.memref_slice %arg10[%dma_start3A_311, %dma_start3A_312] : memref<80x128xf32, #tpu.memory_space<vmem>> -> memref<64x128xf32, #tpu.memory_space<vmem>>
      %dma_start3A_314 = arith.constant 0 : i32
      %dma_start3A_315 = tpu.memref_slice %arg7[%add3A_300, %dma_start3A_314] : memref<10000x128xf32, #tpu.memory_space<vmem_shared>> -> memref<64x128xf32, #tpu.memory_space<vmem_shared>>
      tpu.enqueue_dma source(%dma_start3A_315 : memref<64x128xf32, #tpu.memory_space<vmem_shared>>) target(%dma_start3A_313 : memref<64x128xf32, #tpu.memory_space<vmem>>) target_semaphore(%run_scoped3A : memref<!tpu.dma_semaphore, #tpu.memory_space<semaphore_mem>>)
      %dma_wait3A_316 = arith.constant 0 : i32
      %dma_wait3A_317 = arith.constant 0 : i32
      %dma_wait3A_318 = tpu.memref_slice %arg10[%dma_wait3A_316, %dma_wait3A_317] : memref<80x128xf32, #tpu.memory_space<vmem>> -> memref<64x128xf32, #tpu.memory_space<vmem>>
      %dma_wait3A_319 = arith.constant 0 : i32
      %dma_wait3A_320 = tpu.memref_slice %arg7[%add3A_300, %dma_wait3A_319] : memref<10000x128xf32, #tpu.memory_space<vmem_shared>> -> memref<64x128xf32, #tpu.memory_space<vmem_shared>>
      %dma_wait3A_321 = arith.constant 0 : i32
      %dma_wait3A_322 = arith.constant 0 : i32
      %dma_wait3A_323 = tpu.memref_slice %arg10[%dma_wait3A_321, %dma_wait3A_322] : memref<80x128xf32, #tpu.memory_space<vmem>> -> memref<64x128xf32, #tpu.memory_space<vmem>>
      %dma_wait3A_324 = arith.constant 0 : i32
      %dma_wait3A_325 = tpu.memref_slice %arg7[%add3A_300, %dma_wait3A_324] : memref<10000x128xf32, #tpu.memory_space<vmem_shared>> -> memref<64x128xf32, #tpu.memory_space<vmem_shared>>
      tpu.wait_dma2 semaphore(%run_scoped3A : memref<!tpu.dma_semaphore, #tpu.memory_space<semaphore_mem>>) src(%dma_wait3A_325 : memref<64x128xf32, #tpu.memory_space<vmem_shared>>) dst(%dma_wait3A_323 : memref<64x128xf32, #tpu.memory_space<vmem>>)
      tpu.yield
    }) : () -> ()
    "tpu.region"() ({
      %run_scoped3A = tpu.sem_alloc : memref<!tpu.dma_semaphore, #tpu.memory_space<semaphore_mem>>
      %dma_start3A_306 = arith.constant 0 : i32
      %dma_start3A_307 = arith.constant 0 : i32
      %dma_start3A_308 = tpu.memref_slice %arg10[%dma_start3A_306, %dma_start3A_307] : memref<80x128xf32, #tpu.memory_space<vmem>> -> memref<64x128xf32, #tpu.memory_space<vmem>>
      %dma_start3A_309 = arith.constant 0 : i32
      %dma_start3A_310 = tpu.memref_slice %arg6[%arg0, %add3A_300, %dma_start3A_309] : memref<2x10000x128xf32, #tpu.memory_space<hbm>> -> memref<1x64x128xf32, #tpu.memory_space<hbm>>
      %dma_start3A_311 = tpu.memref_squeeze %dma_start3A_310 : memref<1x64x128xf32, #tpu.memory_space<hbm>> -> memref<64x128xf32, #tpu.memory_space<hbm>>
      %dma_start3A_312 = arith.constant 0 : i32
      %dma_start3A_313 = tpu.memref_slice %arg6[%arg0, %add3A_300, %dma_start3A_312] : memref<2x10000x128xf32, #tpu.memory_space<hbm>> -> memref<1x64x128xf32, #tpu.memory_space<hbm>>
      %dma_start3A_314 = tpu.memref_squeeze %dma_start3A_313 : memref<1x64x128xf32, #tpu.memory_space<hbm>> -> memref<64x128xf32, #tpu.memory_space<hbm>>
      %dma_start3A_315 = arith.constant 0 : i32
      %dma_start3A_316 = arith.constant 0 : i32
      %dma_start3A_317 = tpu.memref_slice %arg10[%dma_start3A_315, %dma_start3A_316] : memref<80x128xf32, #tpu.memory_space<vmem>> -> memref<64x128xf32, #tpu.memory_space<vmem>>
      tpu.enqueue_dma source(%dma_start3A_317 : memref<64x128xf32, #tpu.memory_space<vmem>>) target(%dma_start3A_314 : memref<64x128xf32, #tpu.memory_space<hbm>>) target_semaphore(%run_scoped3A : memref<!tpu.dma_semaphore, #tpu.memory_space<semaphore_mem>>)
      %dma_wait3A_318 = arith.constant 0 : i32
      %dma_wait3A_319 = arith.constant 0 : i32
      %dma_wait3A_320 = tpu.memref_slice %arg10[%dma_wait3A_318, %dma_wait3A_319] : memref<80x128xf32, #tpu.memory_space<vmem>> -> memref<64x128xf32, #tpu.memory_space<vmem>>
      %dma_wait3A_321 = arith.constant 0 : i32
      %dma_wait3A_322 = tpu.memref_slice %arg6[%arg0, %add3A_300, %dma_wait3A_321] : memref<2x10000x128xf32, #tpu.memory_space<hbm>> -> memref<1x64x128xf32, #tpu.memory_space<hbm>>
      %dma_wait3A_323 = tpu.memref_squeeze %dma_wait3A_322 : memref<1x64x128xf32, #tpu.memory_space<hbm>> -> memref<64x128xf32, #tpu.memory_space<hbm>>
      %dma_wait3A_324 = arith.constant 0 : i32
      %dma_wait3A_325 = tpu.memref_slice %arg6[%arg0, %add3A_300, %dma_wait3A_324] : memref<2x10000x128xf32, #tpu.memory_space<hbm>> -> memref<1x64x128xf32, #tpu.memory_space<hbm>>
      %dma_wait3A_326 = tpu.memref_squeeze %dma_wait3A_325 : memref<1x64x128xf32, #tpu.memory_space<hbm>> -> memref<64x128xf32, #tpu.memory_space<hbm>>
      %dma_wait3A_327 = arith.constant 0 : i32
      %dma_wait3A_328 = arith.constant 0 : i32
      %dma_wait3A_329 = tpu.memref_slice %arg10[%dma_wait3A_327, %dma_wait3A_328] : memref<80x128xf32, #tpu.memory_space<vmem>> -> memref<64x128xf32, #tpu.memory_space<vmem>>
      tpu.wait_dma2 semaphore(%run_scoped3A : memref<!tpu.dma_semaphore, #tpu.memory_space<semaphore_mem>>) src(%dma_wait3A_329 : memref<64x128xf32, #tpu.memory_space<vmem>>) dst(%dma_wait3A_326 : memref<64x128xf32, #tpu.memory_space<hbm>>)
      tpu.yield
    }) : () -> ()
    %eq3A_301 = arith.constant 0 : i32
    %eq3A_302 = arith.cmpi eq, %arg1, %eq3A_301 : i32
    %convert_element_type3A_303 = arith.extui %eq3A_302 : i1 to i32
    %cond3A_304 = arith.constant 0 : i32
    %cond3A_305 = arith.cmpi ne, %convert_element_type3A_303, %cond3A_304 : i32
    scf.if %cond3A_305 {
      "tpu.region"() ({
        %run_scoped3A = tpu.sem_alloc : memref<!tpu.dma_semaphore, #tpu.memory_space<semaphore_mem>>
        %dma_start3A_306 = arith.constant 0 : i32
        %dma_start3A_307 = arith.constant 0 : i32
        %dma_start3A_308 = tpu.memref_slice %arg10[%dma_start3A_306, %dma_start3A_307] : memref<80x128xf32, #tpu.memory_space<vmem>> -> memref<16x128xf32, #tpu.memory_space<vmem>>
        %dma_start3A_309 = arith.constant 9984 : i32
        %dma_start3A_310 = arith.constant 0 : i32
        %dma_start3A_311 = tpu.memref_slice %arg7[%dma_start3A_309, %dma_start3A_310] : memref<10000x128xf32, #tpu.memory_space<vmem_shared>> -> memref<16x128xf32, #tpu.memory_space<vmem_shared>>
        %dma_start3A_312 = arith.constant 0 : i32
        %dma_start3A_313 = arith.constant 0 : i32
        %dma_start3A_314 = tpu.memref_slice %arg10[%dma_start3A_312, %dma_start3A_313] : memref<80x128xf32, #tpu.memory_space<vmem>> -> memref<16x128xf32, #tpu.memory_space<vmem>>
        %dma_start3A_315 = arith.constant 9984 : i32
        %dma_start3A_316 = arith.constant 0 : i32
        %dma_start3A_317 = tpu.memref_slice %arg7[%dma_start3A_315, %dma_start3A_316] : memref<10000x128xf32, #tpu.memory_space<vmem_shared>> -> memref<16x128xf32, #tpu.memory_space<vmem_shared>>
        tpu.enqueue_dma source(%dma_start3A_317 : memref<16x128xf32, #tpu.memory_space<vmem_shared>>) target(%dma_start3A_314 : memref<16x128xf32, #tpu.memory_space<vmem>>) target_semaphore(%run_scoped3A : memref<!tpu.dma_semaphore, #tpu.memory_space<semaphore_mem>>)
        %dma_wait3A_318 = arith.constant 0 : i32
        %dma_wait3A_319 = arith.constant 0 : i32
        %dma_wait3A_320 = tpu.memref_slice %arg10[%dma_wait3A_318, %dma_wait3A_319] : memref<80x128xf32, #tpu.memory_space<vmem>> -> memref<16x128xf32, #tpu.memory_space<vmem>>
        %dma_wait3A_321 = arith.constant 9984 : i32
        %dma_wait3A_322 = arith.constant 0 : i32
        %dma_wait3A_323 = tpu.memref_slice %arg7[%dma_wait3A_321, %dma_wait3A_322] : memref<10000x128xf32, #tpu.memory_space<vmem_shared>> -> memref<16x128xf32, #tpu.memory_space<vmem_shared>>
        %dma_wait3A_324 = arith.constant 0 : i32
        %dma_wait3A_325 = arith.constant 0 : i32
        %dma_wait3A_326 = tpu.memref_slice %arg10[%dma_wait3A_324, %dma_wait3A_325] : memref<80x128xf32, #tpu.memory_space<vmem>> -> memref<16x128xf32, #tpu.memory_space<vmem>>
        %dma_wait3A_327 = arith.constant 9984 : i32
        %dma_wait3A_328 = arith.constant 0 : i32
        %dma_wait3A_329 = tpu.memref_slice %arg7[%dma_wait3A_327, %dma_wait3A_328] : memref<10000x128xf32, #tpu.memory_space<vmem_shared>> -> memref<16x128xf32, #tpu.memory_space<vmem_shared>>
        tpu.wait_dma2 semaphore(%run_scoped3A : memref<!tpu.dma_semaphore, #tpu.memory_space<semaphore_mem>>) src(%dma_wait3A_329 : memref<16x128xf32, #tpu.memory_space<vmem_shared>>) dst(%dma_wait3A_326 : memref<16x128xf32, #tpu.memory_space<vmem>>)
        tpu.yield
      }) : () -> ()
      "tpu.region"() ({
        %run_scoped3A = tpu.sem_alloc : memref<!tpu.dma_semaphore, #tpu.memory_space<semaphore_mem>>
        %dma_start3A_306 = arith.constant 0 : i32
        %dma_start3A_307 = arith.constant 0 : i32
        %dma_start3A_308 = tpu.memref_slice %arg10[%dma_start3A_306, %dma_start3A_307] : memref<80x128xf32, #tpu.memory_space<vmem>> -> memref<16x128xf32, #tpu.memory_space<vmem>>
        %dma_start3A_309 = arith.constant 9984 : i32
        %dma_start3A_310 = arith.constant 0 : i32
        %dma_start3A_311 = tpu.memref_slice %arg6[%arg0, %dma_start3A_309, %dma_start3A_310] : memref<2x10000x128xf32, #tpu.memory_space<hbm>> -> memref<1x16x128xf32, #tpu.memory_space<hbm>>
        %dma_start3A_312 = tpu.memref_squeeze %dma_start3A_311 : memref<1x16x128xf32, #tpu.memory_space<hbm>> -> memref<16x128xf32, #tpu.memory_space<hbm>>
        %dma_start3A_313 = arith.constant 9984 : i32
        %dma_start3A_314 = arith.constant 0 : i32
        %dma_start3A_315 = tpu.memref_slice %arg6[%arg0, %dma_start3A_313, %dma_start3A_314] : memref<2x10000x128xf32, #tpu.memory_space<hbm>> -> memref<1x16x128xf32, #tpu.memory_space<hbm>>
        %dma_start3A_316 = tpu.memref_squeeze %dma_start3A_315 : memref<1x16x128xf32, #tpu.memory_space<hbm>> -> memref<16x128xf32, #tpu.memory_space<hbm>>
        %dma_start3A_317 = arith.constant 0 : i32
        %dma_start3A_318 = arith.constant 0 : i32
        %dma_start3A_319 = tpu.memref_slice %arg10[%dma_start3A_317, %dma_start3A_318] : memref<80x128xf32, #tpu.memory_space<vmem>> -> memref<16x128xf32, #tpu.memory_space<vmem>>
        tpu.enqueue_dma source(%dma_start3A_319 : memref<16x128xf32, #tpu.memory_space<vmem>>) target(%dma_start3A_316 : memref<16x128xf32, #tpu.memory_space<hbm>>) target_semaphore(%run_scoped3A : memref<!tpu.dma_semaphore, #tpu.memory_space<semaphore_mem>>)
        %dma_wait3A_320 = arith.constant 0 : i32
        %dma_wait3A_321 = arith.constant 0 : i32
        %dma_wait3A_322 = tpu.memref_slice %arg10[%dma_wait3A_320, %dma_wait3A_321] : memref<80x128xf32, #tpu.memory_space<vmem>> -> memref<16x128xf32, #tpu.memory_space<vmem>>
        %dma_wait3A_323 = arith.constant 9984 : i32
        %dma_wait3A_324 = arith.constant 0 : i32
        %dma_wait3A_325 = tpu.memref_slice %arg6[%arg0, %dma_wait3A_323, %dma_wait3A_324] : memref<2x10000x128xf32, #tpu.memory_space<hbm>> -> memref<1x16x128xf32, #tpu.memory_space<hbm>>
        %dma_wait3A_326 = tpu.memref_squeeze %dma_wait3A_325 : memref<1x16x128xf32, #tpu.memory_space<hbm>> -> memref<16x128xf32, #tpu.memory_space<hbm>>
        %dma_wait3A_327 = arith.constant 9984 : i32
        %dma_wait3A_328 = arith.constant 0 : i32
        %dma_wait3A_329 = tpu.memref_slice %arg6[%arg0, %dma_wait3A_327, %dma_wait3A_328] : memref<2x10000x128xf32, #tpu.memory_space<hbm>> -> memref<1x16x128xf32, #tpu.memory_space<hbm>>
        %dma_wait3A_330 = tpu.memref_squeeze %dma_wait3A_329 : memref<1x16x128xf32, #tpu.memory_space<hbm>> -> memref<16x128xf32, #tpu.memory_space<hbm>>
        %dma_wait3A_331 = arith.constant 0 : i32
        %dma_wait3A_332 = arith.constant 0 : i32
        %dma_wait3A_333 = tpu.memref_slice %arg10[%dma_wait3A_331, %dma_wait3A_332] : memref<80x128xf32, #tpu.memory_space<vmem>> -> memref<16x128xf32, #tpu.memory_space<vmem>>
        tpu.wait_dma2 semaphore(%run_scoped3A : memref<!tpu.dma_semaphore, #tpu.memory_space<semaphore_mem>>) src(%dma_wait3A_333 : memref<16x128xf32, #tpu.memory_space<vmem>>) dst(%dma_wait3A_330 : memref<16x128xf32, #tpu.memory_space<hbm>>)
        tpu.yield
      }) : () -> ()
    } else {
    }
    return
  }
}

#map = affine_map<(d0, d1) -> (0, 0)>
#map1 = affine_map<(d0, d1) -> (0)>
#map2 = affine_map<(d0, d1) -> (0, 0, 0)>
module attributes {stable_mosaic.version = 14 : i64} {
  func.func @_pool(%arg0: i32, %arg1: i32, %arg2: memref<10000x128xf32, #tpu.memory_space<hbm>>, %arg3: memref<10000xi32, #tpu.memory_space<hbm>>, %arg4: memref<10000xi32, #tpu.memory_space<hbm>>, %arg5: memref<10000xi32, #tpu.memory_space<hbm>>, %arg6: memref<80x128xf32, #tpu.memory_space<hbm>>, %arg7: memref<2x8x128xf32, #tpu.memory_space<hbm>>, %arg8: memref<8x128xf32, #tpu.memory_space<vmem_shared>>, %arg9: memref<104xi32, #tpu.memory_space<vmem>>, %arg10: memref<104xi32, #tpu.memory_space<vmem>>, %arg11: memref<104xi32, #tpu.memory_space<vmem>>, %arg12: memref<104x128xf32, #tpu.memory_space<vmem>>, %arg13: memref<8x128xf32, #tpu.memory_space<vmem>>, %arg14: memref<16xi32, #tpu.memory_space<vmem>>, %arg15: memref<16xi32, #tpu.memory_space<vmem>>, %arg16: memref<16xi32, #tpu.memory_space<vmem>>, %arg17: memref<16x128xf32, #tpu.memory_space<vmem>>, %arg18: memref<!tpu.dma_semaphore, #tpu.memory_space<semaphore_mem>>, %arg19: memref<!tpu.dma_semaphore, #tpu.memory_space<semaphore_mem>>) attributes {dimension_semantics = [#tpu.dimension_semantics<core_parallel>, #tpu.dimension_semantics<subcore_parallel>], iteration_bounds = array<i64: 2, 16>, scalar_prefetch = 0 : i64, scratch_operands = 12 : i64, tpu.core_type = #tpu.core_type<sc_vector_subcore>, window_params = [{transform_indices = #map}, {transform_indices = #map1}, {transform_indices = #map1}, {transform_indices = #map1}, {transform_indices = #map}, {transform_indices = #map2}]} {
    %mul3A = arith.constant 16 : i32
    %mul3A_0 = arith.muli %arg0, %mul3A : i32
    %add3A = arith.addi %mul3A_0, %arg1 : i32
    %eq3A = arith.constant 0 : i32
    %eq3A_1 = arith.cmpi eq, %arg1, %eq3A : i32
    %convert_element_type3A = arith.extui %eq3A_1 : i1 to i32
    %cond3A = arith.constant 0 : i32
    %cond3A_2 = arith.cmpi ne, %convert_element_type3A, %cond3A : i32
    scf.if %cond3A_2 {
      "tpu.region"() ({
        %run_scoped3A = tpu.sem_alloc : memref<!tpu.dma_semaphore, #tpu.memory_space<semaphore_mem>>
        %dma_start3A_50 = arith.constant 0 : i32
        %dma_start3A_51 = arith.constant 0 : i32
        %dma_start3A_52 = tpu.memref_slice %arg6[%dma_start3A_50, %dma_start3A_51] : memref<80x128xf32, #tpu.memory_space<hbm>> -> memref<8x128xf32, #tpu.memory_space<hbm>>
        %dma_start3A_53 = arith.constant 0 : i32
        %dma_start3A_54 = arith.constant 0 : i32
        %dma_start3A_55 = tpu.memref_slice %arg6[%dma_start3A_53, %dma_start3A_54] : memref<80x128xf32, #tpu.memory_space<hbm>> -> memref<8x128xf32, #tpu.memory_space<hbm>>
        tpu.enqueue_dma source(%dma_start3A_55 : memref<8x128xf32, #tpu.memory_space<hbm>>) target(%arg13 : memref<8x128xf32, #tpu.memory_space<vmem>>) target_semaphore(%run_scoped3A : memref<!tpu.dma_semaphore, #tpu.memory_space<semaphore_mem>>)
        %dma_wait3A_56 = arith.constant 0 : i32
        %dma_wait3A_57 = arith.constant 0 : i32
        %dma_wait3A_58 = tpu.memref_slice %arg6[%dma_wait3A_56, %dma_wait3A_57] : memref<80x128xf32, #tpu.memory_space<hbm>> -> memref<8x128xf32, #tpu.memory_space<hbm>>
        %dma_wait3A_59 = arith.constant 0 : i32
        %dma_wait3A_60 = arith.constant 0 : i32
        %dma_wait3A_61 = tpu.memref_slice %arg6[%dma_wait3A_59, %dma_wait3A_60] : memref<80x128xf32, #tpu.memory_space<hbm>> -> memref<8x128xf32, #tpu.memory_space<hbm>>
        tpu.wait_dma2 semaphore(%run_scoped3A : memref<!tpu.dma_semaphore, #tpu.memory_space<semaphore_mem>>) src(%dma_wait3A_61 : memref<8x128xf32, #tpu.memory_space<hbm>>) dst(%arg13 : memref<8x128xf32, #tpu.memory_space<vmem>>)
        tpu.yield
      }) : () -> ()
      "tpu.region"() ({
        %run_scoped3A = tpu.sem_alloc : memref<!tpu.dma_semaphore, #tpu.memory_space<semaphore_mem>>
        tpu.enqueue_dma source(%arg13 : memref<8x128xf32, #tpu.memory_space<vmem>>) target(%arg8 : memref<8x128xf32, #tpu.memory_space<vmem_shared>>) target_semaphore(%run_scoped3A : memref<!tpu.dma_semaphore, #tpu.memory_space<semaphore_mem>>)
        tpu.wait_dma2 semaphore(%run_scoped3A : memref<!tpu.dma_semaphore, #tpu.memory_space<semaphore_mem>>) src(%arg13 : memref<8x128xf32, #tpu.memory_space<vmem>>) dst(%arg8 : memref<8x128xf32, #tpu.memory_space<vmem_shared>>)
        tpu.yield
      }) : () -> ()
    } else {
    }
    %barrier3A = arith.constant 0 : index
    tpu.barrier barrier_id(%barrier3A)
    %mul3A_3 = arith.constant 312 : i32
    %mul3A_4 = arith.muli %add3A, %mul3A_3 : i32
    %add3A_5 = arith.constant 0 : i32
    %add3A_6 = arith.addi %mul3A_4, %add3A_5 : i32
    "tpu.region"() ({
      %run_scoped3A = tpu.sem_alloc : memref<!tpu.dma_semaphore, #tpu.memory_space<semaphore_mem>>
      %dma_start3A_50 = tpu.memref_slice %arg3[%add3A_6] : memref<10000xi32, #tpu.memory_space<hbm>> -> memref<104xi32, #tpu.memory_space<hbm>>
      %dma_start3A_51 = tpu.memref_slice %arg3[%add3A_6] : memref<10000xi32, #tpu.memory_space<hbm>> -> memref<104xi32, #tpu.memory_space<hbm>>
      tpu.enqueue_dma source(%dma_start3A_51 : memref<104xi32, #tpu.memory_space<hbm>>) target(%arg9 : memref<104xi32, #tpu.memory_space<vmem>>) target_semaphore(%run_scoped3A : memref<!tpu.dma_semaphore, #tpu.memory_space<semaphore_mem>>)
      %dma_wait3A_52 = tpu.memref_slice %arg3[%add3A_6] : memref<10000xi32, #tpu.memory_space<hbm>> -> memref<104xi32, #tpu.memory_space<hbm>>
      %dma_wait3A_53 = tpu.memref_slice %arg3[%add3A_6] : memref<10000xi32, #tpu.memory_space<hbm>> -> memref<104xi32, #tpu.memory_space<hbm>>
      tpu.wait_dma2 semaphore(%run_scoped3A : memref<!tpu.dma_semaphore, #tpu.memory_space<semaphore_mem>>) src(%dma_wait3A_53 : memref<104xi32, #tpu.memory_space<hbm>>) dst(%arg9 : memref<104xi32, #tpu.memory_space<vmem>>)
      tpu.yield
    }) : () -> ()
    "tpu.region"() ({
      %run_scoped3A = tpu.sem_alloc : memref<!tpu.dma_semaphore, #tpu.memory_space<semaphore_mem>>
      %dma_start3A_50 = tpu.memref_slice %arg4[%add3A_6] : memref<10000xi32, #tpu.memory_space<hbm>> -> memref<104xi32, #tpu.memory_space<hbm>>
      %dma_start3A_51 = tpu.memref_slice %arg4[%add3A_6] : memref<10000xi32, #tpu.memory_space<hbm>> -> memref<104xi32, #tpu.memory_space<hbm>>
      tpu.enqueue_dma source(%dma_start3A_51 : memref<104xi32, #tpu.memory_space<hbm>>) target(%arg10 : memref<104xi32, #tpu.memory_space<vmem>>) target_semaphore(%run_scoped3A : memref<!tpu.dma_semaphore, #tpu.memory_space<semaphore_mem>>)
      %dma_wait3A_52 = tpu.memref_slice %arg4[%add3A_6] : memref<10000xi32, #tpu.memory_space<hbm>> -> memref<104xi32, #tpu.memory_space<hbm>>
      %dma_wait3A_53 = tpu.memref_slice %arg4[%add3A_6] : memref<10000xi32, #tpu.memory_space<hbm>> -> memref<104xi32, #tpu.memory_space<hbm>>
      tpu.wait_dma2 semaphore(%run_scoped3A : memref<!tpu.dma_semaphore, #tpu.memory_space<semaphore_mem>>) src(%dma_wait3A_53 : memref<104xi32, #tpu.memory_space<hbm>>) dst(%arg10 : memref<104xi32, #tpu.memory_space<vmem>>)
      tpu.yield
    }) : () -> ()
    %dma_start3A = arith.constant 0 : i32
    %dma_start3A_7 = arith.constant 0 : i32
    %dma_start3A_8 = tpu.memref_slice %arg2[%dma_start3A, %dma_start3A_7] : memref<10000x128xf32, #tpu.memory_space<hbm>> -> memref<10000x128xf32, #tpu.memory_space<hbm>>
    tpu.enqueue_indirect_dma source(%dma_start3A_8 : memref<10000x128xf32, #tpu.memory_space<hbm>>) target(%arg12 : memref<104x128xf32, #tpu.memory_space<vmem>>) offsets(%arg10 : memref<104xi32, #tpu.memory_space<vmem>>) semaphore(%arg18 : memref<!tpu.dma_semaphore, #tpu.memory_space<semaphore_mem>>)
    %dma_start3A_9 = arith.constant 0 : i32
    %dma_start3A_10 = tpu.memref_slice %arg5[%dma_start3A_9] : memref<10000xi32, #tpu.memory_space<hbm>> -> memref<10000xi32, #tpu.memory_space<hbm>>
    tpu.enqueue_indirect_dma source(%dma_start3A_10 : memref<10000xi32, #tpu.memory_space<hbm>>) target(%arg11 : memref<104xi32, #tpu.memory_space<vmem>>) offsets(%arg9 : memref<104xi32, #tpu.memory_space<vmem>>) semaphore(%arg19 : memref<!tpu.dma_semaphore, #tpu.memory_space<semaphore_mem>>)
    %dma_wait3A = arith.constant 0 : i32
    %dma_wait3A_11 = arith.constant 0 : i32
    %dma_wait3A_12 = tpu.memref_slice %arg2[%dma_wait3A, %dma_wait3A_11] : memref<10000x128xf32, #tpu.memory_space<hbm>> -> memref<10000x128xf32, #tpu.memory_space<hbm>>
    tpu.wait_indirect_dma semaphore(%arg18 : memref<!tpu.dma_semaphore, #tpu.memory_space<semaphore_mem>>) src(%dma_wait3A_12 : memref<10000x128xf32, #tpu.memory_space<hbm>>) dst(%arg12 : memref<104x128xf32, #tpu.memory_space<vmem>>)
    %dma_wait3A_13 = arith.constant 0 : i32
    %dma_wait3A_14 = tpu.memref_slice %arg5[%dma_wait3A_13] : memref<10000xi32, #tpu.memory_space<hbm>> -> memref<10000xi32, #tpu.memory_space<hbm>>
    tpu.wait_indirect_dma semaphore(%arg19 : memref<!tpu.dma_semaphore, #tpu.memory_space<semaphore_mem>>) src(%dma_wait3A_14 : memref<10000xi32, #tpu.memory_space<hbm>>) dst(%arg11 : memref<104xi32, #tpu.memory_space<vmem>>)
    "tpu.region"() ({
      %run_scoped3A = tpu.sem_alloc : memref<!tpu.dma_semaphore, #tpu.memory_space<semaphore_mem>>
      %dma_start3A_50 = arith.constant 0 : i32
      %dma_start3A_51 = arith.constant 0 : i32
      %dma_start3A_52 = tpu.memref_slice %arg8[%dma_start3A_50, %dma_start3A_51] : memref<8x128xf32, #tpu.memory_space<vmem_shared>> -> memref<8x128xf32, #tpu.memory_space<vmem_shared>>
      tpu.enqueue_indirect_dma source(%arg12 : memref<104x128xf32, #tpu.memory_space<vmem>>) target(%dma_start3A_52 : memref<8x128xf32, #tpu.memory_space<vmem_shared>>) offsets(%arg11 : memref<104xi32, #tpu.memory_space<vmem>>) semaphore(%run_scoped3A : memref<!tpu.dma_semaphore, #tpu.memory_space<semaphore_mem>>) {add = true}
      %dma_wait3A_53 = arith.constant 0 : i32
      %dma_wait3A_54 = arith.constant 0 : i32
      %dma_wait3A_55 = tpu.memref_slice %arg8[%dma_wait3A_53, %dma_wait3A_54] : memref<8x128xf32, #tpu.memory_space<vmem_shared>> -> memref<8x128xf32, #tpu.memory_space<vmem_shared>>
      tpu.wait_indirect_dma semaphore(%run_scoped3A : memref<!tpu.dma_semaphore, #tpu.memory_space<semaphore_mem>>) src(%arg12 : memref<104x128xf32, #tpu.memory_space<vmem>>) dst(%dma_wait3A_55 : memref<8x128xf32, #tpu.memory_space<vmem_shared>>)
      tpu.yield
    }) : () -> ()
    %add3A_15 = arith.constant 104 : i32
    %add3A_16 = arith.addi %mul3A_4, %add3A_15 : i32
    "tpu.region"() ({
      %run_scoped3A = tpu.sem_alloc : memref<!tpu.dma_semaphore, #tpu.memory_space<semaphore_mem>>
      %dma_start3A_50 = tpu.memref_slice %arg3[%add3A_16] : memref<10000xi32, #tpu.memory_space<hbm>> -> memref<104xi32, #tpu.memory_space<hbm>>
      %dma_start3A_51 = tpu.memref_slice %arg3[%add3A_16] : memref<10000xi32, #tpu.memory_space<hbm>> -> memref<104xi32, #tpu.memory_space<hbm>>
      tpu.enqueue_dma source(%dma_start3A_51 : memref<104xi32, #tpu.memory_space<hbm>>) target(%arg9 : memref<104xi32, #tpu.memory_space<vmem>>) target_semaphore(%run_scoped3A : memref<!tpu.dma_semaphore, #tpu.memory_space<semaphore_mem>>)
      %dma_wait3A_52 = tpu.memref_slice %arg3[%add3A_16] : memref<10000xi32, #tpu.memory_space<hbm>> -> memref<104xi32, #tpu.memory_space<hbm>>
      %dma_wait3A_53 = tpu.memref_slice %arg3[%add3A_16] : memref<10000xi32, #tpu.memory_space<hbm>> -> memref<104xi32, #tpu.memory_space<hbm>>
      tpu.wait_dma2 semaphore(%run_scoped3A : memref<!tpu.dma_semaphore, #tpu.memory_space<semaphore_mem>>) src(%dma_wait3A_53 : memref<104xi32, #tpu.memory_space<hbm>>) dst(%arg9 : memref<104xi32, #tpu.memory_space<vmem>>)
      tpu.yield
    }) : () -> ()
    "tpu.region"() ({
      %run_scoped3A = tpu.sem_alloc : memref<!tpu.dma_semaphore, #tpu.memory_space<semaphore_mem>>
      %dma_start3A_50 = tpu.memref_slice %arg4[%add3A_16] : memref<10000xi32, #tpu.memory_space<hbm>> -> memref<104xi32, #tpu.memory_space<hbm>>
      %dma_start3A_51 = tpu.memref_slice %arg4[%add3A_16] : memref<10000xi32, #tpu.memory_space<hbm>> -> memref<104xi32, #tpu.memory_space<hbm>>
      tpu.enqueue_dma source(%dma_start3A_51 : memref<104xi32, #tpu.memory_space<hbm>>) target(%arg10 : memref<104xi32, #tpu.memory_space<vmem>>) target_semaphore(%run_scoped3A : memref<!tpu.dma_semaphore, #tpu.memory_space<semaphore_mem>>)
      %dma_wait3A_52 = tpu.memref_slice %arg4[%add3A_16] : memref<10000xi32, #tpu.memory_space<hbm>> -> memref<104xi32, #tpu.memory_space<hbm>>
      %dma_wait3A_53 = tpu.memref_slice %arg4[%add3A_16] : memref<10000xi32, #tpu.memory_space<hbm>> -> memref<104xi32, #tpu.memory_space<hbm>>
      tpu.wait_dma2 semaphore(%run_scoped3A : memref<!tpu.dma_semaphore, #tpu.memory_space<semaphore_mem>>) src(%dma_wait3A_53 : memref<104xi32, #tpu.memory_space<hbm>>) dst(%arg10 : memref<104xi32, #tpu.memory_space<vmem>>)
      tpu.yield
    }) : () -> ()
    %dma_start3A_17 = arith.constant 0 : i32
    %dma_start3A_18 = arith.constant 0 : i32
    %dma_start3A_19 = tpu.memref_slice %arg2[%dma_start3A_17, %dma_start3A_18] : memref<10000x128xf32, #tpu.memory_space<hbm>> -> memref<10000x128xf32, #tpu.memory_space<hbm>>
    tpu.enqueue_indirect_dma source(%dma_start3A_19 : memref<10000x128xf32, #tpu.memory_space<hbm>>) target(%arg12 : memref<104x128xf32, #tpu.memory_space<vmem>>) offsets(%arg10 : memref<104xi32, #tpu.memory_space<vmem>>) semaphore(%arg18 : memref<!tpu.dma_semaphore, #tpu.memory_space<semaphore_mem>>)
    %dma_start3A_20 = arith.constant 0 : i32
    %dma_start3A_21 = tpu.memref_slice %arg5[%dma_start3A_20] : memref<10000xi32, #tpu.memory_space<hbm>> -> memref<10000xi32, #tpu.memory_space<hbm>>
    tpu.enqueue_indirect_dma source(%dma_start3A_21 : memref<10000xi32, #tpu.memory_space<hbm>>) target(%arg11 : memref<104xi32, #tpu.memory_space<vmem>>) offsets(%arg9 : memref<104xi32, #tpu.memory_space<vmem>>) semaphore(%arg19 : memref<!tpu.dma_semaphore, #tpu.memory_space<semaphore_mem>>)
    %dma_wait3A_22 = arith.constant 0 : i32
    %dma_wait3A_23 = arith.constant 0 : i32
    %dma_wait3A_24 = tpu.memref_slice %arg2[%dma_wait3A_22, %dma_wait3A_23] : memref<10000x128xf32, #tpu.memory_space<hbm>> -> memref<10000x128xf32, #tpu.memory_space<hbm>>
    tpu.wait_indirect_dma semaphore(%arg18 : memref<!tpu.dma_semaphore, #tpu.memory_space<semaphore_mem>>) src(%dma_wait3A_24 : memref<10000x128xf32, #tpu.memory_space<hbm>>) dst(%arg12 : memref<104x128xf32, #tpu.memory_space<vmem>>)
    %dma_wait3A_25 = arith.constant 0 : i32
    %dma_wait3A_26 = tpu.memref_slice %arg5[%dma_wait3A_25] : memref<10000xi32, #tpu.memory_space<hbm>> -> memref<10000xi32, #tpu.memory_space<hbm>>
    tpu.wait_indirect_dma semaphore(%arg19 : memref<!tpu.dma_semaphore, #tpu.memory_space<semaphore_mem>>) src(%dma_wait3A_26 : memref<10000xi32, #tpu.memory_space<hbm>>) dst(%arg11 : memref<104xi32, #tpu.memory_space<vmem>>)
    "tpu.region"() ({
      %run_scoped3A = tpu.sem_alloc : memref<!tpu.dma_semaphore, #tpu.memory_space<semaphore_mem>>
      %dma_start3A_50 = arith.constant 0 : i32
      %dma_start3A_51 = arith.constant 0 : i32
      %dma_start3A_52 = tpu.memref_slice %arg8[%dma_start3A_50, %dma_start3A_51] : memref<8x128xf32, #tpu.memory_space<vmem_shared>> -> memref<8x128xf32, #tpu.memory_space<vmem_shared>>
      tpu.enqueue_indirect_dma source(%arg12 : memref<104x128xf32, #tpu.memory_space<vmem>>) target(%dma_start3A_52 : memref<8x128xf32, #tpu.memory_space<vmem_shared>>) offsets(%arg11 : memref<104xi32, #tpu.memory_space<vmem>>) semaphore(%run_scoped3A : memref<!tpu.dma_semaphore, #tpu.memory_space<semaphore_mem>>) {add = true}
      %dma_wait3A_53 = arith.constant 0 : i32
      %dma_wait3A_54 = arith.constant 0 : i32
      %dma_wait3A_55 = tpu.memref_slice %arg8[%dma_wait3A_53, %dma_wait3A_54] : memref<8x128xf32, #tpu.memory_space<vmem_shared>> -> memref<8x128xf32, #tpu.memory_space<vmem_shared>>
      tpu.wait_indirect_dma semaphore(%run_scoped3A : memref<!tpu.dma_semaphore, #tpu.memory_space<semaphore_mem>>) src(%arg12 : memref<104x128xf32, #tpu.memory_space<vmem>>) dst(%dma_wait3A_55 : memref<8x128xf32, #tpu.memory_space<vmem_shared>>)
      tpu.yield
    }) : () -> ()
    %add3A_27 = arith.constant 208 : i32
    %add3A_28 = arith.addi %mul3A_4, %add3A_27 : i32
    "tpu.region"() ({
      %run_scoped3A = tpu.sem_alloc : memref<!tpu.dma_semaphore, #tpu.memory_space<semaphore_mem>>
      %dma_start3A_50 = tpu.memref_slice %arg3[%add3A_28] : memref<10000xi32, #tpu.memory_space<hbm>> -> memref<104xi32, #tpu.memory_space<hbm>>
      %dma_start3A_51 = tpu.memref_slice %arg3[%add3A_28] : memref<10000xi32, #tpu.memory_space<hbm>> -> memref<104xi32, #tpu.memory_space<hbm>>
      tpu.enqueue_dma source(%dma_start3A_51 : memref<104xi32, #tpu.memory_space<hbm>>) target(%arg9 : memref<104xi32, #tpu.memory_space<vmem>>) target_semaphore(%run_scoped3A : memref<!tpu.dma_semaphore, #tpu.memory_space<semaphore_mem>>)
      %dma_wait3A_52 = tpu.memref_slice %arg3[%add3A_28] : memref<10000xi32, #tpu.memory_space<hbm>> -> memref<104xi32, #tpu.memory_space<hbm>>
      %dma_wait3A_53 = tpu.memref_slice %arg3[%add3A_28] : memref<10000xi32, #tpu.memory_space<hbm>> -> memref<104xi32, #tpu.memory_space<hbm>>
      tpu.wait_dma2 semaphore(%run_scoped3A : memref<!tpu.dma_semaphore, #tpu.memory_space<semaphore_mem>>) src(%dma_wait3A_53 : memref<104xi32, #tpu.memory_space<hbm>>) dst(%arg9 : memref<104xi32, #tpu.memory_space<vmem>>)
      tpu.yield
    }) : () -> ()
    "tpu.region"() ({
      %run_scoped3A = tpu.sem_alloc : memref<!tpu.dma_semaphore, #tpu.memory_space<semaphore_mem>>
      %dma_start3A_50 = tpu.memref_slice %arg4[%add3A_28] : memref<10000xi32, #tpu.memory_space<hbm>> -> memref<104xi32, #tpu.memory_space<hbm>>
      %dma_start3A_51 = tpu.memref_slice %arg4[%add3A_28] : memref<10000xi32, #tpu.memory_space<hbm>> -> memref<104xi32, #tpu.memory_space<hbm>>
      tpu.enqueue_dma source(%dma_start3A_51 : memref<104xi32, #tpu.memory_space<hbm>>) target(%arg10 : memref<104xi32, #tpu.memory_space<vmem>>) target_semaphore(%run_scoped3A : memref<!tpu.dma_semaphore, #tpu.memory_space<semaphore_mem>>)
      %dma_wait3A_52 = tpu.memref_slice %arg4[%add3A_28] : memref<10000xi32, #tpu.memory_space<hbm>> -> memref<104xi32, #tpu.memory_space<hbm>>
      %dma_wait3A_53 = tpu.memref_slice %arg4[%add3A_28] : memref<10000xi32, #tpu.memory_space<hbm>> -> memref<104xi32, #tpu.memory_space<hbm>>
      tpu.wait_dma2 semaphore(%run_scoped3A : memref<!tpu.dma_semaphore, #tpu.memory_space<semaphore_mem>>) src(%dma_wait3A_53 : memref<104xi32, #tpu.memory_space<hbm>>) dst(%arg10 : memref<104xi32, #tpu.memory_space<vmem>>)
      tpu.yield
    }) : () -> ()
    %dma_start3A_29 = arith.constant 0 : i32
    %dma_start3A_30 = arith.constant 0 : i32
    %dma_start3A_31 = tpu.memref_slice %arg2[%dma_start3A_29, %dma_start3A_30] : memref<10000x128xf32, #tpu.memory_space<hbm>> -> memref<10000x128xf32, #tpu.memory_space<hbm>>
    tpu.enqueue_indirect_dma source(%dma_start3A_31 : memref<10000x128xf32, #tpu.memory_space<hbm>>) target(%arg12 : memref<104x128xf32, #tpu.memory_space<vmem>>) offsets(%arg10 : memref<104xi32, #tpu.memory_space<vmem>>) semaphore(%arg18 : memref<!tpu.dma_semaphore, #tpu.memory_space<semaphore_mem>>)
    %dma_start3A_32 = arith.constant 0 : i32
    %dma_start3A_33 = tpu.memref_slice %arg5[%dma_start3A_32] : memref<10000xi32, #tpu.memory_space<hbm>> -> memref<10000xi32, #tpu.memory_space<hbm>>
    tpu.enqueue_indirect_dma source(%dma_start3A_33 : memref<10000xi32, #tpu.memory_space<hbm>>) target(%arg11 : memref<104xi32, #tpu.memory_space<vmem>>) offsets(%arg9 : memref<104xi32, #tpu.memory_space<vmem>>) semaphore(%arg19 : memref<!tpu.dma_semaphore, #tpu.memory_space<semaphore_mem>>)
    %dma_wait3A_34 = arith.constant 0 : i32
    %dma_wait3A_35 = arith.constant 0 : i32
    %dma_wait3A_36 = tpu.memref_slice %arg2[%dma_wait3A_34, %dma_wait3A_35] : memref<10000x128xf32, #tpu.memory_space<hbm>> -> memref<10000x128xf32, #tpu.memory_space<hbm>>
    tpu.wait_indirect_dma semaphore(%arg18 : memref<!tpu.dma_semaphore, #tpu.memory_space<semaphore_mem>>) src(%dma_wait3A_36 : memref<10000x128xf32, #tpu.memory_space<hbm>>) dst(%arg12 : memref<104x128xf32, #tpu.memory_space<vmem>>)
    %dma_wait3A_37 = arith.constant 0 : i32
    %dma_wait3A_38 = tpu.memref_slice %arg5[%dma_wait3A_37] : memref<10000xi32, #tpu.memory_space<hbm>> -> memref<10000xi32, #tpu.memory_space<hbm>>
    tpu.wait_indirect_dma semaphore(%arg19 : memref<!tpu.dma_semaphore, #tpu.memory_space<semaphore_mem>>) src(%dma_wait3A_38 : memref<10000xi32, #tpu.memory_space<hbm>>) dst(%arg11 : memref<104xi32, #tpu.memory_space<vmem>>)
    "tpu.region"() ({
      %run_scoped3A = tpu.sem_alloc : memref<!tpu.dma_semaphore, #tpu.memory_space<semaphore_mem>>
      %dma_start3A_50 = arith.constant 0 : i32
      %dma_start3A_51 = arith.constant 0 : i32
      %dma_start3A_52 = tpu.memref_slice %arg8[%dma_start3A_50, %dma_start3A_51] : memref<8x128xf32, #tpu.memory_space<vmem_shared>> -> memref<8x128xf32, #tpu.memory_space<vmem_shared>>
      tpu.enqueue_indirect_dma source(%arg12 : memref<104x128xf32, #tpu.memory_space<vmem>>) target(%dma_start3A_52 : memref<8x128xf32, #tpu.memory_space<vmem_shared>>) offsets(%arg11 : memref<104xi32, #tpu.memory_space<vmem>>) semaphore(%run_scoped3A : memref<!tpu.dma_semaphore, #tpu.memory_space<semaphore_mem>>) {add = true}
      %dma_wait3A_53 = arith.constant 0 : i32
      %dma_wait3A_54 = arith.constant 0 : i32
      %dma_wait3A_55 = tpu.memref_slice %arg8[%dma_wait3A_53, %dma_wait3A_54] : memref<8x128xf32, #tpu.memory_space<vmem_shared>> -> memref<8x128xf32, #tpu.memory_space<vmem_shared>>
      tpu.wait_indirect_dma semaphore(%run_scoped3A : memref<!tpu.dma_semaphore, #tpu.memory_space<semaphore_mem>>) src(%arg12 : memref<104x128xf32, #tpu.memory_space<vmem>>) dst(%dma_wait3A_55 : memref<8x128xf32, #tpu.memory_space<vmem_shared>>)
      tpu.yield
    }) : () -> ()
    %eq3A_39 = arith.constant 0 : i32
    %eq3A_40 = arith.cmpi eq, %add3A, %eq3A_39 : i32
    %convert_element_type3A_41 = arith.extui %eq3A_40 : i1 to i32
    %cond3A_42 = arith.constant 0 : i32
    %cond3A_43 = arith.cmpi ne, %convert_element_type3A_41, %cond3A_42 : i32
    scf.if %cond3A_43 {
      "tpu.region"() ({
        %run_scoped3A = tpu.sem_alloc : memref<!tpu.dma_semaphore, #tpu.memory_space<semaphore_mem>>
        %dma_start3A_60 = arith.constant 9984 : i32
        %dma_start3A_61 = tpu.memref_slice %arg3[%dma_start3A_60] : memref<10000xi32, #tpu.memory_space<hbm>> -> memref<16xi32, #tpu.memory_space<hbm>>
        %dma_start3A_62 = arith.constant 9984 : i32
        %dma_start3A_63 = tpu.memref_slice %arg3[%dma_start3A_62] : memref<10000xi32, #tpu.memory_space<hbm>> -> memref<16xi32, #tpu.memory_space<hbm>>
        tpu.enqueue_dma source(%dma_start3A_63 : memref<16xi32, #tpu.memory_space<hbm>>) target(%arg14 : memref<16xi32, #tpu.memory_space<vmem>>) target_semaphore(%run_scoped3A : memref<!tpu.dma_semaphore, #tpu.memory_space<semaphore_mem>>)
        %dma_wait3A_64 = arith.constant 9984 : i32
        %dma_wait3A_65 = tpu.memref_slice %arg3[%dma_wait3A_64] : memref<10000xi32, #tpu.memory_space<hbm>> -> memref<16xi32, #tpu.memory_space<hbm>>
        %dma_wait3A_66 = arith.constant 9984 : i32
        %dma_wait3A_67 = tpu.memref_slice %arg3[%dma_wait3A_66] : memref<10000xi32, #tpu.memory_space<hbm>> -> memref<16xi32, #tpu.memory_space<hbm>>
        tpu.wait_dma2 semaphore(%run_scoped3A : memref<!tpu.dma_semaphore, #tpu.memory_space<semaphore_mem>>) src(%dma_wait3A_67 : memref<16xi32, #tpu.memory_space<hbm>>) dst(%arg14 : memref<16xi32, #tpu.memory_space<vmem>>)
        tpu.yield
      }) : () -> ()
      "tpu.region"() ({
        %run_scoped3A = tpu.sem_alloc : memref<!tpu.dma_semaphore, #tpu.memory_space<semaphore_mem>>
        %dma_start3A_60 = arith.constant 9984 : i32
        %dma_start3A_61 = tpu.memref_slice %arg4[%dma_start3A_60] : memref<10000xi32, #tpu.memory_space<hbm>> -> memref<16xi32, #tpu.memory_space<hbm>>
        %dma_start3A_62 = arith.constant 9984 : i32
        %dma_start3A_63 = tpu.memref_slice %arg4[%dma_start3A_62] : memref<10000xi32, #tpu.memory_space<hbm>> -> memref<16xi32, #tpu.memory_space<hbm>>
        tpu.enqueue_dma source(%dma_start3A_63 : memref<16xi32, #tpu.memory_space<hbm>>) target(%arg15 : memref<16xi32, #tpu.memory_space<vmem>>) target_semaphore(%run_scoped3A : memref<!tpu.dma_semaphore, #tpu.memory_space<semaphore_mem>>)
        %dma_wait3A_64 = arith.constant 9984 : i32
        %dma_wait3A_65 = tpu.memref_slice %arg4[%dma_wait3A_64] : memref<10000xi32, #tpu.memory_space<hbm>> -> memref<16xi32, #tpu.memory_space<hbm>>
        %dma_wait3A_66 = arith.constant 9984 : i32
        %dma_wait3A_67 = tpu.memref_slice %arg4[%dma_wait3A_66] : memref<10000xi32, #tpu.memory_space<hbm>> -> memref<16xi32, #tpu.memory_space<hbm>>
        tpu.wait_dma2 semaphore(%run_scoped3A : memref<!tpu.dma_semaphore, #tpu.memory_space<semaphore_mem>>) src(%dma_wait3A_67 : memref<16xi32, #tpu.memory_space<hbm>>) dst(%arg15 : memref<16xi32, #tpu.memory_space<vmem>>)
        tpu.yield
      }) : () -> ()
      %dma_start3A_50 = arith.constant 0 : i32
      %dma_start3A_51 = arith.constant 0 : i32
      %dma_start3A_52 = tpu.memref_slice %arg2[%dma_start3A_50, %dma_start3A_51] : memref<10000x128xf32, #tpu.memory_space<hbm>> -> memref<10000x128xf32, #tpu.memory_space<hbm>>
      tpu.enqueue_indirect_dma source(%dma_start3A_52 : memref<10000x128xf32, #tpu.memory_space<hbm>>) target(%arg17 : memref<16x128xf32, #tpu.memory_space<vmem>>) offsets(%arg15 : memref<16xi32, #tpu.memory_space<vmem>>) semaphore(%arg18 : memref<!tpu.dma_semaphore, #tpu.memory_space<semaphore_mem>>)
      %dma_start3A_53 = arith.constant 0 : i32
      %dma_start3A_54 = tpu.memref_slice %arg5[%dma_start3A_53] : memref<10000xi32, #tpu.memory_space<hbm>> -> memref<10000xi32, #tpu.memory_space<hbm>>
      tpu.enqueue_indirect_dma source(%dma_start3A_54 : memref<10000xi32, #tpu.memory_space<hbm>>) target(%arg16 : memref<16xi32, #tpu.memory_space<vmem>>) offsets(%arg14 : memref<16xi32, #tpu.memory_space<vmem>>) semaphore(%arg19 : memref<!tpu.dma_semaphore, #tpu.memory_space<semaphore_mem>>)
      %dma_wait3A_55 = arith.constant 0 : i32
      %dma_wait3A_56 = arith.constant 0 : i32
      %dma_wait3A_57 = tpu.memref_slice %arg2[%dma_wait3A_55, %dma_wait3A_56] : memref<10000x128xf32, #tpu.memory_space<hbm>> -> memref<10000x128xf32, #tpu.memory_space<hbm>>
      tpu.wait_indirect_dma semaphore(%arg18 : memref<!tpu.dma_semaphore, #tpu.memory_space<semaphore_mem>>) src(%dma_wait3A_57 : memref<10000x128xf32, #tpu.memory_space<hbm>>) dst(%arg17 : memref<16x128xf32, #tpu.memory_space<vmem>>)
      %dma_wait3A_58 = arith.constant 0 : i32
      %dma_wait3A_59 = tpu.memref_slice %arg5[%dma_wait3A_58] : memref<10000xi32, #tpu.memory_space<hbm>> -> memref<10000xi32, #tpu.memory_space<hbm>>
      tpu.wait_indirect_dma semaphore(%arg19 : memref<!tpu.dma_semaphore, #tpu.memory_space<semaphore_mem>>) src(%dma_wait3A_59 : memref<10000xi32, #tpu.memory_space<hbm>>) dst(%arg16 : memref<16xi32, #tpu.memory_space<vmem>>)
      "tpu.region"() ({
        %run_scoped3A = tpu.sem_alloc : memref<!tpu.dma_semaphore, #tpu.memory_space<semaphore_mem>>
        %dma_start3A_60 = arith.constant 0 : i32
        %dma_start3A_61 = arith.constant 0 : i32
        %dma_start3A_62 = tpu.memref_slice %arg8[%dma_start3A_60, %dma_start3A_61] : memref<8x128xf32, #tpu.memory_space<vmem_shared>> -> memref<8x128xf32, #tpu.memory_space<vmem_shared>>
        tpu.enqueue_indirect_dma source(%arg17 : memref<16x128xf32, #tpu.memory_space<vmem>>) target(%dma_start3A_62 : memref<8x128xf32, #tpu.memory_space<vmem_shared>>) offsets(%arg16 : memref<16xi32, #tpu.memory_space<vmem>>) semaphore(%run_scoped3A : memref<!tpu.dma_semaphore, #tpu.memory_space<semaphore_mem>>) {add = true}
        %dma_wait3A_63 = arith.constant 0 : i32
        %dma_wait3A_64 = arith.constant 0 : i32
        %dma_wait3A_65 = tpu.memref_slice %arg8[%dma_wait3A_63, %dma_wait3A_64] : memref<8x128xf32, #tpu.memory_space<vmem_shared>> -> memref<8x128xf32, #tpu.memory_space<vmem_shared>>
        tpu.wait_indirect_dma semaphore(%run_scoped3A : memref<!tpu.dma_semaphore, #tpu.memory_space<semaphore_mem>>) src(%arg17 : memref<16x128xf32, #tpu.memory_space<vmem>>) dst(%dma_wait3A_65 : memref<8x128xf32, #tpu.memory_space<vmem_shared>>)
        tpu.yield
      }) : () -> ()
    } else {
    }
    %barrier3A_44 = arith.constant 0 : index
    tpu.barrier barrier_id(%barrier3A_44)
    %eq3A_45 = arith.constant 0 : i32
    %eq3A_46 = arith.cmpi eq, %arg1, %eq3A_45 : i32
    %convert_element_type3A_47 = arith.extui %eq3A_46 : i1 to i32
    %cond3A_48 = arith.constant 0 : i32
    %cond3A_49 = arith.cmpi ne, %convert_element_type3A_47, %cond3A_48 : i32
    scf.if %cond3A_49 {
      "tpu.region"() ({
        %run_scoped3A = tpu.sem_alloc : memref<!tpu.dma_semaphore, #tpu.memory_space<semaphore_mem>>
        tpu.enqueue_dma source(%arg8 : memref<8x128xf32, #tpu.memory_space<vmem_shared>>) target(%arg13 : memref<8x128xf32, #tpu.memory_space<vmem>>) target_semaphore(%run_scoped3A : memref<!tpu.dma_semaphore, #tpu.memory_space<semaphore_mem>>)
        tpu.wait_dma2 semaphore(%run_scoped3A : memref<!tpu.dma_semaphore, #tpu.memory_space<semaphore_mem>>) src(%arg8 : memref<8x128xf32, #tpu.memory_space<vmem_shared>>) dst(%arg13 : memref<8x128xf32, #tpu.memory_space<vmem>>)
        tpu.yield
      }) : () -> ()
      "tpu.region"() ({
        %run_scoped3A = tpu.sem_alloc : memref<!tpu.dma_semaphore, #tpu.memory_space<semaphore_mem>>
        %dma_start3A_50 = arith.constant 0 : i32
        %dma_start3A_51 = arith.constant 0 : i32
        %dma_start3A_52 = tpu.memref_slice %arg7[%arg0, %dma_start3A_50, %dma_start3A_51] : memref<2x8x128xf32, #tpu.memory_space<hbm>> -> memref<1x8x128xf32, #tpu.memory_space<hbm>>
        %dma_start3A_53 = tpu.memref_squeeze %dma_start3A_52 : memref<1x8x128xf32, #tpu.memory_space<hbm>> -> memref<8x128xf32, #tpu.memory_space<hbm>>
        %dma_start3A_54 = arith.constant 0 : i32
        %dma_start3A_55 = arith.constant 0 : i32
        %dma_start3A_56 = tpu.memref_slice %arg7[%arg0, %dma_start3A_54, %dma_start3A_55] : memref<2x8x128xf32, #tpu.memory_space<hbm>> -> memref<1x8x128xf32, #tpu.memory_space<hbm>>
        %dma_start3A_57 = tpu.memref_squeeze %dma_start3A_56 : memref<1x8x128xf32, #tpu.memory_space<hbm>> -> memref<8x128xf32, #tpu.memory_space<hbm>>
        tpu.enqueue_dma source(%arg13 : memref<8x128xf32, #tpu.memory_space<vmem>>) target(%dma_start3A_57 : memref<8x128xf32, #tpu.memory_space<hbm>>) target_semaphore(%run_scoped3A : memref<!tpu.dma_semaphore, #tpu.memory_space<semaphore_mem>>)
        %dma_wait3A_58 = arith.constant 0 : i32
        %dma_wait3A_59 = arith.constant 0 : i32
        %dma_wait3A_60 = tpu.memref_slice %arg7[%arg0, %dma_wait3A_58, %dma_wait3A_59] : memref<2x8x128xf32, #tpu.memory_space<hbm>> -> memref<1x8x128xf32, #tpu.memory_space<hbm>>
        %dma_wait3A_61 = tpu.memref_squeeze %dma_wait3A_60 : memref<1x8x128xf32, #tpu.memory_space<hbm>> -> memref<8x128xf32, #tpu.memory_space<hbm>>
        %dma_wait3A_62 = arith.constant 0 : i32
        %dma_wait3A_63 = arith.constant 0 : i32
        %dma_wait3A_64 = tpu.memref_slice %arg7[%arg0, %dma_wait3A_62, %dma_wait3A_63] : memref<2x8x128xf32, #tpu.memory_space<hbm>> -> memref<1x8x128xf32, #tpu.memory_space<hbm>>
        %dma_wait3A_65 = tpu.memref_squeeze %dma_wait3A_64 : memref<1x8x128xf32, #tpu.memory_space<hbm>> -> memref<8x128xf32, #tpu.memory_space<hbm>>
        tpu.wait_dma2 semaphore(%run_scoped3A : memref<!tpu.dma_semaphore, #tpu.memory_space<semaphore_mem>>) src(%arg13 : memref<8x128xf32, #tpu.memory_space<vmem>>) dst(%dma_wait3A_65 : memref<8x128xf32, #tpu.memory_space<hbm>>)
        tpu.yield
      }) : () -> ()
    } else {
    }
    return
  }
}

#map = affine_map<(d0, d1) -> (0, 0)>
#map1 = affine_map<(d0, d1) -> (0, 0, 0)>
module attributes {stable_mosaic.version = 14 : i64} {
  func.func @_edge_aggr(%arg0: i32, %arg1: i32, %arg2: memref<10000x128xf32, #tpu.memory_space<hbm>>, %arg3: memref<32x125x80xi32, #tpu.memory_space<hbm>>, %arg4: memref<32x125x80xi32, #tpu.memory_space<hbm>>, %arg5: memref<80x128xf32, #tpu.memory_space<hbm>>, %arg6: memref<2x10000x128xf32, #tpu.memory_space<hbm>>, %arg7: memref<10000x128xf32, #tpu.memory_space<vmem_shared>>, %arg8: memref<64x80xi32, #tpu.memory_space<vmem>>, %arg9: memref<64x80xi32, #tpu.memory_space<vmem>>, %arg10: memref<80x128xf32, #tpu.memory_space<vmem>>, %arg11: memref<80x128xf32, #tpu.memory_space<vmem>>, %arg12: memref<80x128xf32, #tpu.memory_space<vmem>>, %arg13: memref<!tpu.dma_semaphore, #tpu.memory_space<semaphore_mem>>, %arg14: memref<!tpu.dma_semaphore, #tpu.memory_space<semaphore_mem>>, %arg15: memref<!tpu.dma_semaphore, #tpu.memory_space<semaphore_mem>>, %arg16: memref<!tpu.dma_semaphore, #tpu.memory_space<semaphore_mem>>, %arg17: memref<!tpu.dma_semaphore, #tpu.memory_space<semaphore_mem>>, %arg18: memref<!tpu.dma_semaphore, #tpu.memory_space<semaphore_mem>>) attributes {dimension_semantics = [#tpu.dimension_semantics<core_parallel>, #tpu.dimension_semantics<subcore_parallel>], iteration_bounds = array<i64: 2, 16>, scalar_prefetch = 0 : i64, scratch_operands = 12 : i64, tpu.core_type = #tpu.core_type<sc_vector_subcore>, window_params = [{transform_indices = #map}, {transform_indices = #map1}, {transform_indices = #map1}, {transform_indices = #map}, {transform_indices = #map1}]} {
    %mul3A = arith.constant 16 : i32
    %mul3A_0 = arith.muli %arg0, %mul3A : i32
    %add3A = arith.addi %mul3A_0, %arg1 : i32
    "tpu.region"() ({
      %run_scoped3A = tpu.sem_alloc : memref<!tpu.dma_semaphore, #tpu.memory_space<semaphore_mem>>
      tpu.enqueue_dma source(%arg5 : memref<80x128xf32, #tpu.memory_space<hbm>>) target(%arg10 : memref<80x128xf32, #tpu.memory_space<vmem>>) target_semaphore(%run_scoped3A : memref<!tpu.dma_semaphore, #tpu.memory_space<semaphore_mem>>)
      tpu.wait_dma2 semaphore(%run_scoped3A : memref<!tpu.dma_semaphore, #tpu.memory_space<semaphore_mem>>) src(%arg5 : memref<80x128xf32, #tpu.memory_space<hbm>>) dst(%arg10 : memref<80x128xf32, #tpu.memory_space<vmem>>)
      tpu.yield
    }) : () -> ()
    %mul3A_1 = arith.constant 624 : i32
    %mul3A_2 = arith.muli %arg1, %mul3A_1 : i32
    %add3A_3 = arith.constant 0 : i32
    %add3A_4 = arith.addi %mul3A_2, %add3A_3 : i32
    "tpu.region"() ({
      %run_scoped3A = tpu.sem_alloc : memref<!tpu.dma_semaphore, #tpu.memory_space<semaphore_mem>>
      %dma_start3A_306 = arith.constant 0 : i32
      %dma_start3A_307 = tpu.memref_slice %arg7[%add3A_4, %dma_start3A_306] : memref<10000x128xf32, #tpu.memory_space<vmem_shared>> -> memref<80x128xf32, #tpu.memory_space<vmem_shared>>
      %dma_start3A_308 = arith.constant 0 : i32
      %dma_start3A_309 = tpu.memref_slice %arg7[%add3A_4, %dma_start3A_308] : memref<10000x128xf32, #tpu.memory_space<vmem_shared>> -> memref<80x128xf32, #tpu.memory_space<vmem_shared>>
      tpu.enqueue_dma source(%arg10 : memref<80x128xf32, #tpu.memory_space<vmem>>) target(%dma_start3A_309 : memref<80x128xf32, #tpu.memory_space<vmem_shared>>) target_semaphore(%run_scoped3A : memref<!tpu.dma_semaphore, #tpu.memory_space<semaphore_mem>>)
      %dma_wait3A_310 = arith.constant 0 : i32
      %dma_wait3A_311 = tpu.memref_slice %arg7[%add3A_4, %dma_wait3A_310] : memref<10000x128xf32, #tpu.memory_space<vmem_shared>> -> memref<80x128xf32, #tpu.memory_space<vmem_shared>>
      %dma_wait3A_312 = arith.constant 0 : i32
      %dma_wait3A_313 = tpu.memref_slice %arg7[%add3A_4, %dma_wait3A_312] : memref<10000x128xf32, #tpu.memory_space<vmem_shared>> -> memref<80x128xf32, #tpu.memory_space<vmem_shared>>
      tpu.wait_dma2 semaphore(%run_scoped3A : memref<!tpu.dma_semaphore, #tpu.memory_space<semaphore_mem>>) src(%arg10 : memref<80x128xf32, #tpu.memory_space<vmem>>) dst(%dma_wait3A_313 : memref<80x128xf32, #tpu.memory_space<vmem_shared>>)
      tpu.yield
    }) : () -> ()
    %mul3A_5 = arith.constant 624 : i32
    %mul3A_6 = arith.muli %arg1, %mul3A_5 : i32
    %add3A_7 = arith.constant 80 : i32
    %add3A_8 = arith.addi %mul3A_6, %add3A_7 : i32
    "tpu.region"() ({
      %run_scoped3A = tpu.sem_alloc : memref<!tpu.dma_semaphore, #tpu.memory_space<semaphore_mem>>
      %dma_start3A_306 = arith.constant 0 : i32
      %dma_start3A_307 = tpu.memref_slice %arg7[%add3A_8, %dma_start3A_306] : memref<10000x128xf32, #tpu.memory_space<vmem_shared>> -> memref<80x128xf32, #tpu.memory_space<vmem_shared>>
      %dma_start3A_308 = arith.constant 0 : i32
      %dma_start3A_309 = tpu.memref_slice %arg7[%add3A_8, %dma_start3A_308] : memref<10000x128xf32, #tpu.memory_space<vmem_shared>> -> memref<80x128xf32, #tpu.memory_space<vmem_shared>>
      tpu.enqueue_dma source(%arg10 : memref<80x128xf32, #tpu.memory_space<vmem>>) target(%dma_start3A_309 : memref<80x128xf32, #tpu.memory_space<vmem_shared>>) target_semaphore(%run_scoped3A : memref<!tpu.dma_semaphore, #tpu.memory_space<semaphore_mem>>)
      %dma_wait3A_310 = arith.constant 0 : i32
      %dma_wait3A_311 = tpu.memref_slice %arg7[%add3A_8, %dma_wait3A_310] : memref<10000x128xf32, #tpu.memory_space<vmem_shared>> -> memref<80x128xf32, #tpu.memory_space<vmem_shared>>
      %dma_wait3A_312 = arith.constant 0 : i32
      %dma_wait3A_313 = tpu.memref_slice %arg7[%add3A_8, %dma_wait3A_312] : memref<10000x128xf32, #tpu.memory_space<vmem_shared>> -> memref<80x128xf32, #tpu.memory_space<vmem_shared>>
      tpu.wait_dma2 semaphore(%run_scoped3A : memref<!tpu.dma_semaphore, #tpu.memory_space<semaphore_mem>>) src(%arg10 : memref<80x128xf32, #tpu.memory_space<vmem>>) dst(%dma_wait3A_313 : memref<80x128xf32, #tpu.memory_space<vmem_shared>>)
      tpu.yield
    }) : () -> ()
    %mul3A_9 = arith.constant 624 : i32
    %mul3A_10 = arith.muli %arg1, %mul3A_9 : i32
    %add3A_11 = arith.constant 160 : i32
    %add3A_12 = arith.addi %mul3A_10, %add3A_11 : i32
    "tpu.region"() ({
      %run_scoped3A = tpu.sem_alloc : memref<!tpu.dma_semaphore, #tpu.memory_space<semaphore_mem>>
      %dma_start3A_306 = arith.constant 0 : i32
      %dma_start3A_307 = tpu.memref_slice %arg7[%add3A_12, %dma_start3A_306] : memref<10000x128xf32, #tpu.memory_space<vmem_shared>> -> memref<80x128xf32, #tpu.memory_space<vmem_shared>>
      %dma_start3A_308 = arith.constant 0 : i32
      %dma_start3A_309 = tpu.memref_slice %arg7[%add3A_12, %dma_start3A_308] : memref<10000x128xf32, #tpu.memory_space<vmem_shared>> -> memref<80x128xf32, #tpu.memory_space<vmem_shared>>
      tpu.enqueue_dma source(%arg10 : memref<80x128xf32, #tpu.memory_space<vmem>>) target(%dma_start3A_309 : memref<80x128xf32, #tpu.memory_space<vmem_shared>>) target_semaphore(%run_scoped3A : memref<!tpu.dma_semaphore, #tpu.memory_space<semaphore_mem>>)
      %dma_wait3A_310 = arith.constant 0 : i32
      %dma_wait3A_311 = tpu.memref_slice %arg7[%add3A_12, %dma_wait3A_310] : memref<10000x128xf32, #tpu.memory_space<vmem_shared>> -> memref<80x128xf32, #tpu.memory_space<vmem_shared>>
      %dma_wait3A_312 = arith.constant 0 : i32
      %dma_wait3A_313 = tpu.memref_slice %arg7[%add3A_12, %dma_wait3A_312] : memref<10000x128xf32, #tpu.memory_space<vmem_shared>> -> memref<80x128xf32, #tpu.memory_space<vmem_shared>>
      tpu.wait_dma2 semaphore(%run_scoped3A : memref<!tpu.dma_semaphore, #tpu.memory_space<semaphore_mem>>) src(%arg10 : memref<80x128xf32, #tpu.memory_space<vmem>>) dst(%dma_wait3A_313 : memref<80x128xf32, #tpu.memory_space<vmem_shared>>)
      tpu.yield
    }) : () -> ()
    %mul3A_13 = arith.constant 624 : i32
    %mul3A_14 = arith.muli %arg1, %mul3A_13 : i32
    %add3A_15 = arith.constant 240 : i32
    %add3A_16 = arith.addi %mul3A_14, %add3A_15 : i32
    "tpu.region"() ({
      %run_scoped3A = tpu.sem_alloc : memref<!tpu.dma_semaphore, #tpu.memory_space<semaphore_mem>>
      %dma_start3A_306 = arith.constant 0 : i32
      %dma_start3A_307 = tpu.memref_slice %arg7[%add3A_16, %dma_start3A_306] : memref<10000x128xf32, #tpu.memory_space<vmem_shared>> -> memref<80x128xf32, #tpu.memory_space<vmem_shared>>
      %dma_start3A_308 = arith.constant 0 : i32
      %dma_start3A_309 = tpu.memref_slice %arg7[%add3A_16, %dma_start3A_308] : memref<10000x128xf32, #tpu.memory_space<vmem_shared>> -> memref<80x128xf32, #tpu.memory_space<vmem_shared>>
      tpu.enqueue_dma source(%arg10 : memref<80x128xf32, #tpu.memory_space<vmem>>) target(%dma_start3A_309 : memref<80x128xf32, #tpu.memory_space<vmem_shared>>) target_semaphore(%run_scoped3A : memref<!tpu.dma_semaphore, #tpu.memory_space<semaphore_mem>>)
      %dma_wait3A_310 = arith.constant 0 : i32
      %dma_wait3A_311 = tpu.memref_slice %arg7[%add3A_16, %dma_wait3A_310] : memref<10000x128xf32, #tpu.memory_space<vmem_shared>> -> memref<80x128xf32, #tpu.memory_space<vmem_shared>>
      %dma_wait3A_312 = arith.constant 0 : i32
      %dma_wait3A_313 = tpu.memref_slice %arg7[%add3A_16, %dma_wait3A_312] : memref<10000x128xf32, #tpu.memory_space<vmem_shared>> -> memref<80x128xf32, #tpu.memory_space<vmem_shared>>
      tpu.wait_dma2 semaphore(%run_scoped3A : memref<!tpu.dma_semaphore, #tpu.memory_space<semaphore_mem>>) src(%arg10 : memref<80x128xf32, #tpu.memory_space<vmem>>) dst(%dma_wait3A_313 : memref<80x128xf32, #tpu.memory_space<vmem_shared>>)
      tpu.yield
    }) : () -> ()
    %mul3A_17 = arith.constant 624 : i32
    %mul3A_18 = arith.muli %arg1, %mul3A_17 : i32
    %add3A_19 = arith.constant 320 : i32
    %add3A_20 = arith.addi %mul3A_18, %add3A_19 : i32
    "tpu.region"() ({
      %run_scoped3A = tpu.sem_alloc : memref<!tpu.dma_semaphore, #tpu.memory_space<semaphore_mem>>
      %dma_start3A_306 = arith.constant 0 : i32
      %dma_start3A_307 = tpu.memref_slice %arg7[%add3A_20, %dma_start3A_306] : memref<10000x128xf32, #tpu.memory_space<vmem_shared>> -> memref<80x128xf32, #tpu.memory_space<vmem_shared>>
      %dma_start3A_308 = arith.constant 0 : i32
      %dma_start3A_309 = tpu.memref_slice %arg7[%add3A_20, %dma_start3A_308] : memref<10000x128xf32, #tpu.memory_space<vmem_shared>> -> memref<80x128xf32, #tpu.memory_space<vmem_shared>>
      tpu.enqueue_dma source(%arg10 : memref<80x128xf32, #tpu.memory_space<vmem>>) target(%dma_start3A_309 : memref<80x128xf32, #tpu.memory_space<vmem_shared>>) target_semaphore(%run_scoped3A : memref<!tpu.dma_semaphore, #tpu.memory_space<semaphore_mem>>)
      %dma_wait3A_310 = arith.constant 0 : i32
      %dma_wait3A_311 = tpu.memref_slice %arg7[%add3A_20, %dma_wait3A_310] : memref<10000x128xf32, #tpu.memory_space<vmem_shared>> -> memref<80x128xf32, #tpu.memory_space<vmem_shared>>
      %dma_wait3A_312 = arith.constant 0 : i32
      %dma_wait3A_313 = tpu.memref_slice %arg7[%add3A_20, %dma_wait3A_312] : memref<10000x128xf32, #tpu.memory_space<vmem_shared>> -> memref<80x128xf32, #tpu.memory_space<vmem_shared>>
      tpu.wait_dma2 semaphore(%run_scoped3A : memref<!tpu.dma_semaphore, #tpu.memory_space<semaphore_mem>>) src(%arg10 : memref<80x128xf32, #tpu.memory_space<vmem>>) dst(%dma_wait3A_313 : memref<80x128xf32, #tpu.memory_space<vmem_shared>>)
      tpu.yield
    }) : () -> ()
    %mul3A_21 = arith.constant 624 : i32
    %mul3A_22 = arith.muli %arg1, %mul3A_21 : i32
    %add3A_23 = arith.constant 400 : i32
    %add3A_24 = arith.addi %mul3A_22, %add3A_23 : i32
    "tpu.region"() ({
      %run_scoped3A = tpu.sem_alloc : memref<!tpu.dma_semaphore, #tpu.memory_space<semaphore_mem>>
      %dma_start3A_306 = arith.constant 0 : i32
      %dma_start3A_307 = tpu.memref_slice %arg7[%add3A_24, %dma_start3A_306] : memref<10000x128xf32, #tpu.memory_space<vmem_shared>> -> memref<80x128xf32, #tpu.memory_space<vmem_shared>>
      %dma_start3A_308 = arith.constant 0 : i32
      %dma_start3A_309 = tpu.memref_slice %arg7[%add3A_24, %dma_start3A_308] : memref<10000x128xf32, #tpu.memory_space<vmem_shared>> -> memref<80x128xf32, #tpu.memory_space<vmem_shared>>
      tpu.enqueue_dma source(%arg10 : memref<80x128xf32, #tpu.memory_space<vmem>>) target(%dma_start3A_309 : memref<80x128xf32, #tpu.memory_space<vmem_shared>>) target_semaphore(%run_scoped3A : memref<!tpu.dma_semaphore, #tpu.memory_space<semaphore_mem>>)
      %dma_wait3A_310 = arith.constant 0 : i32
      %dma_wait3A_311 = tpu.memref_slice %arg7[%add3A_24, %dma_wait3A_310] : memref<10000x128xf32, #tpu.memory_space<vmem_shared>> -> memref<80x128xf32, #tpu.memory_space<vmem_shared>>
      %dma_wait3A_312 = arith.constant 0 : i32
      %dma_wait3A_313 = tpu.memref_slice %arg7[%add3A_24, %dma_wait3A_312] : memref<10000x128xf32, #tpu.memory_space<vmem_shared>> -> memref<80x128xf32, #tpu.memory_space<vmem_shared>>
      tpu.wait_dma2 semaphore(%run_scoped3A : memref<!tpu.dma_semaphore, #tpu.memory_space<semaphore_mem>>) src(%arg10 : memref<80x128xf32, #tpu.memory_space<vmem>>) dst(%dma_wait3A_313 : memref<80x128xf32, #tpu.memory_space<vmem_shared>>)
      tpu.yield
    }) : () -> ()
    %mul3A_25 = arith.constant 624 : i32
    %mul3A_26 = arith.muli %arg1, %mul3A_25 : i32
    %add3A_27 = arith.constant 480 : i32
    %add3A_28 = arith.addi %mul3A_26, %add3A_27 : i32
    "tpu.region"() ({
      %run_scoped3A = tpu.sem_alloc : memref<!tpu.dma_semaphore, #tpu.memory_space<semaphore_mem>>
      %dma_start3A_306 = arith.constant 0 : i32
      %dma_start3A_307 = tpu.memref_slice %arg7[%add3A_28, %dma_start3A_306] : memref<10000x128xf32, #tpu.memory_space<vmem_shared>> -> memref<80x128xf32, #tpu.memory_space<vmem_shared>>
      %dma_start3A_308 = arith.constant 0 : i32
      %dma_start3A_309 = tpu.memref_slice %arg7[%add3A_28, %dma_start3A_308] : memref<10000x128xf32, #tpu.memory_space<vmem_shared>> -> memref<80x128xf32, #tpu.memory_space<vmem_shared>>
      tpu.enqueue_dma source(%arg10 : memref<80x128xf32, #tpu.memory_space<vmem>>) target(%dma_start3A_309 : memref<80x128xf32, #tpu.memory_space<vmem_shared>>) target_semaphore(%run_scoped3A : memref<!tpu.dma_semaphore, #tpu.memory_space<semaphore_mem>>)
      %dma_wait3A_310 = arith.constant 0 : i32
      %dma_wait3A_311 = tpu.memref_slice %arg7[%add3A_28, %dma_wait3A_310] : memref<10000x128xf32, #tpu.memory_space<vmem_shared>> -> memref<80x128xf32, #tpu.memory_space<vmem_shared>>
      %dma_wait3A_312 = arith.constant 0 : i32
      %dma_wait3A_313 = tpu.memref_slice %arg7[%add3A_28, %dma_wait3A_312] : memref<10000x128xf32, #tpu.memory_space<vmem_shared>> -> memref<80x128xf32, #tpu.memory_space<vmem_shared>>
      tpu.wait_dma2 semaphore(%run_scoped3A : memref<!tpu.dma_semaphore, #tpu.memory_space<semaphore_mem>>) src(%arg10 : memref<80x128xf32, #tpu.memory_space<vmem>>) dst(%dma_wait3A_313 : memref<80x128xf32, #tpu.memory_space<vmem_shared>>)
      tpu.yield
    }) : () -> ()
    %mul3A_29 = arith.constant 624 : i32
    %mul3A_30 = arith.muli %arg1, %mul3A_29 : i32
    %add3A_31 = arith.constant 560 : i32
    %add3A_32 = arith.addi %mul3A_30, %add3A_31 : i32
    "tpu.region"() ({
      %run_scoped3A = tpu.sem_alloc : memref<!tpu.dma_semaphore, #tpu.memory_space<semaphore_mem>>
      %dma_start3A_306 = arith.constant 0 : i32
      %dma_start3A_307 = arith.constant 0 : i32
      %dma_start3A_308 = tpu.memref_slice %arg10[%dma_start3A_306, %dma_start3A_307] : memref<80x128xf32, #tpu.memory_space<vmem>> -> memref<64x128xf32, #tpu.memory_space<vmem>>
      %dma_start3A_309 = arith.constant 0 : i32
      %dma_start3A_310 = tpu.memref_slice %arg7[%add3A_32, %dma_start3A_309] : memref<10000x128xf32, #tpu.memory_space<vmem_shared>> -> memref<64x128xf32, #tpu.memory_space<vmem_shared>>
      %dma_start3A_311 = arith.constant 0 : i32
      %dma_start3A_312 = tpu.memref_slice %arg7[%add3A_32, %dma_start3A_311] : memref<10000x128xf32, #tpu.memory_space<vmem_shared>> -> memref<64x128xf32, #tpu.memory_space<vmem_shared>>
      %dma_start3A_313 = arith.constant 0 : i32
      %dma_start3A_314 = arith.constant 0 : i32
      %dma_start3A_315 = tpu.memref_slice %arg10[%dma_start3A_313, %dma_start3A_314] : memref<80x128xf32, #tpu.memory_space<vmem>> -> memref<64x128xf32, #tpu.memory_space<vmem>>
      tpu.enqueue_dma source(%dma_start3A_315 : memref<64x128xf32, #tpu.memory_space<vmem>>) target(%dma_start3A_312 : memref<64x128xf32, #tpu.memory_space<vmem_shared>>) target_semaphore(%run_scoped3A : memref<!tpu.dma_semaphore, #tpu.memory_space<semaphore_mem>>)
      %dma_wait3A_316 = arith.constant 0 : i32
      %dma_wait3A_317 = arith.constant 0 : i32
      %dma_wait3A_318 = tpu.memref_slice %arg10[%dma_wait3A_316, %dma_wait3A_317] : memref<80x128xf32, #tpu.memory_space<vmem>> -> memref<64x128xf32, #tpu.memory_space<vmem>>
      %dma_wait3A_319 = arith.constant 0 : i32
      %dma_wait3A_320 = tpu.memref_slice %arg7[%add3A_32, %dma_wait3A_319] : memref<10000x128xf32, #tpu.memory_space<vmem_shared>> -> memref<64x128xf32, #tpu.memory_space<vmem_shared>>
      %dma_wait3A_321 = arith.constant 0 : i32
      %dma_wait3A_322 = tpu.memref_slice %arg7[%add3A_32, %dma_wait3A_321] : memref<10000x128xf32, #tpu.memory_space<vmem_shared>> -> memref<64x128xf32, #tpu.memory_space<vmem_shared>>
      %dma_wait3A_323 = arith.constant 0 : i32
      %dma_wait3A_324 = arith.constant 0 : i32
      %dma_wait3A_325 = tpu.memref_slice %arg10[%dma_wait3A_323, %dma_wait3A_324] : memref<80x128xf32, #tpu.memory_space<vmem>> -> memref<64x128xf32, #tpu.memory_space<vmem>>
      tpu.wait_dma2 semaphore(%run_scoped3A : memref<!tpu.dma_semaphore, #tpu.memory_space<semaphore_mem>>) src(%dma_wait3A_325 : memref<64x128xf32, #tpu.memory_space<vmem>>) dst(%dma_wait3A_322 : memref<64x128xf32, #tpu.memory_space<vmem_shared>>)
      tpu.yield
    }) : () -> ()
    %eq3A = arith.constant 0 : i32
    %eq3A_33 = arith.cmpi eq, %arg1, %eq3A : i32
    %convert_element_type3A = arith.extui %eq3A_33 : i1 to i32
    %cond3A = arith.constant 0 : i32
    %cond3A_34 = arith.cmpi ne, %convert_element_type3A, %cond3A : i32
    scf.if %cond3A_34 {
      "tpu.region"() ({
        %run_scoped3A = tpu.sem_alloc : memref<!tpu.dma_semaphore, #tpu.memory_space<semaphore_mem>>
        %dma_start3A_306 = arith.constant 0 : i32
        %dma_start3A_307 = arith.constant 0 : i32
        %dma_start3A_308 = tpu.memref_slice %arg10[%dma_start3A_306, %dma_start3A_307] : memref<80x128xf32, #tpu.memory_space<vmem>> -> memref<16x128xf32, #tpu.memory_space<vmem>>
        %dma_start3A_309 = arith.constant 9984 : i32
        %dma_start3A_310 = arith.constant 0 : i32
        %dma_start3A_311 = tpu.memref_slice %arg7[%dma_start3A_309, %dma_start3A_310] : memref<10000x128xf32, #tpu.memory_space<vmem_shared>> -> memref<16x128xf32, #tpu.memory_space<vmem_shared>>
        %dma_start3A_312 = arith.constant 9984 : i32
        %dma_start3A_313 = arith.constant 0 : i32
        %dma_start3A_314 = tpu.memref_slice %arg7[%dma_start3A_312, %dma_start3A_313] : memref<10000x128xf32, #tpu.memory_space<vmem_shared>> -> memref<16x128xf32, #tpu.memory_space<vmem_shared>>
        %dma_start3A_315 = arith.constant 0 : i32
        %dma_start3A_316 = arith.constant 0 : i32
        %dma_start3A_317 = tpu.memref_slice %arg10[%dma_start3A_315, %dma_start3A_316] : memref<80x128xf32, #tpu.memory_space<vmem>> -> memref<16x128xf32, #tpu.memory_space<vmem>>
        tpu.enqueue_dma source(%dma_start3A_317 : memref<16x128xf32, #tpu.memory_space<vmem>>) target(%dma_start3A_314 : memref<16x128xf32, #tpu.memory_space<vmem_shared>>) target_semaphore(%run_scoped3A : memref<!tpu.dma_semaphore, #tpu.memory_space<semaphore_mem>>)
        %dma_wait3A_318 = arith.constant 0 : i32
        %dma_wait3A_319 = arith.constant 0 : i32
        %dma_wait3A_320 = tpu.memref_slice %arg10[%dma_wait3A_318, %dma_wait3A_319] : memref<80x128xf32, #tpu.memory_space<vmem>> -> memref<16x128xf32, #tpu.memory_space<vmem>>
        %dma_wait3A_321 = arith.constant 9984 : i32
        %dma_wait3A_322 = arith.constant 0 : i32
        %dma_wait3A_323 = tpu.memref_slice %arg7[%dma_wait3A_321, %dma_wait3A_322] : memref<10000x128xf32, #tpu.memory_space<vmem_shared>> -> memref<16x128xf32, #tpu.memory_space<vmem_shared>>
        %dma_wait3A_324 = arith.constant 9984 : i32
        %dma_wait3A_325 = arith.constant 0 : i32
        %dma_wait3A_326 = tpu.memref_slice %arg7[%dma_wait3A_324, %dma_wait3A_325] : memref<10000x128xf32, #tpu.memory_space<vmem_shared>> -> memref<16x128xf32, #tpu.memory_space<vmem_shared>>
        %dma_wait3A_327 = arith.constant 0 : i32
        %dma_wait3A_328 = arith.constant 0 : i32
        %dma_wait3A_329 = tpu.memref_slice %arg10[%dma_wait3A_327, %dma_wait3A_328] : memref<80x128xf32, #tpu.memory_space<vmem>> -> memref<16x128xf32, #tpu.memory_space<vmem>>
        tpu.wait_dma2 semaphore(%run_scoped3A : memref<!tpu.dma_semaphore, #tpu.memory_space<semaphore_mem>>) src(%dma_wait3A_329 : memref<16x128xf32, #tpu.memory_space<vmem>>) dst(%dma_wait3A_326 : memref<16x128xf32, #tpu.memory_space<vmem_shared>>)
        tpu.yield
      }) : () -> ()
    } else {
    }
    %barrier3A = arith.constant 0 : index
    tpu.barrier barrier_id(%barrier3A)
    "tpu.region"() ({
      %run_scoped3A = tpu.sem_alloc : memref<!tpu.dma_semaphore, #tpu.memory_space<semaphore_mem>>
      %dma_start3A_306 = arith.constant 0 : i32
      %dma_start3A_307 = arith.constant 0 : i32
      %dma_start3A_308 = tpu.memref_slice %arg3[%add3A, %dma_start3A_306, %dma_start3A_307] : memref<32x125x80xi32, #tpu.memory_space<hbm>> -> memref<1x64x80xi32, #tpu.memory_space<hbm>>
      %dma_start3A_309 = tpu.memref_squeeze %dma_start3A_308 : memref<1x64x80xi32, #tpu.memory_space<hbm>> -> memref<64x80xi32, #tpu.memory_space<hbm>>
      %dma_start3A_310 = arith.constant 0 : i32
      %dma_start3A_311 = arith.constant 0 : i32
      %dma_start3A_312 = tpu.memref_slice %arg3[%add3A, %dma_start3A_310, %dma_start3A_311] : memref<32x125x80xi32, #tpu.memory_space<hbm>> -> memref<1x64x80xi32, #tpu.memory_space<hbm>>
      %dma_start3A_313 = tpu.memref_squeeze %dma_start3A_312 : memref<1x64x80xi32, #tpu.memory_space<hbm>> -> memref<64x80xi32, #tpu.memory_space<hbm>>
      tpu.enqueue_dma source(%dma_start3A_313 : memref<64x80xi32, #tpu.memory_space<hbm>>) target(%arg8 : memref<64x80xi32, #tpu.memory_space<vmem>>) target_semaphore(%run_scoped3A : memref<!tpu.dma_semaphore, #tpu.memory_space<semaphore_mem>>)
      %dma_wait3A_314 = arith.constant 0 : i32
      %dma_wait3A_315 = arith.constant 0 : i32
      %dma_wait3A_316 = tpu.memref_slice %arg3[%add3A, %dma_wait3A_314, %dma_wait3A_315] : memref<32x125x80xi32, #tpu.memory_space<hbm>> -> memref<1x64x80xi32, #tpu.memory_space<hbm>>
      %dma_wait3A_317 = tpu.memref_squeeze %dma_wait3A_316 : memref<1x64x80xi32, #tpu.memory_space<hbm>> -> memref<64x80xi32, #tpu.memory_space<hbm>>
      %dma_wait3A_318 = arith.constant 0 : i32
      %dma_wait3A_319 = arith.constant 0 : i32
      %dma_wait3A_320 = tpu.memref_slice %arg3[%add3A, %dma_wait3A_318, %dma_wait3A_319] : memref<32x125x80xi32, #tpu.memory_space<hbm>> -> memref<1x64x80xi32, #tpu.memory_space<hbm>>
      %dma_wait3A_321 = tpu.memref_squeeze %dma_wait3A_320 : memref<1x64x80xi32, #tpu.memory_space<hbm>> -> memref<64x80xi32, #tpu.memory_space<hbm>>
      tpu.wait_dma2 semaphore(%run_scoped3A : memref<!tpu.dma_semaphore, #tpu.memory_space<semaphore_mem>>) src(%dma_wait3A_321 : memref<64x80xi32, #tpu.memory_space<hbm>>) dst(%arg8 : memref<64x80xi32, #tpu.memory_space<vmem>>)
      tpu.yield
    }) : () -> ()
    "tpu.region"() ({
      %run_scoped3A = tpu.sem_alloc : memref<!tpu.dma_semaphore, #tpu.memory_space<semaphore_mem>>
      %dma_start3A_306 = arith.constant 0 : i32
      %dma_start3A_307 = arith.constant 0 : i32
      %dma_start3A_308 = tpu.memref_slice %arg4[%add3A, %dma_start3A_306, %dma_start3A_307] : memref<32x125x80xi32, #tpu.memory_space<hbm>> -> memref<1x64x80xi32, #tpu.memory_space<hbm>>
      %dma_start3A_309 = tpu.memref_squeeze %dma_start3A_308 : memref<1x64x80xi32, #tpu.memory_space<hbm>> -> memref<64x80xi32, #tpu.memory_space<hbm>>
      %dma_start3A_310 = arith.constant 0 : i32
      %dma_start3A_311 = arith.constant 0 : i32
      %dma_start3A_312 = tpu.memref_slice %arg4[%add3A, %dma_start3A_310, %dma_start3A_311] : memref<32x125x80xi32, #tpu.memory_space<hbm>> -> memref<1x64x80xi32, #tpu.memory_space<hbm>>
      %dma_start3A_313 = tpu.memref_squeeze %dma_start3A_312 : memref<1x64x80xi32, #tpu.memory_space<hbm>> -> memref<64x80xi32, #tpu.memory_space<hbm>>
      tpu.enqueue_dma source(%dma_start3A_313 : memref<64x80xi32, #tpu.memory_space<hbm>>) target(%arg9 : memref<64x80xi32, #tpu.memory_space<vmem>>) target_semaphore(%run_scoped3A : memref<!tpu.dma_semaphore, #tpu.memory_space<semaphore_mem>>)
      %dma_wait3A_314 = arith.constant 0 : i32
      %dma_wait3A_315 = arith.constant 0 : i32
      %dma_wait3A_316 = tpu.memref_slice %arg4[%add3A, %dma_wait3A_314, %dma_wait3A_315] : memref<32x125x80xi32, #tpu.memory_space<hbm>> -> memref<1x64x80xi32, #tpu.memory_space<hbm>>
      %dma_wait3A_317 = tpu.memref_squeeze %dma_wait3A_316 : memref<1x64x80xi32, #tpu.memory_space<hbm>> -> memref<64x80xi32, #tpu.memory_space<hbm>>
      %dma_wait3A_318 = arith.constant 0 : i32
      %dma_wait3A_319 = arith.constant 0 : i32
      %dma_wait3A_320 = tpu.memref_slice %arg4[%add3A, %dma_wait3A_318, %dma_wait3A_319] : memref<32x125x80xi32, #tpu.memory_space<hbm>> -> memref<1x64x80xi32, #tpu.memory_space<hbm>>
      %dma_wait3A_321 = tpu.memref_squeeze %dma_wait3A_320 : memref<1x64x80xi32, #tpu.memory_space<hbm>> -> memref<64x80xi32, #tpu.memory_space<hbm>>
      tpu.wait_dma2 semaphore(%run_scoped3A : memref<!tpu.dma_semaphore, #tpu.memory_space<semaphore_mem>>) src(%dma_wait3A_321 : memref<64x80xi32, #tpu.memory_space<hbm>>) dst(%arg9 : memref<64x80xi32, #tpu.memory_space<vmem>>)
      tpu.yield
    }) : () -> ()
    %dma_start3A = arith.constant 0 : i32
    %dma_start3A_35 = arith.constant 0 : i32
    %dma_start3A_36 = tpu.memref_slice %arg8[%dma_start3A, %dma_start3A_35] : memref<64x80xi32, #tpu.memory_space<vmem>> -> memref<1x80xi32, #tpu.memory_space<vmem>>
    %dma_start3A_37 = tpu.memref_squeeze %dma_start3A_36 : memref<1x80xi32, #tpu.memory_space<vmem>> -> memref<80xi32, #tpu.memory_space<vmem>>
    %dma_start3A_38 = arith.constant 0 : i32
    %dma_start3A_39 = arith.constant 0 : i32
    %dma_start3A_40 = tpu.memref_slice %arg2[%dma_start3A_38, %dma_start3A_39] : memref<10000x128xf32, #tpu.memory_space<hbm>> -> memref<10000x128xf32, #tpu.memory_space<hbm>>
    tpu.enqueue_indirect_dma source(%dma_start3A_40 : memref<10000x128xf32, #tpu.memory_space<hbm>>) target(%arg10 : memref<80x128xf32, #tpu.memory_space<vmem>>) offsets(%dma_start3A_37 : memref<80xi32, #tpu.memory_space<vmem>>) semaphore(%arg13 : memref<!tpu.dma_semaphore, #tpu.memory_space<semaphore_mem>>)
    %dma_start3A_41 = arith.constant 1 : i32
    %dma_start3A_42 = arith.constant 0 : i32
    %dma_start3A_43 = tpu.memref_slice %arg8[%dma_start3A_41, %dma_start3A_42] : memref<64x80xi32, #tpu.memory_space<vmem>> -> memref<1x80xi32, #tpu.memory_space<vmem>>
    %dma_start3A_44 = tpu.memref_squeeze %dma_start3A_43 : memref<1x80xi32, #tpu.memory_space<vmem>> -> memref<80xi32, #tpu.memory_space<vmem>>
    %dma_start3A_45 = arith.constant 0 : i32
    %dma_start3A_46 = arith.constant 0 : i32
    %dma_start3A_47 = tpu.memref_slice %arg2[%dma_start3A_45, %dma_start3A_46] : memref<10000x128xf32, #tpu.memory_space<hbm>> -> memref<10000x128xf32, #tpu.memory_space<hbm>>
    tpu.enqueue_indirect_dma source(%dma_start3A_47 : memref<10000x128xf32, #tpu.memory_space<hbm>>) target(%arg11 : memref<80x128xf32, #tpu.memory_space<vmem>>) offsets(%dma_start3A_44 : memref<80xi32, #tpu.memory_space<vmem>>) semaphore(%arg14 : memref<!tpu.dma_semaphore, #tpu.memory_space<semaphore_mem>>)
    %dma_start3A_48 = arith.constant 2 : i32
    %dma_start3A_49 = arith.constant 0 : i32
    %dma_start3A_50 = tpu.memref_slice %arg8[%dma_start3A_48, %dma_start3A_49] : memref<64x80xi32, #tpu.memory_space<vmem>> -> memref<1x80xi32, #tpu.memory_space<vmem>>
    %dma_start3A_51 = tpu.memref_squeeze %dma_start3A_50 : memref<1x80xi32, #tpu.memory_space<vmem>> -> memref<80xi32, #tpu.memory_space<vmem>>
    %dma_start3A_52 = arith.constant 0 : i32
    %dma_start3A_53 = arith.constant 0 : i32
    %dma_start3A_54 = tpu.memref_slice %arg2[%dma_start3A_52, %dma_start3A_53] : memref<10000x128xf32, #tpu.memory_space<hbm>> -> memref<10000x128xf32, #tpu.memory_space<hbm>>
    tpu.enqueue_indirect_dma source(%dma_start3A_54 : memref<10000x128xf32, #tpu.memory_space<hbm>>) target(%arg12 : memref<80x128xf32, #tpu.memory_space<vmem>>) offsets(%dma_start3A_51 : memref<80xi32, #tpu.memory_space<vmem>>) semaphore(%arg15 : memref<!tpu.dma_semaphore, #tpu.memory_space<semaphore_mem>>)
    %dma_wait3A = arith.constant 0 : i32
    %dma_wait3A_55 = arith.constant 0 : i32
    %dma_wait3A_56 = tpu.memref_slice %arg8[%dma_wait3A, %dma_wait3A_55] : memref<64x80xi32, #tpu.memory_space<vmem>> -> memref<1x80xi32, #tpu.memory_space<vmem>>
    %dma_wait3A_57 = tpu.memref_squeeze %dma_wait3A_56 : memref<1x80xi32, #tpu.memory_space<vmem>> -> memref<80xi32, #tpu.memory_space<vmem>>
    %dma_wait3A_58 = arith.constant 0 : i32
    %dma_wait3A_59 = arith.constant 0 : i32
    %dma_wait3A_60 = tpu.memref_slice %arg2[%dma_wait3A_58, %dma_wait3A_59] : memref<10000x128xf32, #tpu.memory_space<hbm>> -> memref<10000x128xf32, #tpu.memory_space<hbm>>
    tpu.wait_indirect_dma semaphore(%arg13 : memref<!tpu.dma_semaphore, #tpu.memory_space<semaphore_mem>>) src(%dma_wait3A_60 : memref<10000x128xf32, #tpu.memory_space<hbm>>) dst(%arg10 : memref<80x128xf32, #tpu.memory_space<vmem>>)
    %dma_start3A_61 = arith.constant 0 : i32
    %dma_start3A_62 = arith.constant 0 : i32
    %dma_start3A_63 = tpu.memref_slice %arg9[%dma_start3A_61, %dma_start3A_62] : memref<64x80xi32, #tpu.memory_space<vmem>> -> memref<1x80xi32, #tpu.memory_space<vmem>>
    %dma_start3A_64 = tpu.memref_squeeze %dma_start3A_63 : memref<1x80xi32, #tpu.memory_space<vmem>> -> memref<80xi32, #tpu.memory_space<vmem>>
    %dma_start3A_65 = arith.constant 0 : i32
    %dma_start3A_66 = arith.constant 0 : i32
    %dma_start3A_67 = tpu.memref_slice %arg7[%dma_start3A_65, %dma_start3A_66] : memref<10000x128xf32, #tpu.memory_space<vmem_shared>> -> memref<10000x128xf32, #tpu.memory_space<vmem_shared>>
    tpu.enqueue_indirect_dma source(%arg10 : memref<80x128xf32, #tpu.memory_space<vmem>>) target(%dma_start3A_67 : memref<10000x128xf32, #tpu.memory_space<vmem_shared>>) offsets(%dma_start3A_64 : memref<80xi32, #tpu.memory_space<vmem>>) semaphore(%arg16 : memref<!tpu.dma_semaphore, #tpu.memory_space<semaphore_mem>>) {add = true}
    %scan3A = arith.constant 0 : i32
    %scan3A_68 = arith.constant 0 : i32
    %scan3A_69 = arith.constant 20 : i32
    %scan3A_70 = arith.addi %scan3A_68, %scan3A_69 : i32
    %scan3A_71 = arith.constant 1 : i32
    scf.for %scan3A_306 = %scan3A_68 to %scan3A_70 step %scan3A_71  : i32 {
      %mul3A_307 = arith.constant 3 : i32
      %mul3A_308 = arith.muli %mul3A_307, %scan3A_306 : i32
      %add3A_309 = arith.constant 1 : i32
      %add3A_310 = arith.addi %mul3A_308, %add3A_309 : i32
      %dma_wait3A_311 = arith.constant 0 : i32
      %dma_wait3A_312 = tpu.memref_slice %arg8[%add3A_310, %dma_wait3A_311] : memref<64x80xi32, #tpu.memory_space<vmem>> -> memref<1x80xi32, #tpu.memory_space<vmem>>
      %dma_wait3A_313 = tpu.memref_squeeze %dma_wait3A_312 : memref<1x80xi32, #tpu.memory_space<vmem>> -> memref<80xi32, #tpu.memory_space<vmem>>
      %dma_wait3A_314 = arith.constant 0 : i32
      %dma_wait3A_315 = arith.constant 0 : i32
      %dma_wait3A_316 = tpu.memref_slice %arg2[%dma_wait3A_314, %dma_wait3A_315] : memref<10000x128xf32, #tpu.memory_space<hbm>> -> memref<10000x128xf32, #tpu.memory_space<hbm>>
      tpu.wait_indirect_dma semaphore(%arg14 : memref<!tpu.dma_semaphore, #tpu.memory_space<semaphore_mem>>) src(%dma_wait3A_316 : memref<10000x128xf32, #tpu.memory_space<hbm>>) dst(%arg11 : memref<80x128xf32, #tpu.memory_space<vmem>>)
      %dma_start3A_317 = arith.constant 0 : i32
      %dma_start3A_318 = tpu.memref_slice %arg9[%add3A_310, %dma_start3A_317] : memref<64x80xi32, #tpu.memory_space<vmem>> -> memref<1x80xi32, #tpu.memory_space<vmem>>
      %dma_start3A_319 = tpu.memref_squeeze %dma_start3A_318 : memref<1x80xi32, #tpu.memory_space<vmem>> -> memref<80xi32, #tpu.memory_space<vmem>>
      %dma_start3A_320 = arith.constant 0 : i32
      %dma_start3A_321 = arith.constant 0 : i32
      %dma_start3A_322 = tpu.memref_slice %arg7[%dma_start3A_320, %dma_start3A_321] : memref<10000x128xf32, #tpu.memory_space<vmem_shared>> -> memref<10000x128xf32, #tpu.memory_space<vmem_shared>>
      tpu.enqueue_indirect_dma source(%arg11 : memref<80x128xf32, #tpu.memory_space<vmem>>) target(%dma_start3A_322 : memref<10000x128xf32, #tpu.memory_space<vmem_shared>>) offsets(%dma_start3A_319 : memref<80xi32, #tpu.memory_space<vmem>>) semaphore(%arg17 : memref<!tpu.dma_semaphore, #tpu.memory_space<semaphore_mem>>) {add = true}
      %sub3A = arith.constant 1 : i32
      %sub3A_323 = arith.subi %add3A_310, %sub3A : i32
      %dma_wait3A_324 = arith.constant 0 : i32
      %dma_wait3A_325 = tpu.memref_slice %arg9[%sub3A_323, %dma_wait3A_324] : memref<64x80xi32, #tpu.memory_space<vmem>> -> memref<1x80xi32, #tpu.memory_space<vmem>>
      %dma_wait3A_326 = tpu.memref_squeeze %dma_wait3A_325 : memref<1x80xi32, #tpu.memory_space<vmem>> -> memref<80xi32, #tpu.memory_space<vmem>>
      %dma_wait3A_327 = arith.constant 0 : i32
      %dma_wait3A_328 = arith.constant 0 : i32
      %dma_wait3A_329 = tpu.memref_slice %arg7[%dma_wait3A_327, %dma_wait3A_328] : memref<10000x128xf32, #tpu.memory_space<vmem_shared>> -> memref<10000x128xf32, #tpu.memory_space<vmem_shared>>
      tpu.wait_indirect_dma semaphore(%arg16 : memref<!tpu.dma_semaphore, #tpu.memory_space<semaphore_mem>>) src(%arg10 : memref<80x128xf32, #tpu.memory_space<vmem>>) dst(%dma_wait3A_329 : memref<10000x128xf32, #tpu.memory_space<vmem_shared>>)
      %add3A_330 = arith.constant 2 : i32
      %add3A_331 = arith.addi %add3A_310, %add3A_330 : i32
      %dma_start3A_332 = arith.constant 0 : i32
      %dma_start3A_333 = tpu.memref_slice %arg8[%add3A_331, %dma_start3A_332] : memref<64x80xi32, #tpu.memory_space<vmem>> -> memref<1x80xi32, #tpu.memory_space<vmem>>
      %dma_start3A_334 = tpu.memref_squeeze %dma_start3A_333 : memref<1x80xi32, #tpu.memory_space<vmem>> -> memref<80xi32, #tpu.memory_space<vmem>>
      %dma_start3A_335 = arith.constant 0 : i32
      %dma_start3A_336 = arith.constant 0 : i32
      %dma_start3A_337 = tpu.memref_slice %arg2[%dma_start3A_335, %dma_start3A_336] : memref<10000x128xf32, #tpu.memory_space<hbm>> -> memref<10000x128xf32, #tpu.memory_space<hbm>>
      tpu.enqueue_indirect_dma source(%dma_start3A_337 : memref<10000x128xf32, #tpu.memory_space<hbm>>) target(%arg10 : memref<80x128xf32, #tpu.memory_space<vmem>>) offsets(%dma_start3A_334 : memref<80xi32, #tpu.memory_space<vmem>>) semaphore(%arg13 : memref<!tpu.dma_semaphore, #tpu.memory_space<semaphore_mem>>)
      %add3A_338 = arith.constant 1 : i32
      %add3A_339 = arith.addi %add3A_310, %add3A_338 : i32
      %dma_wait3A_340 = arith.constant 0 : i32
      %dma_wait3A_341 = tpu.memref_slice %arg8[%add3A_339, %dma_wait3A_340] : memref<64x80xi32, #tpu.memory_space<vmem>> -> memref<1x80xi32, #tpu.memory_space<vmem>>
      %dma_wait3A_342 = tpu.memref_squeeze %dma_wait3A_341 : memref<1x80xi32, #tpu.memory_space<vmem>> -> memref<80xi32, #tpu.memory_space<vmem>>
      %dma_wait3A_343 = arith.constant 0 : i32
      %dma_wait3A_344 = arith.constant 0 : i32
      %dma_wait3A_345 = tpu.memref_slice %arg2[%dma_wait3A_343, %dma_wait3A_344] : memref<10000x128xf32, #tpu.memory_space<hbm>> -> memref<10000x128xf32, #tpu.memory_space<hbm>>
      tpu.wait_indirect_dma semaphore(%arg15 : memref<!tpu.dma_semaphore, #tpu.memory_space<semaphore_mem>>) src(%dma_wait3A_345 : memref<10000x128xf32, #tpu.memory_space<hbm>>) dst(%arg12 : memref<80x128xf32, #tpu.memory_space<vmem>>)
      %add3A_346 = arith.constant 1 : i32
      %add3A_347 = arith.addi %add3A_310, %add3A_346 : i32
      %dma_start3A_348 = arith.constant 0 : i32
      %dma_start3A_349 = tpu.memref_slice %arg9[%add3A_347, %dma_start3A_348] : memref<64x80xi32, #tpu.memory_space<vmem>> -> memref<1x80xi32, #tpu.memory_space<vmem>>
      %dma_start3A_350 = tpu.memref_squeeze %dma_start3A_349 : memref<1x80xi32, #tpu.memory_space<vmem>> -> memref<80xi32, #tpu.memory_space<vmem>>
      %dma_start3A_351 = arith.constant 0 : i32
      %dma_start3A_352 = arith.constant 0 : i32
      %dma_start3A_353 = tpu.memref_slice %arg7[%dma_start3A_351, %dma_start3A_352] : memref<10000x128xf32, #tpu.memory_space<vmem_shared>> -> memref<10000x128xf32, #tpu.memory_space<vmem_shared>>
      tpu.enqueue_indirect_dma source(%arg12 : memref<80x128xf32, #tpu.memory_space<vmem>>) target(%dma_start3A_353 : memref<10000x128xf32, #tpu.memory_space<vmem_shared>>) offsets(%dma_start3A_350 : memref<80xi32, #tpu.memory_space<vmem>>) semaphore(%arg18 : memref<!tpu.dma_semaphore, #tpu.memory_space<semaphore_mem>>) {add = true}
      %dma_wait3A_354 = arith.constant 0 : i32
      %dma_wait3A_355 = tpu.memref_slice %arg9[%add3A_310, %dma_wait3A_354] : memref<64x80xi32, #tpu.memory_space<vmem>> -> memref<1x80xi32, #tpu.memory_space<vmem>>
      %dma_wait3A_356 = tpu.memref_squeeze %dma_wait3A_355 : memref<1x80xi32, #tpu.memory_space<vmem>> -> memref<80xi32, #tpu.memory_space<vmem>>
      %dma_wait3A_357 = arith.constant 0 : i32
      %dma_wait3A_358 = arith.constant 0 : i32
      %dma_wait3A_359 = tpu.memref_slice %arg7[%dma_wait3A_357, %dma_wait3A_358] : memref<10000x128xf32, #tpu.memory_space<vmem_shared>> -> memref<10000x128xf32, #tpu.memory_space<vmem_shared>>
      tpu.wait_indirect_dma semaphore(%arg17 : memref<!tpu.dma_semaphore, #tpu.memory_space<semaphore_mem>>) src(%arg11 : memref<80x128xf32, #tpu.memory_space<vmem>>) dst(%dma_wait3A_359 : memref<10000x128xf32, #tpu.memory_space<vmem_shared>>)
      %add3A_360 = arith.constant 3 : i32
      %add3A_361 = arith.addi %add3A_310, %add3A_360 : i32
      %dma_start3A_362 = arith.constant 0 : i32
      %dma_start3A_363 = tpu.memref_slice %arg8[%add3A_361, %dma_start3A_362] : memref<64x80xi32, #tpu.memory_space<vmem>> -> memref<1x80xi32, #tpu.memory_space<vmem>>
      %dma_start3A_364 = tpu.memref_squeeze %dma_start3A_363 : memref<1x80xi32, #tpu.memory_space<vmem>> -> memref<80xi32, #tpu.memory_space<vmem>>
      %dma_start3A_365 = arith.constant 0 : i32
      %dma_start3A_366 = arith.constant 0 : i32
      %dma_start3A_367 = tpu.memref_slice %arg2[%dma_start3A_365, %dma_start3A_366] : memref<10000x128xf32, #tpu.memory_space<hbm>> -> memref<10000x128xf32, #tpu.memory_space<hbm>>
      tpu.enqueue_indirect_dma source(%dma_start3A_367 : memref<10000x128xf32, #tpu.memory_space<hbm>>) target(%arg11 : memref<80x128xf32, #tpu.memory_space<vmem>>) offsets(%dma_start3A_364 : memref<80xi32, #tpu.memory_space<vmem>>) semaphore(%arg14 : memref<!tpu.dma_semaphore, #tpu.memory_space<semaphore_mem>>)
      %add3A_368 = arith.constant 2 : i32
      %add3A_369 = arith.addi %add3A_310, %add3A_368 : i32
      %dma_wait3A_370 = arith.constant 0 : i32
      %dma_wait3A_371 = tpu.memref_slice %arg8[%add3A_369, %dma_wait3A_370] : memref<64x80xi32, #tpu.memory_space<vmem>> -> memref<1x80xi32, #tpu.memory_space<vmem>>
      %dma_wait3A_372 = tpu.memref_squeeze %dma_wait3A_371 : memref<1x80xi32, #tpu.memory_space<vmem>> -> memref<80xi32, #tpu.memory_space<vmem>>
      %dma_wait3A_373 = arith.constant 0 : i32
      %dma_wait3A_374 = arith.constant 0 : i32
      %dma_wait3A_375 = tpu.memref_slice %arg2[%dma_wait3A_373, %dma_wait3A_374] : memref<10000x128xf32, #tpu.memory_space<hbm>> -> memref<10000x128xf32, #tpu.memory_space<hbm>>
      tpu.wait_indirect_dma semaphore(%arg13 : memref<!tpu.dma_semaphore, #tpu.memory_space<semaphore_mem>>) src(%dma_wait3A_375 : memref<10000x128xf32, #tpu.memory_space<hbm>>) dst(%arg10 : memref<80x128xf32, #tpu.memory_space<vmem>>)
      %add3A_376 = arith.constant 2 : i32
      %add3A_377 = arith.addi %add3A_310, %add3A_376 : i32
      %dma_start3A_378 = arith.constant 0 : i32
      %dma_start3A_379 = tpu.memref_slice %arg9[%add3A_377, %dma_start3A_378] : memref<64x80xi32, #tpu.memory_space<vmem>> -> memref<1x80xi32, #tpu.memory_space<vmem>>
      %dma_start3A_380 = tpu.memref_squeeze %dma_start3A_379 : memref<1x80xi32, #tpu.memory_space<vmem>> -> memref<80xi32, #tpu.memory_space<vmem>>
      %dma_start3A_381 = arith.constant 0 : i32
      %dma_start3A_382 = arith.constant 0 : i32
      %dma_start3A_383 = tpu.memref_slice %arg7[%dma_start3A_381, %dma_start3A_382] : memref<10000x128xf32, #tpu.memory_space<vmem_shared>> -> memref<10000x128xf32, #tpu.memory_space<vmem_shared>>
      tpu.enqueue_indirect_dma source(%arg10 : memref<80x128xf32, #tpu.memory_space<vmem>>) target(%dma_start3A_383 : memref<10000x128xf32, #tpu.memory_space<vmem_shared>>) offsets(%dma_start3A_380 : memref<80xi32, #tpu.memory_space<vmem>>) semaphore(%arg16 : memref<!tpu.dma_semaphore, #tpu.memory_space<semaphore_mem>>) {add = true}
      %add3A_384 = arith.constant 1 : i32
      %add3A_385 = arith.addi %add3A_310, %add3A_384 : i32
      %dma_wait3A_386 = arith.constant 0 : i32
      %dma_wait3A_387 = tpu.memref_slice %arg9[%add3A_385, %dma_wait3A_386] : memref<64x80xi32, #tpu.memory_space<vmem>> -> memref<1x80xi32, #tpu.memory_space<vmem>>
      %dma_wait3A_388 = tpu.memref_squeeze %dma_wait3A_387 : memref<1x80xi32, #tpu.memory_space<vmem>> -> memref<80xi32, #tpu.memory_space<vmem>>
      %dma_wait3A_389 = arith.constant 0 : i32
      %dma_wait3A_390 = arith.constant 0 : i32
      %dma_wait3A_391 = tpu.memref_slice %arg7[%dma_wait3A_389, %dma_wait3A_390] : memref<10000x128xf32, #tpu.memory_space<vmem_shared>> -> memref<10000x128xf32, #tpu.memory_space<vmem_shared>>
      tpu.wait_indirect_dma semaphore(%arg18 : memref<!tpu.dma_semaphore, #tpu.memory_space<semaphore_mem>>) src(%arg12 : memref<80x128xf32, #tpu.memory_space<vmem>>) dst(%dma_wait3A_391 : memref<10000x128xf32, #tpu.memory_space<vmem_shared>>)
      %add3A_392 = arith.constant 4 : i32
      %add3A_393 = arith.addi %add3A_310, %add3A_392 : i32
      %dma_start3A_394 = arith.constant 0 : i32
      %dma_start3A_395 = tpu.memref_slice %arg8[%add3A_393, %dma_start3A_394] : memref<64x80xi32, #tpu.memory_space<vmem>> -> memref<1x80xi32, #tpu.memory_space<vmem>>
      %dma_start3A_396 = tpu.memref_squeeze %dma_start3A_395 : memref<1x80xi32, #tpu.memory_space<vmem>> -> memref<80xi32, #tpu.memory_space<vmem>>
      %dma_start3A_397 = arith.constant 0 : i32
      %dma_start3A_398 = arith.constant 0 : i32
      %dma_start3A_399 = tpu.memref_slice %arg2[%dma_start3A_397, %dma_start3A_398] : memref<10000x128xf32, #tpu.memory_space<hbm>> -> memref<10000x128xf32, #tpu.memory_space<hbm>>
      tpu.enqueue_indirect_dma source(%dma_start3A_399 : memref<10000x128xf32, #tpu.memory_space<hbm>>) target(%arg12 : memref<80x128xf32, #tpu.memory_space<vmem>>) offsets(%dma_start3A_396 : memref<80xi32, #tpu.memory_space<vmem>>) semaphore(%arg15 : memref<!tpu.dma_semaphore, #tpu.memory_space<semaphore_mem>>)
    }
    %scan3A_72 = arith.constant 20 : i32
    %dma_wait3A_73 = arith.constant 61 : i32
    %dma_wait3A_74 = arith.constant 0 : i32
    %dma_wait3A_75 = tpu.memref_slice %arg8[%dma_wait3A_73, %dma_wait3A_74] : memref<64x80xi32, #tpu.memory_space<vmem>> -> memref<1x80xi32, #tpu.memory_space<vmem>>
    %dma_wait3A_76 = tpu.memref_squeeze %dma_wait3A_75 : memref<1x80xi32, #tpu.memory_space<vmem>> -> memref<80xi32, #tpu.memory_space<vmem>>
    %dma_wait3A_77 = arith.constant 0 : i32
    %dma_wait3A_78 = arith.constant 0 : i32
    %dma_wait3A_79 = tpu.memref_slice %arg2[%dma_wait3A_77, %dma_wait3A_78] : memref<10000x128xf32, #tpu.memory_space<hbm>> -> memref<10000x128xf32, #tpu.memory_space<hbm>>
    tpu.wait_indirect_dma semaphore(%arg14 : memref<!tpu.dma_semaphore, #tpu.memory_space<semaphore_mem>>) src(%dma_wait3A_79 : memref<10000x128xf32, #tpu.memory_space<hbm>>) dst(%arg11 : memref<80x128xf32, #tpu.memory_space<vmem>>)
    %dma_start3A_80 = arith.constant 61 : i32
    %dma_start3A_81 = arith.constant 0 : i32
    %dma_start3A_82 = tpu.memref_slice %arg9[%dma_start3A_80, %dma_start3A_81] : memref<64x80xi32, #tpu.memory_space<vmem>> -> memref<1x80xi32, #tpu.memory_space<vmem>>
    %dma_start3A_83 = tpu.memref_squeeze %dma_start3A_82 : memref<1x80xi32, #tpu.memory_space<vmem>> -> memref<80xi32, #tpu.memory_space<vmem>>
    %dma_start3A_84 = arith.constant 0 : i32
    %dma_start3A_85 = arith.constant 0 : i32
    %dma_start3A_86 = tpu.memref_slice %arg7[%dma_start3A_84, %dma_start3A_85] : memref<10000x128xf32, #tpu.memory_space<vmem_shared>> -> memref<10000x128xf32, #tpu.memory_space<vmem_shared>>
    tpu.enqueue_indirect_dma source(%arg11 : memref<80x128xf32, #tpu.memory_space<vmem>>) target(%dma_start3A_86 : memref<10000x128xf32, #tpu.memory_space<vmem_shared>>) offsets(%dma_start3A_83 : memref<80xi32, #tpu.memory_space<vmem>>) semaphore(%arg17 : memref<!tpu.dma_semaphore, #tpu.memory_space<semaphore_mem>>) {add = true}
    %dma_wait3A_87 = arith.constant 60 : i32
    %dma_wait3A_88 = arith.constant 0 : i32
    %dma_wait3A_89 = tpu.memref_slice %arg9[%dma_wait3A_87, %dma_wait3A_88] : memref<64x80xi32, #tpu.memory_space<vmem>> -> memref<1x80xi32, #tpu.memory_space<vmem>>
    %dma_wait3A_90 = tpu.memref_squeeze %dma_wait3A_89 : memref<1x80xi32, #tpu.memory_space<vmem>> -> memref<80xi32, #tpu.memory_space<vmem>>
    %dma_wait3A_91 = arith.constant 0 : i32
    %dma_wait3A_92 = arith.constant 0 : i32
    %dma_wait3A_93 = tpu.memref_slice %arg7[%dma_wait3A_91, %dma_wait3A_92] : memref<10000x128xf32, #tpu.memory_space<vmem_shared>> -> memref<10000x128xf32, #tpu.memory_space<vmem_shared>>
    tpu.wait_indirect_dma semaphore(%arg16 : memref<!tpu.dma_semaphore, #tpu.memory_space<semaphore_mem>>) src(%arg10 : memref<80x128xf32, #tpu.memory_space<vmem>>) dst(%dma_wait3A_93 : memref<10000x128xf32, #tpu.memory_space<vmem_shared>>)
    %dma_start3A_94 = arith.constant 63 : i32
    %dma_start3A_95 = arith.constant 0 : i32
    %dma_start3A_96 = tpu.memref_slice %arg8[%dma_start3A_94, %dma_start3A_95] : memref<64x80xi32, #tpu.memory_space<vmem>> -> memref<1x80xi32, #tpu.memory_space<vmem>>
    %dma_start3A_97 = tpu.memref_squeeze %dma_start3A_96 : memref<1x80xi32, #tpu.memory_space<vmem>> -> memref<80xi32, #tpu.memory_space<vmem>>
    %dma_start3A_98 = arith.constant 0 : i32
    %dma_start3A_99 = arith.constant 0 : i32
    %dma_start3A_100 = tpu.memref_slice %arg2[%dma_start3A_98, %dma_start3A_99] : memref<10000x128xf32, #tpu.memory_space<hbm>> -> memref<10000x128xf32, #tpu.memory_space<hbm>>
    tpu.enqueue_indirect_dma source(%dma_start3A_100 : memref<10000x128xf32, #tpu.memory_space<hbm>>) target(%arg10 : memref<80x128xf32, #tpu.memory_space<vmem>>) offsets(%dma_start3A_97 : memref<80xi32, #tpu.memory_space<vmem>>) semaphore(%arg13 : memref<!tpu.dma_semaphore, #tpu.memory_space<semaphore_mem>>)
    %dma_wait3A_101 = arith.constant 62 : i32
    %dma_wait3A_102 = arith.constant 0 : i32
    %dma_wait3A_103 = tpu.memref_slice %arg8[%dma_wait3A_101, %dma_wait3A_102] : memref<64x80xi32, #tpu.memory_space<vmem>> -> memref<1x80xi32, #tpu.memory_space<vmem>>
    %dma_wait3A_104 = tpu.memref_squeeze %dma_wait3A_103 : memref<1x80xi32, #tpu.memory_space<vmem>> -> memref<80xi32, #tpu.memory_space<vmem>>
    %dma_wait3A_105 = arith.constant 0 : i32
    %dma_wait3A_106 = arith.constant 0 : i32
    %dma_wait3A_107 = tpu.memref_slice %arg2[%dma_wait3A_105, %dma_wait3A_106] : memref<10000x128xf32, #tpu.memory_space<hbm>> -> memref<10000x128xf32, #tpu.memory_space<hbm>>
    tpu.wait_indirect_dma semaphore(%arg15 : memref<!tpu.dma_semaphore, #tpu.memory_space<semaphore_mem>>) src(%dma_wait3A_107 : memref<10000x128xf32, #tpu.memory_space<hbm>>) dst(%arg12 : memref<80x128xf32, #tpu.memory_space<vmem>>)
    %dma_start3A_108 = arith.constant 62 : i32
    %dma_start3A_109 = arith.constant 0 : i32
    %dma_start3A_110 = tpu.memref_slice %arg9[%dma_start3A_108, %dma_start3A_109] : memref<64x80xi32, #tpu.memory_space<vmem>> -> memref<1x80xi32, #tpu.memory_space<vmem>>
    %dma_start3A_111 = tpu.memref_squeeze %dma_start3A_110 : memref<1x80xi32, #tpu.memory_space<vmem>> -> memref<80xi32, #tpu.memory_space<vmem>>
    %dma_start3A_112 = arith.constant 0 : i32
    %dma_start3A_113 = arith.constant 0 : i32
    %dma_start3A_114 = tpu.memref_slice %arg7[%dma_start3A_112, %dma_start3A_113] : memref<10000x128xf32, #tpu.memory_space<vmem_shared>> -> memref<10000x128xf32, #tpu.memory_space<vmem_shared>>
    tpu.enqueue_indirect_dma source(%arg12 : memref<80x128xf32, #tpu.memory_space<vmem>>) target(%dma_start3A_114 : memref<10000x128xf32, #tpu.memory_space<vmem_shared>>) offsets(%dma_start3A_111 : memref<80xi32, #tpu.memory_space<vmem>>) semaphore(%arg18 : memref<!tpu.dma_semaphore, #tpu.memory_space<semaphore_mem>>) {add = true}
    %dma_wait3A_115 = arith.constant 61 : i32
    %dma_wait3A_116 = arith.constant 0 : i32
    %dma_wait3A_117 = tpu.memref_slice %arg9[%dma_wait3A_115, %dma_wait3A_116] : memref<64x80xi32, #tpu.memory_space<vmem>> -> memref<1x80xi32, #tpu.memory_space<vmem>>
    %dma_wait3A_118 = tpu.memref_squeeze %dma_wait3A_117 : memref<1x80xi32, #tpu.memory_space<vmem>> -> memref<80xi32, #tpu.memory_space<vmem>>
    %dma_wait3A_119 = arith.constant 0 : i32
    %dma_wait3A_120 = arith.constant 0 : i32
    %dma_wait3A_121 = tpu.memref_slice %arg7[%dma_wait3A_119, %dma_wait3A_120] : memref<10000x128xf32, #tpu.memory_space<vmem_shared>> -> memref<10000x128xf32, #tpu.memory_space<vmem_shared>>
    tpu.wait_indirect_dma semaphore(%arg17 : memref<!tpu.dma_semaphore, #tpu.memory_space<semaphore_mem>>) src(%arg11 : memref<80x128xf32, #tpu.memory_space<vmem>>) dst(%dma_wait3A_121 : memref<10000x128xf32, #tpu.memory_space<vmem_shared>>)
    %dma_wait3A_122 = arith.constant 63 : i32
    %dma_wait3A_123 = arith.constant 0 : i32
    %dma_wait3A_124 = tpu.memref_slice %arg8[%dma_wait3A_122, %dma_wait3A_123] : memref<64x80xi32, #tpu.memory_space<vmem>> -> memref<1x80xi32, #tpu.memory_space<vmem>>
    %dma_wait3A_125 = tpu.memref_squeeze %dma_wait3A_124 : memref<1x80xi32, #tpu.memory_space<vmem>> -> memref<80xi32, #tpu.memory_space<vmem>>
    %dma_wait3A_126 = arith.constant 0 : i32
    %dma_wait3A_127 = arith.constant 0 : i32
    %dma_wait3A_128 = tpu.memref_slice %arg2[%dma_wait3A_126, %dma_wait3A_127] : memref<10000x128xf32, #tpu.memory_space<hbm>> -> memref<10000x128xf32, #tpu.memory_space<hbm>>
    tpu.wait_indirect_dma semaphore(%arg13 : memref<!tpu.dma_semaphore, #tpu.memory_space<semaphore_mem>>) src(%dma_wait3A_128 : memref<10000x128xf32, #tpu.memory_space<hbm>>) dst(%arg10 : memref<80x128xf32, #tpu.memory_space<vmem>>)
    %dma_start3A_129 = arith.constant 63 : i32
    %dma_start3A_130 = arith.constant 0 : i32
    %dma_start3A_131 = tpu.memref_slice %arg9[%dma_start3A_129, %dma_start3A_130] : memref<64x80xi32, #tpu.memory_space<vmem>> -> memref<1x80xi32, #tpu.memory_space<vmem>>
    %dma_start3A_132 = tpu.memref_squeeze %dma_start3A_131 : memref<1x80xi32, #tpu.memory_space<vmem>> -> memref<80xi32, #tpu.memory_space<vmem>>
    %dma_start3A_133 = arith.constant 0 : i32
    %dma_start3A_134 = arith.constant 0 : i32
    %dma_start3A_135 = tpu.memref_slice %arg7[%dma_start3A_133, %dma_start3A_134] : memref<10000x128xf32, #tpu.memory_space<vmem_shared>> -> memref<10000x128xf32, #tpu.memory_space<vmem_shared>>
    tpu.enqueue_indirect_dma source(%arg10 : memref<80x128xf32, #tpu.memory_space<vmem>>) target(%dma_start3A_135 : memref<10000x128xf32, #tpu.memory_space<vmem_shared>>) offsets(%dma_start3A_132 : memref<80xi32, #tpu.memory_space<vmem>>) semaphore(%arg16 : memref<!tpu.dma_semaphore, #tpu.memory_space<semaphore_mem>>) {add = true}
    %dma_wait3A_136 = arith.constant 62 : i32
    %dma_wait3A_137 = arith.constant 0 : i32
    %dma_wait3A_138 = tpu.memref_slice %arg9[%dma_wait3A_136, %dma_wait3A_137] : memref<64x80xi32, #tpu.memory_space<vmem>> -> memref<1x80xi32, #tpu.memory_space<vmem>>
    %dma_wait3A_139 = tpu.memref_squeeze %dma_wait3A_138 : memref<1x80xi32, #tpu.memory_space<vmem>> -> memref<80xi32, #tpu.memory_space<vmem>>
    %dma_wait3A_140 = arith.constant 0 : i32
    %dma_wait3A_141 = arith.constant 0 : i32
    %dma_wait3A_142 = tpu.memref_slice %arg7[%dma_wait3A_140, %dma_wait3A_141] : memref<10000x128xf32, #tpu.memory_space<vmem_shared>> -> memref<10000x128xf32, #tpu.memory_space<vmem_shared>>
    tpu.wait_indirect_dma semaphore(%arg18 : memref<!tpu.dma_semaphore, #tpu.memory_space<semaphore_mem>>) src(%arg12 : memref<80x128xf32, #tpu.memory_space<vmem>>) dst(%dma_wait3A_142 : memref<10000x128xf32, #tpu.memory_space<vmem_shared>>)
    %dma_wait3A_143 = arith.constant 63 : i32
    %dma_wait3A_144 = arith.constant 0 : i32
    %dma_wait3A_145 = tpu.memref_slice %arg9[%dma_wait3A_143, %dma_wait3A_144] : memref<64x80xi32, #tpu.memory_space<vmem>> -> memref<1x80xi32, #tpu.memory_space<vmem>>
    %dma_wait3A_146 = tpu.memref_squeeze %dma_wait3A_145 : memref<1x80xi32, #tpu.memory_space<vmem>> -> memref<80xi32, #tpu.memory_space<vmem>>
    %dma_wait3A_147 = arith.constant 0 : i32
    %dma_wait3A_148 = arith.constant 0 : i32
    %dma_wait3A_149 = tpu.memref_slice %arg7[%dma_wait3A_147, %dma_wait3A_148] : memref<10000x128xf32, #tpu.memory_space<vmem_shared>> -> memref<10000x128xf32, #tpu.memory_space<vmem_shared>>
    tpu.wait_indirect_dma semaphore(%arg16 : memref<!tpu.dma_semaphore, #tpu.memory_space<semaphore_mem>>) src(%arg10 : memref<80x128xf32, #tpu.memory_space<vmem>>) dst(%dma_wait3A_149 : memref<10000x128xf32, #tpu.memory_space<vmem_shared>>)
    "tpu.region"() ({
      %run_scoped3A = tpu.sem_alloc : memref<!tpu.dma_semaphore, #tpu.memory_space<semaphore_mem>>
      %dma_start3A_306 = arith.constant 0 : i32
      %dma_start3A_307 = arith.constant 0 : i32
      %dma_start3A_308 = tpu.memref_slice %arg8[%dma_start3A_306, %dma_start3A_307] : memref<64x80xi32, #tpu.memory_space<vmem>> -> memref<61x80xi32, #tpu.memory_space<vmem>>
      %dma_start3A_309 = arith.constant 64 : i32
      %dma_start3A_310 = arith.constant 0 : i32
      %dma_start3A_311 = tpu.memref_slice %arg3[%add3A, %dma_start3A_309, %dma_start3A_310] : memref<32x125x80xi32, #tpu.memory_space<hbm>> -> memref<1x61x80xi32, #tpu.memory_space<hbm>>
      %dma_start3A_312 = tpu.memref_squeeze %dma_start3A_311 : memref<1x61x80xi32, #tpu.memory_space<hbm>> -> memref<61x80xi32, #tpu.memory_space<hbm>>
      %dma_start3A_313 = arith.constant 0 : i32
      %dma_start3A_314 = arith.constant 0 : i32
      %dma_start3A_315 = tpu.memref_slice %arg8[%dma_start3A_313, %dma_start3A_314] : memref<64x80xi32, #tpu.memory_space<vmem>> -> memref<61x80xi32, #tpu.memory_space<vmem>>
      %dma_start3A_316 = arith.constant 64 : i32
      %dma_start3A_317 = arith.constant 0 : i32
      %dma_start3A_318 = tpu.memref_slice %arg3[%add3A, %dma_start3A_316, %dma_start3A_317] : memref<32x125x80xi32, #tpu.memory_space<hbm>> -> memref<1x61x80xi32, #tpu.memory_space<hbm>>
      %dma_start3A_319 = tpu.memref_squeeze %dma_start3A_318 : memref<1x61x80xi32, #tpu.memory_space<hbm>> -> memref<61x80xi32, #tpu.memory_space<hbm>>
      tpu.enqueue_dma source(%dma_start3A_319 : memref<61x80xi32, #tpu.memory_space<hbm>>) target(%dma_start3A_315 : memref<61x80xi32, #tpu.memory_space<vmem>>) target_semaphore(%run_scoped3A : memref<!tpu.dma_semaphore, #tpu.memory_space<semaphore_mem>>)
      %dma_wait3A_320 = arith.constant 0 : i32
      %dma_wait3A_321 = arith.constant 0 : i32
      %dma_wait3A_322 = tpu.memref_slice %arg8[%dma_wait3A_320, %dma_wait3A_321] : memref<64x80xi32, #tpu.memory_space<vmem>> -> memref<61x80xi32, #tpu.memory_space<vmem>>
      %dma_wait3A_323 = arith.constant 64 : i32
      %dma_wait3A_324 = arith.constant 0 : i32
      %dma_wait3A_325 = tpu.memref_slice %arg3[%add3A, %dma_wait3A_323, %dma_wait3A_324] : memref<32x125x80xi32, #tpu.memory_space<hbm>> -> memref<1x61x80xi32, #tpu.memory_space<hbm>>
      %dma_wait3A_326 = tpu.memref_squeeze %dma_wait3A_325 : memref<1x61x80xi32, #tpu.memory_space<hbm>> -> memref<61x80xi32, #tpu.memory_space<hbm>>
      %dma_wait3A_327 = arith.constant 0 : i32
      %dma_wait3A_328 = arith.constant 0 : i32
      %dma_wait3A_329 = tpu.memref_slice %arg8[%dma_wait3A_327, %dma_wait3A_328] : memref<64x80xi32, #tpu.memory_space<vmem>> -> memref<61x80xi32, #tpu.memory_space<vmem>>
      %dma_wait3A_330 = arith.constant 64 : i32
      %dma_wait3A_331 = arith.constant 0 : i32
      %dma_wait3A_332 = tpu.memref_slice %arg3[%add3A, %dma_wait3A_330, %dma_wait3A_331] : memref<32x125x80xi32, #tpu.memory_space<hbm>> -> memref<1x61x80xi32, #tpu.memory_space<hbm>>
      %dma_wait3A_333 = tpu.memref_squeeze %dma_wait3A_332 : memref<1x61x80xi32, #tpu.memory_space<hbm>> -> memref<61x80xi32, #tpu.memory_space<hbm>>
      tpu.wait_dma2 semaphore(%run_scoped3A : memref<!tpu.dma_semaphore, #tpu.memory_space<semaphore_mem>>) src(%dma_wait3A_333 : memref<61x80xi32, #tpu.memory_space<hbm>>) dst(%dma_wait3A_329 : memref<61x80xi32, #tpu.memory_space<vmem>>)
      tpu.yield
    }) : () -> ()
    "tpu.region"() ({
      %run_scoped3A = tpu.sem_alloc : memref<!tpu.dma_semaphore, #tpu.memory_space<semaphore_mem>>
      %dma_start3A_306 = arith.constant 0 : i32
      %dma_start3A_307 = arith.constant 0 : i32
      %dma_start3A_308 = tpu.memref_slice %arg9[%dma_start3A_306, %dma_start3A_307] : memref<64x80xi32, #tpu.memory_space<vmem>> -> memref<61x80xi32, #tpu.memory_space<vmem>>
      %dma_start3A_309 = arith.constant 64 : i32
      %dma_start3A_310 = arith.constant 0 : i32
      %dma_start3A_311 = tpu.memref_slice %arg4[%add3A, %dma_start3A_309, %dma_start3A_310] : memref<32x125x80xi32, #tpu.memory_space<hbm>> -> memref<1x61x80xi32, #tpu.memory_space<hbm>>
      %dma_start3A_312 = tpu.memref_squeeze %dma_start3A_311 : memref<1x61x80xi32, #tpu.memory_space<hbm>> -> memref<61x80xi32, #tpu.memory_space<hbm>>
      %dma_start3A_313 = arith.constant 0 : i32
      %dma_start3A_314 = arith.constant 0 : i32
      %dma_start3A_315 = tpu.memref_slice %arg9[%dma_start3A_313, %dma_start3A_314] : memref<64x80xi32, #tpu.memory_space<vmem>> -> memref<61x80xi32, #tpu.memory_space<vmem>>
      %dma_start3A_316 = arith.constant 64 : i32
      %dma_start3A_317 = arith.constant 0 : i32
      %dma_start3A_318 = tpu.memref_slice %arg4[%add3A, %dma_start3A_316, %dma_start3A_317] : memref<32x125x80xi32, #tpu.memory_space<hbm>> -> memref<1x61x80xi32, #tpu.memory_space<hbm>>
      %dma_start3A_319 = tpu.memref_squeeze %dma_start3A_318 : memref<1x61x80xi32, #tpu.memory_space<hbm>> -> memref<61x80xi32, #tpu.memory_space<hbm>>
      tpu.enqueue_dma source(%dma_start3A_319 : memref<61x80xi32, #tpu.memory_space<hbm>>) target(%dma_start3A_315 : memref<61x80xi32, #tpu.memory_space<vmem>>) target_semaphore(%run_scoped3A : memref<!tpu.dma_semaphore, #tpu.memory_space<semaphore_mem>>)
      %dma_wait3A_320 = arith.constant 0 : i32
      %dma_wait3A_321 = arith.constant 0 : i32
      %dma_wait3A_322 = tpu.memref_slice %arg9[%dma_wait3A_320, %dma_wait3A_321] : memref<64x80xi32, #tpu.memory_space<vmem>> -> memref<61x80xi32, #tpu.memory_space<vmem>>
      %dma_wait3A_323 = arith.constant 64 : i32
      %dma_wait3A_324 = arith.constant 0 : i32
      %dma_wait3A_325 = tpu.memref_slice %arg4[%add3A, %dma_wait3A_323, %dma_wait3A_324] : memref<32x125x80xi32, #tpu.memory_space<hbm>> -> memref<1x61x80xi32, #tpu.memory_space<hbm>>
      %dma_wait3A_326 = tpu.memref_squeeze %dma_wait3A_325 : memref<1x61x80xi32, #tpu.memory_space<hbm>> -> memref<61x80xi32, #tpu.memory_space<hbm>>
      %dma_wait3A_327 = arith.constant 0 : i32
      %dma_wait3A_328 = arith.constant 0 : i32
      %dma_wait3A_329 = tpu.memref_slice %arg9[%dma_wait3A_327, %dma_wait3A_328] : memref<64x80xi32, #tpu.memory_space<vmem>> -> memref<61x80xi32, #tpu.memory_space<vmem>>
      %dma_wait3A_330 = arith.constant 64 : i32
      %dma_wait3A_331 = arith.constant 0 : i32
      %dma_wait3A_332 = tpu.memref_slice %arg4[%add3A, %dma_wait3A_330, %dma_wait3A_331] : memref<32x125x80xi32, #tpu.memory_space<hbm>> -> memref<1x61x80xi32, #tpu.memory_space<hbm>>
      %dma_wait3A_333 = tpu.memref_squeeze %dma_wait3A_332 : memref<1x61x80xi32, #tpu.memory_space<hbm>> -> memref<61x80xi32, #tpu.memory_space<hbm>>
      tpu.wait_dma2 semaphore(%run_scoped3A : memref<!tpu.dma_semaphore, #tpu.memory_space<semaphore_mem>>) src(%dma_wait3A_333 : memref<61x80xi32, #tpu.memory_space<hbm>>) dst(%dma_wait3A_329 : memref<61x80xi32, #tpu.memory_space<vmem>>)
      tpu.yield
    }) : () -> ()
    %dma_start3A_150 = arith.constant 0 : i32
    %dma_start3A_151 = arith.constant 0 : i32
    %dma_start3A_152 = tpu.memref_slice %arg8[%dma_start3A_150, %dma_start3A_151] : memref<64x80xi32, #tpu.memory_space<vmem>> -> memref<1x80xi32, #tpu.memory_space<vmem>>
    %dma_start3A_153 = tpu.memref_squeeze %dma_start3A_152 : memref<1x80xi32, #tpu.memory_space<vmem>> -> memref<80xi32, #tpu.memory_space<vmem>>
    %dma_start3A_154 = arith.constant 0 : i32
    %dma_start3A_155 = arith.constant 0 : i32
    %dma_start3A_156 = tpu.memref_slice %arg2[%dma_start3A_154, %dma_start3A_155] : memref<10000x128xf32, #tpu.memory_space<hbm>> -> memref<10000x128xf32, #tpu.memory_space<hbm>>
    tpu.enqueue_indirect_dma source(%dma_start3A_156 : memref<10000x128xf32, #tpu.memory_space<hbm>>) target(%arg10 : memref<80x128xf32, #tpu.memory_space<vmem>>) offsets(%dma_start3A_153 : memref<80xi32, #tpu.memory_space<vmem>>) semaphore(%arg13 : memref<!tpu.dma_semaphore, #tpu.memory_space<semaphore_mem>>)
    %dma_start3A_157 = arith.constant 1 : i32
    %dma_start3A_158 = arith.constant 0 : i32
    %dma_start3A_159 = tpu.memref_slice %arg8[%dma_start3A_157, %dma_start3A_158] : memref<64x80xi32, #tpu.memory_space<vmem>> -> memref<1x80xi32, #tpu.memory_space<vmem>>
    %dma_start3A_160 = tpu.memref_squeeze %dma_start3A_159 : memref<1x80xi32, #tpu.memory_space<vmem>> -> memref<80xi32, #tpu.memory_space<vmem>>
    %dma_start3A_161 = arith.constant 0 : i32
    %dma_start3A_162 = arith.constant 0 : i32
    %dma_start3A_163 = tpu.memref_slice %arg2[%dma_start3A_161, %dma_start3A_162] : memref<10000x128xf32, #tpu.memory_space<hbm>> -> memref<10000x128xf32, #tpu.memory_space<hbm>>
    tpu.enqueue_indirect_dma source(%dma_start3A_163 : memref<10000x128xf32, #tpu.memory_space<hbm>>) target(%arg11 : memref<80x128xf32, #tpu.memory_space<vmem>>) offsets(%dma_start3A_160 : memref<80xi32, #tpu.memory_space<vmem>>) semaphore(%arg14 : memref<!tpu.dma_semaphore, #tpu.memory_space<semaphore_mem>>)
    %dma_start3A_164 = arith.constant 2 : i32
    %dma_start3A_165 = arith.constant 0 : i32
    %dma_start3A_166 = tpu.memref_slice %arg8[%dma_start3A_164, %dma_start3A_165] : memref<64x80xi32, #tpu.memory_space<vmem>> -> memref<1x80xi32, #tpu.memory_space<vmem>>
    %dma_start3A_167 = tpu.memref_squeeze %dma_start3A_166 : memref<1x80xi32, #tpu.memory_space<vmem>> -> memref<80xi32, #tpu.memory_space<vmem>>
    %dma_start3A_168 = arith.constant 0 : i32
    %dma_start3A_169 = arith.constant 0 : i32
    %dma_start3A_170 = tpu.memref_slice %arg2[%dma_start3A_168, %dma_start3A_169] : memref<10000x128xf32, #tpu.memory_space<hbm>> -> memref<10000x128xf32, #tpu.memory_space<hbm>>
    tpu.enqueue_indirect_dma source(%dma_start3A_170 : memref<10000x128xf32, #tpu.memory_space<hbm>>) target(%arg12 : memref<80x128xf32, #tpu.memory_space<vmem>>) offsets(%dma_start3A_167 : memref<80xi32, #tpu.memory_space<vmem>>) semaphore(%arg15 : memref<!tpu.dma_semaphore, #tpu.memory_space<semaphore_mem>>)
    %dma_wait3A_171 = arith.constant 0 : i32
    %dma_wait3A_172 = arith.constant 0 : i32
    %dma_wait3A_173 = tpu.memref_slice %arg8[%dma_wait3A_171, %dma_wait3A_172] : memref<64x80xi32, #tpu.memory_space<vmem>> -> memref<1x80xi32, #tpu.memory_space<vmem>>
    %dma_wait3A_174 = tpu.memref_squeeze %dma_wait3A_173 : memref<1x80xi32, #tpu.memory_space<vmem>> -> memref<80xi32, #tpu.memory_space<vmem>>
    %dma_wait3A_175 = arith.constant 0 : i32
    %dma_wait3A_176 = arith.constant 0 : i32
    %dma_wait3A_177 = tpu.memref_slice %arg2[%dma_wait3A_175, %dma_wait3A_176] : memref<10000x128xf32, #tpu.memory_space<hbm>> -> memref<10000x128xf32, #tpu.memory_space<hbm>>
    tpu.wait_indirect_dma semaphore(%arg13 : memref<!tpu.dma_semaphore, #tpu.memory_space<semaphore_mem>>) src(%dma_wait3A_177 : memref<10000x128xf32, #tpu.memory_space<hbm>>) dst(%arg10 : memref<80x128xf32, #tpu.memory_space<vmem>>)
    %dma_start3A_178 = arith.constant 0 : i32
    %dma_start3A_179 = arith.constant 0 : i32
    %dma_start3A_180 = tpu.memref_slice %arg9[%dma_start3A_178, %dma_start3A_179] : memref<64x80xi32, #tpu.memory_space<vmem>> -> memref<1x80xi32, #tpu.memory_space<vmem>>
    %dma_start3A_181 = tpu.memref_squeeze %dma_start3A_180 : memref<1x80xi32, #tpu.memory_space<vmem>> -> memref<80xi32, #tpu.memory_space<vmem>>
    %dma_start3A_182 = arith.constant 0 : i32
    %dma_start3A_183 = arith.constant 0 : i32
    %dma_start3A_184 = tpu.memref_slice %arg7[%dma_start3A_182, %dma_start3A_183] : memref<10000x128xf32, #tpu.memory_space<vmem_shared>> -> memref<10000x128xf32, #tpu.memory_space<vmem_shared>>
    tpu.enqueue_indirect_dma source(%arg10 : memref<80x128xf32, #tpu.memory_space<vmem>>) target(%dma_start3A_184 : memref<10000x128xf32, #tpu.memory_space<vmem_shared>>) offsets(%dma_start3A_181 : memref<80xi32, #tpu.memory_space<vmem>>) semaphore(%arg16 : memref<!tpu.dma_semaphore, #tpu.memory_space<semaphore_mem>>) {add = true}
    %scan3A_185 = arith.constant 0 : i32
    %scan3A_186 = arith.constant 0 : i32
    %scan3A_187 = arith.constant 19 : i32
    %scan3A_188 = arith.addi %scan3A_186, %scan3A_187 : i32
    %scan3A_189 = arith.constant 1 : i32
    scf.for %scan3A_306 = %scan3A_186 to %scan3A_188 step %scan3A_189  : i32 {
      %mul3A_307 = arith.constant 3 : i32
      %mul3A_308 = arith.muli %mul3A_307, %scan3A_306 : i32
      %add3A_309 = arith.constant 1 : i32
      %add3A_310 = arith.addi %mul3A_308, %add3A_309 : i32
      %dma_wait3A_311 = arith.constant 0 : i32
      %dma_wait3A_312 = tpu.memref_slice %arg8[%add3A_310, %dma_wait3A_311] : memref<64x80xi32, #tpu.memory_space<vmem>> -> memref<1x80xi32, #tpu.memory_space<vmem>>
      %dma_wait3A_313 = tpu.memref_squeeze %dma_wait3A_312 : memref<1x80xi32, #tpu.memory_space<vmem>> -> memref<80xi32, #tpu.memory_space<vmem>>
      %dma_wait3A_314 = arith.constant 0 : i32
      %dma_wait3A_315 = arith.constant 0 : i32
      %dma_wait3A_316 = tpu.memref_slice %arg2[%dma_wait3A_314, %dma_wait3A_315] : memref<10000x128xf32, #tpu.memory_space<hbm>> -> memref<10000x128xf32, #tpu.memory_space<hbm>>
      tpu.wait_indirect_dma semaphore(%arg14 : memref<!tpu.dma_semaphore, #tpu.memory_space<semaphore_mem>>) src(%dma_wait3A_316 : memref<10000x128xf32, #tpu.memory_space<hbm>>) dst(%arg11 : memref<80x128xf32, #tpu.memory_space<vmem>>)
      %dma_start3A_317 = arith.constant 0 : i32
      %dma_start3A_318 = tpu.memref_slice %arg9[%add3A_310, %dma_start3A_317] : memref<64x80xi32, #tpu.memory_space<vmem>> -> memref<1x80xi32, #tpu.memory_space<vmem>>
      %dma_start3A_319 = tpu.memref_squeeze %dma_start3A_318 : memref<1x80xi32, #tpu.memory_space<vmem>> -> memref<80xi32, #tpu.memory_space<vmem>>
      %dma_start3A_320 = arith.constant 0 : i32
      %dma_start3A_321 = arith.constant 0 : i32
      %dma_start3A_322 = tpu.memref_slice %arg7[%dma_start3A_320, %dma_start3A_321] : memref<10000x128xf32, #tpu.memory_space<vmem_shared>> -> memref<10000x128xf32, #tpu.memory_space<vmem_shared>>
      tpu.enqueue_indirect_dma source(%arg11 : memref<80x128xf32, #tpu.memory_space<vmem>>) target(%dma_start3A_322 : memref<10000x128xf32, #tpu.memory_space<vmem_shared>>) offsets(%dma_start3A_319 : memref<80xi32, #tpu.memory_space<vmem>>) semaphore(%arg17 : memref<!tpu.dma_semaphore, #tpu.memory_space<semaphore_mem>>) {add = true}
      %sub3A = arith.constant 1 : i32
      %sub3A_323 = arith.subi %add3A_310, %sub3A : i32
      %dma_wait3A_324 = arith.constant 0 : i32
      %dma_wait3A_325 = tpu.memref_slice %arg9[%sub3A_323, %dma_wait3A_324] : memref<64x80xi32, #tpu.memory_space<vmem>> -> memref<1x80xi32, #tpu.memory_space<vmem>>
      %dma_wait3A_326 = tpu.memref_squeeze %dma_wait3A_325 : memref<1x80xi32, #tpu.memory_space<vmem>> -> memref<80xi32, #tpu.memory_space<vmem>>
      %dma_wait3A_327 = arith.constant 0 : i32
      %dma_wait3A_328 = arith.constant 0 : i32
      %dma_wait3A_329 = tpu.memref_slice %arg7[%dma_wait3A_327, %dma_wait3A_328] : memref<10000x128xf32, #tpu.memory_space<vmem_shared>> -> memref<10000x128xf32, #tpu.memory_space<vmem_shared>>
      tpu.wait_indirect_dma semaphore(%arg16 : memref<!tpu.dma_semaphore, #tpu.memory_space<semaphore_mem>>) src(%arg10 : memref<80x128xf32, #tpu.memory_space<vmem>>) dst(%dma_wait3A_329 : memref<10000x128xf32, #tpu.memory_space<vmem_shared>>)
      %add3A_330 = arith.constant 2 : i32
      %add3A_331 = arith.addi %add3A_310, %add3A_330 : i32
      %dma_start3A_332 = arith.constant 0 : i32
      %dma_start3A_333 = tpu.memref_slice %arg8[%add3A_331, %dma_start3A_332] : memref<64x80xi32, #tpu.memory_space<vmem>> -> memref<1x80xi32, #tpu.memory_space<vmem>>
      %dma_start3A_334 = tpu.memref_squeeze %dma_start3A_333 : memref<1x80xi32, #tpu.memory_space<vmem>> -> memref<80xi32, #tpu.memory_space<vmem>>
      %dma_start3A_335 = arith.constant 0 : i32
      %dma_start3A_336 = arith.constant 0 : i32
      %dma_start3A_337 = tpu.memref_slice %arg2[%dma_start3A_335, %dma_start3A_336] : memref<10000x128xf32, #tpu.memory_space<hbm>> -> memref<10000x128xf32, #tpu.memory_space<hbm>>
      tpu.enqueue_indirect_dma source(%dma_start3A_337 : memref<10000x128xf32, #tpu.memory_space<hbm>>) target(%arg10 : memref<80x128xf32, #tpu.memory_space<vmem>>) offsets(%dma_start3A_334 : memref<80xi32, #tpu.memory_space<vmem>>) semaphore(%arg13 : memref<!tpu.dma_semaphore, #tpu.memory_space<semaphore_mem>>)
      %add3A_338 = arith.constant 1 : i32
      %add3A_339 = arith.addi %add3A_310, %add3A_338 : i32
      %dma_wait3A_340 = arith.constant 0 : i32
      %dma_wait3A_341 = tpu.memref_slice %arg8[%add3A_339, %dma_wait3A_340] : memref<64x80xi32, #tpu.memory_space<vmem>> -> memref<1x80xi32, #tpu.memory_space<vmem>>
      %dma_wait3A_342 = tpu.memref_squeeze %dma_wait3A_341 : memref<1x80xi32, #tpu.memory_space<vmem>> -> memref<80xi32, #tpu.memory_space<vmem>>
      %dma_wait3A_343 = arith.constant 0 : i32
      %dma_wait3A_344 = arith.constant 0 : i32
      %dma_wait3A_345 = tpu.memref_slice %arg2[%dma_wait3A_343, %dma_wait3A_344] : memref<10000x128xf32, #tpu.memory_space<hbm>> -> memref<10000x128xf32, #tpu.memory_space<hbm>>
      tpu.wait_indirect_dma semaphore(%arg15 : memref<!tpu.dma_semaphore, #tpu.memory_space<semaphore_mem>>) src(%dma_wait3A_345 : memref<10000x128xf32, #tpu.memory_space<hbm>>) dst(%arg12 : memref<80x128xf32, #tpu.memory_space<vmem>>)
      %add3A_346 = arith.constant 1 : i32
      %add3A_347 = arith.addi %add3A_310, %add3A_346 : i32
      %dma_start3A_348 = arith.constant 0 : i32
      %dma_start3A_349 = tpu.memref_slice %arg9[%add3A_347, %dma_start3A_348] : memref<64x80xi32, #tpu.memory_space<vmem>> -> memref<1x80xi32, #tpu.memory_space<vmem>>
      %dma_start3A_350 = tpu.memref_squeeze %dma_start3A_349 : memref<1x80xi32, #tpu.memory_space<vmem>> -> memref<80xi32, #tpu.memory_space<vmem>>
      %dma_start3A_351 = arith.constant 0 : i32
      %dma_start3A_352 = arith.constant 0 : i32
      %dma_start3A_353 = tpu.memref_slice %arg7[%dma_start3A_351, %dma_start3A_352] : memref<10000x128xf32, #tpu.memory_space<vmem_shared>> -> memref<10000x128xf32, #tpu.memory_space<vmem_shared>>
      tpu.enqueue_indirect_dma source(%arg12 : memref<80x128xf32, #tpu.memory_space<vmem>>) target(%dma_start3A_353 : memref<10000x128xf32, #tpu.memory_space<vmem_shared>>) offsets(%dma_start3A_350 : memref<80xi32, #tpu.memory_space<vmem>>) semaphore(%arg18 : memref<!tpu.dma_semaphore, #tpu.memory_space<semaphore_mem>>) {add = true}
      %dma_wait3A_354 = arith.constant 0 : i32
      %dma_wait3A_355 = tpu.memref_slice %arg9[%add3A_310, %dma_wait3A_354] : memref<64x80xi32, #tpu.memory_space<vmem>> -> memref<1x80xi32, #tpu.memory_space<vmem>>
      %dma_wait3A_356 = tpu.memref_squeeze %dma_wait3A_355 : memref<1x80xi32, #tpu.memory_space<vmem>> -> memref<80xi32, #tpu.memory_space<vmem>>
      %dma_wait3A_357 = arith.constant 0 : i32
      %dma_wait3A_358 = arith.constant 0 : i32
      %dma_wait3A_359 = tpu.memref_slice %arg7[%dma_wait3A_357, %dma_wait3A_358] : memref<10000x128xf32, #tpu.memory_space<vmem_shared>> -> memref<10000x128xf32, #tpu.memory_space<vmem_shared>>
      tpu.wait_indirect_dma semaphore(%arg17 : memref<!tpu.dma_semaphore, #tpu.memory_space<semaphore_mem>>) src(%arg11 : memref<80x128xf32, #tpu.memory_space<vmem>>) dst(%dma_wait3A_359 : memref<10000x128xf32, #tpu.memory_space<vmem_shared>>)
      %add3A_360 = arith.constant 3 : i32
      %add3A_361 = arith.addi %add3A_310, %add3A_360 : i32
      %dma_start3A_362 = arith.constant 0 : i32
      %dma_start3A_363 = tpu.memref_slice %arg8[%add3A_361, %dma_start3A_362] : memref<64x80xi32, #tpu.memory_space<vmem>> -> memref<1x80xi32, #tpu.memory_space<vmem>>
      %dma_start3A_364 = tpu.memref_squeeze %dma_start3A_363 : memref<1x80xi32, #tpu.memory_space<vmem>> -> memref<80xi32, #tpu.memory_space<vmem>>
      %dma_start3A_365 = arith.constant 0 : i32
      %dma_start3A_366 = arith.constant 0 : i32
      %dma_start3A_367 = tpu.memref_slice %arg2[%dma_start3A_365, %dma_start3A_366] : memref<10000x128xf32, #tpu.memory_space<hbm>> -> memref<10000x128xf32, #tpu.memory_space<hbm>>
      tpu.enqueue_indirect_dma source(%dma_start3A_367 : memref<10000x128xf32, #tpu.memory_space<hbm>>) target(%arg11 : memref<80x128xf32, #tpu.memory_space<vmem>>) offsets(%dma_start3A_364 : memref<80xi32, #tpu.memory_space<vmem>>) semaphore(%arg14 : memref<!tpu.dma_semaphore, #tpu.memory_space<semaphore_mem>>)
      %add3A_368 = arith.constant 2 : i32
      %add3A_369 = arith.addi %add3A_310, %add3A_368 : i32
      %dma_wait3A_370 = arith.constant 0 : i32
      %dma_wait3A_371 = tpu.memref_slice %arg8[%add3A_369, %dma_wait3A_370] : memref<64x80xi32, #tpu.memory_space<vmem>> -> memref<1x80xi32, #tpu.memory_space<vmem>>
      %dma_wait3A_372 = tpu.memref_squeeze %dma_wait3A_371 : memref<1x80xi32, #tpu.memory_space<vmem>> -> memref<80xi32, #tpu.memory_space<vmem>>
      %dma_wait3A_373 = arith.constant 0 : i32
      %dma_wait3A_374 = arith.constant 0 : i32
      %dma_wait3A_375 = tpu.memref_slice %arg2[%dma_wait3A_373, %dma_wait3A_374] : memref<10000x128xf32, #tpu.memory_space<hbm>> -> memref<10000x128xf32, #tpu.memory_space<hbm>>
      tpu.wait_indirect_dma semaphore(%arg13 : memref<!tpu.dma_semaphore, #tpu.memory_space<semaphore_mem>>) src(%dma_wait3A_375 : memref<10000x128xf32, #tpu.memory_space<hbm>>) dst(%arg10 : memref<80x128xf32, #tpu.memory_space<vmem>>)
      %add3A_376 = arith.constant 2 : i32
      %add3A_377 = arith.addi %add3A_310, %add3A_376 : i32
      %dma_start3A_378 = arith.constant 0 : i32
      %dma_start3A_379 = tpu.memref_slice %arg9[%add3A_377, %dma_start3A_378] : memref<64x80xi32, #tpu.memory_space<vmem>> -> memref<1x80xi32, #tpu.memory_space<vmem>>
      %dma_start3A_380 = tpu.memref_squeeze %dma_start3A_379 : memref<1x80xi32, #tpu.memory_space<vmem>> -> memref<80xi32, #tpu.memory_space<vmem>>
      %dma_start3A_381 = arith.constant 0 : i32
      %dma_start3A_382 = arith.constant 0 : i32
      %dma_start3A_383 = tpu.memref_slice %arg7[%dma_start3A_381, %dma_start3A_382] : memref<10000x128xf32, #tpu.memory_space<vmem_shared>> -> memref<10000x128xf32, #tpu.memory_space<vmem_shared>>
      tpu.enqueue_indirect_dma source(%arg10 : memref<80x128xf32, #tpu.memory_space<vmem>>) target(%dma_start3A_383 : memref<10000x128xf32, #tpu.memory_space<vmem_shared>>) offsets(%dma_start3A_380 : memref<80xi32, #tpu.memory_space<vmem>>) semaphore(%arg16 : memref<!tpu.dma_semaphore, #tpu.memory_space<semaphore_mem>>) {add = true}
      %add3A_384 = arith.constant 1 : i32
      %add3A_385 = arith.addi %add3A_310, %add3A_384 : i32
      %dma_wait3A_386 = arith.constant 0 : i32
      %dma_wait3A_387 = tpu.memref_slice %arg9[%add3A_385, %dma_wait3A_386] : memref<64x80xi32, #tpu.memory_space<vmem>> -> memref<1x80xi32, #tpu.memory_space<vmem>>
      %dma_wait3A_388 = tpu.memref_squeeze %dma_wait3A_387 : memref<1x80xi32, #tpu.memory_space<vmem>> -> memref<80xi32, #tpu.memory_space<vmem>>
      %dma_wait3A_389 = arith.constant 0 : i32
      %dma_wait3A_390 = arith.constant 0 : i32
      %dma_wait3A_391 = tpu.memref_slice %arg7[%dma_wait3A_389, %dma_wait3A_390] : memref<10000x128xf32, #tpu.memory_space<vmem_shared>> -> memref<10000x128xf32, #tpu.memory_space<vmem_shared>>
      tpu.wait_indirect_dma semaphore(%arg18 : memref<!tpu.dma_semaphore, #tpu.memory_space<semaphore_mem>>) src(%arg12 : memref<80x128xf32, #tpu.memory_space<vmem>>) dst(%dma_wait3A_391 : memref<10000x128xf32, #tpu.memory_space<vmem_shared>>)
      %add3A_392 = arith.constant 4 : i32
      %add3A_393 = arith.addi %add3A_310, %add3A_392 : i32
      %dma_start3A_394 = arith.constant 0 : i32
      %dma_start3A_395 = tpu.memref_slice %arg8[%add3A_393, %dma_start3A_394] : memref<64x80xi32, #tpu.memory_space<vmem>> -> memref<1x80xi32, #tpu.memory_space<vmem>>
      %dma_start3A_396 = tpu.memref_squeeze %dma_start3A_395 : memref<1x80xi32, #tpu.memory_space<vmem>> -> memref<80xi32, #tpu.memory_space<vmem>>
      %dma_start3A_397 = arith.constant 0 : i32
      %dma_start3A_398 = arith.constant 0 : i32
      %dma_start3A_399 = tpu.memref_slice %arg2[%dma_start3A_397, %dma_start3A_398] : memref<10000x128xf32, #tpu.memory_space<hbm>> -> memref<10000x128xf32, #tpu.memory_space<hbm>>
      tpu.enqueue_indirect_dma source(%dma_start3A_399 : memref<10000x128xf32, #tpu.memory_space<hbm>>) target(%arg12 : memref<80x128xf32, #tpu.memory_space<vmem>>) offsets(%dma_start3A_396 : memref<80xi32, #tpu.memory_space<vmem>>) semaphore(%arg15 : memref<!tpu.dma_semaphore, #tpu.memory_space<semaphore_mem>>)
    }
    %scan3A_190 = arith.constant 19 : i32
    %dma_wait3A_191 = arith.constant 58 : i32
    %dma_wait3A_192 = arith.constant 0 : i32
    %dma_wait3A_193 = tpu.memref_slice %arg8[%dma_wait3A_191, %dma_wait3A_192] : memref<64x80xi32, #tpu.memory_space<vmem>> -> memref<1x80xi32, #tpu.memory_space<vmem>>
    %dma_wait3A_194 = tpu.memref_squeeze %dma_wait3A_193 : memref<1x80xi32, #tpu.memory_space<vmem>> -> memref<80xi32, #tpu.memory_space<vmem>>
    %dma_wait3A_195 = arith.constant 0 : i32
    %dma_wait3A_196 = arith.constant 0 : i32
    %dma_wait3A_197 = tpu.memref_slice %arg2[%dma_wait3A_195, %dma_wait3A_196] : memref<10000x128xf32, #tpu.memory_space<hbm>> -> memref<10000x128xf32, #tpu.memory_space<hbm>>
    tpu.wait_indirect_dma semaphore(%arg14 : memref<!tpu.dma_semaphore, #tpu.memory_space<semaphore_mem>>) src(%dma_wait3A_197 : memref<10000x128xf32, #tpu.memory_space<hbm>>) dst(%arg11 : memref<80x128xf32, #tpu.memory_space<vmem>>)
    %dma_start3A_198 = arith.constant 58 : i32
    %dma_start3A_199 = arith.constant 0 : i32
    %dma_start3A_200 = tpu.memref_slice %arg9[%dma_start3A_198, %dma_start3A_199] : memref<64x80xi32, #tpu.memory_space<vmem>> -> memref<1x80xi32, #tpu.memory_space<vmem>>
    %dma_start3A_201 = tpu.memref_squeeze %dma_start3A_200 : memref<1x80xi32, #tpu.memory_space<vmem>> -> memref<80xi32, #tpu.memory_space<vmem>>
    %dma_start3A_202 = arith.constant 0 : i32
    %dma_start3A_203 = arith.constant 0 : i32
    %dma_start3A_204 = tpu.memref_slice %arg7[%dma_start3A_202, %dma_start3A_203] : memref<10000x128xf32, #tpu.memory_space<vmem_shared>> -> memref<10000x128xf32, #tpu.memory_space<vmem_shared>>
    tpu.enqueue_indirect_dma source(%arg11 : memref<80x128xf32, #tpu.memory_space<vmem>>) target(%dma_start3A_204 : memref<10000x128xf32, #tpu.memory_space<vmem_shared>>) offsets(%dma_start3A_201 : memref<80xi32, #tpu.memory_space<vmem>>) semaphore(%arg17 : memref<!tpu.dma_semaphore, #tpu.memory_space<semaphore_mem>>) {add = true}
    %dma_wait3A_205 = arith.constant 57 : i32
    %dma_wait3A_206 = arith.constant 0 : i32
    %dma_wait3A_207 = tpu.memref_slice %arg9[%dma_wait3A_205, %dma_wait3A_206] : memref<64x80xi32, #tpu.memory_space<vmem>> -> memref<1x80xi32, #tpu.memory_space<vmem>>
    %dma_wait3A_208 = tpu.memref_squeeze %dma_wait3A_207 : memref<1x80xi32, #tpu.memory_space<vmem>> -> memref<80xi32, #tpu.memory_space<vmem>>
    %dma_wait3A_209 = arith.constant 0 : i32
    %dma_wait3A_210 = arith.constant 0 : i32
    %dma_wait3A_211 = tpu.memref_slice %arg7[%dma_wait3A_209, %dma_wait3A_210] : memref<10000x128xf32, #tpu.memory_space<vmem_shared>> -> memref<10000x128xf32, #tpu.memory_space<vmem_shared>>
    tpu.wait_indirect_dma semaphore(%arg16 : memref<!tpu.dma_semaphore, #tpu.memory_space<semaphore_mem>>) src(%arg10 : memref<80x128xf32, #tpu.memory_space<vmem>>) dst(%dma_wait3A_211 : memref<10000x128xf32, #tpu.memory_space<vmem_shared>>)
    %dma_start3A_212 = arith.constant 60 : i32
    %dma_start3A_213 = arith.constant 0 : i32
    %dma_start3A_214 = tpu.memref_slice %arg8[%dma_start3A_212, %dma_start3A_213] : memref<64x80xi32, #tpu.memory_space<vmem>> -> memref<1x80xi32, #tpu.memory_space<vmem>>
    %dma_start3A_215 = tpu.memref_squeeze %dma_start3A_214 : memref<1x80xi32, #tpu.memory_space<vmem>> -> memref<80xi32, #tpu.memory_space<vmem>>
    %dma_start3A_216 = arith.constant 0 : i32
    %dma_start3A_217 = arith.constant 0 : i32
    %dma_start3A_218 = tpu.memref_slice %arg2[%dma_start3A_216, %dma_start3A_217] : memref<10000x128xf32, #tpu.memory_space<hbm>> -> memref<10000x128xf32, #tpu.memory_space<hbm>>
    tpu.enqueue_indirect_dma source(%dma_start3A_218 : memref<10000x128xf32, #tpu.memory_space<hbm>>) target(%arg10 : memref<80x128xf32, #tpu.memory_space<vmem>>) offsets(%dma_start3A_215 : memref<80xi32, #tpu.memory_space<vmem>>) semaphore(%arg13 : memref<!tpu.dma_semaphore, #tpu.memory_space<semaphore_mem>>)
    %dma_wait3A_219 = arith.constant 59 : i32
    %dma_wait3A_220 = arith.constant 0 : i32
    %dma_wait3A_221 = tpu.memref_slice %arg8[%dma_wait3A_219, %dma_wait3A_220] : memref<64x80xi32, #tpu.memory_space<vmem>> -> memref<1x80xi32, #tpu.memory_space<vmem>>
    %dma_wait3A_222 = tpu.memref_squeeze %dma_wait3A_221 : memref<1x80xi32, #tpu.memory_space<vmem>> -> memref<80xi32, #tpu.memory_space<vmem>>
    %dma_wait3A_223 = arith.constant 0 : i32
    %dma_wait3A_224 = arith.constant 0 : i32
    %dma_wait3A_225 = tpu.memref_slice %arg2[%dma_wait3A_223, %dma_wait3A_224] : memref<10000x128xf32, #tpu.memory_space<hbm>> -> memref<10000x128xf32, #tpu.memory_space<hbm>>
    tpu.wait_indirect_dma semaphore(%arg15 : memref<!tpu.dma_semaphore, #tpu.memory_space<semaphore_mem>>) src(%dma_wait3A_225 : memref<10000x128xf32, #tpu.memory_space<hbm>>) dst(%arg12 : memref<80x128xf32, #tpu.memory_space<vmem>>)
    %dma_start3A_226 = arith.constant 59 : i32
    %dma_start3A_227 = arith.constant 0 : i32
    %dma_start3A_228 = tpu.memref_slice %arg9[%dma_start3A_226, %dma_start3A_227] : memref<64x80xi32, #tpu.memory_space<vmem>> -> memref<1x80xi32, #tpu.memory_space<vmem>>
    %dma_start3A_229 = tpu.memref_squeeze %dma_start3A_228 : memref<1x80xi32, #tpu.memory_space<vmem>> -> memref<80xi32, #tpu.memory_space<vmem>>
    %dma_start3A_230 = arith.constant 0 : i32
    %dma_start3A_231 = arith.constant 0 : i32
    %dma_start3A_232 = tpu.memref_slice %arg7[%dma_start3A_230, %dma_start3A_231] : memref<10000x128xf32, #tpu.memory_space<vmem_shared>> -> memref<10000x128xf32, #tpu.memory_space<vmem_shared>>
    tpu.enqueue_indirect_dma source(%arg12 : memref<80x128xf32, #tpu.memory_space<vmem>>) target(%dma_start3A_232 : memref<10000x128xf32, #tpu.memory_space<vmem_shared>>) offsets(%dma_start3A_229 : memref<80xi32, #tpu.memory_space<vmem>>) semaphore(%arg18 : memref<!tpu.dma_semaphore, #tpu.memory_space<semaphore_mem>>) {add = true}
    %dma_wait3A_233 = arith.constant 58 : i32
    %dma_wait3A_234 = arith.constant 0 : i32
    %dma_wait3A_235 = tpu.memref_slice %arg9[%dma_wait3A_233, %dma_wait3A_234] : memref<64x80xi32, #tpu.memory_space<vmem>> -> memref<1x80xi32, #tpu.memory_space<vmem>>
    %dma_wait3A_236 = tpu.memref_squeeze %dma_wait3A_235 : memref<1x80xi32, #tpu.memory_space<vmem>> -> memref<80xi32, #tpu.memory_space<vmem>>
    %dma_wait3A_237 = arith.constant 0 : i32
    %dma_wait3A_238 = arith.constant 0 : i32
    %dma_wait3A_239 = tpu.memref_slice %arg7[%dma_wait3A_237, %dma_wait3A_238] : memref<10000x128xf32, #tpu.memory_space<vmem_shared>> -> memref<10000x128xf32, #tpu.memory_space<vmem_shared>>
    tpu.wait_indirect_dma semaphore(%arg17 : memref<!tpu.dma_semaphore, #tpu.memory_space<semaphore_mem>>) src(%arg11 : memref<80x128xf32, #tpu.memory_space<vmem>>) dst(%dma_wait3A_239 : memref<10000x128xf32, #tpu.memory_space<vmem_shared>>)
    %dma_wait3A_240 = arith.constant 60 : i32
    %dma_wait3A_241 = arith.constant 0 : i32
    %dma_wait3A_242 = tpu.memref_slice %arg8[%dma_wait3A_240, %dma_wait3A_241] : memref<64x80xi32, #tpu.memory_space<vmem>> -> memref<1x80xi32, #tpu.memory_space<vmem>>
    %dma_wait3A_243 = tpu.memref_squeeze %dma_wait3A_242 : memref<1x80xi32, #tpu.memory_space<vmem>> -> memref<80xi32, #tpu.memory_space<vmem>>
    %dma_wait3A_244 = arith.constant 0 : i32
    %dma_wait3A_245 = arith.constant 0 : i32
    %dma_wait3A_246 = tpu.memref_slice %arg2[%dma_wait3A_244, %dma_wait3A_245] : memref<10000x128xf32, #tpu.memory_space<hbm>> -> memref<10000x128xf32, #tpu.memory_space<hbm>>
    tpu.wait_indirect_dma semaphore(%arg13 : memref<!tpu.dma_semaphore, #tpu.memory_space<semaphore_mem>>) src(%dma_wait3A_246 : memref<10000x128xf32, #tpu.memory_space<hbm>>) dst(%arg10 : memref<80x128xf32, #tpu.memory_space<vmem>>)
    %dma_start3A_247 = arith.constant 60 : i32
    %dma_start3A_248 = arith.constant 0 : i32
    %dma_start3A_249 = tpu.memref_slice %arg9[%dma_start3A_247, %dma_start3A_248] : memref<64x80xi32, #tpu.memory_space<vmem>> -> memref<1x80xi32, #tpu.memory_space<vmem>>
    %dma_start3A_250 = tpu.memref_squeeze %dma_start3A_249 : memref<1x80xi32, #tpu.memory_space<vmem>> -> memref<80xi32, #tpu.memory_space<vmem>>
    %dma_start3A_251 = arith.constant 0 : i32
    %dma_start3A_252 = arith.constant 0 : i32
    %dma_start3A_253 = tpu.memref_slice %arg7[%dma_start3A_251, %dma_start3A_252] : memref<10000x128xf32, #tpu.memory_space<vmem_shared>> -> memref<10000x128xf32, #tpu.memory_space<vmem_shared>>
    tpu.enqueue_indirect_dma source(%arg10 : memref<80x128xf32, #tpu.memory_space<vmem>>) target(%dma_start3A_253 : memref<10000x128xf32, #tpu.memory_space<vmem_shared>>) offsets(%dma_start3A_250 : memref<80xi32, #tpu.memory_space<vmem>>) semaphore(%arg16 : memref<!tpu.dma_semaphore, #tpu.memory_space<semaphore_mem>>) {add = true}
    %dma_wait3A_254 = arith.constant 59 : i32
    %dma_wait3A_255 = arith.constant 0 : i32
    %dma_wait3A_256 = tpu.memref_slice %arg9[%dma_wait3A_254, %dma_wait3A_255] : memref<64x80xi32, #tpu.memory_space<vmem>> -> memref<1x80xi32, #tpu.memory_space<vmem>>
    %dma_wait3A_257 = tpu.memref_squeeze %dma_wait3A_256 : memref<1x80xi32, #tpu.memory_space<vmem>> -> memref<80xi32, #tpu.memory_space<vmem>>
    %dma_wait3A_258 = arith.constant 0 : i32
    %dma_wait3A_259 = arith.constant 0 : i32
    %dma_wait3A_260 = tpu.memref_slice %arg7[%dma_wait3A_258, %dma_wait3A_259] : memref<10000x128xf32, #tpu.memory_space<vmem_shared>> -> memref<10000x128xf32, #tpu.memory_space<vmem_shared>>
    tpu.wait_indirect_dma semaphore(%arg18 : memref<!tpu.dma_semaphore, #tpu.memory_space<semaphore_mem>>) src(%arg12 : memref<80x128xf32, #tpu.memory_space<vmem>>) dst(%dma_wait3A_260 : memref<10000x128xf32, #tpu.memory_space<vmem_shared>>)
    %dma_wait3A_261 = arith.constant 60 : i32
    %dma_wait3A_262 = arith.constant 0 : i32
    %dma_wait3A_263 = tpu.memref_slice %arg9[%dma_wait3A_261, %dma_wait3A_262] : memref<64x80xi32, #tpu.memory_space<vmem>> -> memref<1x80xi32, #tpu.memory_space<vmem>>
    %dma_wait3A_264 = tpu.memref_squeeze %dma_wait3A_263 : memref<1x80xi32, #tpu.memory_space<vmem>> -> memref<80xi32, #tpu.memory_space<vmem>>
    %dma_wait3A_265 = arith.constant 0 : i32
    %dma_wait3A_266 = arith.constant 0 : i32
    %dma_wait3A_267 = tpu.memref_slice %arg7[%dma_wait3A_265, %dma_wait3A_266] : memref<10000x128xf32, #tpu.memory_space<vmem_shared>> -> memref<10000x128xf32, #tpu.memory_space<vmem_shared>>
    tpu.wait_indirect_dma semaphore(%arg16 : memref<!tpu.dma_semaphore, #tpu.memory_space<semaphore_mem>>) src(%arg10 : memref<80x128xf32, #tpu.memory_space<vmem>>) dst(%dma_wait3A_267 : memref<10000x128xf32, #tpu.memory_space<vmem_shared>>)
    %barrier3A_268 = arith.constant 0 : index
    tpu.barrier barrier_id(%barrier3A_268)
    %mul3A_269 = arith.constant 624 : i32
    %mul3A_270 = arith.muli %arg1, %mul3A_269 : i32
    %add3A_271 = arith.constant 0 : i32
    %add3A_272 = arith.addi %mul3A_270, %add3A_271 : i32
    "tpu.region"() ({
      %run_scoped3A = tpu.sem_alloc : memref<!tpu.dma_semaphore, #tpu.memory_space<semaphore_mem>>
      %dma_start3A_306 = arith.constant 0 : i32
      %dma_start3A_307 = tpu.memref_slice %arg7[%add3A_272, %dma_start3A_306] : memref<10000x128xf32, #tpu.memory_space<vmem_shared>> -> memref<80x128xf32, #tpu.memory_space<vmem_shared>>
      %dma_start3A_308 = arith.constant 0 : i32
      %dma_start3A_309 = tpu.memref_slice %arg7[%add3A_272, %dma_start3A_308] : memref<10000x128xf32, #tpu.memory_space<vmem_shared>> -> memref<80x128xf32, #tpu.memory_space<vmem_shared>>
      tpu.enqueue_dma source(%dma_start3A_309 : memref<80x128xf32, #tpu.memory_space<vmem_shared>>) target(%arg10 : memref<80x128xf32, #tpu.memory_space<vmem>>) target_semaphore(%run_scoped3A : memref<!tpu.dma_semaphore, #tpu.memory_space<semaphore_mem>>)
      %dma_wait3A_310 = arith.constant 0 : i32
      %dma_wait3A_311 = tpu.memref_slice %arg7[%add3A_272, %dma_wait3A_310] : memref<10000x128xf32, #tpu.memory_space<vmem_shared>> -> memref<80x128xf32, #tpu.memory_space<vmem_shared>>
      %dma_wait3A_312 = arith.constant 0 : i32
      %dma_wait3A_313 = tpu.memref_slice %arg7[%add3A_272, %dma_wait3A_312] : memref<10000x128xf32, #tpu.memory_space<vmem_shared>> -> memref<80x128xf32, #tpu.memory_space<vmem_shared>>
      tpu.wait_dma2 semaphore(%run_scoped3A : memref<!tpu.dma_semaphore, #tpu.memory_space<semaphore_mem>>) src(%dma_wait3A_313 : memref<80x128xf32, #tpu.memory_space<vmem_shared>>) dst(%arg10 : memref<80x128xf32, #tpu.memory_space<vmem>>)
      tpu.yield
    }) : () -> ()
    "tpu.region"() ({
      %run_scoped3A = tpu.sem_alloc : memref<!tpu.dma_semaphore, #tpu.memory_space<semaphore_mem>>
      %dma_start3A_306 = arith.constant 0 : i32
      %dma_start3A_307 = tpu.memref_slice %arg6[%arg0, %add3A_272, %dma_start3A_306] : memref<2x10000x128xf32, #tpu.memory_space<hbm>> -> memref<1x80x128xf32, #tpu.memory_space<hbm>>
      %dma_start3A_308 = tpu.memref_squeeze %dma_start3A_307 : memref<1x80x128xf32, #tpu.memory_space<hbm>> -> memref<80x128xf32, #tpu.memory_space<hbm>>
      %dma_start3A_309 = arith.constant 0 : i32
      %dma_start3A_310 = tpu.memref_slice %arg6[%arg0, %add3A_272, %dma_start3A_309] : memref<2x10000x128xf32, #tpu.memory_space<hbm>> -> memref<1x80x128xf32, #tpu.memory_space<hbm>>
      %dma_start3A_311 = tpu.memref_squeeze %dma_start3A_310 : memref<1x80x128xf32, #tpu.memory_space<hbm>> -> memref<80x128xf32, #tpu.memory_space<hbm>>
      tpu.enqueue_dma source(%arg10 : memref<80x128xf32, #tpu.memory_space<vmem>>) target(%dma_start3A_311 : memref<80x128xf32, #tpu.memory_space<hbm>>) target_semaphore(%run_scoped3A : memref<!tpu.dma_semaphore, #tpu.memory_space<semaphore_mem>>)
      %dma_wait3A_312 = arith.constant 0 : i32
      %dma_wait3A_313 = tpu.memref_slice %arg6[%arg0, %add3A_272, %dma_wait3A_312] : memref<2x10000x128xf32, #tpu.memory_space<hbm>> -> memref<1x80x128xf32, #tpu.memory_space<hbm>>
      %dma_wait3A_314 = tpu.memref_squeeze %dma_wait3A_313 : memref<1x80x128xf32, #tpu.memory_space<hbm>> -> memref<80x128xf32, #tpu.memory_space<hbm>>
      %dma_wait3A_315 = arith.constant 0 : i32
      %dma_wait3A_316 = tpu.memref_slice %arg6[%arg0, %add3A_272, %dma_wait3A_315] : memref<2x10000x128xf32, #tpu.memory_space<hbm>> -> memref<1x80x128xf32, #tpu.memory_space<hbm>>
      %dma_wait3A_317 = tpu.memref_squeeze %dma_wait3A_316 : memref<1x80x128xf32, #tpu.memory_space<hbm>> -> memref<80x128xf32, #tpu.memory_space<hbm>>
      tpu.wait_dma2 semaphore(%run_scoped3A : memref<!tpu.dma_semaphore, #tpu.memory_space<semaphore_mem>>) src(%arg10 : memref<80x128xf32, #tpu.memory_space<vmem>>) dst(%dma_wait3A_317 : memref<80x128xf32, #tpu.memory_space<hbm>>)
      tpu.yield
    }) : () -> ()
    %mul3A_273 = arith.constant 624 : i32
    %mul3A_274 = arith.muli %arg1, %mul3A_273 : i32
    %add3A_275 = arith.constant 80 : i32
    %add3A_276 = arith.addi %mul3A_274, %add3A_275 : i32
    "tpu.region"() ({
      %run_scoped3A = tpu.sem_alloc : memref<!tpu.dma_semaphore, #tpu.memory_space<semaphore_mem>>
      %dma_start3A_306 = arith.constant 0 : i32
      %dma_start3A_307 = tpu.memref_slice %arg7[%add3A_276, %dma_start3A_306] : memref<10000x128xf32, #tpu.memory_space<vmem_shared>> -> memref<80x128xf32, #tpu.memory_space<vmem_shared>>
      %dma_start3A_308 = arith.constant 0 : i32
      %dma_start3A_309 = tpu.memref_slice %arg7[%add3A_276, %dma_start3A_308] : memref<10000x128xf32, #tpu.memory_space<vmem_shared>> -> memref<80x128xf32, #tpu.memory_space<vmem_shared>>
      tpu.enqueue_dma source(%dma_start3A_309 : memref<80x128xf32, #tpu.memory_space<vmem_shared>>) target(%arg10 : memref<80x128xf32, #tpu.memory_space<vmem>>) target_semaphore(%run_scoped3A : memref<!tpu.dma_semaphore, #tpu.memory_space<semaphore_mem>>)
      %dma_wait3A_310 = arith.constant 0 : i32
      %dma_wait3A_311 = tpu.memref_slice %arg7[%add3A_276, %dma_wait3A_310] : memref<10000x128xf32, #tpu.memory_space<vmem_shared>> -> memref<80x128xf32, #tpu.memory_space<vmem_shared>>
      %dma_wait3A_312 = arith.constant 0 : i32
      %dma_wait3A_313 = tpu.memref_slice %arg7[%add3A_276, %dma_wait3A_312] : memref<10000x128xf32, #tpu.memory_space<vmem_shared>> -> memref<80x128xf32, #tpu.memory_space<vmem_shared>>
      tpu.wait_dma2 semaphore(%run_scoped3A : memref<!tpu.dma_semaphore, #tpu.memory_space<semaphore_mem>>) src(%dma_wait3A_313 : memref<80x128xf32, #tpu.memory_space<vmem_shared>>) dst(%arg10 : memref<80x128xf32, #tpu.memory_space<vmem>>)
      tpu.yield
    }) : () -> ()
    "tpu.region"() ({
      %run_scoped3A = tpu.sem_alloc : memref<!tpu.dma_semaphore, #tpu.memory_space<semaphore_mem>>
      %dma_start3A_306 = arith.constant 0 : i32
      %dma_start3A_307 = tpu.memref_slice %arg6[%arg0, %add3A_276, %dma_start3A_306] : memref<2x10000x128xf32, #tpu.memory_space<hbm>> -> memref<1x80x128xf32, #tpu.memory_space<hbm>>
      %dma_start3A_308 = tpu.memref_squeeze %dma_start3A_307 : memref<1x80x128xf32, #tpu.memory_space<hbm>> -> memref<80x128xf32, #tpu.memory_space<hbm>>
      %dma_start3A_309 = arith.constant 0 : i32
      %dma_start3A_310 = tpu.memref_slice %arg6[%arg0, %add3A_276, %dma_start3A_309] : memref<2x10000x128xf32, #tpu.memory_space<hbm>> -> memref<1x80x128xf32, #tpu.memory_space<hbm>>
      %dma_start3A_311 = tpu.memref_squeeze %dma_start3A_310 : memref<1x80x128xf32, #tpu.memory_space<hbm>> -> memref<80x128xf32, #tpu.memory_space<hbm>>
      tpu.enqueue_dma source(%arg10 : memref<80x128xf32, #tpu.memory_space<vmem>>) target(%dma_start3A_311 : memref<80x128xf32, #tpu.memory_space<hbm>>) target_semaphore(%run_scoped3A : memref<!tpu.dma_semaphore, #tpu.memory_space<semaphore_mem>>)
      %dma_wait3A_312 = arith.constant 0 : i32
      %dma_wait3A_313 = tpu.memref_slice %arg6[%arg0, %add3A_276, %dma_wait3A_312] : memref<2x10000x128xf32, #tpu.memory_space<hbm>> -> memref<1x80x128xf32, #tpu.memory_space<hbm>>
      %dma_wait3A_314 = tpu.memref_squeeze %dma_wait3A_313 : memref<1x80x128xf32, #tpu.memory_space<hbm>> -> memref<80x128xf32, #tpu.memory_space<hbm>>
      %dma_wait3A_315 = arith.constant 0 : i32
      %dma_wait3A_316 = tpu.memref_slice %arg6[%arg0, %add3A_276, %dma_wait3A_315] : memref<2x10000x128xf32, #tpu.memory_space<hbm>> -> memref<1x80x128xf32, #tpu.memory_space<hbm>>
      %dma_wait3A_317 = tpu.memref_squeeze %dma_wait3A_316 : memref<1x80x128xf32, #tpu.memory_space<hbm>> -> memref<80x128xf32, #tpu.memory_space<hbm>>
      tpu.wait_dma2 semaphore(%run_scoped3A : memref<!tpu.dma_semaphore, #tpu.memory_space<semaphore_mem>>) src(%arg10 : memref<80x128xf32, #tpu.memory_space<vmem>>) dst(%dma_wait3A_317 : memref<80x128xf32, #tpu.memory_space<hbm>>)
      tpu.yield
    }) : () -> ()
    %mul3A_277 = arith.constant 624 : i32
    %mul3A_278 = arith.muli %arg1, %mul3A_277 : i32
    %add3A_279 = arith.constant 160 : i32
    %add3A_280 = arith.addi %mul3A_278, %add3A_279 : i32
    "tpu.region"() ({
      %run_scoped3A = tpu.sem_alloc : memref<!tpu.dma_semaphore, #tpu.memory_space<semaphore_mem>>
      %dma_start3A_306 = arith.constant 0 : i32
      %dma_start3A_307 = tpu.memref_slice %arg7[%add3A_280, %dma_start3A_306] : memref<10000x128xf32, #tpu.memory_space<vmem_shared>> -> memref<80x128xf32, #tpu.memory_space<vmem_shared>>
      %dma_start3A_308 = arith.constant 0 : i32
      %dma_start3A_309 = tpu.memref_slice %arg7[%add3A_280, %dma_start3A_308] : memref<10000x128xf32, #tpu.memory_space<vmem_shared>> -> memref<80x128xf32, #tpu.memory_space<vmem_shared>>
      tpu.enqueue_dma source(%dma_start3A_309 : memref<80x128xf32, #tpu.memory_space<vmem_shared>>) target(%arg10 : memref<80x128xf32, #tpu.memory_space<vmem>>) target_semaphore(%run_scoped3A : memref<!tpu.dma_semaphore, #tpu.memory_space<semaphore_mem>>)
      %dma_wait3A_310 = arith.constant 0 : i32
      %dma_wait3A_311 = tpu.memref_slice %arg7[%add3A_280, %dma_wait3A_310] : memref<10000x128xf32, #tpu.memory_space<vmem_shared>> -> memref<80x128xf32, #tpu.memory_space<vmem_shared>>
      %dma_wait3A_312 = arith.constant 0 : i32
      %dma_wait3A_313 = tpu.memref_slice %arg7[%add3A_280, %dma_wait3A_312] : memref<10000x128xf32, #tpu.memory_space<vmem_shared>> -> memref<80x128xf32, #tpu.memory_space<vmem_shared>>
      tpu.wait_dma2 semaphore(%run_scoped3A : memref<!tpu.dma_semaphore, #tpu.memory_space<semaphore_mem>>) src(%dma_wait3A_313 : memref<80x128xf32, #tpu.memory_space<vmem_shared>>) dst(%arg10 : memref<80x128xf32, #tpu.memory_space<vmem>>)
      tpu.yield
    }) : () -> ()
    "tpu.region"() ({
      %run_scoped3A = tpu.sem_alloc : memref<!tpu.dma_semaphore, #tpu.memory_space<semaphore_mem>>
      %dma_start3A_306 = arith.constant 0 : i32
      %dma_start3A_307 = tpu.memref_slice %arg6[%arg0, %add3A_280, %dma_start3A_306] : memref<2x10000x128xf32, #tpu.memory_space<hbm>> -> memref<1x80x128xf32, #tpu.memory_space<hbm>>
      %dma_start3A_308 = tpu.memref_squeeze %dma_start3A_307 : memref<1x80x128xf32, #tpu.memory_space<hbm>> -> memref<80x128xf32, #tpu.memory_space<hbm>>
      %dma_start3A_309 = arith.constant 0 : i32
      %dma_start3A_310 = tpu.memref_slice %arg6[%arg0, %add3A_280, %dma_start3A_309] : memref<2x10000x128xf32, #tpu.memory_space<hbm>> -> memref<1x80x128xf32, #tpu.memory_space<hbm>>
      %dma_start3A_311 = tpu.memref_squeeze %dma_start3A_310 : memref<1x80x128xf32, #tpu.memory_space<hbm>> -> memref<80x128xf32, #tpu.memory_space<hbm>>
      tpu.enqueue_dma source(%arg10 : memref<80x128xf32, #tpu.memory_space<vmem>>) target(%dma_start3A_311 : memref<80x128xf32, #tpu.memory_space<hbm>>) target_semaphore(%run_scoped3A : memref<!tpu.dma_semaphore, #tpu.memory_space<semaphore_mem>>)
      %dma_wait3A_312 = arith.constant 0 : i32
      %dma_wait3A_313 = tpu.memref_slice %arg6[%arg0, %add3A_280, %dma_wait3A_312] : memref<2x10000x128xf32, #tpu.memory_space<hbm>> -> memref<1x80x128xf32, #tpu.memory_space<hbm>>
      %dma_wait3A_314 = tpu.memref_squeeze %dma_wait3A_313 : memref<1x80x128xf32, #tpu.memory_space<hbm>> -> memref<80x128xf32, #tpu.memory_space<hbm>>
      %dma_wait3A_315 = arith.constant 0 : i32
      %dma_wait3A_316 = tpu.memref_slice %arg6[%arg0, %add3A_280, %dma_wait3A_315] : memref<2x10000x128xf32, #tpu.memory_space<hbm>> -> memref<1x80x128xf32, #tpu.memory_space<hbm>>
      %dma_wait3A_317 = tpu.memref_squeeze %dma_wait3A_316 : memref<1x80x128xf32, #tpu.memory_space<hbm>> -> memref<80x128xf32, #tpu.memory_space<hbm>>
      tpu.wait_dma2 semaphore(%run_scoped3A : memref<!tpu.dma_semaphore, #tpu.memory_space<semaphore_mem>>) src(%arg10 : memref<80x128xf32, #tpu.memory_space<vmem>>) dst(%dma_wait3A_317 : memref<80x128xf32, #tpu.memory_space<hbm>>)
      tpu.yield
    }) : () -> ()
    %mul3A_281 = arith.constant 624 : i32
    %mul3A_282 = arith.muli %arg1, %mul3A_281 : i32
    %add3A_283 = arith.constant 240 : i32
    %add3A_284 = arith.addi %mul3A_282, %add3A_283 : i32
    "tpu.region"() ({
      %run_scoped3A = tpu.sem_alloc : memref<!tpu.dma_semaphore, #tpu.memory_space<semaphore_mem>>
      %dma_start3A_306 = arith.constant 0 : i32
      %dma_start3A_307 = tpu.memref_slice %arg7[%add3A_284, %dma_start3A_306] : memref<10000x128xf32, #tpu.memory_space<vmem_shared>> -> memref<80x128xf32, #tpu.memory_space<vmem_shared>>
      %dma_start3A_308 = arith.constant 0 : i32
      %dma_start3A_309 = tpu.memref_slice %arg7[%add3A_284, %dma_start3A_308] : memref<10000x128xf32, #tpu.memory_space<vmem_shared>> -> memref<80x128xf32, #tpu.memory_space<vmem_shared>>
      tpu.enqueue_dma source(%dma_start3A_309 : memref<80x128xf32, #tpu.memory_space<vmem_shared>>) target(%arg10 : memref<80x128xf32, #tpu.memory_space<vmem>>) target_semaphore(%run_scoped3A : memref<!tpu.dma_semaphore, #tpu.memory_space<semaphore_mem>>)
      %dma_wait3A_310 = arith.constant 0 : i32
      %dma_wait3A_311 = tpu.memref_slice %arg7[%add3A_284, %dma_wait3A_310] : memref<10000x128xf32, #tpu.memory_space<vmem_shared>> -> memref<80x128xf32, #tpu.memory_space<vmem_shared>>
      %dma_wait3A_312 = arith.constant 0 : i32
      %dma_wait3A_313 = tpu.memref_slice %arg7[%add3A_284, %dma_wait3A_312] : memref<10000x128xf32, #tpu.memory_space<vmem_shared>> -> memref<80x128xf32, #tpu.memory_space<vmem_shared>>
      tpu.wait_dma2 semaphore(%run_scoped3A : memref<!tpu.dma_semaphore, #tpu.memory_space<semaphore_mem>>) src(%dma_wait3A_313 : memref<80x128xf32, #tpu.memory_space<vmem_shared>>) dst(%arg10 : memref<80x128xf32, #tpu.memory_space<vmem>>)
      tpu.yield
    }) : () -> ()
    "tpu.region"() ({
      %run_scoped3A = tpu.sem_alloc : memref<!tpu.dma_semaphore, #tpu.memory_space<semaphore_mem>>
      %dma_start3A_306 = arith.constant 0 : i32
      %dma_start3A_307 = tpu.memref_slice %arg6[%arg0, %add3A_284, %dma_start3A_306] : memref<2x10000x128xf32, #tpu.memory_space<hbm>> -> memref<1x80x128xf32, #tpu.memory_space<hbm>>
      %dma_start3A_308 = tpu.memref_squeeze %dma_start3A_307 : memref<1x80x128xf32, #tpu.memory_space<hbm>> -> memref<80x128xf32, #tpu.memory_space<hbm>>
      %dma_start3A_309 = arith.constant 0 : i32
      %dma_start3A_310 = tpu.memref_slice %arg6[%arg0, %add3A_284, %dma_start3A_309] : memref<2x10000x128xf32, #tpu.memory_space<hbm>> -> memref<1x80x128xf32, #tpu.memory_space<hbm>>
      %dma_start3A_311 = tpu.memref_squeeze %dma_start3A_310 : memref<1x80x128xf32, #tpu.memory_space<hbm>> -> memref<80x128xf32, #tpu.memory_space<hbm>>
      tpu.enqueue_dma source(%arg10 : memref<80x128xf32, #tpu.memory_space<vmem>>) target(%dma_start3A_311 : memref<80x128xf32, #tpu.memory_space<hbm>>) target_semaphore(%run_scoped3A : memref<!tpu.dma_semaphore, #tpu.memory_space<semaphore_mem>>)
      %dma_wait3A_312 = arith.constant 0 : i32
      %dma_wait3A_313 = tpu.memref_slice %arg6[%arg0, %add3A_284, %dma_wait3A_312] : memref<2x10000x128xf32, #tpu.memory_space<hbm>> -> memref<1x80x128xf32, #tpu.memory_space<hbm>>
      %dma_wait3A_314 = tpu.memref_squeeze %dma_wait3A_313 : memref<1x80x128xf32, #tpu.memory_space<hbm>> -> memref<80x128xf32, #tpu.memory_space<hbm>>
      %dma_wait3A_315 = arith.constant 0 : i32
      %dma_wait3A_316 = tpu.memref_slice %arg6[%arg0, %add3A_284, %dma_wait3A_315] : memref<2x10000x128xf32, #tpu.memory_space<hbm>> -> memref<1x80x128xf32, #tpu.memory_space<hbm>>
      %dma_wait3A_317 = tpu.memref_squeeze %dma_wait3A_316 : memref<1x80x128xf32, #tpu.memory_space<hbm>> -> memref<80x128xf32, #tpu.memory_space<hbm>>
      tpu.wait_dma2 semaphore(%run_scoped3A : memref<!tpu.dma_semaphore, #tpu.memory_space<semaphore_mem>>) src(%arg10 : memref<80x128xf32, #tpu.memory_space<vmem>>) dst(%dma_wait3A_317 : memref<80x128xf32, #tpu.memory_space<hbm>>)
      tpu.yield
    }) : () -> ()
    %mul3A_285 = arith.constant 624 : i32
    %mul3A_286 = arith.muli %arg1, %mul3A_285 : i32
    %add3A_287 = arith.constant 320 : i32
    %add3A_288 = arith.addi %mul3A_286, %add3A_287 : i32
    "tpu.region"() ({
      %run_scoped3A = tpu.sem_alloc : memref<!tpu.dma_semaphore, #tpu.memory_space<semaphore_mem>>
      %dma_start3A_306 = arith.constant 0 : i32
      %dma_start3A_307 = tpu.memref_slice %arg7[%add3A_288, %dma_start3A_306] : memref<10000x128xf32, #tpu.memory_space<vmem_shared>> -> memref<80x128xf32, #tpu.memory_space<vmem_shared>>
      %dma_start3A_308 = arith.constant 0 : i32
      %dma_start3A_309 = tpu.memref_slice %arg7[%add3A_288, %dma_start3A_308] : memref<10000x128xf32, #tpu.memory_space<vmem_shared>> -> memref<80x128xf32, #tpu.memory_space<vmem_shared>>
      tpu.enqueue_dma source(%dma_start3A_309 : memref<80x128xf32, #tpu.memory_space<vmem_shared>>) target(%arg10 : memref<80x128xf32, #tpu.memory_space<vmem>>) target_semaphore(%run_scoped3A : memref<!tpu.dma_semaphore, #tpu.memory_space<semaphore_mem>>)
      %dma_wait3A_310 = arith.constant 0 : i32
      %dma_wait3A_311 = tpu.memref_slice %arg7[%add3A_288, %dma_wait3A_310] : memref<10000x128xf32, #tpu.memory_space<vmem_shared>> -> memref<80x128xf32, #tpu.memory_space<vmem_shared>>
      %dma_wait3A_312 = arith.constant 0 : i32
      %dma_wait3A_313 = tpu.memref_slice %arg7[%add3A_288, %dma_wait3A_312] : memref<10000x128xf32, #tpu.memory_space<vmem_shared>> -> memref<80x128xf32, #tpu.memory_space<vmem_shared>>
      tpu.wait_dma2 semaphore(%run_scoped3A : memref<!tpu.dma_semaphore, #tpu.memory_space<semaphore_mem>>) src(%dma_wait3A_313 : memref<80x128xf32, #tpu.memory_space<vmem_shared>>) dst(%arg10 : memref<80x128xf32, #tpu.memory_space<vmem>>)
      tpu.yield
    }) : () -> ()
    "tpu.region"() ({
      %run_scoped3A = tpu.sem_alloc : memref<!tpu.dma_semaphore, #tpu.memory_space<semaphore_mem>>
      %dma_start3A_306 = arith.constant 0 : i32
      %dma_start3A_307 = tpu.memref_slice %arg6[%arg0, %add3A_288, %dma_start3A_306] : memref<2x10000x128xf32, #tpu.memory_space<hbm>> -> memref<1x80x128xf32, #tpu.memory_space<hbm>>
      %dma_start3A_308 = tpu.memref_squeeze %dma_start3A_307 : memref<1x80x128xf32, #tpu.memory_space<hbm>> -> memref<80x128xf32, #tpu.memory_space<hbm>>
      %dma_start3A_309 = arith.constant 0 : i32
      %dma_start3A_310 = tpu.memref_slice %arg6[%arg0, %add3A_288, %dma_start3A_309] : memref<2x10000x128xf32, #tpu.memory_space<hbm>> -> memref<1x80x128xf32, #tpu.memory_space<hbm>>
      %dma_start3A_311 = tpu.memref_squeeze %dma_start3A_310 : memref<1x80x128xf32, #tpu.memory_space<hbm>> -> memref<80x128xf32, #tpu.memory_space<hbm>>
      tpu.enqueue_dma source(%arg10 : memref<80x128xf32, #tpu.memory_space<vmem>>) target(%dma_start3A_311 : memref<80x128xf32, #tpu.memory_space<hbm>>) target_semaphore(%run_scoped3A : memref<!tpu.dma_semaphore, #tpu.memory_space<semaphore_mem>>)
      %dma_wait3A_312 = arith.constant 0 : i32
      %dma_wait3A_313 = tpu.memref_slice %arg6[%arg0, %add3A_288, %dma_wait3A_312] : memref<2x10000x128xf32, #tpu.memory_space<hbm>> -> memref<1x80x128xf32, #tpu.memory_space<hbm>>
      %dma_wait3A_314 = tpu.memref_squeeze %dma_wait3A_313 : memref<1x80x128xf32, #tpu.memory_space<hbm>> -> memref<80x128xf32, #tpu.memory_space<hbm>>
      %dma_wait3A_315 = arith.constant 0 : i32
      %dma_wait3A_316 = tpu.memref_slice %arg6[%arg0, %add3A_288, %dma_wait3A_315] : memref<2x10000x128xf32, #tpu.memory_space<hbm>> -> memref<1x80x128xf32, #tpu.memory_space<hbm>>
      %dma_wait3A_317 = tpu.memref_squeeze %dma_wait3A_316 : memref<1x80x128xf32, #tpu.memory_space<hbm>> -> memref<80x128xf32, #tpu.memory_space<hbm>>
      tpu.wait_dma2 semaphore(%run_scoped3A : memref<!tpu.dma_semaphore, #tpu.memory_space<semaphore_mem>>) src(%arg10 : memref<80x128xf32, #tpu.memory_space<vmem>>) dst(%dma_wait3A_317 : memref<80x128xf32, #tpu.memory_space<hbm>>)
      tpu.yield
    }) : () -> ()
    %mul3A_289 = arith.constant 624 : i32
    %mul3A_290 = arith.muli %arg1, %mul3A_289 : i32
    %add3A_291 = arith.constant 400 : i32
    %add3A_292 = arith.addi %mul3A_290, %add3A_291 : i32
    "tpu.region"() ({
      %run_scoped3A = tpu.sem_alloc : memref<!tpu.dma_semaphore, #tpu.memory_space<semaphore_mem>>
      %dma_start3A_306 = arith.constant 0 : i32
      %dma_start3A_307 = tpu.memref_slice %arg7[%add3A_292, %dma_start3A_306] : memref<10000x128xf32, #tpu.memory_space<vmem_shared>> -> memref<80x128xf32, #tpu.memory_space<vmem_shared>>
      %dma_start3A_308 = arith.constant 0 : i32
      %dma_start3A_309 = tpu.memref_slice %arg7[%add3A_292, %dma_start3A_308] : memref<10000x128xf32, #tpu.memory_space<vmem_shared>> -> memref<80x128xf32, #tpu.memory_space<vmem_shared>>
      tpu.enqueue_dma source(%dma_start3A_309 : memref<80x128xf32, #tpu.memory_space<vmem_shared>>) target(%arg10 : memref<80x128xf32, #tpu.memory_space<vmem>>) target_semaphore(%run_scoped3A : memref<!tpu.dma_semaphore, #tpu.memory_space<semaphore_mem>>)
      %dma_wait3A_310 = arith.constant 0 : i32
      %dma_wait3A_311 = tpu.memref_slice %arg7[%add3A_292, %dma_wait3A_310] : memref<10000x128xf32, #tpu.memory_space<vmem_shared>> -> memref<80x128xf32, #tpu.memory_space<vmem_shared>>
      %dma_wait3A_312 = arith.constant 0 : i32
      %dma_wait3A_313 = tpu.memref_slice %arg7[%add3A_292, %dma_wait3A_312] : memref<10000x128xf32, #tpu.memory_space<vmem_shared>> -> memref<80x128xf32, #tpu.memory_space<vmem_shared>>
      tpu.wait_dma2 semaphore(%run_scoped3A : memref<!tpu.dma_semaphore, #tpu.memory_space<semaphore_mem>>) src(%dma_wait3A_313 : memref<80x128xf32, #tpu.memory_space<vmem_shared>>) dst(%arg10 : memref<80x128xf32, #tpu.memory_space<vmem>>)
      tpu.yield
    }) : () -> ()
    "tpu.region"() ({
      %run_scoped3A = tpu.sem_alloc : memref<!tpu.dma_semaphore, #tpu.memory_space<semaphore_mem>>
      %dma_start3A_306 = arith.constant 0 : i32
      %dma_start3A_307 = tpu.memref_slice %arg6[%arg0, %add3A_292, %dma_start3A_306] : memref<2x10000x128xf32, #tpu.memory_space<hbm>> -> memref<1x80x128xf32, #tpu.memory_space<hbm>>
      %dma_start3A_308 = tpu.memref_squeeze %dma_start3A_307 : memref<1x80x128xf32, #tpu.memory_space<hbm>> -> memref<80x128xf32, #tpu.memory_space<hbm>>
      %dma_start3A_309 = arith.constant 0 : i32
      %dma_start3A_310 = tpu.memref_slice %arg6[%arg0, %add3A_292, %dma_start3A_309] : memref<2x10000x128xf32, #tpu.memory_space<hbm>> -> memref<1x80x128xf32, #tpu.memory_space<hbm>>
      %dma_start3A_311 = tpu.memref_squeeze %dma_start3A_310 : memref<1x80x128xf32, #tpu.memory_space<hbm>> -> memref<80x128xf32, #tpu.memory_space<hbm>>
      tpu.enqueue_dma source(%arg10 : memref<80x128xf32, #tpu.memory_space<vmem>>) target(%dma_start3A_311 : memref<80x128xf32, #tpu.memory_space<hbm>>) target_semaphore(%run_scoped3A : memref<!tpu.dma_semaphore, #tpu.memory_space<semaphore_mem>>)
      %dma_wait3A_312 = arith.constant 0 : i32
      %dma_wait3A_313 = tpu.memref_slice %arg6[%arg0, %add3A_292, %dma_wait3A_312] : memref<2x10000x128xf32, #tpu.memory_space<hbm>> -> memref<1x80x128xf32, #tpu.memory_space<hbm>>
      %dma_wait3A_314 = tpu.memref_squeeze %dma_wait3A_313 : memref<1x80x128xf32, #tpu.memory_space<hbm>> -> memref<80x128xf32, #tpu.memory_space<hbm>>
      %dma_wait3A_315 = arith.constant 0 : i32
      %dma_wait3A_316 = tpu.memref_slice %arg6[%arg0, %add3A_292, %dma_wait3A_315] : memref<2x10000x128xf32, #tpu.memory_space<hbm>> -> memref<1x80x128xf32, #tpu.memory_space<hbm>>
      %dma_wait3A_317 = tpu.memref_squeeze %dma_wait3A_316 : memref<1x80x128xf32, #tpu.memory_space<hbm>> -> memref<80x128xf32, #tpu.memory_space<hbm>>
      tpu.wait_dma2 semaphore(%run_scoped3A : memref<!tpu.dma_semaphore, #tpu.memory_space<semaphore_mem>>) src(%arg10 : memref<80x128xf32, #tpu.memory_space<vmem>>) dst(%dma_wait3A_317 : memref<80x128xf32, #tpu.memory_space<hbm>>)
      tpu.yield
    }) : () -> ()
    %mul3A_293 = arith.constant 624 : i32
    %mul3A_294 = arith.muli %arg1, %mul3A_293 : i32
    %add3A_295 = arith.constant 480 : i32
    %add3A_296 = arith.addi %mul3A_294, %add3A_295 : i32
    "tpu.region"() ({
      %run_scoped3A = tpu.sem_alloc : memref<!tpu.dma_semaphore, #tpu.memory_space<semaphore_mem>>
      %dma_start3A_306 = arith.constant 0 : i32
      %dma_start3A_307 = tpu.memref_slice %arg7[%add3A_296, %dma_start3A_306] : memref<10000x128xf32, #tpu.memory_space<vmem_shared>> -> memref<80x128xf32, #tpu.memory_space<vmem_shared>>
      %dma_start3A_308 = arith.constant 0 : i32
      %dma_start3A_309 = tpu.memref_slice %arg7[%add3A_296, %dma_start3A_308] : memref<10000x128xf32, #tpu.memory_space<vmem_shared>> -> memref<80x128xf32, #tpu.memory_space<vmem_shared>>
      tpu.enqueue_dma source(%dma_start3A_309 : memref<80x128xf32, #tpu.memory_space<vmem_shared>>) target(%arg10 : memref<80x128xf32, #tpu.memory_space<vmem>>) target_semaphore(%run_scoped3A : memref<!tpu.dma_semaphore, #tpu.memory_space<semaphore_mem>>)
      %dma_wait3A_310 = arith.constant 0 : i32
      %dma_wait3A_311 = tpu.memref_slice %arg7[%add3A_296, %dma_wait3A_310] : memref<10000x128xf32, #tpu.memory_space<vmem_shared>> -> memref<80x128xf32, #tpu.memory_space<vmem_shared>>
      %dma_wait3A_312 = arith.constant 0 : i32
      %dma_wait3A_313 = tpu.memref_slice %arg7[%add3A_296, %dma_wait3A_312] : memref<10000x128xf32, #tpu.memory_space<vmem_shared>> -> memref<80x128xf32, #tpu.memory_space<vmem_shared>>
      tpu.wait_dma2 semaphore(%run_scoped3A : memref<!tpu.dma_semaphore, #tpu.memory_space<semaphore_mem>>) src(%dma_wait3A_313 : memref<80x128xf32, #tpu.memory_space<vmem_shared>>) dst(%arg10 : memref<80x128xf32, #tpu.memory_space<vmem>>)
      tpu.yield
    }) : () -> ()
    "tpu.region"() ({
      %run_scoped3A = tpu.sem_alloc : memref<!tpu.dma_semaphore, #tpu.memory_space<semaphore_mem>>
      %dma_start3A_306 = arith.constant 0 : i32
      %dma_start3A_307 = tpu.memref_slice %arg6[%arg0, %add3A_296, %dma_start3A_306] : memref<2x10000x128xf32, #tpu.memory_space<hbm>> -> memref<1x80x128xf32, #tpu.memory_space<hbm>>
      %dma_start3A_308 = tpu.memref_squeeze %dma_start3A_307 : memref<1x80x128xf32, #tpu.memory_space<hbm>> -> memref<80x128xf32, #tpu.memory_space<hbm>>
      %dma_start3A_309 = arith.constant 0 : i32
      %dma_start3A_310 = tpu.memref_slice %arg6[%arg0, %add3A_296, %dma_start3A_309] : memref<2x10000x128xf32, #tpu.memory_space<hbm>> -> memref<1x80x128xf32, #tpu.memory_space<hbm>>
      %dma_start3A_311 = tpu.memref_squeeze %dma_start3A_310 : memref<1x80x128xf32, #tpu.memory_space<hbm>> -> memref<80x128xf32, #tpu.memory_space<hbm>>
      tpu.enqueue_dma source(%arg10 : memref<80x128xf32, #tpu.memory_space<vmem>>) target(%dma_start3A_311 : memref<80x128xf32, #tpu.memory_space<hbm>>) target_semaphore(%run_scoped3A : memref<!tpu.dma_semaphore, #tpu.memory_space<semaphore_mem>>)
      %dma_wait3A_312 = arith.constant 0 : i32
      %dma_wait3A_313 = tpu.memref_slice %arg6[%arg0, %add3A_296, %dma_wait3A_312] : memref<2x10000x128xf32, #tpu.memory_space<hbm>> -> memref<1x80x128xf32, #tpu.memory_space<hbm>>
      %dma_wait3A_314 = tpu.memref_squeeze %dma_wait3A_313 : memref<1x80x128xf32, #tpu.memory_space<hbm>> -> memref<80x128xf32, #tpu.memory_space<hbm>>
      %dma_wait3A_315 = arith.constant 0 : i32
      %dma_wait3A_316 = tpu.memref_slice %arg6[%arg0, %add3A_296, %dma_wait3A_315] : memref<2x10000x128xf32, #tpu.memory_space<hbm>> -> memref<1x80x128xf32, #tpu.memory_space<hbm>>
      %dma_wait3A_317 = tpu.memref_squeeze %dma_wait3A_316 : memref<1x80x128xf32, #tpu.memory_space<hbm>> -> memref<80x128xf32, #tpu.memory_space<hbm>>
      tpu.wait_dma2 semaphore(%run_scoped3A : memref<!tpu.dma_semaphore, #tpu.memory_space<semaphore_mem>>) src(%arg10 : memref<80x128xf32, #tpu.memory_space<vmem>>) dst(%dma_wait3A_317 : memref<80x128xf32, #tpu.memory_space<hbm>>)
      tpu.yield
    }) : () -> ()
    %mul3A_297 = arith.constant 624 : i32
    %mul3A_298 = arith.muli %arg1, %mul3A_297 : i32
    %add3A_299 = arith.constant 560 : i32
    %add3A_300 = arith.addi %mul3A_298, %add3A_299 : i32
    "tpu.region"() ({
      %run_scoped3A = tpu.sem_alloc : memref<!tpu.dma_semaphore, #tpu.memory_space<semaphore_mem>>
      %dma_start3A_306 = arith.constant 0 : i32
      %dma_start3A_307 = arith.constant 0 : i32
      %dma_start3A_308 = tpu.memref_slice %arg10[%dma_start3A_306, %dma_start3A_307] : memref<80x128xf32, #tpu.memory_space<vmem>> -> memref<64x128xf32, #tpu.memory_space<vmem>>
      %dma_start3A_309 = arith.constant 0 : i32
      %dma_start3A_310 = tpu.memref_slice %arg7[%add3A_300, %dma_start3A_309] : memref<10000x128xf32, #tpu.memory_space<vmem_shared>> -> memref<64x128xf32, #tpu.memory_space<vmem_shared>>
      %dma_start3A_311 = arith.constant 0 : i32
      %dma_start3A_312 = arith.constant 0 : i32
      %dma_start3A_313 = tpu.memref_slice %arg10[%dma_start3A_311, %dma_start3A_312] : memref<80x128xf32, #tpu.memory_space<vmem>> -> memref<64x128xf32, #tpu.memory_space<vmem>>
      %dma_start3A_314 = arith.constant 0 : i32
      %dma_start3A_315 = tpu.memref_slice %arg7[%add3A_300, %dma_start3A_314] : memref<10000x128xf32, #tpu.memory_space<vmem_shared>> -> memref<64x128xf32, #tpu.memory_space<vmem_shared>>
      tpu.enqueue_dma source(%dma_start3A_315 : memref<64x128xf32, #tpu.memory_space<vmem_shared>>) target(%dma_start3A_313 : memref<64x128xf32, #tpu.memory_space<vmem>>) target_semaphore(%run_scoped3A : memref<!tpu.dma_semaphore, #tpu.memory_space<semaphore_mem>>)
      %dma_wait3A_316 = arith.constant 0 : i32
      %dma_wait3A_317 = arith.constant 0 : i32
      %dma_wait3A_318 = tpu.memref_slice %arg10[%dma_wait3A_316, %dma_wait3A_317] : memref<80x128xf32, #tpu.memory_space<vmem>> -> memref<64x128xf32, #tpu.memory_space<vmem>>
      %dma_wait3A_319 = arith.constant 0 : i32
      %dma_wait3A_320 = tpu.memref_slice %arg7[%add3A_300, %dma_wait3A_319] : memref<10000x128xf32, #tpu.memory_space<vmem_shared>> -> memref<64x128xf32, #tpu.memory_space<vmem_shared>>
      %dma_wait3A_321 = arith.constant 0 : i32
      %dma_wait3A_322 = arith.constant 0 : i32
      %dma_wait3A_323 = tpu.memref_slice %arg10[%dma_wait3A_321, %dma_wait3A_322] : memref<80x128xf32, #tpu.memory_space<vmem>> -> memref<64x128xf32, #tpu.memory_space<vmem>>
      %dma_wait3A_324 = arith.constant 0 : i32
      %dma_wait3A_325 = tpu.memref_slice %arg7[%add3A_300, %dma_wait3A_324] : memref<10000x128xf32, #tpu.memory_space<vmem_shared>> -> memref<64x128xf32, #tpu.memory_space<vmem_shared>>
      tpu.wait_dma2 semaphore(%run_scoped3A : memref<!tpu.dma_semaphore, #tpu.memory_space<semaphore_mem>>) src(%dma_wait3A_325 : memref<64x128xf32, #tpu.memory_space<vmem_shared>>) dst(%dma_wait3A_323 : memref<64x128xf32, #tpu.memory_space<vmem>>)
      tpu.yield
    }) : () -> ()
    "tpu.region"() ({
      %run_scoped3A = tpu.sem_alloc : memref<!tpu.dma_semaphore, #tpu.memory_space<semaphore_mem>>
      %dma_start3A_306 = arith.constant 0 : i32
      %dma_start3A_307 = arith.constant 0 : i32
      %dma_start3A_308 = tpu.memref_slice %arg10[%dma_start3A_306, %dma_start3A_307] : memref<80x128xf32, #tpu.memory_space<vmem>> -> memref<64x128xf32, #tpu.memory_space<vmem>>
      %dma_start3A_309 = arith.constant 0 : i32
      %dma_start3A_310 = tpu.memref_slice %arg6[%arg0, %add3A_300, %dma_start3A_309] : memref<2x10000x128xf32, #tpu.memory_space<hbm>> -> memref<1x64x128xf32, #tpu.memory_space<hbm>>
      %dma_start3A_311 = tpu.memref_squeeze %dma_start3A_310 : memref<1x64x128xf32, #tpu.memory_space<hbm>> -> memref<64x128xf32, #tpu.memory_space<hbm>>
      %dma_start3A_312 = arith.constant 0 : i32
      %dma_start3A_313 = tpu.memref_slice %arg6[%arg0, %add3A_300, %dma_start3A_312] : memref<2x10000x128xf32, #tpu.memory_space<hbm>> -> memref<1x64x128xf32, #tpu.memory_space<hbm>>
      %dma_start3A_314 = tpu.memref_squeeze %dma_start3A_313 : memref<1x64x128xf32, #tpu.memory_space<hbm>> -> memref<64x128xf32, #tpu.memory_space<hbm>>
      %dma_start3A_315 = arith.constant 0 : i32
      %dma_start3A_316 = arith.constant 0 : i32
      %dma_start3A_317 = tpu.memref_slice %arg10[%dma_start3A_315, %dma_start3A_316] : memref<80x128xf32, #tpu.memory_space<vmem>> -> memref<64x128xf32, #tpu.memory_space<vmem>>
      tpu.enqueue_dma source(%dma_start3A_317 : memref<64x128xf32, #tpu.memory_space<vmem>>) target(%dma_start3A_314 : memref<64x128xf32, #tpu.memory_space<hbm>>) target_semaphore(%run_scoped3A : memref<!tpu.dma_semaphore, #tpu.memory_space<semaphore_mem>>)
      %dma_wait3A_318 = arith.constant 0 : i32
      %dma_wait3A_319 = arith.constant 0 : i32
      %dma_wait3A_320 = tpu.memref_slice %arg10[%dma_wait3A_318, %dma_wait3A_319] : memref<80x128xf32, #tpu.memory_space<vmem>> -> memref<64x128xf32, #tpu.memory_space<vmem>>
      %dma_wait3A_321 = arith.constant 0 : i32
      %dma_wait3A_322 = tpu.memref_slice %arg6[%arg0, %add3A_300, %dma_wait3A_321] : memref<2x10000x128xf32, #tpu.memory_space<hbm>> -> memref<1x64x128xf32, #tpu.memory_space<hbm>>
      %dma_wait3A_323 = tpu.memref_squeeze %dma_wait3A_322 : memref<1x64x128xf32, #tpu.memory_space<hbm>> -> memref<64x128xf32, #tpu.memory_space<hbm>>
      %dma_wait3A_324 = arith.constant 0 : i32
      %dma_wait3A_325 = tpu.memref_slice %arg6[%arg0, %add3A_300, %dma_wait3A_324] : memref<2x10000x128xf32, #tpu.memory_space<hbm>> -> memref<1x64x128xf32, #tpu.memory_space<hbm>>
      %dma_wait3A_326 = tpu.memref_squeeze %dma_wait3A_325 : memref<1x64x128xf32, #tpu.memory_space<hbm>> -> memref<64x128xf32, #tpu.memory_space<hbm>>
      %dma_wait3A_327 = arith.constant 0 : i32
      %dma_wait3A_328 = arith.constant 0 : i32
      %dma_wait3A_329 = tpu.memref_slice %arg10[%dma_wait3A_327, %dma_wait3A_328] : memref<80x128xf32, #tpu.memory_space<vmem>> -> memref<64x128xf32, #tpu.memory_space<vmem>>
      tpu.wait_dma2 semaphore(%run_scoped3A : memref<!tpu.dma_semaphore, #tpu.memory_space<semaphore_mem>>) src(%dma_wait3A_329 : memref<64x128xf32, #tpu.memory_space<vmem>>) dst(%dma_wait3A_326 : memref<64x128xf32, #tpu.memory_space<hbm>>)
      tpu.yield
    }) : () -> ()
    %eq3A_301 = arith.constant 0 : i32
    %eq3A_302 = arith.cmpi eq, %arg1, %eq3A_301 : i32
    %convert_element_type3A_303 = arith.extui %eq3A_302 : i1 to i32
    %cond3A_304 = arith.constant 0 : i32
    %cond3A_305 = arith.cmpi ne, %convert_element_type3A_303, %cond3A_304 : i32
    scf.if %cond3A_305 {
      "tpu.region"() ({
        %run_scoped3A = tpu.sem_alloc : memref<!tpu.dma_semaphore, #tpu.memory_space<semaphore_mem>>
        %dma_start3A_306 = arith.constant 0 : i32
        %dma_start3A_307 = arith.constant 0 : i32
        %dma_start3A_308 = tpu.memref_slice %arg10[%dma_start3A_306, %dma_start3A_307] : memref<80x128xf32, #tpu.memory_space<vmem>> -> memref<16x128xf32, #tpu.memory_space<vmem>>
        %dma_start3A_309 = arith.constant 9984 : i32
        %dma_start3A_310 = arith.constant 0 : i32
        %dma_start3A_311 = tpu.memref_slice %arg7[%dma_start3A_309, %dma_start3A_310] : memref<10000x128xf32, #tpu.memory_space<vmem_shared>> -> memref<16x128xf32, #tpu.memory_space<vmem_shared>>
        %dma_start3A_312 = arith.constant 0 : i32
        %dma_start3A_313 = arith.constant 0 : i32
        %dma_start3A_314 = tpu.memref_slice %arg10[%dma_start3A_312, %dma_start3A_313] : memref<80x128xf32, #tpu.memory_space<vmem>> -> memref<16x128xf32, #tpu.memory_space<vmem>>
        %dma_start3A_315 = arith.constant 9984 : i32
        %dma_start3A_316 = arith.constant 0 : i32
        %dma_start3A_317 = tpu.memref_slice %arg7[%dma_start3A_315, %dma_start3A_316] : memref<10000x128xf32, #tpu.memory_space<vmem_shared>> -> memref<16x128xf32, #tpu.memory_space<vmem_shared>>
        tpu.enqueue_dma source(%dma_start3A_317 : memref<16x128xf32, #tpu.memory_space<vmem_shared>>) target(%dma_start3A_314 : memref<16x128xf32, #tpu.memory_space<vmem>>) target_semaphore(%run_scoped3A : memref<!tpu.dma_semaphore, #tpu.memory_space<semaphore_mem>>)
        %dma_wait3A_318 = arith.constant 0 : i32
        %dma_wait3A_319 = arith.constant 0 : i32
        %dma_wait3A_320 = tpu.memref_slice %arg10[%dma_wait3A_318, %dma_wait3A_319] : memref<80x128xf32, #tpu.memory_space<vmem>> -> memref<16x128xf32, #tpu.memory_space<vmem>>
        %dma_wait3A_321 = arith.constant 9984 : i32
        %dma_wait3A_322 = arith.constant 0 : i32
        %dma_wait3A_323 = tpu.memref_slice %arg7[%dma_wait3A_321, %dma_wait3A_322] : memref<10000x128xf32, #tpu.memory_space<vmem_shared>> -> memref<16x128xf32, #tpu.memory_space<vmem_shared>>
        %dma_wait3A_324 = arith.constant 0 : i32
        %dma_wait3A_325 = arith.constant 0 : i32
        %dma_wait3A_326 = tpu.memref_slice %arg10[%dma_wait3A_324, %dma_wait3A_325] : memref<80x128xf32, #tpu.memory_space<vmem>> -> memref<16x128xf32, #tpu.memory_space<vmem>>
        %dma_wait3A_327 = arith.constant 9984 : i32
        %dma_wait3A_328 = arith.constant 0 : i32
        %dma_wait3A_329 = tpu.memref_slice %arg7[%dma_wait3A_327, %dma_wait3A_328] : memref<10000x128xf32, #tpu.memory_space<vmem_shared>> -> memref<16x128xf32, #tpu.memory_space<vmem_shared>>
        tpu.wait_dma2 semaphore(%run_scoped3A : memref<!tpu.dma_semaphore, #tpu.memory_space<semaphore_mem>>) src(%dma_wait3A_329 : memref<16x128xf32, #tpu.memory_space<vmem_shared>>) dst(%dma_wait3A_326 : memref<16x128xf32, #tpu.memory_space<vmem>>)
        tpu.yield
      }) : () -> ()
      "tpu.region"() ({
        %run_scoped3A = tpu.sem_alloc : memref<!tpu.dma_semaphore, #tpu.memory_space<semaphore_mem>>
        %dma_start3A_306 = arith.constant 0 : i32
        %dma_start3A_307 = arith.constant 0 : i32
        %dma_start3A_308 = tpu.memref_slice %arg10[%dma_start3A_306, %dma_start3A_307] : memref<80x128xf32, #tpu.memory_space<vmem>> -> memref<16x128xf32, #tpu.memory_space<vmem>>
        %dma_start3A_309 = arith.constant 9984 : i32
        %dma_start3A_310 = arith.constant 0 : i32
        %dma_start3A_311 = tpu.memref_slice %arg6[%arg0, %dma_start3A_309, %dma_start3A_310] : memref<2x10000x128xf32, #tpu.memory_space<hbm>> -> memref<1x16x128xf32, #tpu.memory_space<hbm>>
        %dma_start3A_312 = tpu.memref_squeeze %dma_start3A_311 : memref<1x16x128xf32, #tpu.memory_space<hbm>> -> memref<16x128xf32, #tpu.memory_space<hbm>>
        %dma_start3A_313 = arith.constant 9984 : i32
        %dma_start3A_314 = arith.constant 0 : i32
        %dma_start3A_315 = tpu.memref_slice %arg6[%arg0, %dma_start3A_313, %dma_start3A_314] : memref<2x10000x128xf32, #tpu.memory_space<hbm>> -> memref<1x16x128xf32, #tpu.memory_space<hbm>>
        %dma_start3A_316 = tpu.memref_squeeze %dma_start3A_315 : memref<1x16x128xf32, #tpu.memory_space<hbm>> -> memref<16x128xf32, #tpu.memory_space<hbm>>
        %dma_start3A_317 = arith.constant 0 : i32
        %dma_start3A_318 = arith.constant 0 : i32
        %dma_start3A_319 = tpu.memref_slice %arg10[%dma_start3A_317, %dma_start3A_318] : memref<80x128xf32, #tpu.memory_space<vmem>> -> memref<16x128xf32, #tpu.memory_space<vmem>>
        tpu.enqueue_dma source(%dma_start3A_319 : memref<16x128xf32, #tpu.memory_space<vmem>>) target(%dma_start3A_316 : memref<16x128xf32, #tpu.memory_space<hbm>>) target_semaphore(%run_scoped3A : memref<!tpu.dma_semaphore, #tpu.memory_space<semaphore_mem>>)
        %dma_wait3A_320 = arith.constant 0 : i32
        %dma_wait3A_321 = arith.constant 0 : i32
        %dma_wait3A_322 = tpu.memref_slice %arg10[%dma_wait3A_320, %dma_wait3A_321] : memref<80x128xf32, #tpu.memory_space<vmem>> -> memref<16x128xf32, #tpu.memory_space<vmem>>
        %dma_wait3A_323 = arith.constant 9984 : i32
        %dma_wait3A_324 = arith.constant 0 : i32
        %dma_wait3A_325 = tpu.memref_slice %arg6[%arg0, %dma_wait3A_323, %dma_wait3A_324] : memref<2x10000x128xf32, #tpu.memory_space<hbm>> -> memref<1x16x128xf32, #tpu.memory_space<hbm>>
        %dma_wait3A_326 = tpu.memref_squeeze %dma_wait3A_325 : memref<1x16x128xf32, #tpu.memory_space<hbm>> -> memref<16x128xf32, #tpu.memory_space<hbm>>
        %dma_wait3A_327 = arith.constant 9984 : i32
        %dma_wait3A_328 = arith.constant 0 : i32
        %dma_wait3A_329 = tpu.memref_slice %arg6[%arg0, %dma_wait3A_327, %dma_wait3A_328] : memref<2x10000x128xf32, #tpu.memory_space<hbm>> -> memref<1x16x128xf32, #tpu.memory_space<hbm>>
        %dma_wait3A_330 = tpu.memref_squeeze %dma_wait3A_329 : memref<1x16x128xf32, #tpu.memory_space<hbm>> -> memref<16x128xf32, #tpu.memory_space<hbm>>
        %dma_wait3A_331 = arith.constant 0 : i32
        %dma_wait3A_332 = arith.constant 0 : i32
        %dma_wait3A_333 = tpu.memref_slice %arg10[%dma_wait3A_331, %dma_wait3A_332] : memref<80x128xf32, #tpu.memory_space<vmem>> -> memref<16x128xf32, #tpu.memory_space<vmem>>
        tpu.wait_dma2 semaphore(%run_scoped3A : memref<!tpu.dma_semaphore, #tpu.memory_space<semaphore_mem>>) src(%dma_wait3A_333 : memref<16x128xf32, #tpu.memory_space<vmem>>) dst(%dma_wait3A_330 : memref<16x128xf32, #tpu.memory_space<hbm>>)
        tpu.yield
      }) : () -> ()
    } else {
    }
    return
  }
}

module attributes {stable_mosaic.version = 14 : i64} {
  func.func @_enc_block(%arg0: i32, %arg1: memref<1000x128xf32, #tpu.memory_space<vmem>>, %arg2: memref<128x128xf32, #tpu.memory_space<vmem>>, %arg3: memref<1x128xf32, #tpu.memory_space<vmem>>, %arg4: memref<1x128xf32, #tpu.memory_space<vmem>>, %arg5: memref<1000x128xf32, #tpu.memory_space<vmem>>) attributes {dimension_semantics = [#tpu.dimension_semantics<arbitrary>], iteration_bounds = array<i64: 10>, scalar_prefetch = 0 : i64, scratch_operands = 0 : i64, tpu.core_type = #tpu.core_type<tc>, window_params = [{transform_indices = @transform_0, window_bounds = array<i64: 1000, 128>}, {pipeline_mode = #tpu.pipeline_mode<synchronous>, transform_indices = @transform_1, window_bounds = array<i64: 128, 128>}, {pipeline_mode = #tpu.pipeline_mode<synchronous>, transform_indices = @transform_2, window_bounds = array<i64: 1, 128>}, {pipeline_mode = #tpu.pipeline_mode<synchronous>, transform_indices = @transform_3, window_bounds = array<i64: 1, 128>}, {transform_indices = @transform_4, window_bounds = array<i64: 1000, 128>}]} {
    %get3A = arith.constant 0 : index
    %get3A_0 = arith.constant 0 : index
    %get3A_1 = vector.load %arg1[%get3A, %get3A_0] : memref<1000x128xf32, #tpu.memory_space<vmem>>, vector<1000x128xf32>
    %get3A_2 = arith.constant 0 : index
    %get3A_3 = arith.constant 0 : index
    %get3A_4 = vector.load %arg2[%get3A_2, %get3A_3] : memref<128x128xf32, #tpu.memory_space<vmem>>, vector<128x128xf32>
    %dot_general3A = arith.constant dense<0.000000e+00> : vector<1000x128xf32>
    %dot_general3A_5 = tpu.matmul %get3A_1, %get3A_4, %dot_general3A {dimension_numbers = #tpu.dot_dimension_numbers<[1], [0], [0], [1], [0, 0, 1, 1], [], []>, transpose_lhs_hint = false} : vector<1000x128xf32>, vector<128x128xf32>, vector<1000x128xf32> -> vector<1000x128xf32>
    %get3A_6 = arith.constant 0 : index
    %get3A_7 = arith.constant 0 : index
    %get3A_8 = vector.load %arg3[%get3A_6, %get3A_7] : memref<1x128xf32, #tpu.memory_space<vmem>>, vector<1x128xf32>
    %add3A = vector.broadcast %get3A_8 : vector<1x128xf32> to vector<1000x128xf32>
    %add3A_9 = arith.addf %dot_general3A_5, %add3A : vector<1000x128xf32>
    %ge3A = arith.constant 0.000000e+00 : f32
    %ge3A_10 = vector.broadcast %ge3A : f32 to vector<1000x128xf32>
    %ge3A_11 = arith.cmpf oge, %add3A_9, %ge3A_10 : vector<1000x128xf32>
    %get3A_12 = arith.constant 0 : index
    %get3A_13 = arith.constant 0 : index
    %get3A_14 = vector.load %arg4[%get3A_12, %get3A_13] : memref<1x128xf32, #tpu.memory_space<vmem>>, vector<1x128xf32>
    %mul3A = vector.broadcast %get3A_14 : vector<1x128xf32> to vector<1000x128xf32>
    %mul3A_15 = arith.mulf %mul3A, %add3A_9 : vector<1000x128xf32>
    %select_n3A = arith.select %ge3A_11, %add3A_9, %mul3A_15 : vector<1000x128xi1>, vector<1000x128xf32>
    %swap3A = arith.constant 0 : index
    %swap3A_16 = arith.constant 0 : index
    %swap3A_17 = vector.load %arg5[%swap3A, %swap3A_16] : memref<1000x128xf32, #tpu.memory_space<vmem>>, vector<1000x128xf32>
    tpu.vector_store %arg5[%swap3A, %swap3A_16], %select_n3A {strides = array<i32>} : memref<1000x128xf32, #tpu.memory_space<vmem>>, vector<1000x128xf32>,
    return
  }
  func.func @transform_0(%arg0: i32) -> (i32, i32) {
    %c0_i32 = arith.constant 0 : i32
    %c0_i32_0 = arith.constant 0 : i32
    return %arg0, %c0_i32 : i32, i32
  }
  func.func @transform_1(%arg0: i32) -> (i32, i32) {
    %c0_i32 = arith.constant 0 : i32
    %c0_i32_0 = arith.constant 0 : i32
    %c0_i32_1 = arith.constant 0 : i32
    return %c0_i32, %c0_i32_0 : i32, i32
  }
  func.func @transform_2(%arg0: i32) -> (i32, i32) {
    %c0_i32 = arith.constant 0 : i32
    %c0_i32_0 = arith.constant 0 : i32
    %c0_i32_1 = arith.constant 0 : i32
    return %c0_i32, %c0_i32_0 : i32, i32
  }
  func.func @transform_3(%arg0: i32) -> (i32, i32) {
    %c0_i32 = arith.constant 0 : i32
    %c0_i32_0 = arith.constant 0 : i32
    %c0_i32_1 = arith.constant 0 : i32
    return %c0_i32, %c0_i32_0 : i32, i32
  }
  func.func @transform_4(%arg0: i32) -> (i32, i32) {
    %c0_i32 = arith.constant 0 : i32
    %c0_i32_0 = arith.constant 0 : i32
    return %arg0, %c0_i32 : i32, i32
  }
}

module attributes {stable_mosaic.version = 14 : i64} {
  func.func @_mlp_block(%arg0: i32, %arg1: memref<1000x128xf32, #tpu.memory_space<vmem>>, %arg2: memref<2x1000x128xf32, #tpu.memory_space<vmem>>, %arg3: memref<128x128xf32, #tpu.memory_space<vmem>>, %arg4: memref<1x128xf32, #tpu.memory_space<vmem>>, %arg5: memref<128x128xf32, #tpu.memory_space<vmem>>, %arg6: memref<1x128xf32, #tpu.memory_space<vmem>>, %arg7: memref<1x128xf32, #tpu.memory_space<vmem>>, %arg8: memref<1x128xf32, #tpu.memory_space<vmem>>, %arg9: memref<1000x128xf32, #tpu.memory_space<vmem>>) attributes {dimension_semantics = [#tpu.dimension_semantics<arbitrary>], iteration_bounds = array<i64: 10>, scalar_prefetch = 0 : i64, scratch_operands = 0 : i64, tpu.core_type = #tpu.core_type<tc>, window_params = [{transform_indices = @transform_0, window_bounds = array<i64: 1000, 128>}, {transform_indices = @transform_1, window_bounds = array<i64: 2, 1000, 128>}, {pipeline_mode = #tpu.pipeline_mode<synchronous>, transform_indices = @transform_2, window_bounds = array<i64: 128, 128>}, {pipeline_mode = #tpu.pipeline_mode<synchronous>, transform_indices = @transform_3, window_bounds = array<i64: 1, 128>}, {pipeline_mode = #tpu.pipeline_mode<synchronous>, transform_indices = @transform_4, window_bounds = array<i64: 128, 128>}, {pipeline_mode = #tpu.pipeline_mode<synchronous>, transform_indices = @transform_5, window_bounds = array<i64: 1, 128>}, {pipeline_mode = #tpu.pipeline_mode<synchronous>, transform_indices = @transform_6, window_bounds = array<i64: 1, 128>}, {pipeline_mode = #tpu.pipeline_mode<synchronous>, transform_indices = @transform_7, window_bounds = array<i64: 1, 128>}, {transform_indices = @transform_8, window_bounds = array<i64: 1000, 128>}]} {
    %get3A = arith.constant 0 : index
    %get3A_0 = arith.constant 0 : index
    %get3A_1 = vector.load %arg1[%get3A, %get3A_0] : memref<1000x128xf32, #tpu.memory_space<vmem>>, vector<1000x128xf32>
    %get3A_2 = arith.constant 0 : index
    %get3A_3 = arith.constant 0 : index
    %get3A_4 = arith.constant 0 : index
    %get3A_5 = vector.load %arg2[%get3A_2, %get3A_3, %get3A_4] : memref<2x1000x128xf32, #tpu.memory_space<vmem>>, vector<1x1000x128xf32>
    %get3A_6 = vector.shape_cast %get3A_5 : vector<1x1000x128xf32> to vector<1000x128xf32>
    %add3A = arith.addf %get3A_1, %get3A_6 : vector<1000x128xf32>
    %get3A_7 = arith.constant 1 : index
    %get3A_8 = arith.constant 0 : index
    %get3A_9 = arith.constant 0 : index
    %get3A_10 = vector.load %arg2[%get3A_7, %get3A_8, %get3A_9] : memref<2x1000x128xf32, #tpu.memory_space<vmem>>, vector<1x1000x128xf32>
    %get3A_11 = vector.shape_cast %get3A_10 : vector<1x1000x128xf32> to vector<1000x128xf32>
    %add3A_12 = arith.addf %add3A, %get3A_11 : vector<1000x128xf32>
    %get3A_13 = arith.constant 0 : index
    %get3A_14 = arith.constant 0 : index
    %get3A_15 = vector.load %arg3[%get3A_13, %get3A_14] : memref<128x128xf32, #tpu.memory_space<vmem>>, vector<128x128xf32>
    %dot_general3A = arith.constant dense<0.000000e+00> : vector<1000x128xf32>
    %dot_general3A_16 = tpu.matmul %add3A_12, %get3A_15, %dot_general3A {dimension_numbers = #tpu.dot_dimension_numbers<[1], [0], [0], [1], [0, 0, 1, 1], [], []>, transpose_lhs_hint = false} : vector<1000x128xf32>, vector<128x128xf32>, vector<1000x128xf32> -> vector<1000x128xf32>
    %get3A_17 = arith.constant 0 : index
    %get3A_18 = arith.constant 0 : index
    %get3A_19 = vector.load %arg4[%get3A_17, %get3A_18] : memref<1x128xf32, #tpu.memory_space<vmem>>, vector<1x128xf32>
    %add3A_20 = vector.broadcast %get3A_19 : vector<1x128xf32> to vector<1000x128xf32>
    %add3A_21 = arith.addf %dot_general3A_16, %add3A_20 : vector<1000x128xf32>
    %max3A = arith.constant 0.000000e+00 : f32
    %max3A_22 = vector.broadcast %max3A : f32 to vector<1000x128xf32>
    %max3A_23 = arith.maximumf %add3A_21, %max3A_22 : vector<1000x128xf32>
    %get3A_24 = arith.constant 0 : index
    %get3A_25 = arith.constant 0 : index
    %get3A_26 = vector.load %arg5[%get3A_24, %get3A_25] : memref<128x128xf32, #tpu.memory_space<vmem>>, vector<128x128xf32>
    %dot_general3A_27 = arith.constant dense<0.000000e+00> : vector<1000x128xf32>
    %dot_general3A_28 = tpu.matmul %max3A_23, %get3A_26, %dot_general3A_27 {dimension_numbers = #tpu.dot_dimension_numbers<[1], [0], [0], [1], [0, 0, 1, 1], [], []>, transpose_lhs_hint = false} : vector<1000x128xf32>, vector<128x128xf32>, vector<1000x128xf32> -> vector<1000x128xf32>
    %get3A_29 = arith.constant 0 : index
    %get3A_30 = arith.constant 0 : index
    %get3A_31 = vector.load %arg6[%get3A_29, %get3A_30] : memref<1x128xf32, #tpu.memory_space<vmem>>, vector<1x128xf32>
    %add3A_32 = vector.broadcast %get3A_31 : vector<1x128xf32> to vector<1000x128xf32>
    %add3A_33 = arith.addf %dot_general3A_28, %add3A_32 : vector<1000x128xf32>
    %max3A_34 = arith.constant 0.000000e+00 : f32
    %max3A_35 = vector.broadcast %max3A_34 : f32 to vector<1000x128xf32>
    %max3A_36 = arith.maximumf %add3A_33, %max3A_35 : vector<1000x128xf32>
    %get3A_37 = arith.constant 0 : index
    %get3A_38 = arith.constant 0 : index
    %get3A_39 = vector.load %arg7[%get3A_37, %get3A_38] : memref<1x128xf32, #tpu.memory_space<vmem>>, vector<1x128xf32>
    %mul3A = vector.broadcast %get3A_39 : vector<1x128xf32> to vector<1000x128xf32>
    %mul3A_40 = arith.mulf %max3A_36, %mul3A : vector<1000x128xf32>
    %get3A_41 = arith.constant 0 : index
    %get3A_42 = arith.constant 0 : index
    %get3A_43 = vector.load %arg8[%get3A_41, %get3A_42] : memref<1x128xf32, #tpu.memory_space<vmem>>, vector<1x128xf32>
    %add3A_44 = vector.broadcast %get3A_43 : vector<1x128xf32> to vector<1000x128xf32>
    %add3A_45 = arith.addf %mul3A_40, %add3A_44 : vector<1000x128xf32>
    %swap3A = arith.constant 0 : index
    %swap3A_46 = arith.constant 0 : index
    %swap3A_47 = vector.load %arg9[%swap3A, %swap3A_46] : memref<1000x128xf32, #tpu.memory_space<vmem>>, vector<1000x128xf32>
    tpu.vector_store %arg9[%swap3A, %swap3A_46], %add3A_45 {strides = array<i32>} : memref<1000x128xf32, #tpu.memory_space<vmem>>, vector<1000x128xf32>,
    return
  }
  func.func @transform_0(%arg0: i32) -> (i32, i32) {
    %c0_i32 = arith.constant 0 : i32
    %c0_i32_0 = arith.constant 0 : i32
    return %arg0, %c0_i32 : i32, i32
  }
  func.func @transform_1(%arg0: i32) -> (i32, i32, i32) {
    %c0_i32 = arith.constant 0 : i32
    %c0_i32_0 = arith.constant 0 : i32
    %c0_i32_1 = arith.constant 0 : i32
    return %c0_i32, %arg0, %c0_i32_0 : i32, i32, i32
  }
  func.func @transform_2(%arg0: i32) -> (i32, i32) {
    %c0_i32 = arith.constant 0 : i32
    %c0_i32_0 = arith.constant 0 : i32
    %c0_i32_1 = arith.constant 0 : i32
    return %c0_i32, %c0_i32_0 : i32, i32
  }
  func.func @transform_3(%arg0: i32) -> (i32, i32) {
    %c0_i32 = arith.constant 0 : i32
    %c0_i32_0 = arith.constant 0 : i32
    %c0_i32_1 = arith.constant 0 : i32
    return %c0_i32, %c0_i32_0 : i32, i32
  }
  func.func @transform_4(%arg0: i32) -> (i32, i32) {
    %c0_i32 = arith.constant 0 : i32
    %c0_i32_0 = arith.constant 0 : i32
    %c0_i32_1 = arith.constant 0 : i32
    return %c0_i32, %c0_i32_0 : i32, i32
  }
  func.func @transform_5(%arg0: i32) -> (i32, i32) {
    %c0_i32 = arith.constant 0 : i32
    %c0_i32_0 = arith.constant 0 : i32
    %c0_i32_1 = arith.constant 0 : i32
    return %c0_i32, %c0_i32_0 : i32, i32
  }
  func.func @transform_6(%arg0: i32) -> (i32, i32) {
    %c0_i32 = arith.constant 0 : i32
    %c0_i32_0 = arith.constant 0 : i32
    %c0_i32_1 = arith.constant 0 : i32
    return %c0_i32, %c0_i32_0 : i32, i32
  }
  func.func @transform_7(%arg0: i32) -> (i32, i32) {
    %c0_i32 = arith.constant 0 : i32
    %c0_i32_0 = arith.constant 0 : i32
    %c0_i32_1 = arith.constant 0 : i32
    return %c0_i32, %c0_i32_0 : i32, i32
  }
  func.func @transform_8(%arg0: i32) -> (i32, i32) {
    %c0_i32 = arith.constant 0 : i32
    %c0_i32_0 = arith.constant 0 : i32
    return %arg0, %c0_i32 : i32, i32
  }
}

module attributes {stable_mosaic.version = 14 : i64} {
  func.func @_cls_block(%arg0: memref<2x8x128xf32, #tpu.memory_space<vmem>>, %arg1: memref<128x128xf32, #tpu.memory_space<vmem>>, %arg2: memref<1x128xf32, #tpu.memory_space<vmem>>, %arg3: memref<128x128xf32, #tpu.memory_space<vmem>>, %arg4: memref<1x128xf32, #tpu.memory_space<vmem>>, %arg5: memref<8x128xf32, #tpu.memory_space<vmem>>) attributes {dimension_semantics = [], scalar_prefetch = 0 : i64, scratch_operands = 0 : i64, tpu.core_type = #tpu.core_type<tc>} {
    %get3A = arith.constant 0 : index
    %get3A_0 = arith.constant 0 : index
    %get3A_1 = arith.constant 0 : index
    %get3A_2 = vector.load %arg0[%get3A, %get3A_0, %get3A_1] : memref<2x8x128xf32, #tpu.memory_space<vmem>>, vector<1x8x128xf32>
    %get3A_3 = vector.shape_cast %get3A_2 : vector<1x8x128xf32> to vector<8x128xf32>
    %get3A_4 = arith.constant 1 : index
    %get3A_5 = arith.constant 0 : index
    %get3A_6 = arith.constant 0 : index
    %get3A_7 = vector.load %arg0[%get3A_4, %get3A_5, %get3A_6] : memref<2x8x128xf32, #tpu.memory_space<vmem>>, vector<1x8x128xf32>
    %get3A_8 = vector.shape_cast %get3A_7 : vector<1x8x128xf32> to vector<8x128xf32>
    %add3A = arith.addf %get3A_3, %get3A_8 : vector<8x128xf32>
    %get3A_9 = arith.constant 0 : index
    %get3A_10 = arith.constant 0 : index
    %get3A_11 = vector.load %arg1[%get3A_9, %get3A_10] : memref<128x128xf32, #tpu.memory_space<vmem>>, vector<128x128xf32>
    %dot_general3A = arith.constant dense<0.000000e+00> : vector<8x128xf32>
    %dot_general3A_12 = tpu.matmul %add3A, %get3A_11, %dot_general3A {dimension_numbers = #tpu.dot_dimension_numbers<[1], [0], [0], [1], [0, 0, 1, 1], [], []>, transpose_lhs_hint = false} : vector<8x128xf32>, vector<128x128xf32>, vector<8x128xf32> -> vector<8x128xf32>
    %get3A_13 = arith.constant 0 : index
    %get3A_14 = arith.constant 0 : index
    %get3A_15 = vector.load %arg2[%get3A_13, %get3A_14] : memref<1x128xf32, #tpu.memory_space<vmem>>, vector<1x128xf32>
    %add3A_16 = vector.broadcast %get3A_15 : vector<1x128xf32> to vector<8x128xf32>
    %add3A_17 = arith.addf %dot_general3A_12, %add3A_16 : vector<8x128xf32>
    %max3A = arith.constant 0.000000e+00 : f32
    %max3A_18 = vector.broadcast %max3A : f32 to vector<8x128xf32>
    %max3A_19 = arith.maximumf %add3A_17, %max3A_18 : vector<8x128xf32>
    %get3A_20 = arith.constant 0 : index
    %get3A_21 = arith.constant 0 : index
    %get3A_22 = vector.load %arg3[%get3A_20, %get3A_21] : memref<128x128xf32, #tpu.memory_space<vmem>>, vector<128x128xf32>
    %dot_general3A_23 = arith.constant dense<0.000000e+00> : vector<8x128xf32>
    %dot_general3A_24 = tpu.matmul %max3A_19, %get3A_22, %dot_general3A_23 {dimension_numbers = #tpu.dot_dimension_numbers<[1], [0], [0], [1], [0, 0, 1, 1], [], []>, transpose_lhs_hint = false} : vector<8x128xf32>, vector<128x128xf32>, vector<8x128xf32> -> vector<8x128xf32>
    %get3A_25 = arith.constant 0 : index
    %get3A_26 = arith.constant 0 : index
    %get3A_27 = vector.load %arg4[%get3A_25, %get3A_26] : memref<1x128xf32, #tpu.memory_space<vmem>>, vector<1x128xf32>
    %add3A_28 = vector.broadcast %get3A_27 : vector<1x128xf32> to vector<8x128xf32>
    %add3A_29 = arith.addf %dot_general3A_24, %add3A_28 : vector<8x128xf32>
    %swap3A = arith.constant 0 : index
    %swap3A_30 = arith.constant 0 : index
    %swap3A_31 = vector.load %arg5[%swap3A, %swap3A_30] : memref<8x128xf32, #tpu.memory_space<vmem>>, vector<8x128xf32>
    tpu.vector_store %arg5[%swap3A, %swap3A_30], %add3A_29 {strides = array<i32>} : memref<8x128xf32, #tpu.memory_space<vmem>>, vector<8x128xf32>,
    return
  }
}

</mosaic_0001>

<sc_bundles>
// kernel: kernel.12.cloned.1.call-start
scs
__scs_entry_jumppad:
0x0: {  	(pc) =	sbr.rel $0x88, $3  }
0x1: {  	(tag) =	ssettag $0x0;
	lr =	simm.s32 $0x1  }
0x2: {  	[smem:$0x3F8A] =	sst lr;
	_ =	strace $0xD0000000  }
0x3: {  	_ = 	snop  }
0x4: {  	_ = 	snop  }
0x5: {  	_ = 	snop  }
0x6: {  	_ = 	snop  }
0x7: {  	_ = 	snop  }
__scs_overlays_trampoline_lowered:
0x8: {  	[smem:$0x3F99] =	sst s0  }
0x9: {  	[smem:$0x3F9A] =	sst s1  }
0xa: {  	[smem:$0x3F9B] =	sst s2  }
0xb: {  	[smem:$0x3F9C] =	sst s3  }
0xc: {  	[smem:$0x3F9D] =	sst s4  }
0xd: {  	[smem:$0x3F9E] =	sst s5  }
0xe: {  	[smem:$0x3F9F] =	sst s6  }
0xf: {  	[smem:$0x3FA0] =	sst s7  }
0x10: {  	[smem:$0x3FA1] =	sst s8  }
0x11: {  	[smem:$0x3FA2] =	sst s9;
	s0 =	simm.s32 @!p0 $0x0  }
0x12: {  	s1 =	sld [smem:$0x3F88];
	s0 =	simm.s32 @p0 $0x1  }
0x13: {  	[smem:$0x3FA3] =	sst s0;
	s0 =	simm.s32 @!p1 $0x0  }
0x14: {  	s2 =	sld [smem:$0x3F87];
	s0 =	simm.s32 @p1 $0x1  }
0x15: {  	[smem:$0x3FA4] =	sst s0;
	s0 =	simm.s32 @!p2 $0x0  }
0x16: {  	s3 =	sld [smem:$0x3FDB];
	s0 =	simm.s32 @p2 $0x1  }
0x17: {  	s4 =	simm.s32 $0x1BF5;
	[smem:$0x3FA6] =	sst s0  }
0x18: {  	s0 =	sld [smem:$0x3F89];
	_ =	swait.ge [sflag:s4], $0x0  }
0x19: {  	s7 =	sld [smem:$0x3F8A]  }
0x1a: {  	s8 =	sadd.s32 $0xFFFFE003, lr  }
0x1b: {  	s9 =	sadd.s32 $0xFFFFFEF7, lr;
	s5 =	simm.s32 $0xFFFFFFFF;
	p2 =	slt.u32 s8, $0xFFFFF086  }
0x1c: {  	p1 =	slt.u32 s9, $0xF7A;
	s5 =	simm.s32 @!p2 $0x0  }
0x1d: {  	s5 =	simm.s32 @p1 $0x1;
	p0 =	seq.s32 s7, s2  }
0x1e: {  	s7 =	smul.u32 @!p0 $0xF7A, s2;
	p2 =	seq.s32 @!p0 s5, $0x0  }
0x1f: {  	s9 =	smul.u32 $0xF7A, s1;
	s8 =	simm.s32 @!p0 $0x1BF5;
	p2 =	por !p2, p0  }
0x20: {  	[sflag:s8] =	ssyncset.s32 @!p0 $0xFFFFF086;
	s6 =	sadd.s32 @!p0 s3, s7;
	s7 =	simm.s32 @!p0 $0x108  }
0x21: {  	s3 =	sadd.s32 s3, s9;
	s6 =	sadd.s32 @!p0 $0x88, s6;
	s7 =	simm.s32 @p2 $0x1082  }
0x22: {  	[simem:s7], [sflag:s8] =	dma.local @!p0 [hbm:s6], $0xF7A  }
0x23: {  	s9 =	sor.u32 $0xD0000000, s2;
	s6 =	simm.s32 $0x108;
	_ =	swait.ge @!p0 [sflag:s8], $0x0  }
0x24: {  	s3 =	sadd.s32 $0x88, s3;
	s6 =	simm.s32 @!p1 $0x1082;
	[sflag:s4] =	ssyncset.s32 $0xFFFFF086  }
0x25: {  	[simem:s6], [sflag:s4] =	dma.local [hbm:s3], $0xF7A  }
0x26: {  	[smem:$0x3F8A] =	sst s1;
	(tag) =	ssettag s2;
	_ =	strace s9  }
0x27: {  	s1 =	sld [smem:$0x3F9A]  }
0x28: {  	s2 =	sld [smem:$0x3F9B]  }
0x29: {  	s4 =	sld [smem:$0x3F9D]  }
0x2a: {  	p0 =	seq.s32 s5, $0x0;
	s5 =	sld [smem:$0x3F9E]  }
0x2b: {  	s6 =	sld [smem:$0x3F9F]  }
0x2c: {  	s7 =	sld [smem:$0x3FA0]  }
0x2d: {  	s3 =	simm.s32 $0x108;
	s8 =	sld [smem:$0x3FA1]  }
0x2e: {  	s3 =	simm.s32 @!p0 $0x1082;
	s9 =	sld [smem:$0x3FA2]  }
0x2f: {  	lr =	sadd.s32 s0, s3;
	s0 =	sld [smem:$0x3F99]  }
0x30: {  	s3 =	sld [smem:$0x3F9C]  }
0x31: {  	[smem:$0x3FA5] =	sst s10  }
0x32: {  	s10 =	sld [smem:$0x3FA3];
	_ =	sdelay $0x3  }
0x33: {  	p0 =	seq.s32 s10, $0x1;
	s10 =	sld [smem:$0x3FA5];
	_ =	sdelay $0x3  }
0x34: {  	[smem:$0x3FA5] =	sst s10  }
0x35: {  	s10 =	sld [smem:$0x3FA4];
	_ =	sdelay $0x3  }
0x36: {  	p1 =	seq.s32 s10, $0x1;
	s10 =	sld [smem:$0x3FA5];
	_ =	sdelay $0x3  }
0x37: {  	[smem:$0x3FA5] =	sst s10  }
0x38: {  	s10 =	sld [smem:$0x3FA6]  }
0x39: {  	_ = 	snop;
	(pc) =	sbr.ind lr, $3  }
0x3a: {  	_ = 	snop  }
0x3b: {  	_ = 	snop  }
0x3c: {  	p2 =	seq.s32 s10, $0x1;
	s10 =	sld [smem:$0x3FA5]  }
0x3d: {  	_ =	shalt  }
0x3e: {  	_ =	shalt  }
0x3f: {  	_ =	shalt  }
0x40: {  	_ =	shalt  }
0x41: {  	_ =	shalt  }
0x42: {  	_ =	shalt  }
0x43: {  	_ =	shalt  }
0x44: {  	_ =	shalt  }
0x45: {  	_ =	shalt  }
0x46: {  	_ =	shalt  }
0x47: {  	_ =	shalt  }
0x48: {  	_ =	shalt  }
0x49: {  	_ =	shalt  }
0x4a: {  	_ =	shalt  }
0x4b: {  	_ =	shalt  }
0x4c: {  	_ =	shalt  }
0x4d: {  	_ =	shalt  }
0x4e: {  	_ =	shalt  }
0x4f: {  	_ =	shalt  }
0x50: {  	_ =	shalt  }
0x51: {  	_ =	shalt  }
0x52: {  	_ =	shalt  }
0x53: {  	_ =	shalt  }
0x54: {  	_ =	shalt  }
0x55: {  	_ =	shalt  }
0x56: {  	_ =	shalt  }
0x57: {  	_ =	shalt  }
0x58: {  	_ =	shalt  }
0x59: {  	_ =	shalt  }
0x5a: {  	_ =	shalt  }
0x5b: {  	_ =	shalt  }
0x5c: {  	_ =	shalt  }
0x5d: {  	_ =	shalt  }
0x5e: {  	_ =	shalt  }
0x5f: {  	_ =	shalt  }
0x60: {  	_ =	shalt  }
0x61: {  	_ =	shalt  }
0x62: {  	_ =	shalt  }
0x63: {  	_ =	shalt  }
0x64: {  	_ =	shalt  }
0x65: {  	_ =	shalt  }
0x66: {  	_ =	shalt  }
0x67: {  	_ =	shalt  }
0x68: {  	_ =	shalt  }
0x69: {  	_ =	shalt  }
0x6a: {  	_ =	shalt  }
0x6b: {  	_ =	shalt  }
0x6c: {  	_ =	shalt  }
0x6d: {  	_ =	shalt  }
0x6e: {  	_ =	shalt  }
0x6f: {  	_ =	shalt  }
0x70: {  	_ =	shalt  }
0x71: {  	_ =	shalt  }
0x72: {  	_ =	shalt  }
0x73: {  	_ =	shalt  }
0x74: {  	_ =	shalt  }
0x75: {  	_ =	shalt  }
0x76: {  	_ =	shalt  }
0x77: {  	_ =	shalt  }
0x78: {  	_ =	shalt  }
0x79: {  	_ =	shalt  }
0x7a: {  	_ =	shalt  }
0x7b: {  	_ =	shalt  }
0x7c: {  	_ =	shalt  }
0x7d: {  	_ =	shalt  }
0x7e: {  	_ =	shalt  }
0x7f: {  	_ =	shalt  }
0x80: {  	_ =	shalt  }
0x81: {  	_ =	shalt  }
0x82: {  	_ =	shalt  }
0x83: {  	_ =	shalt  }
0x84: {  	_ =	shalt  }
0x85: {  	_ =	shalt  }
0x86: {  	_ =	shalt  }
0x87: {  	_ =	shalt  }
.Lfunc_end0:
.L_simem_size_0:
called_computation.1_lowered:
.L_overlay_start_0:
0x88: {  	s2 =	sld [smem:$0x3FD9]  }
0x89: {  	s3 =	sld [smem:$0x3FFE];
	_ =	sdelay $0x1  }
0x8a: {  	s1 =	srdreg.scid  }
0x8b: {  	s0 =	sand.u32 $0x1, s1  }
0x8c: {  	s16 =	sshll.u32 s0, $0xA;
	s2 =	sadd.s32 s3, s2  }
0x8d: {  	s2 =	sadd.s32 s2, s16  }
0x8e: {  	[smem:$0x3FB1] =	sst s2  }
0x8f: {  	_ = 	snop  }
0x90: {  	(tm) =	ssettm $0x1  }
0x91: {  	s17 =	sld [smem:$0x3FFB];
	_ =	sdelay $0x3  }
0x92: {  	_ =	strace s17  }
0x93: {  	s2 =	sld [smem:$0x3FFC];
	_ =	sdelay $0x3  }
0x94: {  	_ =	strace s2  }
0x95: {  	s2 =	sld [smem:$0x3FFD];
	_ =	sdelay $0x3  }
0x96: {  	_ =	strace s2  }
0x97: {  	_ =	strace $0x8FFFFFFF  }
0x98: {  	s18 =	sld [smem:$0x3FDB];
	_ =	sdelay $0x1  }
0x99: {  	s19 =	simm.s32 $_scs_section_size  }
0x9a: {  	s4 =	simm.s32 $_size__tile_overlayer_lowered;
	s5 =	simm.s32 $_tile_overlayer_lowered  }
0x9b: {  	s22 =	simm.s32 $0x1BFF;
	s21 =	sshll.u32 s5, $0x1;
	s2 =	sadd.s32 s19, s18  }
0x9c: {  	s6 =	simm.s32 $0x0;
	s20 =	sshll.u32 s4, $0x1;
	s4 =	sadd.s32 s21, s2  }
0x9d: {  	[timem:s6], [sflag:s22] =	dma.local [hbm:s4], s20  }
0x9e: {  	_ =	swait.ge [sflag:s22], s20  }
0x9f: {  	s3 =	ssub.s32 $0x0, s20;
	[sflag:s22] =	ssyncset.done $0x0  }
0xa0: {  	[sflag:s22] =	ssyncadd.s32 s3;
	_ =	sdelay $0x1  }
0xa1: {  	s23 =	simm.s32 $0x1B8B  }
0xa2: {  	_ =	swait.ge [sflag:s23], $0x1  }
0xa3: {  	[sflag:s23] =	ssyncset.done $0x0  }
0xa4: {  	s25 =	simm.s32 $0x1B8E;
	s24 =	sld [smem:$0x3FFE];
	[sflag:s23] =	ssyncadd.s32 $0xFFFFFFFF  }
0xa5: {  	s26 =	simm.s32 $execute0_lowered;
	[smem:$0x3FD2] =	sst s25  }
0xa6: {  	s4 =	sshll.u32 s26, $0x1;
	_ =	strace $0x80000049;
	[dreg:$0x1] =	wrdreg $0xFFFFFFFF  }
0xa7: {  	s28 =	simm.s32 $_size_execute0_lowered;
	s2 =	sadd.s32 s2, s4;
	[dreg:$0x0] =	wrdreg $0x0  }
0xa8: {  	s4 =	sshll.u32 s28, $0x1;
	[dreg:$0x2] =	wrdreg s2  }
0xa9: {  	[dreg:$0x3] =	wrdreg s4  }
0xaa: {  	[dreg:$0x4] =	wrdreg $0xC0  }
0xab: {  	_ =	task [dreg:s6], $0x5FFFF  }
0xac: {  	[dreg:$0x1] =	wrdreg $0xFFFFFFFF  }
0xad: {  	[dreg:$0x0] =	wrdreg $0x60  }
0xae: {  	[dreg:$0x2] =	wrdreg s24  }
0xaf: {  	[dreg:$0x3] =	wrdreg $0x0  }
0xb0: {  	[dreg:$0x4] =	wrdreg $0x9  }
0xb1: {  	_ =	task.clear_ibuf [dreg:s6], $0x5FFFF;
	_ =	strace $0x90000049  }
0xb2: {  	s29 =	simm.s32 $0x9;
	_ =	strace $0x8000004B  }
0xb3: {  	_ =	swait.ge [sflag:s29], $0x1  }
0xb4: {  	[sflag:s29] =	ssyncadd.s32 $0xFFFFFFFF  }
0xb5: {  	_ =	strace $0x9000004B  }
0xb6: {  	_ =	sfence  }
0xb7: {  	s30 =	sld [smem:$0x0];
	_ =	sdelay $0x2  }
0xb8: {  	s31 =	sshll.u32 s1, $0xD;
	s1 =	sshrl.u32 s1, $0x2  }
0xb9: {  	s3 =	sand.u32 $0x4000, s31;
	s1 =	sadd.s32 s1, s30  }
0xba: {  	s0 =	sor.u32 s3, s0;
	s1 =	sshll.u32 s1, $0x11  }
0xbb: {  	s0 =	sor.u32 s1, s0  }
0xbc: {  	s0 =	sadd.s32 $0x8F2B, s0  }
0xbd: {  	[sflag:s0] =	ssyncadd.remote.s32 $0x1  }
0xbe: {  	_ =	sfence.sel $0xFFFF  }
0xbf: {  	[dreg:$0x0] =	wrdreg $0xFFFFFFFF;
	(pc) =	sbr.abs _section_cstart, $3  }
0xc0: {  	[dreg:$0x1] =	wrdreg $0xFFFFFFFF  }
0xc1: {  	_ =	task.clear_ibuf [dreg:s6], $0x2FFFF;
	_ =	strace $0x9FFFFFFF  }
0xc2: {  	(tm) =	ssettm $0x7FFFFFFF  }
0xc3: {  	_ =	shalt  }
tec
execute0_lowered:
.L_overlay_start_1:
0x0: {  	(tag) =	ssettag $0x1  }
0x1: {  	s0 =	rddreg [dreg:$0x0];
	s2 =	srdreg.scid  }
0x2: {  	s1 =	rddreg [dreg:$0x1];
	s3 =	stileid.u32;
	s29 =	simm.s32 $0x17880  }
0x3: {  	s30 =	simm.s32 $0x7;
	s31 =	simm.s32 $0x13880;
	s2 =	sand.u32 $0x1, s2  }
0x4: {  	s5 =	smul.u32 $0x13800, s3;
	s6 =	sadd.s32 $0x3A00, s0;
	s7 =	sadd.s32 $0x13A00, s0  }
0x5: {  	s9 =	sadd.s32 $0x4B200, s0;
	s15 =	sshll.u32 s3, $0xB;
	p0 =	sne.s32 s3, $0x0  }
0x6: {  	s28 =	sadd.s32 $0x138000, s1;
	s4 =	ssub.s32 $0x2, s2;
	s14 =	sshll.u32 s2, $0xF  }
0x7: {  	s2 =	smul.u32 $0x138800, s2;
	s8 =	sshrl.u32 s4, $0x1;
	s10 =	sadd.s32 $0x5000, s5  }
0x8: {  	s11 =	sadd.s32 $0x7800, s5;
	s12 =	sadd.s32 $0xA000, s5;
	s13 =	sadd.s32 $0xC800, s5  }
0x9: {  	s16 =	sadd.s32 $0xF000, s5;
	s14 =	sor.u32 s15, s14;
	s24 =	sadd.s32 $0x11800, s5  }
0xa: {  	s4 =	ssub.s32 s4, s8;
	s8 =	sadd.s32 $0x2800, s5;
	s15 =	sadd.s32 s6, s14  }
0xb: {  	s19 =	sadd.s32 s7, s14;
	s14 =	sor.u32 $0x400, s14;
	s5 =	sadd.s32 s5, s2  }
0xc: {  	s23 =	sadd.s32 s2, s10;
	s25 =	sadd.s32 s2, s11;
	s26 =	sadd.s32 s2, s12  }
0xd: {  	s17 =	sadd.s32 s2, s13;
	s18 =	sadd.s32 s2, s16;
	[dreg:$0x3] =	wrdreg s15  }
0xe: {  	[dreg:$0x4] =	wrdreg s19;
	s20 =	sadd.s32 s2, s8;
	s6 =	sadd.s32 s6, s14  }
0xf: {  	s5 =	sshrl.u32 s5, $0x3;
	s7 =	sadd.s32 s7, s14;
	s19 =	sadd.s32 s2, s24  }
0x10: {  	s2 =	sshrl.u32 s2, $0x3;
	s24 =	sadd.s32 s24, s1;
	[dreg:$0x5] =	wrdreg s6  }
0x11: {  	s21 =	sshrl.u32 s20, $0x3;
	[dreg:$0x6] =	wrdreg s7;
	s5 =	sadd.s32 s9, s5  }
0x12: {  	s6 =	sshrl.u32 s25, $0x3;
	s7 =	sshrl.u32 s26, $0x3;
	s2 =	sadd.s32 s9, s2  }
0x13: {  	s26 =	smax.u32 s4, $0x1;
	s4 =	simm.s32 $0x1A080;
	[dreg:$0x7] =	wrdreg s5  }
0x14: {  	s22 =	sadd.s32 s9, s21;
	s5 =	sshrl.u32 s23, $0x3;
	s14 =	sadd.s32 s9, s6  }
0x15: {  	s15 =	sadd.s32 s9, s7;
	s6 =	sshrl.u32 s18, $0x3;
	s7 =	sshrl.u32 s19, $0x3  }
0x16: {  	s18 =	sadd.s32 s8, s1;
	s19 =	sadd.s32 s10, s1;
	s25 =	sadd.s32 $0x27000, s2  }
0x17: {  	s2 =	simm.s32 $0x50;
	s8 =	simm.s32 $0x2;
	[dreg:$0x8] =	wrdreg s22  }
0x18: {  	s10 =	simm.s32 $0x3;
	s5 =	sadd.s32 s9, s5;
	[dreg:$0xa] =	wrdreg s14  }
0x19: {  	[dreg:$0xb] =	wrdreg s15;
	s20 =	sadd.s32 s9, s6;
	s21 =	sadd.s32 s9, s7  }
0x1a: {  	s14 =	simm.s32 $0x0;
	s22 =	smul.u32 $0x4E000, s3;
	[dreg:$0x9] =	wrdreg s5  }
0x1b: {  	s15 =	sadd.s32 $0x23A00, s0;
	s0 =	sadd.s32 $0x4AC00, s0;
	[dreg:$0xd] =	wrdreg s20  }
0x1c: {  	s3 =	simm.s32 $0x13900;
	s6 =	simm.s32 $0x1C880;
	[dreg:$0xe] =	wrdreg s21  }
0x1d: {  	s7 =	simm.s32 $0x1;
	s5 =	sshrl.u32 s17, $0x3;
	[smem:$0x7FF] =	sst s14  }
0x1e: {  	s20 =	sadd.s32 s11, s1;
	s21 =	sadd.s32 s12, s1;
	s11 =	simm.s32 $0x5  }
0x1f: {  	s12 =	simm.s32 $0x6;
	s5 =	sadd.s32 s9, s5;
	s23 =	sshrl.u32 s22, $0x2  }
0x20: {  	s22 =	sadd.s32 s13, s1;
	s9 =	simm.s32 $0x4;
	[dreg:$0xc] =	wrdreg s5  }
0x21: {  	s13 =	simm.s32 $0x0;
	_ =	strace $0x8000004A;
	[dreg:$0xf] =	wrdreg s0  }
0x22: {  	s17 =	sadd.s32 s23, s1;
	s23 =	sadd.s32 s16, s1;
	[dreg:$0x10] =	wrdreg s25  }
0x23: {  	s5 =	simm.s32 $0x13980;
	[dreg:$0x11] =	wrdreg s26;
	s0 =	simm.s32 $0x15880  }
.LBB2_1:
0x24: {  	s16 =	rddreg [dreg:$0xf]  }
0x25: {  	[tilespmem:s29], [sflag:$0x7] =	stream.linear.gather [hbm4b:s16+s14], $0x2800, $0x38;
	[tilespmem:$0x1F080] =	vst v63  }
0x26: {  	_ =	swait.ge [sflag:s30], $0x2800  }
0x27: {  	[sflag:s30] =	ssyncset.done $0x0  }
0x28: {  	[sflag:s30] =	ssyncadd.s32 $0xFFFFD800  }
0x29: {  	[spmem:s17] =	stream.linear.scatter [tilespmem:s29], [sflag:$0x7], $0x2800, $0x38;
	[tilespmem:$0x1F080] =	vst v63  }
0x2a: {  	_ =	swait.ge [sflag:s30], $0x2800  }
0x2b: {  	[sflag:s30] =	ssyncset.done $0x0  }
0x2c: {  	[sflag:s30] =	ssyncadd.s32 $0xFFFFD800  }
0x2d: {  	[spmem:s18] =	stream.linear.scatter [tilespmem:s29], [sflag:$0x7], $0x2800, $0x38;
	[tilespmem:$0x1F080] =	vst v63  }
0x2e: {  	_ =	swait.ge [sflag:s30], $0x2800  }
0x2f: {  	[sflag:s30] =	ssyncset.done $0x0  }
0x30: {  	[sflag:s30] =	ssyncadd.s32 $0xFFFFD800  }
0x31: {  	[spmem:s19] =	stream.linear.scatter [tilespmem:s29], [sflag:$0x7], $0x2800, $0x38;
	[tilespmem:$0x1F080] =	vst v63  }
0x32: {  	_ =	swait.ge [sflag:s30], $0x2800  }
0x33: {  	[sflag:s30] =	ssyncset.done $0x0  }
0x34: {  	[sflag:s30] =	ssyncadd.s32 $0xFFFFD800  }
0x35: {  	[spmem:s20] =	stream.linear.scatter [tilespmem:s29], [sflag:$0x7], $0x2800, $0x38;
	[tilespmem:$0x1F080] =	vst v63  }
0x36: {  	_ =	swait.ge [sflag:s30], $0x2800  }
0x37: {  	[sflag:s30] =	ssyncset.done $0x0  }
0x38: {  	[sflag:s30] =	ssyncadd.s32 $0xFFFFD800  }
0x39: {  	[spmem:s21] =	stream.linear.scatter [tilespmem:s29], [sflag:$0x7], $0x2800, $0x38;
	[tilespmem:$0x1F080] =	vst v63  }
0x3a: {  	_ =	swait.ge [sflag:s30], $0x2800  }
0x3b: {  	[sflag:s30] =	ssyncset.done $0x0  }
0x3c: {  	[sflag:s30] =	ssyncadd.s32 $0xFFFFD800  }
0x3d: {  	[spmem:s22] =	stream.linear.scatter [tilespmem:s29], [sflag:$0x7], $0x2800, $0x38;
	[tilespmem:$0x1F080] =	vst v63  }
0x3e: {  	_ =	swait.ge [sflag:s30], $0x2800  }
0x3f: {  	[sflag:s30] =	ssyncset.done $0x0  }
0x40: {  	[sflag:s30] =	ssyncadd.s32 $0xFFFFD800  }
0x41: {  	[spmem:s23] =	stream.linear.scatter [tilespmem:s29], [sflag:$0x7], $0x2800, $0x38;
	[tilespmem:$0x1F080] =	vst v63  }
0x42: {  	_ =	swait.ge [sflag:s30], $0x2800  }
0x43: {  	[sflag:s30] =	ssyncset.done $0x0  }
0x44: {  	[sflag:s30] =	ssyncadd.s32 $0xFFFFD800  }
0x45: {  	[spmem:s24] =	stream.linear.scatter [tilespmem:s29], [sflag:$0x7], $0x2000, $0x38;
	[tilespmem:$0x1F080] =	vst v63  }
0x46: {  	_ =	swait.ge [sflag:s30], $0x2000  }
0x47: {  	[sflag:s30] =	ssyncset.done $0x0  }
0x48: {  	s16 =	simm.s32 @!p0 $0x17880;
	[sflag:s30] =	ssyncadd.s32 $0xFFFFE000  }
0x49: {  	[spmem:s28] =	stream.linear.scatter @!p0 [tilespmem:s16], [sflag:$0x7], $0x800, $0x38;
	[tilespmem:$0x1F080] =	vst v63  }
0x4a: {  	s16 =	simm.s32 @!p0 $0x7  }
0x4b: {  	_ =	swait.ge @!p0 [sflag:s16], $0x800  }
0x4c: {  	[sflag:s16] =	ssyncset.done @!p0 $0x0  }
0x4d: {  	[sflag:s16] =	ssyncadd.s32 @!p0 $0xFFFFF800  }
0x4e: {  	[bflag:$0x0] =	sbarrier.arrive $0xFFFF  }
0x4f: {  	s26 =	rddreg [dreg:$0x3]  }
0x50: {  	[tilespmem:s31], [sflag:$0x7] =	stream.linear.gather [hbm4b:s26+s14], $0x2000, $0x38;
	[tilespmem:$0x1F080] =	vst v63  }
0x51: {  	_ =	swait.ge [sflag:s30], $0x2000  }
0x52: {  	[sflag:s30] =	ssyncset.done $0x0  }
0x53: {  	s25 =	rddreg [dreg:$0x4];
	[sflag:s30] =	ssyncadd.s32 $0xFFFFE000  }
0x54: {  	[tilespmem:s0], [sflag:$0x7] =	stream.linear.gather [hbm4b:s25+s14], $0x2000, $0x38;
	[tilespmem:$0x1F080] =	vst v63  }
0x55: {  	_ =	swait.ge [sflag:s30], $0x2000  }
0x56: {  	[sflag:s30] =	ssyncset.done $0x0  }
0x57: {  	[sflag:s30] =	ssyncadd.s32 $0xFFFFE000  }
0x58: {  	[tilespmem:s29], [sflag:$0x1] =	stream.indirect.gather [hbm4b:s15+s2], $0x80, s31, s2, $0xb8;
	[tilespmem:$0x1F080] =	vst v63  }
0x59: {  	_ = 	snop  }
0x5a: {  	[tilespmem:s4], [sflag:$0x2] =	stream.indirect.gather [hbm4b:s15+s2], $0x80, s3, s2, $0xb8;
	[tilespmem:$0x1F080] =	vst v63  }
0x5b: {  	_ = 	snop  }
0x5c: {  	[tilespmem:s6], [sflag:$0x3] =	stream.indirect.gather [hbm4b:s15+s2], $0x80, s5, s2, $0xb8;
	[tilespmem:$0x1F080] =	vst v63  }
0x5d: {  	_ =	swait.ge [sflag:s7], $0x2800  }
0x5e: {  	[sflag:s7] =	ssyncset.done $0x0  }
0x5f: {  	[sflag:s7] =	ssyncadd.s32 $0xFFFFD800  }
0x60: {  	[spmem:s1] =	stream.indirect.scatter.add.f32 [tilespmem:s29], [sflag:$0x4], $0x80, s0, s2, $0xb8;
	[tilespmem:$0x1F080] =	vst v63  }
0x61: {  	_ =	swait.ge [sflag:s8], $0x2800  }
0x62: {  	[sflag:s8] =	ssyncset.done $0x0  }
0x63: {  	s26 =	simm.s32 $0x15900;
	[sflag:s8] =	ssyncadd.s32 $0xFFFFD800  }
0x64: {  	[spmem:s1] =	stream.indirect.scatter.add.f32 [tilespmem:s4], [sflag:$0x5], $0x80, s26, s2, $0xb8;
	[tilespmem:$0x1F080] =	vst v63  }
0x65: {  	_ =	swait.ge [sflag:s9], $0x2800  }
0x66: {  	[sflag:s9] =	ssyncset.done $0x0  }
0x67: {  	s25 =	simm.s32 $0x13A00;
	[sflag:s9] =	ssyncadd.s32 $0xFFFFD800  }
0x68: {  	[tilespmem:s29], [sflag:$0x1] =	stream.indirect.gather [hbm4b:s15+s2], $0x80, s25, s2, $0xb8;
	[tilespmem:$0x1F080] =	vst v63  }
0x69: {  	_ =	swait.ge [sflag:s10], $0x2800  }
0x6a: {  	[sflag:s10] =	ssyncset.done $0x0  }
0x6b: {  	s26 =	simm.s32 $0x15980;
	[sflag:s10] =	ssyncadd.s32 $0xFFFFD800  }
0x6c: {  	[spmem:s1] =	stream.indirect.scatter.add.f32 [tilespmem:s6], [sflag:$0x6], $0x80, s26, s2, $0xb8;
	[tilespmem:$0x1F080] =	vst v63  }
0x6d: {  	_ =	swait.ge [sflag:s11], $0x2800  }
0x6e: {  	[sflag:s11] =	ssyncset.done $0x0  }
0x6f: {  	s25 =	simm.s32 $0x13A80;
	[sflag:s11] =	ssyncadd.s32 $0xFFFFD800  }
0x70: {  	[tilespmem:s4], [sflag:$0x2] =	stream.indirect.gather [hbm4b:s15+s2], $0x80, s25, s2, $0xb8;
	[tilespmem:$0x1F080] =	vst v63  }
0x71: {  	_ =	swait.ge [sflag:s7], $0x2800  }
0x72: {  	[sflag:s7] =	ssyncset.done $0x0  }
0x73: {  	s26 =	simm.s32 $0x15A00;
	[sflag:s7] =	ssyncadd.s32 $0xFFFFD800  }
0x74: {  	[spmem:s1] =	stream.indirect.scatter.add.f32 [tilespmem:s29], [sflag:$0x4], $0x80, s26, s2, $0xb8;
	[tilespmem:$0x1F080] =	vst v63  }
0x75: {  	_ =	swait.ge [sflag:s12], $0x2800  }
0x76: {  	[sflag:s12] =	ssyncset.done $0x0  }
0x77: {  	s16 =	simm.s32 $0x600;
	s25 =	simm.s32 $0x13B00;
	[sflag:s12] =	ssyncadd.s32 $0xFFFFD800  }
.LBB2_2:
0x78: {  	[tilespmem:s6], [sflag:$0x3] =	stream.indirect.gather [hbm4b:s15+s2], $0x80, s25, s2, $0xb8;
	[tilespmem:$0x1F080] =	vst v63  }
0x79: {  	s25 =	smov.u32 s16  }
0x7a: {  	p1 =	sne.s32 s16, $0x7200;
	s16 =	sadd.s32 $0x600, s16;
	_ =	swait.ge [sflag:s8], $0x2800  }
0x7b: {  	s25 =	sshra.s32 s25, $0x2;
	[sflag:s8] =	ssyncset.done $0x0  }
0x7c: {  	s26 =	sadd.s32 $0x15900, s25;
	[sflag:s8] =	ssyncadd.s32 $0xFFFFD800  }
0x7d: {  	[spmem:s1] =	stream.indirect.scatter.add.f32 [tilespmem:s4], [sflag:$0x5], $0x80, s26, s2, $0xb8;
	[tilespmem:$0x1F080] =	vst v63  }
0x7e: {  	_ =	swait.ge [sflag:s9], $0x2800  }
0x7f: {  	[sflag:s9] =	ssyncset.done $0x0  }
0x80: {  	s26 =	sadd.s32 $0x13A00, s25;
	[sflag:s9] =	ssyncadd.s32 $0xFFFFD800  }
0x81: {  	[tilespmem:s29], [sflag:$0x1] =	stream.indirect.gather [hbm4b:s15+s2], $0x80, s26, s2, $0xb8;
	[tilespmem:$0x1F080] =	vst v63  }
0x82: {  	_ =	swait.ge [sflag:s10], $0x2800  }
0x83: {  	[sflag:s10] =	ssyncset.done $0x0  }
0x84: {  	s26 =	sadd.s32 $0x15980, s25;
	[sflag:s10] =	ssyncadd.s32 $0xFFFFD800  }
0x85: {  	[spmem:s1] =	stream.indirect.scatter.add.f32 [tilespmem:s6], [sflag:$0x6], $0x80, s26, s2, $0xb8;
	[tilespmem:$0x1F080] =	vst v63  }
0x86: {  	_ =	swait.ge [sflag:s11], $0x2800  }
0x87: {  	[sflag:s11] =	ssyncset.done $0x0  }
0x88: {  	s26 =	sadd.s32 $0x13A80, s25;
	[sflag:s11] =	ssyncadd.s32 $0xFFFFD800  }
0x89: {  	[tilespmem:s4], [sflag:$0x2] =	stream.indirect.gather [hbm4b:s15+s2], $0x80, s26, s2, $0xb8;
	[tilespmem:$0x1F080] =	vst v63  }
0x8a: {  	_ =	swait.ge [sflag:s7], $0x2800  }
0x8b: {  	[sflag:s7] =	ssyncset.done $0x0  }
.Ltmp0:
0x8c: {  	s26 =	sadd.s32 $0x15A00, s25;
	[sflag:s7] =	ssyncadd.s32 $0xFFFFD800;
	(pc) =	sbr.rel @p1 .LBB2_2-.Ltmp0, $4  }
0x8d: {  	[spmem:s1] =	stream.indirect.scatter.add.f32 [tilespmem:s29], [sflag:$0x4], $0x80, s26, s2, $0xb8;
	[tilespmem:$0x1F080] =	vst v63  }
0x8e: {  	_ =	swait.ge [sflag:s12], $0x2800  }
0x8f: {  	[sflag:s12] =	ssyncset.done $0x0  }
0x90: {  	s25 =	sadd.s32 $0x13B00, s25;
	[sflag:s12] =	ssyncadd.s32 $0xFFFFD800  }
0x91: {  	[tilespmem:s6], [sflag:$0x3] =	stream.indirect.gather [hbm4b:s15+s2], $0x80, s25, s2, $0xb8;
	[tilespmem:$0x1F080] =	vst v63  }
0x92: {  	_ =	swait.ge [sflag:s8], $0x2800  }
0x93: {  	[sflag:s8] =	ssyncset.done $0x0  }
0x94: {  	s16 =	simm.s32 $0x17700;
	[sflag:s8] =	ssyncadd.s32 $0xFFFFD800  }
0x95: {  	[spmem:s1] =	stream.indirect.scatter.add.f32 [tilespmem:s4], [sflag:$0x5], $0x80, s16, s2, $0xb8;
	[tilespmem:$0x1F080] =	vst v63  }
0x96: {  	_ =	swait.ge [sflag:s9], $0x2800  }
0x97: {  	[sflag:s9] =	ssyncset.done $0x0  }
0x98: {  	s25 =	simm.s32 $0x15800;
	[sflag:s9] =	ssyncadd.s32 $0xFFFFD800  }
0x99: {  	[tilespmem:s29], [sflag:$0x1] =	stream.indirect.gather [hbm4b:s15+s2], $0x80, s25, s2, $0xb8;
	[tilespmem:$0x1F080] =	vst v63  }
0x9a: {  	_ =	swait.ge [sflag:s10], $0x2800  }
0x9b: {  	[sflag:s10] =	ssyncset.done $0x0  }
0x9c: {  	s26 =	simm.s32 $0x17780;
	[sflag:s10] =	ssyncadd.s32 $0xFFFFD800  }
0x9d: {  	[spmem:s1] =	stream.indirect.scatter.add.f32 [tilespmem:s6], [sflag:$0x6], $0x80, s26, s2, $0xb8;
	[tilespmem:$0x1F080] =	vst v63  }
0x9e: {  	_ =	swait.ge [sflag:s11], $0x2800  }
0x9f: {  	[sflag:s11] =	ssyncset.done $0x0  }
0xa0: {  	[sflag:s11] =	ssyncadd.s32 $0xFFFFD800  }
0xa1: {  	_ =	swait.ge [sflag:s7], $0x2800  }
0xa2: {  	[sflag:s7] =	ssyncset.done $0x0  }
0xa3: {  	s25 =	simm.s32 $0x17800;
	[sflag:s7] =	ssyncadd.s32 $0xFFFFD800  }
0xa4: {  	[spmem:s1] =	stream.indirect.scatter.add.f32 [tilespmem:s29], [sflag:$0x4], $0x80, s25, s2, $0xb8;
	[tilespmem:$0x1F080] =	vst v63  }
0xa5: {  	_ =	swait.ge [sflag:s12], $0x2800  }
0xa6: {  	[sflag:s12] =	ssyncset.done $0x0  }
0xa7: {  	[sflag:s12] =	ssyncadd.s32 $0xFFFFD800  }
0xa8: {  	_ =	swait.ge [sflag:s9], $0x2800  }
0xa9: {  	[sflag:s9] =	ssyncset.done $0x0  }
0xaa: {  	s16 =	simm.s32 $0x0;
	s26 =	rddreg [dreg:$0x5];
	[sflag:s9] =	ssyncadd.s32 $0xFFFFD800  }
0xab: {  	[tilespmem:s31], [sflag:$0x7] =	stream.linear.gather [hbm4b:s26+s16], $0x1E80, $0x38;
	[tilespmem:$0x1F080] =	vst v63  }
0xac: {  	_ =	swait.ge [sflag:s30], $0x1E80  }
0xad: {  	[sflag:s30] =	ssyncset.done $0x0  }
0xae: {  	s26 =	rddreg [dreg:$0x6];
	[sflag:s30] =	ssyncadd.s32 $0xFFFFE180  }
0xaf: {  	[tilespmem:s0], [sflag:$0x7] =	stream.linear.gather [hbm4b:s26+s16], $0x1E80, $0x38;
	[tilespmem:$0x1F080] =	vst v63  }
0xb0: {  	_ =	swait.ge [sflag:s30], $0x1E80  }
0xb1: {  	[sflag:s30] =	ssyncset.done $0x0  }
0xb2: {  	[sflag:s30] =	ssyncadd.s32 $0xFFFFE180  }
0xb3: {  	[tilespmem:s29], [sflag:$0x1] =	stream.indirect.gather [hbm4b:s15+s2], $0x80, s31, s2, $0xb8;
	[tilespmem:$0x1F080] =	vst v63  }
0xb4: {  	_ = 	snop  }
0xb5: {  	[tilespmem:s4], [sflag:$0x2] =	stream.indirect.gather [hbm4b:s15+s2], $0x80, s3, s2, $0xb8;
	[tilespmem:$0x1F080] =	vst v63  }
0xb6: {  	_ = 	snop  }
0xb7: {  	[tilespmem:s6], [sflag:$0x3] =	stream.indirect.gather [hbm4b:s15+s2], $0x80, s5, s2, $0xb8;
	[tilespmem:$0x1F080] =	vst v63  }
0xb8: {  	_ =	swait.ge [sflag:s7], $0x2800  }
0xb9: {  	[sflag:s7] =	ssyncset.done $0x0  }
0xba: {  	[sflag:s7] =	ssyncadd.s32 $0xFFFFD800  }
0xbb: {  	[spmem:s1] =	stream.indirect.scatter.add.f32 [tilespmem:s29], [sflag:$0x4], $0x80, s0, s2, $0xb8;
	[tilespmem:$0x1F080] =	vst v63  }
0xbc: {  	_ =	swait.ge [sflag:s8], $0x2800  }
0xbd: {  	[sflag:s8] =	ssyncset.done $0x0  }
0xbe: {  	s25 =	simm.s32 $0x15900;
	[sflag:s8] =	ssyncadd.s32 $0xFFFFD800  }
0xbf: {  	[spmem:s1] =	stream.indirect.scatter.add.f32 [tilespmem:s4], [sflag:$0x5], $0x80, s25, s2, $0xb8;
	[tilespmem:$0x1F080] =	vst v63  }
0xc0: {  	_ =	swait.ge [sflag:s9], $0x2800  }
0xc1: {  	[sflag:s9] =	ssyncset.done $0x0  }
0xc2: {  	s26 =	simm.s32 $0x13A00;
	[sflag:s9] =	ssyncadd.s32 $0xFFFFD800  }
0xc3: {  	[tilespmem:s29], [sflag:$0x1] =	stream.indirect.gather [hbm4b:s15+s2], $0x80, s26, s2, $0xb8;
	[tilespmem:$0x1F080] =	vst v63  }
0xc4: {  	_ =	swait.ge [sflag:s10], $0x2800  }
0xc5: {  	[sflag:s10] =	ssyncset.done $0x0  }
0xc6: {  	s3 =	simm.s32 $0x15980;
	[sflag:s10] =	ssyncadd.s32 $0xFFFFD800  }
0xc7: {  	[spmem:s1] =	stream.indirect.scatter.add.f32 [tilespmem:s6], [sflag:$0x6], $0x80, s3, s2, $0xb8;
	[tilespmem:$0x1F080] =	vst v63  }
0xc8: {  	_ =	swait.ge [sflag:s11], $0x2800  }
0xc9: {  	[sflag:s11] =	ssyncset.done $0x0  }
0xca: {  	s25 =	simm.s32 $0x13A80;
	[sflag:s11] =	ssyncadd.s32 $0xFFFFD800  }
0xcb: {  	[tilespmem:s4], [sflag:$0x2] =	stream.indirect.gather [hbm4b:s15+s2], $0x80, s25, s2, $0xb8;
	[tilespmem:$0x1F080] =	vst v63  }
0xcc: {  	_ =	swait.ge [sflag:s7], $0x2800  }
0xcd: {  	[sflag:s7] =	ssyncset.done $0x0  }
0xce: {  	s26 =	simm.s32 $0x15A00;
	[sflag:s7] =	ssyncadd.s32 $0xFFFFD800  }
0xcf: {  	[spmem:s1] =	stream.indirect.scatter.add.f32 [tilespmem:s29], [sflag:$0x4], $0x80, s26, s2, $0xb8;
	[tilespmem:$0x1F080] =	vst v63  }
0xd0: {  	_ =	swait.ge [sflag:s12], $0x2800  }
0xd1: {  	[sflag:s12] =	ssyncset.done $0x0  }
0xd2: {  	s16 =	simm.s32 $0x600;
	s25 =	simm.s32 $0x13B00;
	[sflag:s12] =	ssyncadd.s32 $0xFFFFD800  }
.LBB2_4:
0xd3: {  	[tilespmem:s6], [sflag:$0x3] =	stream.indirect.gather [hbm4b:s15+s2], $0x80, s25, s2, $0xb8;
	[tilespmem:$0x1F080] =	vst v63  }
0xd4: {  	s25 =	smov.u32 s16  }
0xd5: {  	p1 =	sne.s32 s16, $0x6C00;
	s16 =	sadd.s32 $0x600, s16;
	_ =	swait.ge [sflag:s8], $0x2800  }
0xd6: {  	s25 =	sshra.s32 s25, $0x2;
	[sflag:s8] =	ssyncset.done $0x0  }
0xd7: {  	s26 =	sadd.s32 $0x15900, s25;
	[sflag:s8] =	ssyncadd.s32 $0xFFFFD800  }
0xd8: {  	[spmem:s1] =	stream.indirect.scatter.add.f32 [tilespmem:s4], [sflag:$0x5], $0x80, s26, s2, $0xb8;
	[tilespmem:$0x1F080] =	vst v63  }
0xd9: {  	_ =	swait.ge [sflag:s9], $0x2800  }
0xda: {  	[sflag:s9] =	ssyncset.done $0x0  }
0xdb: {  	s26 =	sadd.s32 $0x13A00, s25;
	[sflag:s9] =	ssyncadd.s32 $0xFFFFD800  }
0xdc: {  	[tilespmem:s29], [sflag:$0x1] =	stream.indirect.gather [hbm4b:s15+s2], $0x80, s26, s2, $0xb8;
	[tilespmem:$0x1F080] =	vst v63  }
0xdd: {  	_ =	swait.ge [sflag:s10], $0x2800  }
0xde: {  	[sflag:s10] =	ssyncset.done $0x0  }
0xdf: {  	s26 =	sadd.s32 $0x15980, s25;
	[sflag:s10] =	ssyncadd.s32 $0xFFFFD800  }
0xe0: {  	[spmem:s1] =	stream.indirect.scatter.add.f32 [tilespmem:s6], [sflag:$0x6], $0x80, s26, s2, $0xb8;
	[tilespmem:$0x1F080] =	vst v63  }
0xe1: {  	_ =	swait.ge [sflag:s11], $0x2800  }
0xe2: {  	[sflag:s11] =	ssyncset.done $0x0  }
0xe3: {  	s26 =	sadd.s32 $0x13A80, s25;
	[sflag:s11] =	ssyncadd.s32 $0xFFFFD800  }
0xe4: {  	[tilespmem:s4], [sflag:$0x2] =	stream.indirect.gather [hbm4b:s15+s2], $0x80, s26, s2, $0xb8;
	[tilespmem:$0x1F080] =	vst v63  }
0xe5: {  	_ =	swait.ge [sflag:s7], $0x2800  }
0xe6: {  	[sflag:s7] =	ssyncset.done $0x0  }
.Ltmp1:
0xe7: {  	s26 =	sadd.s32 $0x15A00, s25;
	[sflag:s7] =	ssyncadd.s32 $0xFFFFD800;
	(pc) =	sbr.rel @p1 .LBB2_4-.Ltmp1, $4  }
0xe8: {  	[spmem:s1] =	stream.indirect.scatter.add.f32 [tilespmem:s29], [sflag:$0x4], $0x80, s26, s2, $0xb8;
	[tilespmem:$0x1F080] =	vst v63  }
0xe9: {  	_ =	swait.ge [sflag:s12], $0x2800  }
0xea: {  	[sflag:s12] =	ssyncset.done $0x0  }
0xeb: {  	s25 =	sadd.s32 $0x13B00, s25;
	[sflag:s12] =	ssyncadd.s32 $0xFFFFD800  }
0xec: {  	[tilespmem:s6], [sflag:$0x3] =	stream.indirect.gather [hbm4b:s15+s2], $0x80, s25, s2, $0xb8;
	[tilespmem:$0x1F080] =	vst v63  }
0xed: {  	_ =	swait.ge [sflag:s8], $0x2800  }
0xee: {  	[sflag:s8] =	ssyncset.done $0x0  }
0xef: {  	s3 =	simm.s32 $0x17580;
	[sflag:s8] =	ssyncadd.s32 $0xFFFFD800  }
0xf0: {  	[spmem:s1] =	stream.indirect.scatter.add.f32 [tilespmem:s4], [sflag:$0x5], $0x80, s3, s2, $0xb8;
	[tilespmem:$0x1F080] =	vst v63  }
0xf1: {  	_ =	swait.ge [sflag:s9], $0x2800  }
0xf2: {  	[sflag:s9] =	ssyncset.done $0x0  }
0xf3: {  	s25 =	simm.s32 $0x15680;
	[sflag:s9] =	ssyncadd.s32 $0xFFFFD800  }
0xf4: {  	[tilespmem:s29], [sflag:$0x1] =	stream.indirect.gather [hbm4b:s15+s2], $0x80, s25, s2, $0xb8;
	[tilespmem:$0x1F080] =	vst v63  }
0xf5: {  	_ =	swait.ge [sflag:s10], $0x2800  }
0xf6: {  	[sflag:s10] =	ssyncset.done $0x0  }
0xf7: {  	s26 =	simm.s32 $0x17600;
	[sflag:s10] =	ssyncadd.s32 $0xFFFFD800  }
0xf8: {  	[spmem:s1] =	stream.indirect.scatter.add.f32 [tilespmem:s6], [sflag:$0x6], $0x80, s26, s2, $0xb8;
	[tilespmem:$0x1F080] =	vst v63  }
0xf9: {  	_ =	swait.ge [sflag:s11], $0x2800  }
0xfa: {  	[sflag:s11] =	ssyncset.done $0x0  }
0xfb: {  	[sflag:s11] =	ssyncadd.s32 $0xFFFFD800  }
0xfc: {  	_ =	swait.ge [sflag:s7], $0x2800  }
0xfd: {  	[sflag:s7] =	ssyncset.done $0x0  }
0xfe: {  	s16 =	simm.s32 $0x17680;
	[sflag:s7] =	ssyncadd.s32 $0xFFFFD800  }
0xff: {  	[spmem:s1] =	stream.indirect.scatter.add.f32 [tilespmem:s29], [sflag:$0x4], $0x80, s16, s2, $0xb8;
	[tilespmem:$0x1F080] =	vst v63  }
0x100: {  	_ =	swait.ge [sflag:s12], $0x2800  }
0x101: {  	[sflag:s12] =	ssyncset.done $0x0  }
0x102: {  	[sflag:s12] =	ssyncadd.s32 $0xFFFFD800  }
0x103: {  	_ =	swait.ge [sflag:s9], $0x2800  }
0x104: {  	[sflag:s9] =	ssyncset.done $0x0  }
0x105: {  	[sflag:s9] =	ssyncadd.s32 $0xFFFFD800  }
0x106: {  	[bflag:$0x0] =	sbarrier.arrive $0xFFFF  }
0x107: {  	[tilespmem:s29], [sflag:$0x7] =	stream.linear.gather [spmem:s17], $0x2800, $0x38;
	[tilespmem:$0x1F080] =	vst v63  }
0x108: {  	_ =	swait.ge [sflag:s30], $0x2800  }
0x109: {  	[sflag:s30] =	ssyncset.done $0x0  }
0x10a: {  	s16 =	rddreg [dreg:$0x7];
	[sflag:s30] =	ssyncadd.s32 $0xFFFFD800  }
0x10b: {  	[hbm4b:s16+s14] =	stream.linear.scatter [tilespmem:s29], [sflag:$0x7], $0x2800, $0x38;
	[tilespmem:$0x1F080] =	vst v63  }
0x10c: {  	_ =	swait.ge [sflag:s30], $0x2800  }
0x10d: {  	[sflag:s30] =	ssyncset.done $0x0  }
0x10e: {  	[sflag:s30] =	ssyncadd.s32 $0xFFFFD800  }
0x10f: {  	[tilespmem:s29], [sflag:$0x7] =	stream.linear.gather [spmem:s18], $0x2800, $0x38;
	[tilespmem:$0x1F080] =	vst v63  }
0x110: {  	_ =	swait.ge [sflag:s30], $0x2800  }
0x111: {  	[sflag:s30] =	ssyncset.done $0x0  }
0x112: {  	s25 =	rddreg [dreg:$0x8];
	[sflag:s30] =	ssyncadd.s32 $0xFFFFD800  }
0x113: {  	[hbm4b:s25+s14] =	stream.linear.scatter [tilespmem:s29], [sflag:$0x7], $0x2800, $0x38;
	[tilespmem:$0x1F080] =	vst v63  }
0x114: {  	_ =	swait.ge [sflag:s30], $0x2800  }
0x115: {  	[sflag:s30] =	ssyncset.done $0x0  }
0x116: {  	[sflag:s30] =	ssyncadd.s32 $0xFFFFD800  }
0x117: {  	[tilespmem:s29], [sflag:$0x7] =	stream.linear.gather [spmem:s19], $0x2800, $0x38;
	[tilespmem:$0x1F080] =	vst v63  }
0x118: {  	_ =	swait.ge [sflag:s30], $0x2800  }
0x119: {  	[sflag:s30] =	ssyncset.done $0x0  }
0x11a: {  	s26 =	rddreg [dreg:$0x9];
	[sflag:s30] =	ssyncadd.s32 $0xFFFFD800  }
0x11b: {  	[hbm4b:s26+s14] =	stream.linear.scatter [tilespmem:s29], [sflag:$0x7], $0x2800, $0x38;
	[tilespmem:$0x1F080] =	vst v63  }
0x11c: {  	_ =	swait.ge [sflag:s30], $0x2800  }
0x11d: {  	[sflag:s30] =	ssyncset.done $0x0  }
0x11e: {  	[sflag:s30] =	ssyncadd.s32 $0xFFFFD800  }
0x11f: {  	[tilespmem:s29], [sflag:$0x7] =	stream.linear.gather [spmem:s20], $0x2800, $0x38;
	[tilespmem:$0x1F080] =	vst v63  }
0x120: {  	_ =	swait.ge [sflag:s30], $0x2800  }
0x121: {  	[sflag:s30] =	ssyncset.done $0x0  }
0x122: {  	s3 =	rddreg [dreg:$0xa];
	[sflag:s30] =	ssyncadd.s32 $0xFFFFD800  }
0x123: {  	[hbm4b:s3+s14] =	stream.linear.scatter [tilespmem:s29], [sflag:$0x7], $0x2800, $0x38;
	[tilespmem:$0x1F080] =	vst v63  }
0x124: {  	_ =	swait.ge [sflag:s30], $0x2800  }
0x125: {  	[sflag:s30] =	ssyncset.done $0x0  }
0x126: {  	[sflag:s30] =	ssyncadd.s32 $0xFFFFD800  }
0x127: {  	[tilespmem:s29], [sflag:$0x7] =	stream.linear.gather [spmem:s21], $0x2800, $0x38;
	[tilespmem:$0x1F080] =	vst v63  }
0x128: {  	_ =	swait.ge [sflag:s30], $0x2800  }
0x129: {  	[sflag:s30] =	ssyncset.done $0x0  }
0x12a: {  	s25 =	rddreg [dreg:$0xb];
	[sflag:s30] =	ssyncadd.s32 $0xFFFFD800  }
0x12b: {  	[hbm4b:s25+s14] =	stream.linear.scatter [tilespmem:s29], [sflag:$0x7], $0x2800, $0x38;
	[tilespmem:$0x1F080] =	vst v63  }
0x12c: {  	_ =	swait.ge [sflag:s30], $0x2800  }
0x12d: {  	[sflag:s30] =	ssyncset.done $0x0  }
0x12e: {  	[sflag:s30] =	ssyncadd.s32 $0xFFFFD800  }
0x12f: {  	[tilespmem:s29], [sflag:$0x7] =	stream.linear.gather [spmem:s22], $0x2800, $0x38;
	[tilespmem:$0x1F080] =	vst v63  }
0x130: {  	_ =	swait.ge [sflag:s30], $0x2800  }
0x131: {  	[sflag:s30] =	ssyncset.done $0x0  }
0x132: {  	s26 =	rddreg [dreg:$0xc];
	[sflag:s30] =	ssyncadd.s32 $0xFFFFD800  }
0x133: {  	[hbm4b:s26+s14] =	stream.linear.scatter [tilespmem:s29], [sflag:$0x7], $0x2800, $0x38;
	[tilespmem:$0x1F080] =	vst v63  }
0x134: {  	_ =	swait.ge [sflag:s30], $0x2800  }
0x135: {  	[sflag:s30] =	ssyncset.done $0x0  }
0x136: {  	[sflag:s30] =	ssyncadd.s32 $0xFFFFD800  }
0x137: {  	[tilespmem:s29], [sflag:$0x7] =	stream.linear.gather [spmem:s23], $0x2800, $0x38;
	[tilespmem:$0x1F080] =	vst v63  }
0x138: {  	_ =	swait.ge [sflag:s30], $0x2800  }
0x139: {  	[sflag:s30] =	ssyncset.done $0x0  }
0x13a: {  	s3 =	rddreg [dreg:$0xd];
	[sflag:s30] =	ssyncadd.s32 $0xFFFFD800  }
0x13b: {  	[hbm4b:s3+s14] =	stream.linear.scatter [tilespmem:s29], [sflag:$0x7], $0x2800, $0x38;
	[tilespmem:$0x1F080] =	vst v63  }
0x13c: {  	_ =	swait.ge [sflag:s30], $0x2800  }
0x13d: {  	[sflag:s30] =	ssyncset.done $0x0  }
0x13e: {  	[sflag:s30] =	ssyncadd.s32 $0xFFFFD800  }
0x13f: {  	[tilespmem:s29], [sflag:$0x7] =	stream.linear.gather [spmem:s24], $0x2000, $0x38;
	[tilespmem:$0x1F080] =	vst v63  }
0x140: {  	_ =	swait.ge [sflag:s30], $0x2000  }
0x141: {  	[sflag:s30] =	ssyncset.done $0x0  }
0x142: {  	s25 =	rddreg [dreg:$0xe];
	[sflag:s30] =	ssyncadd.s32 $0xFFFFE000  }
0x143: {  	[hbm4b:s25+s14] =	stream.linear.scatter [tilespmem:s29], [sflag:$0x7], $0x2000, $0x38;
	[tilespmem:$0x1F080] =	vst v63  }
0x144: {  	_ =	swait.ge [sflag:s30], $0x2000  }
0x145: {  	[sflag:s30] =	ssyncset.done $0x0  }
0x146: {  	s16 =	simm.s32 @!p0 $0x17880;
	s25 =	simm.s32 @!p0 $0x7;
	[sflag:s30] =	ssyncadd.s32 $0xFFFFE000  }
0x147: {  	[tilespmem:s16], [sflag:$0x7] =	stream.linear.gather @!p0 [spmem:s28], $0x800, $0x38;
	[tilespmem:$0x1F080] =	vst v63  }
0x148: {  	_ =	swait.ge @!p0 [sflag:s25], $0x800  }
0x149: {  	[sflag:s25] =	ssyncset.done @!p0 $0x0  }
0x14a: {  	s26 =	simm.s32 @!p0 $0x0;
	s3 =	rddreg [dreg:$0x10];
	[sflag:s25] =	ssyncadd.s32 @!p0 $0xFFFFF800  }
0x14b: {  	[hbm4b:s3+s26] =	stream.linear.scatter @!p0 [tilespmem:s16], [sflag:$0x7], $0x800, $0x38;
	[tilespmem:$0x1F080] =	vst v63  }
0x14c: {  	_ =	swait.ge @!p0 [sflag:s25], $0x800  }
0x14d: {  	s13 =	sadd.s32 $0x1, s13;
	s26 =	rddreg [dreg:$0x11]  }
0x14e: {  	p1 =	sne.s32 s13, s26  }
.Ltmp2:
0x14f: {  	_ = 	snop;
	(pc) =	sbr.rel @p1 .LBB2_1-.Ltmp2, $3  }
0x150: {  	_ =	sdelay $0x1  }
0x151: {  	[sflag:s25] =	ssyncset.done @!p0 $0x0  }
0x152: {  	s3 =	simm.s32 $0x13900;
	[sflag:s25] =	ssyncadd.s32 @!p0 $0xFFFFF800  }
0x153: {  	_ =	sfence.sel $0x180000  }
0x154: {  	[bflag:$0x0] =	sbarrier.arrive $0xFFFF  }
0x155: {  	_ =	strace $0x9000004A  }
0x156: {  	[bflag:$0x2] =	sbarrier.arrive $0xFFFF  }
0x157: {  	s0 =	rddreg [dreg:$0x2]  }
0x158: {  	s0 =	sadd.s32 @!p0 $0x100000, s0  }
0x159: {  	[sflag:s0] =	ssyncadd.tile.s32 @!p0 $0x1;
	_ =	shalt  }
.Lfunc_end2:
_tile_overlayer_lowered:
.L_overlay_start_2:
0x15a: {  	(tag) =	ssettag $0x2  }
0x15b: {  	s0 =	rddreg [dreg:$0x0];
	s2 =	stileid.u32  }
0x15c: {  	s1 =	rddreg [dreg:$0x1];
	p0 =	sne.s32 s2, $0x0  }
0x15d: {  	s3 =	rddreg [dreg:$0x2];
	[bflag:$0x3] =	sbarrier.arrive $0xFFFF;
	s2 =	simm.s32 @!p0 $0x1C07  }
0x15e: {  	[timem:s3], [sflag:s2] =	dma.local @!p0 [hbm:s0], s1  }
0x15f: {  	s0 =	simm.s32 @!p0 $0x7  }
0x160: {  	_ =	swait.ge @!p0 [sflag:s0], s1  }
0x161: {  	s1 =	ssub.s32 @!p0 $0x0, s1;
	[sflag:s0] =	ssyncset.done @!p0 $0x0  }
0x162: {  	[sflag:s0] =	ssyncadd.s32 @!p0 s1  }
0x163: {  	[bflag:$0x3] =	sbarrier.arrive $0xFFFF  }
0x164: {  	_ =	shalt  }

// kernel: kernel.15.cloned.1.call-start
scs
__scs_entry_jumppad:
0x0: {  	(pc) =	sbr.rel $0x88, $3  }
0x1: {  	(tag) =	ssettag $0x0;
	lr =	simm.s32 $0x1  }
0x2: {  	[smem:$0x3F8A] =	sst lr;
	_ =	strace $0xD0000000  }
0x3: {  	_ = 	snop  }
0x4: {  	_ = 	snop  }
0x5: {  	_ = 	snop  }
0x6: {  	_ = 	snop  }
0x7: {  	_ = 	snop  }
__scs_overlays_trampoline_lowered:
0x8: {  	[smem:$0x3F99] =	sst s0  }
0x9: {  	[smem:$0x3F9A] =	sst s1  }
0xa: {  	[smem:$0x3F9B] =	sst s2  }
0xb: {  	[smem:$0x3F9C] =	sst s3  }
0xc: {  	[smem:$0x3F9D] =	sst s4  }
0xd: {  	[smem:$0x3F9E] =	sst s5  }
0xe: {  	[smem:$0x3F9F] =	sst s6  }
0xf: {  	[smem:$0x3FA0] =	sst s7  }
0x10: {  	[smem:$0x3FA1] =	sst s8  }
0x11: {  	[smem:$0x3FA2] =	sst s9;
	s0 =	simm.s32 @!p0 $0x0  }
0x12: {  	s1 =	sld [smem:$0x3F88];
	s0 =	simm.s32 @p0 $0x1  }
0x13: {  	[smem:$0x3FA3] =	sst s0;
	s0 =	simm.s32 @!p1 $0x0  }
0x14: {  	s2 =	sld [smem:$0x3F87];
	s0 =	simm.s32 @p1 $0x1  }
0x15: {  	[smem:$0x3FA4] =	sst s0;
	s0 =	simm.s32 @!p2 $0x0  }
0x16: {  	s3 =	sld [smem:$0x3FDB];
	s0 =	simm.s32 @p2 $0x1  }
0x17: {  	s4 =	simm.s32 $0x1BF5;
	[smem:$0x3FA6] =	sst s0  }
0x18: {  	s0 =	sld [smem:$0x3F89];
	_ =	swait.ge [sflag:s4], $0x0  }
0x19: {  	s7 =	sld [smem:$0x3F8A]  }
0x1a: {  	s8 =	sadd.s32 $0xFFFFE003, lr  }
0x1b: {  	s9 =	sadd.s32 $0xFFFFFEF7, lr;
	s5 =	simm.s32 $0xFFFFFFFF;
	p2 =	slt.u32 s8, $0xFFFFF086  }
0x1c: {  	p1 =	slt.u32 s9, $0xF7A;
	s5 =	simm.s32 @!p2 $0x0  }
0x1d: {  	s5 =	simm.s32 @p1 $0x1;
	p0 =	seq.s32 s7, s2  }
0x1e: {  	s7 =	smul.u32 @!p0 $0xF7A, s2;
	p2 =	seq.s32 @!p0 s5, $0x0  }
0x1f: {  	s9 =	smul.u32 $0xF7A, s1;
	s8 =	simm.s32 @!p0 $0x1BF5;
	p2 =	por !p2, p0  }
0x20: {  	[sflag:s8] =	ssyncset.s32 @!p0 $0xFFFFF086;
	s6 =	sadd.s32 @!p0 s3, s7;
	s7 =	simm.s32 @!p0 $0x108  }
0x21: {  	s3 =	sadd.s32 s3, s9;
	s6 =	sadd.s32 @!p0 $0x88, s6;
	s7 =	simm.s32 @p2 $0x1082  }
0x22: {  	[simem:s7], [sflag:s8] =	dma.local @!p0 [hbm:s6], $0xF7A  }
0x23: {  	s9 =	sor.u32 $0xD0000000, s2;
	s6 =	simm.s32 $0x108;
	_ =	swait.ge @!p0 [sflag:s8], $0x0  }
0x24: {  	s3 =	sadd.s32 $0x88, s3;
	s6 =	simm.s32 @!p1 $0x1082;
	[sflag:s4] =	ssyncset.s32 $0xFFFFF086  }
0x25: {  	[simem:s6], [sflag:s4] =	dma.local [hbm:s3], $0xF7A  }
0x26: {  	[smem:$0x3F8A] =	sst s1;
	(tag) =	ssettag s2;
	_ =	strace s9  }
0x27: {  	s1 =	sld [smem:$0x3F9A]  }
0x28: {  	s2 =	sld [smem:$0x3F9B]  }
0x29: {  	s4 =	sld [smem:$0x3F9D]  }
0x2a: {  	p0 =	seq.s32 s5, $0x0;
	s5 =	sld [smem:$0x3F9E]  }
0x2b: {  	s6 =	sld [smem:$0x3F9F]  }
0x2c: {  	s7 =	sld [smem:$0x3FA0]  }
0x2d: {  	s3 =	simm.s32 $0x108;
	s8 =	sld [smem:$0x3FA1]  }
0x2e: {  	s3 =	simm.s32 @!p0 $0x1082;
	s9 =	sld [smem:$0x3FA2]  }
0x2f: {  	lr =	sadd.s32 s0, s3;
	s0 =	sld [smem:$0x3F99]  }
0x30: {  	s3 =	sld [smem:$0x3F9C]  }
0x31: {  	[smem:$0x3FA5] =	sst s10  }
0x32: {  	s10 =	sld [smem:$0x3FA3];
	_ =	sdelay $0x3  }
0x33: {  	p0 =	seq.s32 s10, $0x1;
	s10 =	sld [smem:$0x3FA5];
	_ =	sdelay $0x3  }
0x34: {  	[smem:$0x3FA5] =	sst s10  }
0x35: {  	s10 =	sld [smem:$0x3FA4];
	_ =	sdelay $0x3  }
0x36: {  	p1 =	seq.s32 s10, $0x1;
	s10 =	sld [smem:$0x3FA5];
	_ =	sdelay $0x3  }
0x37: {  	[smem:$0x3FA5] =	sst s10  }
0x38: {  	s10 =	sld [smem:$0x3FA6]  }
0x39: {  	_ = 	snop;
	(pc) =	sbr.ind lr, $3  }
0x3a: {  	_ = 	snop  }
0x3b: {  	_ = 	snop  }
0x3c: {  	p2 =	seq.s32 s10, $0x1;
	s10 =	sld [smem:$0x3FA5]  }
0x3d: {  	_ =	shalt  }
0x3e: {  	_ =	shalt  }
0x3f: {  	_ =	shalt  }
0x40: {  	_ =	shalt  }
0x41: {  	_ =	shalt  }
0x42: {  	_ =	shalt  }
0x43: {  	_ =	shalt  }
0x44: {  	_ =	shalt  }
0x45: {  	_ =	shalt  }
0x46: {  	_ =	shalt  }
0x47: {  	_ =	shalt  }
0x48: {  	_ =	shalt  }
0x49: {  	_ =	shalt  }
0x4a: {  	_ =	shalt  }
0x4b: {  	_ =	shalt  }
0x4c: {  	_ =	shalt  }
0x4d: {  	_ =	shalt  }
0x4e: {  	_ =	shalt  }
0x4f: {  	_ =	shalt  }
0x50: {  	_ =	shalt  }
0x51: {  	_ =	shalt  }
0x52: {  	_ =	shalt  }
0x53: {  	_ =	shalt  }
0x54: {  	_ =	shalt  }
0x55: {  	_ =	shalt  }
0x56: {  	_ =	shalt  }
0x57: {  	_ =	shalt  }
0x58: {  	_ =	shalt  }
0x59: {  	_ =	shalt  }
0x5a: {  	_ =	shalt  }
0x5b: {  	_ =	shalt  }
0x5c: {  	_ =	shalt  }
0x5d: {  	_ =	shalt  }
0x5e: {  	_ =	shalt  }
0x5f: {  	_ =	shalt  }
0x60: {  	_ =	shalt  }
0x61: {  	_ =	shalt  }
0x62: {  	_ =	shalt  }
0x63: {  	_ =	shalt  }
0x64: {  	_ =	shalt  }
0x65: {  	_ =	shalt  }
0x66: {  	_ =	shalt  }
0x67: {  	_ =	shalt  }
0x68: {  	_ =	shalt  }
0x69: {  	_ =	shalt  }
0x6a: {  	_ =	shalt  }
0x6b: {  	_ =	shalt  }
0x6c: {  	_ =	shalt  }
0x6d: {  	_ =	shalt  }
0x6e: {  	_ =	shalt  }
0x6f: {  	_ =	shalt  }
0x70: {  	_ =	shalt  }
0x71: {  	_ =	shalt  }
0x72: {  	_ =	shalt  }
0x73: {  	_ =	shalt  }
0x74: {  	_ =	shalt  }
0x75: {  	_ =	shalt  }
0x76: {  	_ =	shalt  }
0x77: {  	_ =	shalt  }
0x78: {  	_ =	shalt  }
0x79: {  	_ =	shalt  }
0x7a: {  	_ =	shalt  }
0x7b: {  	_ =	shalt  }
0x7c: {  	_ =	shalt  }
0x7d: {  	_ =	shalt  }
0x7e: {  	_ =	shalt  }
0x7f: {  	_ =	shalt  }
0x80: {  	_ =	shalt  }
0x81: {  	_ =	shalt  }
0x82: {  	_ =	shalt  }
0x83: {  	_ =	shalt  }
0x84: {  	_ =	shalt  }
0x85: {  	_ =	shalt  }
0x86: {  	_ =	shalt  }
0x87: {  	_ =	shalt  }
.Lfunc_end0:
.L_simem_size_0:
called_computation.2_lowered:
.L_overlay_start_0:
0x88: {  	s2 =	sld [smem:$0x3FD9]  }
0x89: {  	s3 =	sld [smem:$0x3FFE];
	_ =	sdelay $0x1  }
0x8a: {  	s1 =	srdreg.scid  }
0x8b: {  	s0 =	sand.u32 $0x1, s1  }
0x8c: {  	s17 =	sshll.u32 s0, $0xA;
	s2 =	sadd.s32 s3, s2  }
0x8d: {  	s2 =	sadd.s32 s2, s17  }
0x8e: {  	[smem:$0x3FB1] =	sst s2  }
0x8f: {  	_ = 	snop  }
0x90: {  	s2 =	sld [smem:$0x3FC6];
	(tm) =	ssettm $0x1  }
0x91: {  	s18 =	sld [smem:$0x3FFB];
	_ =	sdelay $0x3  }
0x92: {  	_ =	strace s18  }
0x93: {  	s3 =	sld [smem:$0x3FFC];
	_ =	sdelay $0x3  }
0x94: {  	_ =	strace s3  }
0x95: {  	s3 =	sld [smem:$0x3FFD];
	_ =	sdelay $0x3  }
0x96: {  	_ =	strace s3  }
0x97: {  	_ =	strace $0x8FFFFFFF  }
0x98: {  	s19 =	sld [smem:$0x3FDB];
	_ =	sdelay $0x1  }
0x99: {  	s4 =	simm.s32 $_scs_section_size  }
0x9a: {  	s5 =	simm.s32 $_size__tile_overlayer_lowered;
	s6 =	simm.s32 $_tile_overlayer_lowered  }
0x9b: {  	s22 =	simm.s32 $0x1BFF;
	s21 =	sshll.u32 s6, $0x1;
	s3 =	sadd.s32 s4, s19  }
0x9c: {  	s7 =	simm.s32 $0x0;
	s20 =	sshll.u32 s5, $0x1;
	s5 =	sadd.s32 s21, s3  }
0x9d: {  	[timem:s7], [sflag:s22] =	dma.local [hbm:s5], s20  }
0x9e: {  	_ =	swait.ge [sflag:s22], s20  }
0x9f: {  	s4 =	ssub.s32 $0x0, s20;
	[sflag:s22] =	ssyncset.done $0x0  }
0xa0: {  	[sflag:s22] =	ssyncadd.s32 s4;
	_ =	sdelay $0x1  }
0xa1: {  	s23 =	simm.s32 $0x1B8B  }
0xa2: {  	_ =	swait.ge [sflag:s23], $0x1  }
0xa3: {  	[sflag:s23] =	ssyncset.done $0x0  }
0xa4: {  	s25 =	simm.s32 $0x1B8E;
	s24 =	sld [smem:$0x3FFE];
	[sflag:s23] =	ssyncadd.s32 $0xFFFFFFFF  }
0xa5: {  	s26 =	simm.s32 $execute0_lowered;
	[smem:$0x3FD2] =	sst s25  }
0xa6: {  	s5 =	sshll.u32 s26, $0x1;
	_ =	strace $0x8000004C;
	[dreg:$0x1] =	wrdreg $0xFFFFFFFF  }
0xa7: {  	s28 =	simm.s32 $_size_execute0_lowered;
	s3 =	sadd.s32 s3, s5;
	[dreg:$0x0] =	wrdreg $0x0  }
0xa8: {  	s5 =	sshll.u32 s28, $0x1;
	[dreg:$0x2] =	wrdreg s3  }
0xa9: {  	[dreg:$0x3] =	wrdreg s5  }
0xaa: {  	[dreg:$0x4] =	wrdreg $0xC0  }
0xab: {  	_ =	task [dreg:s7], $0x5FFFF  }
0xac: {  	[dreg:$0x1] =	wrdreg $0xFFFFFFFF  }
0xad: {  	[dreg:$0x0] =	wrdreg $0x60  }
0xae: {  	[dreg:$0x2] =	wrdreg s24  }
0xaf: {  	[dreg:$0x3] =	wrdreg s2  }
0xb0: {  	[dreg:$0x4] =	wrdreg $0x0  }
0xb1: {  	[dreg:$0x5] =	wrdreg $0x9  }
0xb2: {  	_ =	task.clear_ibuf [dreg:s7], $0x6FFFF;
	_ =	strace $0x9000004C  }
0xb3: {  	s29 =	simm.s32 $0x9;
	_ =	strace $0x8000004E  }
0xb4: {  	_ =	swait.ge [sflag:s29], $0x1  }
0xb5: {  	[sflag:s29] =	ssyncadd.s32 $0xFFFFFFFF  }
0xb6: {  	_ =	strace $0x9000004E  }
0xb7: {  	_ =	sfence  }
0xb8: {  	s30 =	sld [smem:$0x0];
	_ =	sdelay $0x2  }
0xb9: {  	s31 =	sshll.u32 s1, $0xD;
	s1 =	sshrl.u32 s1, $0x2  }
0xba: {  	s3 =	sand.u32 $0x4000, s31;
	s1 =	sadd.s32 s1, s30  }
0xbb: {  	s0 =	sor.u32 s3, s0;
	s1 =	sshll.u32 s1, $0x11  }
0xbc: {  	s0 =	sor.u32 s1, s0  }
0xbd: {  	s0 =	sadd.s32 $0x8F2B, s0  }
0xbe: {  	[sflag:s0] =	ssyncadd.remote.s32 $0x1  }
0xbf: {  	_ =	sfence.sel $0xFFFF  }
0xc0: {  	[dreg:$0x0] =	wrdreg $0xFFFFFFFF;
	(pc) =	sbr.abs _section_cstart, $3  }
0xc1: {  	[dreg:$0x1] =	wrdreg $0xFFFFFFFF  }
0xc2: {  	_ =	task.clear_ibuf [dreg:s7], $0x2FFFF;
	_ =	strace $0x9FFFFFFF  }
0xc3: {  	(tm) =	ssettm $0x7FFFFFFF  }
tec
execute0_lowered:
.L_overlay_start_1:
0x0: {  	(tag) =	ssettag $0x1  }
0x1: {  	s21 =	rddreg [dreg:$0x0]  }
0x2: {  	s2 =	srdreg.scid;
	s1 =	rddreg [dreg:$0x1]  }
0x3: {  	s3 =	simm.s32 $0x0;
	s4 =	sand.u32 $0x1, s2;
	s2 =	rddreg [dreg:$0x2]  }
0x4: {  	s6 =	stileid.u32;
	[smem:$0x7FF] =	sst s3;
	s7 =	sadd.s32 $0x4AC00, s21  }
0x5: {  	p0 =	sne.s32 s6, $0x0;
	s5 =	sshll.u32 s4, $0x4;
	_ =	strace $0x8000004D  }
0x6: {  	[dreg:$0x4] =	wrdreg s7;
	s7 =	simm.s32 @!p0 $0x0;
	s5 =	sor.u32 s6, s5  }
0x7: {  	s8 =	rddreg [dreg:$0x4];
	s6 =	simm.s32 @!p0 $0x35C0;
	s16 =	smul.u32 $0x138, s5  }
0x8: {  	[tilespmem:s6], [sflag:$0x3] =	stream.linear.gather @!p0 [hbm4b:s8+s7], $0x400, $0x38;
	[tilespmem:$0x4340] =	vst v63  }
0x9: {  	s18 =	sadd.s32 $0x99A00, s21;
	s20 =	sshrl.u32 s16, $0x3  }
0xa: {  	s19 =	sadd.s32 $0x99400, s21;
	s22 =	sadd.s32 s18, s20  }
0xb: {  	s23 =	sadd.s32 s19, s20;
	[dreg:$0x5] =	wrdreg s22  }
0xc: {  	s0 =	simm.s32 @!p0 $0x3;
	[dreg:$0x6] =	wrdreg s23  }
0xd: {  	_ =	swait.ge @!p0 [sflag:s0], $0x400  }
0xe: {  	[sflag:s0] =	ssyncset.done @!p0 $0x0  }
0xf: {  	[sflag:s0] =	ssyncadd.s32 @!p0 $0xFFFFFC00  }
0x10: {  	[spmem:s2] =	stream.linear.scatter @!p0 [tilespmem:s6], [sflag:$0x3], $0x400, $0x38;
	[tilespmem:$0x4340] =	vst v63  }
0x11: {  	_ =	swait.ge @!p0 [sflag:s0], $0x400  }
0x12: {  	[sflag:s0] =	ssyncset.done @!p0 $0x0  }
0x13: {  	[sflag:s0] =	ssyncadd.s32 @!p0 $0xFFFFFC00  }
0x14: {  	[bflag:$0x0] =	sbarrier.arrive $0xFFFF  }
0x15: {  	s7 =	simm.s32 $0x40;
	s8 =	simm.s32 $0x3;
	s9 =	rddreg [dreg:$0x5]  }
0x16: {  	[tilespmem:s7], [sflag:$0x3] =	stream.linear.gather [hbm4b:s9+s3], $0x68, $0x38;
	[tilespmem:$0x4340] =	vst v63  }
0x17: {  	_ =	swait.ge [sflag:s8], $0x68  }
0x18: {  	[sflag:s8] =	ssyncset.done $0x0  }
0x19: {  	s9 =	simm.s32 $0xC0;
	s10 =	rddreg [dreg:$0x6];
	[sflag:s8] =	ssyncadd.s32 $0xFFFFFF98  }
0x1a: {  	[tilespmem:s9], [sflag:$0x3] =	stream.linear.gather [hbm4b:s10+s3], $0x68, $0x38;
	[tilespmem:$0x4340] =	vst v63  }
0x1b: {  	_ =	swait.ge [sflag:s8], $0x68  }
0x1c: {  	s11 =	simm.s32 $0x68;
	[sflag:s8] =	ssyncset.done $0x0  }
0x1d: {  	s12 =	simm.s32 $0x1C0;
	s10 =	sadd.s32 $0x3A00, s21;
	[sflag:s8] =	ssyncadd.s32 $0xFFFFFF98  }
0x1e: {  	[tilespmem:s12], [sflag:$0x1] =	stream.indirect.gather [hbm4b:s10+s11], $0x80, s9, s11, $0xb8;
	[tilespmem:$0x4340] =	vst v63  }
0x1f: {  	s13 =	simm.s32 $0x140;
	s14 =	simm.s32 $0x1  }
0x20: {  	[tilespmem:s13], [sflag:$0x2] =	stream.indirect.gather [hbm4b:s1+s11], $0x1, s7, s11, $0xb8;
	[tilespmem:$0x4340] =	vst v63  }
0x21: {  	_ =	swait.ge [sflag:s14], $0x3400  }
0x22: {  	[sflag:s14] =	ssyncset.done $0x0  }
0x23: {  	s15 =	simm.s32 $0x2;
	[sflag:s14] =	ssyncadd.s32 $0xFFFFCC00  }
0x24: {  	_ =	swait.ge [sflag:s15], $0x68  }
0x25: {  	[sflag:s15] =	ssyncset.done $0x0  }
0x26: {  	s16 =	sadd.s32 $0x68, s16;
	[sflag:s15] =	ssyncadd.s32 $0xFFFFFF98  }
0x27: {  	[spmem:s2] =	stream.indirect.scatter.add.f32 [tilespmem:s12], [sflag:$0x3], $0x80, s13, s11, $0xb8;
	[tilespmem:$0x4340] =	vst v63  }
0x28: {  	s17 =	sshrl.u32 s16, $0x3;
	_ =	swait.ge [sflag:s8], $0x3400  }
0x29: {  	s24 =	sadd.s32 s18, s17;
	[sflag:s8] =	ssyncset.done $0x0  }
0x2a: {  	[dreg:$0x7] =	wrdreg s24;
	[sflag:s8] =	ssyncadd.s32 $0xFFFFCC00  }
0x2b: {  	[tilespmem:s7], [sflag:$0x3] =	stream.linear.gather [hbm4b:s24+s3], $0x68, $0x38;
	[tilespmem:$0x4340] =	vst v63  }
0x2c: {  	_ =	swait.ge [sflag:s8], $0x68  }
0x2d: {  	s25 =	sadd.s32 s19, s17;
	[sflag:s8] =	ssyncset.done $0x0  }
0x2e: {  	[dreg:$0x8] =	wrdreg s25;
	[sflag:s8] =	ssyncadd.s32 $0xFFFFFF98  }
0x2f: {  	[tilespmem:s9], [sflag:$0x3] =	stream.linear.gather [hbm4b:s25+s3], $0x68, $0x38;
	[tilespmem:$0x4340] =	vst v63  }
0x30: {  	_ =	swait.ge [sflag:s8], $0x68  }
0x31: {  	[sflag:s8] =	ssyncset.done $0x0  }
0x32: {  	[sflag:s8] =	ssyncadd.s32 $0xFFFFFF98  }
0x33: {  	[tilespmem:s12], [sflag:$0x1] =	stream.indirect.gather [hbm4b:s10+s11], $0x80, s9, s11, $0xb8;
	[tilespmem:$0x4340] =	vst v63  }
0x34: {  	_ = 	snop  }
0x35: {  	[tilespmem:s13], [sflag:$0x2] =	stream.indirect.gather [hbm4b:s1+s11], $0x1, s7, s11, $0xb8;
	[tilespmem:$0x4340] =	vst v63  }
0x36: {  	_ =	swait.ge [sflag:s14], $0x3400  }
0x37: {  	[sflag:s14] =	ssyncset.done $0x0  }
0x38: {  	[sflag:s14] =	ssyncadd.s32 $0xFFFFCC00  }
0x39: {  	_ =	swait.ge [sflag:s15], $0x68  }
0x3a: {  	[sflag:s15] =	ssyncset.done $0x0  }
0x3b: {  	[sflag:s15] =	ssyncadd.s32 $0xFFFFFF98  }
0x3c: {  	[spmem:s2] =	stream.indirect.scatter.add.f32 [tilespmem:s12], [sflag:$0x3], $0x80, s13, s11, $0xb8;
	[tilespmem:$0x4340] =	vst v63  }
0x3d: {  	_ =	swait.ge [sflag:s8], $0x3400  }
0x3e: {  	s20 =	sadd.s32 $0x1A, s20;
	[sflag:s8] =	ssyncset.done $0x0  }
0x3f: {  	s18 =	sadd.s32 s18, s20;
	[sflag:s8] =	ssyncadd.s32 $0xFFFFCC00  }
0x40: {  	[tilespmem:s7], [sflag:$0x3] =	stream.linear.gather [hbm4b:s18+s3], $0x68, $0x38;
	[tilespmem:$0x4340] =	vst v63  }
0x41: {  	_ =	swait.ge [sflag:s8], $0x68  }
0x42: {  	[sflag:s8] =	ssyncset.done $0x0  }
0x43: {  	s19 =	sadd.s32 s19, s20;
	[sflag:s8] =	ssyncadd.s32 $0xFFFFFF98  }
0x44: {  	[tilespmem:s9], [sflag:$0x3] =	stream.linear.gather [hbm4b:s19+s3], $0x68, $0x38;
	[tilespmem:$0x4340] =	vst v63  }
0x45: {  	_ =	swait.ge [sflag:s8], $0x68  }
0x46: {  	[sflag:s8] =	ssyncset.done $0x0  }
0x47: {  	[sflag:s8] =	ssyncadd.s32 $0xFFFFFF98  }
0x48: {  	[tilespmem:s12], [sflag:$0x1] =	stream.indirect.gather [hbm4b:s10+s11], $0x80, s9, s11, $0xb8;
	[tilespmem:$0x4340] =	vst v63  }
0x49: {  	_ = 	snop  }
0x4a: {  	[tilespmem:s13], [sflag:$0x2] =	stream.indirect.gather [hbm4b:s1+s11], $0x1, s7, s11, $0xb8;
	[tilespmem:$0x4340] =	vst v63  }
0x4b: {  	_ =	swait.ge [sflag:s14], $0x3400  }
0x4c: {  	[sflag:s14] =	ssyncset.done $0x0  }
0x4d: {  	[sflag:s14] =	ssyncadd.s32 $0xFFFFCC00  }
0x4e: {  	_ =	swait.ge [sflag:s15], $0x68  }
0x4f: {  	[sflag:s15] =	ssyncset.done $0x0  }
0x50: {  	[sflag:s15] =	ssyncadd.s32 $0xFFFFFF98  }
0x51: {  	[spmem:s2] =	stream.indirect.scatter.add.f32 [tilespmem:s12], [sflag:$0x3], $0x80, s13, s11, $0xb8;
	[tilespmem:$0x4340] =	vst v63  }
0x52: {  	s26 =	smov.u32 s21;
	p1 =	sne.s32 s5, $0x0;
	_ =	swait.ge [sflag:s8], $0x3400  }
0x53: {  	s20 =	sadd.s32 $0x99EE0, s21;
	s22 =	simm.s32 @!p1 $0x0;
	[sflag:s8] =	ssyncset.done $0x0  }
0x54: {  	s23 =	simm.s32 @!p1 $0x39C0;
	s21 =	simm.s32 @!p1 $0x3;
	[sflag:s8] =	ssyncadd.s32 $0xFFFFCC00  }
0x55: {  	[tilespmem:s23], [sflag:$0x3] =	stream.linear.gather @!p1 [hbm4b:s20+s22], $0x10, $0x38;
	[tilespmem:$0x4340] =	vst v63  }
0x56: {  	_ =	swait.ge @!p1 [sflag:s21], $0x10  }
0x57: {  	[sflag:s21] =	ssyncset.done @!p1 $0x0  }
0x58: {  	s24 =	sadd.s32 $0x998E0, s26;
	s25 =	simm.s32 @!p1 $0x3A40;
	[sflag:s21] =	ssyncadd.s32 @!p1 $0xFFFFFFF0  }
0x59: {  	[tilespmem:s25], [sflag:$0x3] =	stream.linear.gather @!p1 [hbm4b:s24+s22], $0x10, $0x38;
	[tilespmem:$0x4340] =	vst v63  }
0x5a: {  	_ =	swait.ge @!p1 [sflag:s21], $0x10  }
0x5b: {  	s28 =	simm.s32 @!p1 $0x3B40;
	[sflag:s21] =	ssyncset.done @!p1 $0x0  }
0x5c: {  	s16 =	smov.u32 s26;
	s26 =	simm.s32 @!p1 $0x10;
	[sflag:s21] =	ssyncadd.s32 @!p1 $0xFFFFFFF0  }
0x5d: {  	[tilespmem:s28], [sflag:$0x1] =	stream.indirect.gather @!p1 [hbm4b:s10+s26], $0x80, s25, s26, $0xb8;
	[tilespmem:$0x4340] =	vst v63  }
0x5e: {  	s29 =	simm.s32 @!p1 $0x3AC0;
	s30 =	simm.s32 @!p1 $0x1  }
0x5f: {  	[tilespmem:s29], [sflag:$0x2] =	stream.indirect.gather @!p1 [hbm4b:s1+s26], $0x1, s23, s26, $0xb8;
	[tilespmem:$0x4340] =	vst v63  }
0x60: {  	_ =	swait.ge @!p1 [sflag:s30], $0x800  }
0x61: {  	[sflag:s30] =	ssyncset.done @!p1 $0x0  }
0x62: {  	s31 =	simm.s32 @!p1 $0x2;
	[sflag:s30] =	ssyncadd.s32 @!p1 $0xFFFFF800  }
0x63: {  	_ =	swait.ge @!p1 [sflag:s31], $0x10  }
0x64: {  	s0 =	ssub.s32 $0x2, s4;
	[sflag:s31] =	ssyncset.done @!p1 $0x0  }
0x65: {  	s17 =	sshrl.u32 s0, $0x1;
	[sflag:s31] =	ssyncadd.s32 @!p1 $0xFFFFFFF0  }
0x66: {  	[spmem:s2] =	stream.indirect.scatter.add.f32 @!p1 [tilespmem:s28], [sflag:$0x3], $0x80, s29, s26, $0xb8;
	[tilespmem:$0x4340] =	vst v63  }
0x67: {  	s0 =	ssub.s32 s0, s17;
	_ =	swait.ge @!p1 [sflag:s21], $0x800  }
0x68: {  	s5 =	smax.u32 s0, $0x1;
	[sflag:s21] =	ssyncset.done @!p1 $0x0  }
0x69: {  	s5 =	sadd.s32 $0xFFFFFFFF, s5;
	[sflag:s21] =	ssyncadd.s32 @!p1 $0xFFFFF800  }
0x6a: {  	s17 =	simm.s32 @!p0 $0x3;
	p2 =	sne.s32 s5, $0x0;
	[bflag:$0x0] =	sbarrier.arrive $0xFFFF  }
0x6b: {  	[tilespmem:s6], [sflag:$0x3] =	stream.linear.gather @!p0 [spmem:s2], $0x400, $0x38;
	[tilespmem:$0x4340] =	vst v63  }
.Ltmp0:
0x6c: {  	s4 =	sshll.u32 s4, $0x7;
	_ =	swait.ge @!p0 [sflag:s17], $0x400;
	(pc) =	sbr.rel @!p2 .LBB2_1-.Ltmp0, $4  }
0x6d: {  	s4 =	sadd.s32 s4, s16;
	s16 =	simm.s32 @!p0 $0x3;
	[sflag:s17] =	ssyncset.done @!p0 $0x0  }
0x6e: {  	s0 =	sadd.s32 $0x2AC00, s4;
	s4 =	simm.s32 @!p0 $0x0;
	[sflag:s17] =	ssyncadd.s32 @!p0 $0xFFFFFC00  }
0x6f: {  	[hbm4b:s0+s4] =	stream.linear.scatter @!p0 [tilespmem:s6], [sflag:$0x3], $0x400, $0x38;
	[tilespmem:$0x4340] =	vst v63  }
0x70: {  	s4 =	simm.s32 @!p0 $0x3;
	_ =	swait.ge @!p0 [sflag:s16], $0x400  }
.LBB2_2:
0x71: {  	[sflag:s4] =	ssyncset.done @!p0 $0x0  }
0x72: {  	s16 =	rddreg [dreg:$0x4];
	s17 =	simm.s32 @!p0 $0x0;
	[sflag:s4] =	ssyncadd.s32 @!p0 $0xFFFFFC00  }
0x73: {  	[tilespmem:s6], [sflag:$0x3] =	stream.linear.gather @!p0 [hbm4b:s16+s17], $0x400, $0x38;
	[tilespmem:$0x4340] =	vst v63  }
0x74: {  	s16 =	simm.s32 @!p0 $0x3  }
0x75: {  	_ =	swait.ge @!p0 [sflag:s16], $0x400;
	s4 =	smov.u32 s16  }
0x76: {  	[sflag:s4] =	ssyncset.done @!p0 $0x0  }
0x77: {  	[sflag:s4] =	ssyncadd.s32 @!p0 $0xFFFFFC00  }
0x78: {  	[spmem:s2] =	stream.linear.scatter @!p0 [tilespmem:s6], [sflag:$0x3], $0x400, $0x38;
	[tilespmem:$0x4340] =	vst v63  }
0x79: {  	_ =	swait.ge @!p0 [sflag:s4], $0x400  }
0x7a: {  	[sflag:s4] =	ssyncset.done @!p0 $0x0  }
0x7b: {  	[sflag:s4] =	ssyncadd.s32 @!p0 $0xFFFFFC00  }
0x7c: {  	[bflag:$0x0] =	sbarrier.arrive $0xFFFF  }
0x7d: {  	s16 =	rddreg [dreg:$0x5]  }
0x7e: {  	[tilespmem:s7], [sflag:$0x3] =	stream.linear.gather [hbm4b:s16+s3], $0x68, $0x38;
	[tilespmem:$0x4340] =	vst v63  }
0x7f: {  	_ =	swait.ge [sflag:s8], $0x68  }
0x80: {  	[sflag:s8] =	ssyncset.done $0x0  }
0x81: {  	s16 =	rddreg [dreg:$0x6];
	[sflag:s8] =	ssyncadd.s32 $0xFFFFFF98  }
0x82: {  	[tilespmem:s9], [sflag:$0x3] =	stream.linear.gather [hbm4b:s16+s3], $0x68, $0x38;
	[tilespmem:$0x4340] =	vst v63  }
0x83: {  	_ =	swait.ge [sflag:s8], $0x68  }
0x84: {  	[sflag:s8] =	ssyncset.done $0x0  }
0x85: {  	[sflag:s8] =	ssyncadd.s32 $0xFFFFFF98  }
0x86: {  	[tilespmem:s12], [sflag:$0x1] =	stream.indirect.gather [hbm4b:s10+s11], $0x80, s9, s11, $0xb8;
	[tilespmem:$0x4340] =	vst v63  }
0x87: {  	_ = 	snop  }
0x88: {  	[tilespmem:s13], [sflag:$0x2] =	stream.indirect.gather [hbm4b:s1+s11], $0x1, s7, s11, $0xb8;
	[tilespmem:$0x4340] =	vst v63  }
0x89: {  	_ =	swait.ge [sflag:s14], $0x3400  }
0x8a: {  	[sflag:s14] =	ssyncset.done $0x0  }
0x8b: {  	[sflag:s14] =	ssyncadd.s32 $0xFFFFCC00  }
0x8c: {  	_ =	swait.ge [sflag:s15], $0x68  }
0x8d: {  	[sflag:s15] =	ssyncset.done $0x0  }
0x8e: {  	[sflag:s15] =	ssyncadd.s32 $0xFFFFFF98  }
0x8f: {  	[spmem:s2] =	stream.indirect.scatter.add.f32 [tilespmem:s12], [sflag:$0x3], $0x80, s13, s11, $0xb8;
	[tilespmem:$0x4340] =	vst v63  }
0x90: {  	_ =	swait.ge [sflag:s8], $0x3400  }
0x91: {  	[sflag:s8] =	ssyncset.done $0x0  }
0x92: {  	s16 =	rddreg [dreg:$0x7];
	[sflag:s8] =	ssyncadd.s32 $0xFFFFCC00  }
0x93: {  	[tilespmem:s7], [sflag:$0x3] =	stream.linear.gather [hbm4b:s16+s3], $0x68, $0x38;
	[tilespmem:$0x4340] =	vst v63  }
0x94: {  	_ =	swait.ge [sflag:s8], $0x68  }
0x95: {  	[sflag:s8] =	ssyncset.done $0x0  }
0x96: {  	s16 =	rddreg [dreg:$0x8];
	[sflag:s8] =	ssyncadd.s32 $0xFFFFFF98  }
0x97: {  	[tilespmem:s9], [sflag:$0x3] =	stream.linear.gather [hbm4b:s16+s3], $0x68, $0x38;
	[tilespmem:$0x4340] =	vst v63  }
0x98: {  	_ =	swait.ge [sflag:s8], $0x68  }
0x99: {  	[sflag:s8] =	ssyncset.done $0x0  }
0x9a: {  	[sflag:s8] =	ssyncadd.s32 $0xFFFFFF98  }
0x9b: {  	[tilespmem:s12], [sflag:$0x1] =	stream.indirect.gather [hbm4b:s10+s11], $0x80, s9, s11, $0xb8;
	[tilespmem:$0x4340] =	vst v63  }
0x9c: {  	_ = 	snop  }
0x9d: {  	[tilespmem:s13], [sflag:$0x2] =	stream.indirect.gather [hbm4b:s1+s11], $0x1, s7, s11, $0xb8;
	[tilespmem:$0x4340] =	vst v63  }
0x9e: {  	_ =	swait.ge [sflag:s14], $0x3400  }
0x9f: {  	[sflag:s14] =	ssyncset.done $0x0  }
0xa0: {  	[sflag:s14] =	ssyncadd.s32 $0xFFFFCC00  }
0xa1: {  	_ =	swait.ge [sflag:s15], $0x68  }
0xa2: {  	[sflag:s15] =	ssyncset.done $0x0  }
0xa3: {  	[sflag:s15] =	ssyncadd.s32 $0xFFFFFF98  }
0xa4: {  	[spmem:s2] =	stream.indirect.scatter.add.f32 [tilespmem:s12], [sflag:$0x3], $0x80, s13, s11, $0xb8;
	[tilespmem:$0x4340] =	vst v63  }
0xa5: {  	_ =	swait.ge [sflag:s8], $0x3400  }
0xa6: {  	[sflag:s8] =	ssyncset.done $0x0  }
0xa7: {  	[sflag:s8] =	ssyncadd.s32 $0xFFFFCC00  }
0xa8: {  	[tilespmem:s7], [sflag:$0x3] =	stream.linear.gather [hbm4b:s18+s3], $0x68, $0x38;
	[tilespmem:$0x4340] =	vst v63  }
0xa9: {  	_ =	swait.ge [sflag:s8], $0x68  }
0xaa: {  	[sflag:s8] =	ssyncset.done $0x0  }
0xab: {  	[sflag:s8] =	ssyncadd.s32 $0xFFFFFF98  }
0xac: {  	[tilespmem:s9], [sflag:$0x3] =	stream.linear.gather [hbm4b:s19+s3], $0x68, $0x38;
	[tilespmem:$0x4340] =	vst v63  }
0xad: {  	_ =	swait.ge [sflag:s8], $0x68  }
0xae: {  	[sflag:s8] =	ssyncset.done $0x0  }
0xaf: {  	[sflag:s8] =	ssyncadd.s32 $0xFFFFFF98  }
0xb0: {  	[tilespmem:s12], [sflag:$0x1] =	stream.indirect.gather [hbm4b:s10+s11], $0x80, s9, s11, $0xb8;
	[tilespmem:$0x4340] =	vst v63  }
0xb1: {  	_ = 	snop  }
0xb2: {  	[tilespmem:s13], [sflag:$0x2] =	stream.indirect.gather [hbm4b:s1+s11], $0x1, s7, s11, $0xb8;
	[tilespmem:$0x4340] =	vst v63  }
0xb3: {  	_ =	swait.ge [sflag:s14], $0x3400  }
0xb4: {  	[sflag:s14] =	ssyncset.done $0x0  }
0xb5: {  	[sflag:s14] =	ssyncadd.s32 $0xFFFFCC00  }
0xb6: {  	_ =	swait.ge [sflag:s15], $0x68  }
0xb7: {  	[sflag:s15] =	ssyncset.done $0x0  }
0xb8: {  	[sflag:s15] =	ssyncadd.s32 $0xFFFFFF98  }
0xb9: {  	[spmem:s2] =	stream.indirect.scatter.add.f32 [tilespmem:s12], [sflag:$0x3], $0x80, s13, s11, $0xb8;
	[tilespmem:$0x4340] =	vst v63  }
0xba: {  	_ =	swait.ge [sflag:s8], $0x3400  }
0xbb: {  	[sflag:s8] =	ssyncset.done $0x0  }
0xbc: {  	[sflag:s8] =	ssyncadd.s32 $0xFFFFCC00  }
0xbd: {  	[tilespmem:s23], [sflag:$0x3] =	stream.linear.gather @!p1 [hbm4b:s20+s22], $0x10, $0x38;
	[tilespmem:$0x4340] =	vst v63  }
0xbe: {  	_ =	swait.ge @!p1 [sflag:s21], $0x10  }
0xbf: {  	[sflag:s21] =	ssyncset.done @!p1 $0x0  }
0xc0: {  	[sflag:s21] =	ssyncadd.s32 @!p1 $0xFFFFFFF0  }
0xc1: {  	[tilespmem:s25], [sflag:$0x3] =	stream.linear.gather @!p1 [hbm4b:s24+s22], $0x10, $0x38;
	[tilespmem:$0x4340] =	vst v63  }
0xc2: {  	_ =	swait.ge @!p1 [sflag:s21], $0x10  }
0xc3: {  	[sflag:s21] =	ssyncset.done @!p1 $0x0  }
0xc4: {  	[sflag:s21] =	ssyncadd.s32 @!p1 $0xFFFFFFF0  }
0xc5: {  	[tilespmem:s28], [sflag:$0x1] =	stream.indirect.gather @!p1 [hbm4b:s10+s26], $0x80, s25, s26, $0xb8;
	[tilespmem:$0x4340] =	vst v63  }
0xc6: {  	_ = 	snop  }
0xc7: {  	[tilespmem:s29], [sflag:$0x2] =	stream.indirect.gather @!p1 [hbm4b:s1+s26], $0x1, s23, s26, $0xb8;
	[tilespmem:$0x4340] =	vst v63  }
0xc8: {  	_ =	swait.ge @!p1 [sflag:s30], $0x800  }
0xc9: {  	[sflag:s30] =	ssyncset.done @!p1 $0x0  }
0xca: {  	[sflag:s30] =	ssyncadd.s32 @!p1 $0xFFFFF800  }
0xcb: {  	_ =	swait.ge @!p1 [sflag:s31], $0x10  }
0xcc: {  	[sflag:s31] =	ssyncset.done @!p1 $0x0  }
0xcd: {  	[sflag:s31] =	ssyncadd.s32 @!p1 $0xFFFFFFF0  }
0xce: {  	[spmem:s2] =	stream.indirect.scatter.add.f32 @!p1 [tilespmem:s28], [sflag:$0x3], $0x80, s29, s26, $0xb8;
	[tilespmem:$0x4340] =	vst v63  }
0xcf: {  	_ =	swait.ge @!p1 [sflag:s21], $0x800  }
0xd0: {  	[sflag:s21] =	ssyncset.done @!p1 $0x0  }
0xd1: {  	s5 =	sadd.s32 $0xFFFFFFFF, s5;
	[sflag:s21] =	ssyncadd.s32 @!p1 $0xFFFFF800  }
0xd2: {  	p2 =	sne.s32 s5, $0x0;
	[bflag:$0x0] =	sbarrier.arrive $0xFFFF  }
0xd3: {  	[tilespmem:s6], [sflag:$0x3] =	stream.linear.gather @!p0 [spmem:s2], $0x400, $0x38;
	[tilespmem:$0x4340] =	vst v63  }
.Ltmp1:
0xd4: {  	_ =	swait.ge @!p0 [sflag:s4], $0x400;
	(pc) =	sbr.rel @p2 .LBB2_2-.Ltmp1, $4  }
0xd5: {  	[sflag:s4] =	ssyncset.done @!p0 $0x0  }
0xd6: {  	[sflag:s4] =	ssyncadd.s32 @!p0 $0xFFFFFC00  }
0xd7: {  	[hbm4b:s0+s17] =	stream.linear.scatter @!p0 [tilespmem:s6], [sflag:$0x3], $0x400, $0x38;
	[tilespmem:$0x4340] =	vst v63  }
0xd8: {  	_ =	swait.ge @!p0 [sflag:s4], $0x400  }
.LBB2_3:
0xd9: {  	[sflag:s4] =	ssyncset.done @!p0 $0x0  }
0xda: {  	[sflag:s4] =	ssyncadd.s32 @!p0 $0xFFFFFC00  }
0xdb: {  	_ =	sfence.sel $0x180000  }
0xdc: {  	[bflag:$0x0] =	sbarrier.arrive $0xFFFF  }
0xdd: {  	_ =	strace $0x9000004D  }
0xde: {  	[bflag:$0x2] =	sbarrier.arrive $0xFFFF  }
0xdf: {  	s0 =	rddreg [dreg:$0x3]  }
0xe0: {  	s0 =	sadd.s32 @!p0 $0x100000, s0  }
0xe1: {  	[sflag:s0] =	ssyncadd.tile.s32 @!p0 $0x1;
	_ =	shalt  }
.LBB2_1:
.Ltmp2:
0xe2: {  	(pc) =	sbr.rel .LBB2_3-.Ltmp2, $2  }
0xe3: {  	_ =	sdelay $0x2  }
0xe4: {  	s4 =	simm.s32 @!p0 $0x3  }
.Lfunc_end2:
_tile_overlayer_lowered:
.L_overlay_start_2:
0xe5: {  	(tag) =	ssettag $0x2  }
0xe6: {  	s0 =	rddreg [dreg:$0x0];
	s2 =	stileid.u32  }
0xe7: {  	s1 =	rddreg [dreg:$0x1];
	p0 =	sne.s32 s2, $0x0  }
0xe8: {  	s3 =	rddreg [dreg:$0x2];
	[bflag:$0x3] =	sbarrier.arrive $0xFFFF;
	s2 =	simm.s32 @!p0 $0x1C03  }
0xe9: {  	[timem:s3], [sflag:s2] =	dma.local @!p0 [hbm:s0], s1  }
0xea: {  	s0 =	simm.s32 @!p0 $0x3  }
0xeb: {  	_ =	swait.ge @!p0 [sflag:s0], s1  }
0xec: {  	s1 =	ssub.s32 @!p0 $0x0, s1;
	[sflag:s0] =	ssyncset.done @!p0 $0x0  }
0xed: {  	[sflag:s0] =	ssyncadd.s32 @!p0 s1  }
0xee: {  	[bflag:$0x3] =	sbarrier.arrive $0xFFFF  }
0xef: {  	_ =	shalt  }

// kernel: kernel.9.cloned.1.call-start
scs
__scs_entry_jumppad:
0x0: {  	(pc) =	sbr.rel $0x88, $3  }
0x1: {  	(tag) =	ssettag $0x0;
	lr =	simm.s32 $0x1  }
0x2: {  	[smem:$0x3F8A] =	sst lr;
	_ =	strace $0xD0000000  }
0x3: {  	_ = 	snop  }
0x4: {  	_ = 	snop  }
0x5: {  	_ = 	snop  }
0x6: {  	_ = 	snop  }
0x7: {  	_ = 	snop  }
__scs_overlays_trampoline_lowered:
0x8: {  	[smem:$0x3F99] =	sst s0  }
0x9: {  	[smem:$0x3F9A] =	sst s1  }
0xa: {  	[smem:$0x3F9B] =	sst s2  }
0xb: {  	[smem:$0x3F9C] =	sst s3  }
0xc: {  	[smem:$0x3F9D] =	sst s4  }
0xd: {  	[smem:$0x3F9E] =	sst s5  }
0xe: {  	[smem:$0x3F9F] =	sst s6  }
0xf: {  	[smem:$0x3FA0] =	sst s7  }
0x10: {  	[smem:$0x3FA1] =	sst s8  }
0x11: {  	[smem:$0x3FA2] =	sst s9;
	s0 =	simm.s32 @!p0 $0x0  }
0x12: {  	s1 =	sld [smem:$0x3F88];
	s0 =	simm.s32 @p0 $0x1  }
0x13: {  	[smem:$0x3FA3] =	sst s0;
	s0 =	simm.s32 @!p1 $0x0  }
0x14: {  	s2 =	sld [smem:$0x3F87];
	s0 =	simm.s32 @p1 $0x1  }
0x15: {  	[smem:$0x3FA4] =	sst s0;
	s0 =	simm.s32 @!p2 $0x0  }
0x16: {  	s3 =	sld [smem:$0x3FDB];
	s0 =	simm.s32 @p2 $0x1  }
0x17: {  	s4 =	simm.s32 $0x1BF5;
	[smem:$0x3FA6] =	sst s0  }
0x18: {  	s0 =	sld [smem:$0x3F89];
	_ =	swait.ge [sflag:s4], $0x0  }
0x19: {  	s7 =	sld [smem:$0x3F8A]  }
0x1a: {  	s8 =	sadd.s32 $0xFFFFE003, lr  }
0x1b: {  	s9 =	sadd.s32 $0xFFFFFEF7, lr;
	s5 =	simm.s32 $0xFFFFFFFF;
	p2 =	slt.u32 s8, $0xFFFFF086  }
0x1c: {  	p1 =	slt.u32 s9, $0xF7A;
	s5 =	simm.s32 @!p2 $0x0  }
0x1d: {  	s5 =	simm.s32 @p1 $0x1;
	p0 =	seq.s32 s7, s2  }
0x1e: {  	s7 =	smul.u32 @!p0 $0xF7A, s2;
	p2 =	seq.s32 @!p0 s5, $0x0  }
0x1f: {  	s9 =	smul.u32 $0xF7A, s1;
	s8 =	simm.s32 @!p0 $0x1BF5;
	p2 =	por !p2, p0  }
0x20: {  	[sflag:s8] =	ssyncset.s32 @!p0 $0xFFFFF086;
	s6 =	sadd.s32 @!p0 s3, s7;
	s7 =	simm.s32 @!p0 $0x108  }
0x21: {  	s3 =	sadd.s32 s3, s9;
	s6 =	sadd.s32 @!p0 $0x88, s6;
	s7 =	simm.s32 @p2 $0x1082  }
0x22: {  	[simem:s7], [sflag:s8] =	dma.local @!p0 [hbm:s6], $0xF7A  }
0x23: {  	s9 =	sor.u32 $0xD0000000, s2;
	s6 =	simm.s32 $0x108;
	_ =	swait.ge @!p0 [sflag:s8], $0x0  }
0x24: {  	s3 =	sadd.s32 $0x88, s3;
	s6 =	simm.s32 @!p1 $0x1082;
	[sflag:s4] =	ssyncset.s32 $0xFFFFF086  }
0x25: {  	[simem:s6], [sflag:s4] =	dma.local [hbm:s3], $0xF7A  }
0x26: {  	[smem:$0x3F8A] =	sst s1;
	(tag) =	ssettag s2;
	_ =	strace s9  }
0x27: {  	s1 =	sld [smem:$0x3F9A]  }
0x28: {  	s2 =	sld [smem:$0x3F9B]  }
0x29: {  	s4 =	sld [smem:$0x3F9D]  }
0x2a: {  	p0 =	seq.s32 s5, $0x0;
	s5 =	sld [smem:$0x3F9E]  }
0x2b: {  	s6 =	sld [smem:$0x3F9F]  }
0x2c: {  	s7 =	sld [smem:$0x3FA0]  }
0x2d: {  	s3 =	simm.s32 $0x108;
	s8 =	sld [smem:$0x3FA1]  }
0x2e: {  	s3 =	simm.s32 @!p0 $0x1082;
	s9 =	sld [smem:$0x3FA2]  }
0x2f: {  	lr =	sadd.s32 s0, s3;
	s0 =	sld [smem:$0x3F99]  }
0x30: {  	s3 =	sld [smem:$0x3F9C]  }
0x31: {  	[smem:$0x3FA5] =	sst s10  }
0x32: {  	s10 =	sld [smem:$0x3FA3];
	_ =	sdelay $0x3  }
0x33: {  	p0 =	seq.s32 s10, $0x1;
	s10 =	sld [smem:$0x3FA5];
	_ =	sdelay $0x3  }
0x34: {  	[smem:$0x3FA5] =	sst s10  }
0x35: {  	s10 =	sld [smem:$0x3FA4];
	_ =	sdelay $0x3  }
0x36: {  	p1 =	seq.s32 s10, $0x1;
	s10 =	sld [smem:$0x3FA5];
	_ =	sdelay $0x3  }
0x37: {  	[smem:$0x3FA5] =	sst s10  }
0x38: {  	s10 =	sld [smem:$0x3FA6]  }
0x39: {  	_ = 	snop;
	(pc) =	sbr.ind lr, $3  }
0x3a: {  	_ = 	snop  }
0x3b: {  	_ = 	snop  }
0x3c: {  	p2 =	seq.s32 s10, $0x1;
	s10 =	sld [smem:$0x3FA5]  }
0x3d: {  	_ =	shalt  }
0x3e: {  	_ =	shalt  }
0x3f: {  	_ =	shalt  }
0x40: {  	_ =	shalt  }
0x41: {  	_ =	shalt  }
0x42: {  	_ =	shalt  }
0x43: {  	_ =	shalt  }
0x44: {  	_ =	shalt  }
0x45: {  	_ =	shalt  }
0x46: {  	_ =	shalt  }
0x47: {  	_ =	shalt  }
0x48: {  	_ =	shalt  }
0x49: {  	_ =	shalt  }
0x4a: {  	_ =	shalt  }
0x4b: {  	_ =	shalt  }
0x4c: {  	_ =	shalt  }
0x4d: {  	_ =	shalt  }
0x4e: {  	_ =	shalt  }
0x4f: {  	_ =	shalt  }
0x50: {  	_ =	shalt  }
0x51: {  	_ =	shalt  }
0x52: {  	_ =	shalt  }
0x53: {  	_ =	shalt  }
0x54: {  	_ =	shalt  }
0x55: {  	_ =	shalt  }
0x56: {  	_ =	shalt  }
0x57: {  	_ =	shalt  }
0x58: {  	_ =	shalt  }
0x59: {  	_ =	shalt  }
0x5a: {  	_ =	shalt  }
0x5b: {  	_ =	shalt  }
0x5c: {  	_ =	shalt  }
0x5d: {  	_ =	shalt  }
0x5e: {  	_ =	shalt  }
0x5f: {  	_ =	shalt  }
0x60: {  	_ =	shalt  }
0x61: {  	_ =	shalt  }
0x62: {  	_ =	shalt  }
0x63: {  	_ =	shalt  }
0x64: {  	_ =	shalt  }
0x65: {  	_ =	shalt  }
0x66: {  	_ =	shalt  }
0x67: {  	_ =	shalt  }
0x68: {  	_ =	shalt  }
0x69: {  	_ =	shalt  }
0x6a: {  	_ =	shalt  }
0x6b: {  	_ =	shalt  }
0x6c: {  	_ =	shalt  }
0x6d: {  	_ =	shalt  }
0x6e: {  	_ =	shalt  }
0x6f: {  	_ =	shalt  }
0x70: {  	_ =	shalt  }
0x71: {  	_ =	shalt  }
0x72: {  	_ =	shalt  }
0x73: {  	_ =	shalt  }
0x74: {  	_ =	shalt  }
0x75: {  	_ =	shalt  }
0x76: {  	_ =	shalt  }
0x77: {  	_ =	shalt  }
0x78: {  	_ =	shalt  }
0x79: {  	_ =	shalt  }
0x7a: {  	_ =	shalt  }
0x7b: {  	_ =	shalt  }
0x7c: {  	_ =	shalt  }
0x7d: {  	_ =	shalt  }
0x7e: {  	_ =	shalt  }
0x7f: {  	_ =	shalt  }
0x80: {  	_ =	shalt  }
0x81: {  	_ =	shalt  }
0x82: {  	_ =	shalt  }
0x83: {  	_ =	shalt  }
0x84: {  	_ =	shalt  }
0x85: {  	_ =	shalt  }
0x86: {  	_ =	shalt  }
0x87: {  	_ =	shalt  }
.Lfunc_end0:
.L_simem_size_0:
called_computation_lowered:
.L_overlay_start_0:
0x88: {  	s2 =	sld [smem:$0x3FD9]  }
0x89: {  	s3 =	sld [smem:$0x3FFE];
	_ =	sdelay $0x1  }
0x8a: {  	s1 =	srdreg.scid  }
0x8b: {  	s0 =	sand.u32 $0x1, s1  }
0x8c: {  	s16 =	sshll.u32 s0, $0xA;
	s2 =	sadd.s32 s3, s2  }
0x8d: {  	s2 =	sadd.s32 s2, s16  }
0x8e: {  	[smem:$0x3FB1] =	sst s2  }
0x8f: {  	_ = 	snop  }
0x90: {  	(tm) =	ssettm $0x1  }
0x91: {  	s17 =	sld [smem:$0x3FFB];
	_ =	sdelay $0x3  }
0x92: {  	_ =	strace s17  }
0x93: {  	s2 =	sld [smem:$0x3FFC];
	_ =	sdelay $0x3  }
0x94: {  	_ =	strace s2  }
0x95: {  	s2 =	sld [smem:$0x3FFD];
	_ =	sdelay $0x3  }
0x96: {  	_ =	strace s2  }
0x97: {  	_ =	strace $0x8FFFFFFF  }
0x98: {  	s18 =	sld [smem:$0x3FDB];
	_ =	sdelay $0x1  }
0x99: {  	s19 =	simm.s32 $_scs_section_size  }
0x9a: {  	s4 =	simm.s32 $_size__tile_overlayer_lowered;
	s5 =	simm.s32 $_tile_overlayer_lowered  }
0x9b: {  	s22 =	simm.s32 $0x1BFF;
	s21 =	sshll.u32 s5, $0x1;
	s2 =	sadd.s32 s19, s18  }
0x9c: {  	s6 =	simm.s32 $0x0;
	s20 =	sshll.u32 s4, $0x1;
	s4 =	sadd.s32 s21, s2  }
0x9d: {  	[timem:s6], [sflag:s22] =	dma.local [hbm:s4], s20  }
0x9e: {  	_ =	swait.ge [sflag:s22], s20  }
0x9f: {  	s3 =	ssub.s32 $0x0, s20;
	[sflag:s22] =	ssyncset.done $0x0  }
0xa0: {  	[sflag:s22] =	ssyncadd.s32 s3;
	_ =	sdelay $0x1  }
0xa1: {  	s23 =	simm.s32 $0x1B8B  }
0xa2: {  	_ =	swait.ge [sflag:s23], $0x1  }
0xa3: {  	[sflag:s23] =	ssyncset.done $0x0  }
0xa4: {  	s25 =	simm.s32 $0x1B8E;
	s24 =	sld [smem:$0x3FFE];
	[sflag:s23] =	ssyncadd.s32 $0xFFFFFFFF  }
0xa5: {  	s26 =	simm.s32 $execute0_lowered;
	[smem:$0x3FD2] =	sst s25  }
0xa6: {  	s4 =	sshll.u32 s26, $0x1;
	_ =	strace $0x80000046;
	[dreg:$0x1] =	wrdreg $0xFFFFFFFF  }
0xa7: {  	s28 =	simm.s32 $_size_execute0_lowered;
	s2 =	sadd.s32 s2, s4;
	[dreg:$0x0] =	wrdreg $0x0  }
0xa8: {  	s4 =	sshll.u32 s28, $0x1;
	[dreg:$0x2] =	wrdreg s2  }
0xa9: {  	[dreg:$0x3] =	wrdreg s4  }
0xaa: {  	[dreg:$0x4] =	wrdreg $0xC0  }
0xab: {  	_ =	task [dreg:s6], $0x5FFFF  }
0xac: {  	[dreg:$0x1] =	wrdreg $0xFFFFFFFF  }
0xad: {  	[dreg:$0x0] =	wrdreg $0x60  }
0xae: {  	[dreg:$0x2] =	wrdreg s24  }
0xaf: {  	[dreg:$0x3] =	wrdreg $0x0  }
0xb0: {  	[dreg:$0x4] =	wrdreg $0x9  }
0xb1: {  	_ =	task.clear_ibuf [dreg:s6], $0x5FFFF;
	_ =	strace $0x90000046  }
0xb2: {  	s29 =	simm.s32 $0x9;
	_ =	strace $0x80000048  }
0xb3: {  	_ =	swait.ge [sflag:s29], $0x1  }
0xb4: {  	[sflag:s29] =	ssyncadd.s32 $0xFFFFFFFF  }
0xb5: {  	_ =	strace $0x90000048  }
0xb6: {  	_ =	sfence  }
0xb7: {  	s30 =	sld [smem:$0x0];
	_ =	sdelay $0x2  }
0xb8: {  	s31 =	sshll.u32 s1, $0xD;
	s1 =	sshrl.u32 s1, $0x2  }
0xb9: {  	s3 =	sand.u32 $0x4000, s31;
	s1 =	sadd.s32 s1, s30  }
0xba: {  	s0 =	sor.u32 s3, s0;
	s1 =	sshll.u32 s1, $0x11  }
0xbb: {  	s0 =	sor.u32 s1, s0  }
0xbc: {  	s0 =	sadd.s32 $0x8F2B, s0  }
0xbd: {  	[sflag:s0] =	ssyncadd.remote.s32 $0x1  }
0xbe: {  	_ =	sfence.sel $0xFFFF  }
0xbf: {  	[dreg:$0x0] =	wrdreg $0xFFFFFFFF;
	(pc) =	sbr.abs _section_cstart, $3  }
0xc0: {  	[dreg:$0x1] =	wrdreg $0xFFFFFFFF  }
0xc1: {  	_ =	task.clear_ibuf [dreg:s6], $0x2FFFF;
	_ =	strace $0x9FFFFFFF  }
0xc2: {  	(tm) =	ssettm $0x7FFFFFFF  }
0xc3: {  	_ =	shalt  }
tec
execute0_lowered:
.L_overlay_start_1:
0x0: {  	(tag) =	ssettag $0x1  }
0x1: {  	s0 =	rddreg [dreg:$0x0];
	s2 =	srdreg.scid  }
0x2: {  	s1 =	rddreg [dreg:$0x1];
	s3 =	stileid.u32;
	s29 =	simm.s32 $0x17880  }
0x3: {  	s30 =	simm.s32 $0x7;
	s31 =	simm.s32 $0x13880;
	s2 =	sand.u32 $0x1, s2  }
0x4: {  	s5 =	smul.u32 $0x13800, s3;
	s6 =	sadd.s32 $0x3A00, s0;
	s7 =	sadd.s32 $0x13A00, s0  }
0x5: {  	s9 =	sadd.s32 $0x4B200, s0;
	s15 =	sshll.u32 s3, $0xB;
	p0 =	sne.s32 s3, $0x0  }
0x6: {  	s28 =	sadd.s32 $0x138000, s1;
	s4 =	ssub.s32 $0x2, s2;
	s14 =	sshll.u32 s2, $0xF  }
0x7: {  	s2 =	smul.u32 $0x138800, s2;
	s8 =	sshrl.u32 s4, $0x1;
	s10 =	sadd.s32 $0x5000, s5  }
0x8: {  	s11 =	sadd.s32 $0x7800, s5;
	s12 =	sadd.s32 $0xA000, s5;
	s13 =	sadd.s32 $0xC800, s5  }
0x9: {  	s16 =	sadd.s32 $0xF000, s5;
	s14 =	sor.u32 s15, s14;
	s24 =	sadd.s32 $0x11800, s5  }
0xa: {  	s4 =	ssub.s32 s4, s8;
	s8 =	sadd.s32 $0x2800, s5;
	s15 =	sadd.s32 s6, s14  }
0xb: {  	s19 =	sadd.s32 s7, s14;
	s14 =	sor.u32 $0x400, s14;
	s5 =	sadd.s32 s5, s2  }
0xc: {  	s23 =	sadd.s32 s2, s10;
	s25 =	sadd.s32 s2, s11;
	s26 =	sadd.s32 s2, s12  }
0xd: {  	s17 =	sadd.s32 s2, s13;
	s18 =	sadd.s32 s2, s16;
	[dreg:$0x3] =	wrdreg s15  }
0xe: {  	[dreg:$0x4] =	wrdreg s19;
	s20 =	sadd.s32 s2, s8;
	s6 =	sadd.s32 s6, s14  }
0xf: {  	s5 =	sshrl.u32 s5, $0x3;
	s7 =	sadd.s32 s7, s14;
	s19 =	sadd.s32 s2, s24  }
0x10: {  	s2 =	sshrl.u32 s2, $0x3;
	s24 =	sadd.s32 s24, s1;
	[dreg:$0x5] =	wrdreg s6  }
0x11: {  	s21 =	sshrl.u32 s20, $0x3;
	[dreg:$0x6] =	wrdreg s7;
	s5 =	sadd.s32 s9, s5  }
0x12: {  	s6 =	sshrl.u32 s25, $0x3;
	s7 =	sshrl.u32 s26, $0x3;
	s2 =	sadd.s32 s9, s2  }
0x13: {  	s26 =	smax.u32 s4, $0x1;
	s4 =	simm.s32 $0x1A080;
	[dreg:$0x7] =	wrdreg s5  }
0x14: {  	s22 =	sadd.s32 s9, s21;
	s5 =	sshrl.u32 s23, $0x3;
	s14 =	sadd.s32 s9, s6  }
0x15: {  	s15 =	sadd.s32 s9, s7;
	s6 =	sshrl.u32 s18, $0x3;
	s7 =	sshrl.u32 s19, $0x3  }
0x16: {  	s18 =	sadd.s32 s8, s1;
	s19 =	sadd.s32 s10, s1;
	s25 =	sadd.s32 $0x27000, s2  }
0x17: {  	s2 =	simm.s32 $0x50;
	s8 =	simm.s32 $0x2;
	[dreg:$0x8] =	wrdreg s22  }
0x18: {  	s10 =	simm.s32 $0x3;
	s5 =	sadd.s32 s9, s5;
	[dreg:$0xa] =	wrdreg s14  }
0x19: {  	[dreg:$0xb] =	wrdreg s15;
	s20 =	sadd.s32 s9, s6;
	s21 =	sadd.s32 s9, s7  }
0x1a: {  	s14 =	simm.s32 $0x0;
	s22 =	smul.u32 $0x4E000, s3;
	[dreg:$0x9] =	wrdreg s5  }
0x1b: {  	s15 =	sadd.s32 $0x23A00, s0;
	s0 =	sadd.s32 $0x4AC00, s0;
	[dreg:$0xd] =	wrdreg s20  }
0x1c: {  	s3 =	simm.s32 $0x13900;
	s6 =	simm.s32 $0x1C880;
	[dreg:$0xe] =	wrdreg s21  }
0x1d: {  	s7 =	simm.s32 $0x1;
	s5 =	sshrl.u32 s17, $0x3;
	[smem:$0x7FF] =	sst s14  }
0x1e: {  	s20 =	sadd.s32 s11, s1;
	s21 =	sadd.s32 s12, s1;
	s11 =	simm.s32 $0x5  }
0x1f: {  	s12 =	simm.s32 $0x6;
	s5 =	sadd.s32 s9, s5;
	s23 =	sshrl.u32 s22, $0x2  }
0x20: {  	s22 =	sadd.s32 s13, s1;
	s9 =	simm.s32 $0x4;
	[dreg:$0xc] =	wrdreg s5  }
0x21: {  	s13 =	simm.s32 $0x0;
	_ =	strace $0x80000047;
	[dreg:$0xf] =	wrdreg s0  }
0x22: {  	s17 =	sadd.s32 s23, s1;
	s23 =	sadd.s32 s16, s1;
	[dreg:$0x10] =	wrdreg s25  }
0x23: {  	s5 =	simm.s32 $0x13980;
	[dreg:$0x11] =	wrdreg s26;
	s0 =	simm.s32 $0x15880  }
.LBB2_1:
0x24: {  	s16 =	rddreg [dreg:$0xf]  }
0x25: {  	[tilespmem:s29], [sflag:$0x7] =	stream.linear.gather [hbm4b:s16+s14], $0x2800, $0x38;
	[tilespmem:$0x1F080] =	vst v63  }
0x26: {  	_ =	swait.ge [sflag:s30], $0x2800  }
0x27: {  	[sflag:s30] =	ssyncset.done $0x0  }
0x28: {  	[sflag:s30] =	ssyncadd.s32 $0xFFFFD800  }
0x29: {  	[spmem:s17] =	stream.linear.scatter [tilespmem:s29], [sflag:$0x7], $0x2800, $0x38;
	[tilespmem:$0x1F080] =	vst v63  }
0x2a: {  	_ =	swait.ge [sflag:s30], $0x2800  }
0x2b: {  	[sflag:s30] =	ssyncset.done $0x0  }
0x2c: {  	[sflag:s30] =	ssyncadd.s32 $0xFFFFD800  }
0x2d: {  	[spmem:s18] =	stream.linear.scatter [tilespmem:s29], [sflag:$0x7], $0x2800, $0x38;
	[tilespmem:$0x1F080] =	vst v63  }
0x2e: {  	_ =	swait.ge [sflag:s30], $0x2800  }
0x2f: {  	[sflag:s30] =	ssyncset.done $0x0  }
0x30: {  	[sflag:s30] =	ssyncadd.s32 $0xFFFFD800  }
0x31: {  	[spmem:s19] =	stream.linear.scatter [tilespmem:s29], [sflag:$0x7], $0x2800, $0x38;
	[tilespmem:$0x1F080] =	vst v63  }
0x32: {  	_ =	swait.ge [sflag:s30], $0x2800  }
0x33: {  	[sflag:s30] =	ssyncset.done $0x0  }
0x34: {  	[sflag:s30] =	ssyncadd.s32 $0xFFFFD800  }
0x35: {  	[spmem:s20] =	stream.linear.scatter [tilespmem:s29], [sflag:$0x7], $0x2800, $0x38;
	[tilespmem:$0x1F080] =	vst v63  }
0x36: {  	_ =	swait.ge [sflag:s30], $0x2800  }
0x37: {  	[sflag:s30] =	ssyncset.done $0x0  }
0x38: {  	[sflag:s30] =	ssyncadd.s32 $0xFFFFD800  }
0x39: {  	[spmem:s21] =	stream.linear.scatter [tilespmem:s29], [sflag:$0x7], $0x2800, $0x38;
	[tilespmem:$0x1F080] =	vst v63  }
0x3a: {  	_ =	swait.ge [sflag:s30], $0x2800  }
0x3b: {  	[sflag:s30] =	ssyncset.done $0x0  }
0x3c: {  	[sflag:s30] =	ssyncadd.s32 $0xFFFFD800  }
0x3d: {  	[spmem:s22] =	stream.linear.scatter [tilespmem:s29], [sflag:$0x7], $0x2800, $0x38;
	[tilespmem:$0x1F080] =	vst v63  }
0x3e: {  	_ =	swait.ge [sflag:s30], $0x2800  }
0x3f: {  	[sflag:s30] =	ssyncset.done $0x0  }
0x40: {  	[sflag:s30] =	ssyncadd.s32 $0xFFFFD800  }
0x41: {  	[spmem:s23] =	stream.linear.scatter [tilespmem:s29], [sflag:$0x7], $0x2800, $0x38;
	[tilespmem:$0x1F080] =	vst v63  }
0x42: {  	_ =	swait.ge [sflag:s30], $0x2800  }
0x43: {  	[sflag:s30] =	ssyncset.done $0x0  }
0x44: {  	[sflag:s30] =	ssyncadd.s32 $0xFFFFD800  }
0x45: {  	[spmem:s24] =	stream.linear.scatter [tilespmem:s29], [sflag:$0x7], $0x2000, $0x38;
	[tilespmem:$0x1F080] =	vst v63  }
0x46: {  	_ =	swait.ge [sflag:s30], $0x2000  }
0x47: {  	[sflag:s30] =	ssyncset.done $0x0  }
0x48: {  	s16 =	simm.s32 @!p0 $0x17880;
	[sflag:s30] =	ssyncadd.s32 $0xFFFFE000  }
0x49: {  	[spmem:s28] =	stream.linear.scatter @!p0 [tilespmem:s16], [sflag:$0x7], $0x800, $0x38;
	[tilespmem:$0x1F080] =	vst v63  }
0x4a: {  	s16 =	simm.s32 @!p0 $0x7  }
0x4b: {  	_ =	swait.ge @!p0 [sflag:s16], $0x800  }
0x4c: {  	[sflag:s16] =	ssyncset.done @!p0 $0x0  }
0x4d: {  	[sflag:s16] =	ssyncadd.s32 @!p0 $0xFFFFF800  }
0x4e: {  	[bflag:$0x0] =	sbarrier.arrive $0xFFFF  }
0x4f: {  	s26 =	rddreg [dreg:$0x3]  }
0x50: {  	[tilespmem:s31], [sflag:$0x7] =	stream.linear.gather [hbm4b:s26+s14], $0x2000, $0x38;
	[tilespmem:$0x1F080] =	vst v63  }
0x51: {  	_ =	swait.ge [sflag:s30], $0x2000  }
0x52: {  	[sflag:s30] =	ssyncset.done $0x0  }
0x53: {  	s25 =	rddreg [dreg:$0x4];
	[sflag:s30] =	ssyncadd.s32 $0xFFFFE000  }
0x54: {  	[tilespmem:s0], [sflag:$0x7] =	stream.linear.gather [hbm4b:s25+s14], $0x2000, $0x38;
	[tilespmem:$0x1F080] =	vst v63  }
0x55: {  	_ =	swait.ge [sflag:s30], $0x2000  }
0x56: {  	[sflag:s30] =	ssyncset.done $0x0  }
0x57: {  	[sflag:s30] =	ssyncadd.s32 $0xFFFFE000  }
0x58: {  	[tilespmem:s29], [sflag:$0x1] =	stream.indirect.gather [hbm4b:s15+s2], $0x80, s31, s2, $0xb8;
	[tilespmem:$0x1F080] =	vst v63  }
0x59: {  	_ = 	snop  }
0x5a: {  	[tilespmem:s4], [sflag:$0x2] =	stream.indirect.gather [hbm4b:s15+s2], $0x80, s3, s2, $0xb8;
	[tilespmem:$0x1F080] =	vst v63  }
0x5b: {  	_ = 	snop  }
0x5c: {  	[tilespmem:s6], [sflag:$0x3] =	stream.indirect.gather [hbm4b:s15+s2], $0x80, s5, s2, $0xb8;
	[tilespmem:$0x1F080] =	vst v63  }
0x5d: {  	_ =	swait.ge [sflag:s7], $0x2800  }
0x5e: {  	[sflag:s7] =	ssyncset.done $0x0  }
0x5f: {  	[sflag:s7] =	ssyncadd.s32 $0xFFFFD800  }
0x60: {  	[spmem:s1] =	stream.indirect.scatter.add.f32 [tilespmem:s29], [sflag:$0x4], $0x80, s0, s2, $0xb8;
	[tilespmem:$0x1F080] =	vst v63  }
0x61: {  	_ =	swait.ge [sflag:s8], $0x2800  }
0x62: {  	[sflag:s8] =	ssyncset.done $0x0  }
0x63: {  	s26 =	simm.s32 $0x15900;
	[sflag:s8] =	ssyncadd.s32 $0xFFFFD800  }
0x64: {  	[spmem:s1] =	stream.indirect.scatter.add.f32 [tilespmem:s4], [sflag:$0x5], $0x80, s26, s2, $0xb8;
	[tilespmem:$0x1F080] =	vst v63  }
0x65: {  	_ =	swait.ge [sflag:s9], $0x2800  }
0x66: {  	[sflag:s9] =	ssyncset.done $0x0  }
0x67: {  	s25 =	simm.s32 $0x13A00;
	[sflag:s9] =	ssyncadd.s32 $0xFFFFD800  }
0x68: {  	[tilespmem:s29], [sflag:$0x1] =	stream.indirect.gather [hbm4b:s15+s2], $0x80, s25, s2, $0xb8;
	[tilespmem:$0x1F080] =	vst v63  }
0x69: {  	_ =	swait.ge [sflag:s10], $0x2800  }
0x6a: {  	[sflag:s10] =	ssyncset.done $0x0  }
0x6b: {  	s26 =	simm.s32 $0x15980;
	[sflag:s10] =	ssyncadd.s32 $0xFFFFD800  }
0x6c: {  	[spmem:s1] =	stream.indirect.scatter.add.f32 [tilespmem:s6], [sflag:$0x6], $0x80, s26, s2, $0xb8;
	[tilespmem:$0x1F080] =	vst v63  }
0x6d: {  	_ =	swait.ge [sflag:s11], $0x2800  }
0x6e: {  	[sflag:s11] =	ssyncset.done $0x0  }
0x6f: {  	s25 =	simm.s32 $0x13A80;
	[sflag:s11] =	ssyncadd.s32 $0xFFFFD800  }
0x70: {  	[tilespmem:s4], [sflag:$0x2] =	stream.indirect.gather [hbm4b:s15+s2], $0x80, s25, s2, $0xb8;
	[tilespmem:$0x1F080] =	vst v63  }
0x71: {  	_ =	swait.ge [sflag:s7], $0x2800  }
0x72: {  	[sflag:s7] =	ssyncset.done $0x0  }
0x73: {  	s26 =	simm.s32 $0x15A00;
	[sflag:s7] =	ssyncadd.s32 $0xFFFFD800  }
0x74: {  	[spmem:s1] =	stream.indirect.scatter.add.f32 [tilespmem:s29], [sflag:$0x4], $0x80, s26, s2, $0xb8;
	[tilespmem:$0x1F080] =	vst v63  }
0x75: {  	_ =	swait.ge [sflag:s12], $0x2800  }
0x76: {  	[sflag:s12] =	ssyncset.done $0x0  }
0x77: {  	s16 =	simm.s32 $0x600;
	s25 =	simm.s32 $0x13B00;
	[sflag:s12] =	ssyncadd.s32 $0xFFFFD800  }
.LBB2_2:
0x78: {  	[tilespmem:s6], [sflag:$0x3] =	stream.indirect.gather [hbm4b:s15+s2], $0x80, s25, s2, $0xb8;
	[tilespmem:$0x1F080] =	vst v63  }
0x79: {  	s25 =	smov.u32 s16  }
0x7a: {  	p1 =	sne.s32 s16, $0x7200;
	s16 =	sadd.s32 $0x600, s16;
	_ =	swait.ge [sflag:s8], $0x2800  }
0x7b: {  	s25 =	sshra.s32 s25, $0x2;
	[sflag:s8] =	ssyncset.done $0x0  }
0x7c: {  	s26 =	sadd.s32 $0x15900, s25;
	[sflag:s8] =	ssyncadd.s32 $0xFFFFD800  }
0x7d: {  	[spmem:s1] =	stream.indirect.scatter.add.f32 [tilespmem:s4], [sflag:$0x5], $0x80, s26, s2, $0xb8;
	[tilespmem:$0x1F080] =	vst v63  }
0x7e: {  	_ =	swait.ge [sflag:s9], $0x2800  }
0x7f: {  	[sflag:s9] =	ssyncset.done $0x0  }
0x80: {  	s26 =	sadd.s32 $0x13A00, s25;
	[sflag:s9] =	ssyncadd.s32 $0xFFFFD800  }
0x81: {  	[tilespmem:s29], [sflag:$0x1] =	stream.indirect.gather [hbm4b:s15+s2], $0x80, s26, s2, $0xb8;
	[tilespmem:$0x1F080] =	vst v63  }
0x82: {  	_ =	swait.ge [sflag:s10], $0x2800  }
0x83: {  	[sflag:s10] =	ssyncset.done $0x0  }
0x84: {  	s26 =	sadd.s32 $0x15980, s25;
	[sflag:s10] =	ssyncadd.s32 $0xFFFFD800  }
0x85: {  	[spmem:s1] =	stream.indirect.scatter.add.f32 [tilespmem:s6], [sflag:$0x6], $0x80, s26, s2, $0xb8;
	[tilespmem:$0x1F080] =	vst v63  }
0x86: {  	_ =	swait.ge [sflag:s11], $0x2800  }
0x87: {  	[sflag:s11] =	ssyncset.done $0x0  }
0x88: {  	s26 =	sadd.s32 $0x13A80, s25;
	[sflag:s11] =	ssyncadd.s32 $0xFFFFD800  }
0x89: {  	[tilespmem:s4], [sflag:$0x2] =	stream.indirect.gather [hbm4b:s15+s2], $0x80, s26, s2, $0xb8;
	[tilespmem:$0x1F080] =	vst v63  }
0x8a: {  	_ =	swait.ge [sflag:s7], $0x2800  }
0x8b: {  	[sflag:s7] =	ssyncset.done $0x0  }
.Ltmp0:
0x8c: {  	s26 =	sadd.s32 $0x15A00, s25;
	[sflag:s7] =	ssyncadd.s32 $0xFFFFD800;
	(pc) =	sbr.rel @p1 .LBB2_2-.Ltmp0, $4  }
0x8d: {  	[spmem:s1] =	stream.indirect.scatter.add.f32 [tilespmem:s29], [sflag:$0x4], $0x80, s26, s2, $0xb8;
	[tilespmem:$0x1F080] =	vst v63  }
0x8e: {  	_ =	swait.ge [sflag:s12], $0x2800  }
0x8f: {  	[sflag:s12] =	ssyncset.done $0x0  }
0x90: {  	s25 =	sadd.s32 $0x13B00, s25;
	[sflag:s12] =	ssyncadd.s32 $0xFFFFD800  }
0x91: {  	[tilespmem:s6], [sflag:$0x3] =	stream.indirect.gather [hbm4b:s15+s2], $0x80, s25, s2, $0xb8;
	[tilespmem:$0x1F080] =	vst v63  }
0x92: {  	_ =	swait.ge [sflag:s8], $0x2800  }
0x93: {  	[sflag:s8] =	ssyncset.done $0x0  }
0x94: {  	s16 =	simm.s32 $0x17700;
	[sflag:s8] =	ssyncadd.s32 $0xFFFFD800  }
0x95: {  	[spmem:s1] =	stream.indirect.scatter.add.f32 [tilespmem:s4], [sflag:$0x5], $0x80, s16, s2, $0xb8;
	[tilespmem:$0x1F080] =	vst v63  }
0x96: {  	_ =	swait.ge [sflag:s9], $0x2800  }
0x97: {  	[sflag:s9] =	ssyncset.done $0x0  }
0x98: {  	s25 =	simm.s32 $0x15800;
	[sflag:s9] =	ssyncadd.s32 $0xFFFFD800  }
0x99: {  	[tilespmem:s29], [sflag:$0x1] =	stream.indirect.gather [hbm4b:s15+s2], $0x80, s25, s2, $0xb8;
	[tilespmem:$0x1F080] =	vst v63  }
0x9a: {  	_ =	swait.ge [sflag:s10], $0x2800  }
0x9b: {  	[sflag:s10] =	ssyncset.done $0x0  }
0x9c: {  	s26 =	simm.s32 $0x17780;
	[sflag:s10] =	ssyncadd.s32 $0xFFFFD800  }
0x9d: {  	[spmem:s1] =	stream.indirect.scatter.add.f32 [tilespmem:s6], [sflag:$0x6], $0x80, s26, s2, $0xb8;
	[tilespmem:$0x1F080] =	vst v63  }
0x9e: {  	_ =	swait.ge [sflag:s11], $0x2800  }
0x9f: {  	[sflag:s11] =	ssyncset.done $0x0  }
0xa0: {  	[sflag:s11] =	ssyncadd.s32 $0xFFFFD800  }
0xa1: {  	_ =	swait.ge [sflag:s7], $0x2800  }
0xa2: {  	[sflag:s7] =	ssyncset.done $0x0  }
0xa3: {  	s25 =	simm.s32 $0x17800;
	[sflag:s7] =	ssyncadd.s32 $0xFFFFD800  }
0xa4: {  	[spmem:s1] =	stream.indirect.scatter.add.f32 [tilespmem:s29], [sflag:$0x4], $0x80, s25, s2, $0xb8;
	[tilespmem:$0x1F080] =	vst v63  }
0xa5: {  	_ =	swait.ge [sflag:s12], $0x2800  }
0xa6: {  	[sflag:s12] =	ssyncset.done $0x0  }
0xa7: {  	[sflag:s12] =	ssyncadd.s32 $0xFFFFD800  }
0xa8: {  	_ =	swait.ge [sflag:s9], $0x2800  }
0xa9: {  	[sflag:s9] =	ssyncset.done $0x0  }
0xaa: {  	s16 =	simm.s32 $0x0;
	s26 =	rddreg [dreg:$0x5];
	[sflag:s9] =	ssyncadd.s32 $0xFFFFD800  }
0xab: {  	[tilespmem:s31], [sflag:$0x7] =	stream.linear.gather [hbm4b:s26+s16], $0x1E80, $0x38;
	[tilespmem:$0x1F080] =	vst v63  }
0xac: {  	_ =	swait.ge [sflag:s30], $0x1E80  }
0xad: {  	[sflag:s30] =	ssyncset.done $0x0  }
0xae: {  	s26 =	rddreg [dreg:$0x6];
	[sflag:s30] =	ssyncadd.s32 $0xFFFFE180  }
0xaf: {  	[tilespmem:s0], [sflag:$0x7] =	stream.linear.gather [hbm4b:s26+s16], $0x1E80, $0x38;
	[tilespmem:$0x1F080] =	vst v63  }
0xb0: {  	_ =	swait.ge [sflag:s30], $0x1E80  }
0xb1: {  	[sflag:s30] =	ssyncset.done $0x0  }
0xb2: {  	[sflag:s30] =	ssyncadd.s32 $0xFFFFE180  }
0xb3: {  	[tilespmem:s29], [sflag:$0x1] =	stream.indirect.gather [hbm4b:s15+s2], $0x80, s31, s2, $0xb8;
	[tilespmem:$0x1F080] =	vst v63  }
0xb4: {  	_ = 	snop  }
0xb5: {  	[tilespmem:s4], [sflag:$0x2] =	stream.indirect.gather [hbm4b:s15+s2], $0x80, s3, s2, $0xb8;
	[tilespmem:$0x1F080] =	vst v63  }
0xb6: {  	_ = 	snop  }
0xb7: {  	[tilespmem:s6], [sflag:$0x3] =	stream.indirect.gather [hbm4b:s15+s2], $0x80, s5, s2, $0xb8;
	[tilespmem:$0x1F080] =	vst v63  }
0xb8: {  	_ =	swait.ge [sflag:s7], $0x2800  }
0xb9: {  	[sflag:s7] =	ssyncset.done $0x0  }
0xba: {  	[sflag:s7] =	ssyncadd.s32 $0xFFFFD800  }
0xbb: {  	[spmem:s1] =	stream.indirect.scatter.add.f32 [tilespmem:s29], [sflag:$0x4], $0x80, s0, s2, $0xb8;
	[tilespmem:$0x1F080] =	vst v63  }
0xbc: {  	_ =	swait.ge [sflag:s8], $0x2800  }
0xbd: {  	[sflag:s8] =	ssyncset.done $0x0  }
0xbe: {  	s25 =	simm.s32 $0x15900;
	[sflag:s8] =	ssyncadd.s32 $0xFFFFD800  }
0xbf: {  	[spmem:s1] =	stream.indirect.scatter.add.f32 [tilespmem:s4], [sflag:$0x5], $0x80, s25, s2, $0xb8;
	[tilespmem:$0x1F080] =	vst v63  }
0xc0: {  	_ =	swait.ge [sflag:s9], $0x2800  }
0xc1: {  	[sflag:s9] =	ssyncset.done $0x0  }
0xc2: {  	s26 =	simm.s32 $0x13A00;
	[sflag:s9] =	ssyncadd.s32 $0xFFFFD800  }
0xc3: {  	[tilespmem:s29], [sflag:$0x1] =	stream.indirect.gather [hbm4b:s15+s2], $0x80, s26, s2, $0xb8;
	[tilespmem:$0x1F080] =	vst v63  }
0xc4: {  	_ =	swait.ge [sflag:s10], $0x2800  }
0xc5: {  	[sflag:s10] =	ssyncset.done $0x0  }
0xc6: {  	s3 =	simm.s32 $0x15980;
	[sflag:s10] =	ssyncadd.s32 $0xFFFFD800  }
0xc7: {  	[spmem:s1] =	stream.indirect.scatter.add.f32 [tilespmem:s6], [sflag:$0x6], $0x80, s3, s2, $0xb8;
	[tilespmem:$0x1F080] =	vst v63  }
0xc8: {  	_ =	swait.ge [sflag:s11], $0x2800  }
0xc9: {  	[sflag:s11] =	ssyncset.done $0x0  }
0xca: {  	s25 =	simm.s32 $0x13A80;
	[sflag:s11] =	ssyncadd.s32 $0xFFFFD800  }
0xcb: {  	[tilespmem:s4], [sflag:$0x2] =	stream.indirect.gather [hbm4b:s15+s2], $0x80, s25, s2, $0xb8;
	[tilespmem:$0x1F080] =	vst v63  }
0xcc: {  	_ =	swait.ge [sflag:s7], $0x2800  }
0xcd: {  	[sflag:s7] =	ssyncset.done $0x0  }
0xce: {  	s26 =	simm.s32 $0x15A00;
	[sflag:s7] =	ssyncadd.s32 $0xFFFFD800  }
0xcf: {  	[spmem:s1] =	stream.indirect.scatter.add.f32 [tilespmem:s29], [sflag:$0x4], $0x80, s26, s2, $0xb8;
	[tilespmem:$0x1F080] =	vst v63  }
0xd0: {  	_ =	swait.ge [sflag:s12], $0x2800  }
0xd1: {  	[sflag:s12] =	ssyncset.done $0x0  }
0xd2: {  	s16 =	simm.s32 $0x600;
	s25 =	simm.s32 $0x13B00;
	[sflag:s12] =	ssyncadd.s32 $0xFFFFD800  }
.LBB2_4:
0xd3: {  	[tilespmem:s6], [sflag:$0x3] =	stream.indirect.gather [hbm4b:s15+s2], $0x80, s25, s2, $0xb8;
	[tilespmem:$0x1F080] =	vst v63  }
0xd4: {  	s25 =	smov.u32 s16  }
0xd5: {  	p1 =	sne.s32 s16, $0x6C00;
	s16 =	sadd.s32 $0x600, s16;
	_ =	swait.ge [sflag:s8], $0x2800  }
0xd6: {  	s25 =	sshra.s32 s25, $0x2;
	[sflag:s8] =	ssyncset.done $0x0  }
0xd7: {  	s26 =	sadd.s32 $0x15900, s25;
	[sflag:s8] =	ssyncadd.s32 $0xFFFFD800  }
0xd8: {  	[spmem:s1] =	stream.indirect.scatter.add.f32 [tilespmem:s4], [sflag:$0x5], $0x80, s26, s2, $0xb8;
	[tilespmem:$0x1F080] =	vst v63  }
0xd9: {  	_ =	swait.ge [sflag:s9], $0x2800  }
0xda: {  	[sflag:s9] =	ssyncset.done $0x0  }
0xdb: {  	s26 =	sadd.s32 $0x13A00, s25;
	[sflag:s9] =	ssyncadd.s32 $0xFFFFD800  }
0xdc: {  	[tilespmem:s29], [sflag:$0x1] =	stream.indirect.gather [hbm4b:s15+s2], $0x80, s26, s2, $0xb8;
	[tilespmem:$0x1F080] =	vst v63  }
0xdd: {  	_ =	swait.ge [sflag:s10], $0x2800  }
0xde: {  	[sflag:s10] =	ssyncset.done $0x0  }
0xdf: {  	s26 =	sadd.s32 $0x15980, s25;
	[sflag:s10] =	ssyncadd.s32 $0xFFFFD800  }
0xe0: {  	[spmem:s1] =	stream.indirect.scatter.add.f32 [tilespmem:s6], [sflag:$0x6], $0x80, s26, s2, $0xb8;
	[tilespmem:$0x1F080] =	vst v63  }
0xe1: {  	_ =	swait.ge [sflag:s11], $0x2800  }
0xe2: {  	[sflag:s11] =	ssyncset.done $0x0  }
0xe3: {  	s26 =	sadd.s32 $0x13A80, s25;
	[sflag:s11] =	ssyncadd.s32 $0xFFFFD800  }
0xe4: {  	[tilespmem:s4], [sflag:$0x2] =	stream.indirect.gather [hbm4b:s15+s2], $0x80, s26, s2, $0xb8;
	[tilespmem:$0x1F080] =	vst v63  }
0xe5: {  	_ =	swait.ge [sflag:s7], $0x2800  }
0xe6: {  	[sflag:s7] =	ssyncset.done $0x0  }
.Ltmp1:
0xe7: {  	s26 =	sadd.s32 $0x15A00, s25;
	[sflag:s7] =	ssyncadd.s32 $0xFFFFD800;
	(pc) =	sbr.rel @p1 .LBB2_4-.Ltmp1, $4  }
0xe8: {  	[spmem:s1] =	stream.indirect.scatter.add.f32 [tilespmem:s29], [sflag:$0x4], $0x80, s26, s2, $0xb8;
	[tilespmem:$0x1F080] =	vst v63  }
0xe9: {  	_ =	swait.ge [sflag:s12], $0x2800  }
0xea: {  	[sflag:s12] =	ssyncset.done $0x0  }
0xeb: {  	s25 =	sadd.s32 $0x13B00, s25;
	[sflag:s12] =	ssyncadd.s32 $0xFFFFD800  }
0xec: {  	[tilespmem:s6], [sflag:$0x3] =	stream.indirect.gather [hbm4b:s15+s2], $0x80, s25, s2, $0xb8;
	[tilespmem:$0x1F080] =	vst v63  }
0xed: {  	_ =	swait.ge [sflag:s8], $0x2800  }
0xee: {  	[sflag:s8] =	ssyncset.done $0x0  }
0xef: {  	s3 =	simm.s32 $0x17580;
	[sflag:s8] =	ssyncadd.s32 $0xFFFFD800  }
0xf0: {  	[spmem:s1] =	stream.indirect.scatter.add.f32 [tilespmem:s4], [sflag:$0x5], $0x80, s3, s2, $0xb8;
	[tilespmem:$0x1F080] =	vst v63  }
0xf1: {  	_ =	swait.ge [sflag:s9], $0x2800  }
0xf2: {  	[sflag:s9] =	ssyncset.done $0x0  }
0xf3: {  	s25 =	simm.s32 $0x15680;
	[sflag:s9] =	ssyncadd.s32 $0xFFFFD800  }
0xf4: {  	[tilespmem:s29], [sflag:$0x1] =	stream.indirect.gather [hbm4b:s15+s2], $0x80, s25, s2, $0xb8;
	[tilespmem:$0x1F080] =	vst v63  }
0xf5: {  	_ =	swait.ge [sflag:s10], $0x2800  }
0xf6: {  	[sflag:s10] =	ssyncset.done $0x0  }
0xf7: {  	s26 =	simm.s32 $0x17600;
	[sflag:s10] =	ssyncadd.s32 $0xFFFFD800  }
0xf8: {  	[spmem:s1] =	stream.indirect.scatter.add.f32 [tilespmem:s6], [sflag:$0x6], $0x80, s26, s2, $0xb8;
	[tilespmem:$0x1F080] =	vst v63  }
0xf9: {  	_ =	swait.ge [sflag:s11], $0x2800  }
0xfa: {  	[sflag:s11] =	ssyncset.done $0x0  }
0xfb: {  	[sflag:s11] =	ssyncadd.s32 $0xFFFFD800  }
0xfc: {  	_ =	swait.ge [sflag:s7], $0x2800  }
0xfd: {  	[sflag:s7] =	ssyncset.done $0x0  }
0xfe: {  	s16 =	simm.s32 $0x17680;
	[sflag:s7] =	ssyncadd.s32 $0xFFFFD800  }
0xff: {  	[spmem:s1] =	stream.indirect.scatter.add.f32 [tilespmem:s29], [sflag:$0x4], $0x80, s16, s2, $0xb8;
	[tilespmem:$0x1F080] =	vst v63  }
0x100: {  	_ =	swait.ge [sflag:s12], $0x2800  }
0x101: {  	[sflag:s12] =	ssyncset.done $0x0  }
0x102: {  	[sflag:s12] =	ssyncadd.s32 $0xFFFFD800  }
0x103: {  	_ =	swait.ge [sflag:s9], $0x2800  }
0x104: {  	[sflag:s9] =	ssyncset.done $0x0  }
0x105: {  	[sflag:s9] =	ssyncadd.s32 $0xFFFFD800  }
0x106: {  	[bflag:$0x0] =	sbarrier.arrive $0xFFFF  }
0x107: {  	[tilespmem:s29], [sflag:$0x7] =	stream.linear.gather [spmem:s17], $0x2800, $0x38;
	[tilespmem:$0x1F080] =	vst v63  }
0x108: {  	_ =	swait.ge [sflag:s30], $0x2800  }
0x109: {  	[sflag:s30] =	ssyncset.done $0x0  }
0x10a: {  	s16 =	rddreg [dreg:$0x7];
	[sflag:s30] =	ssyncadd.s32 $0xFFFFD800  }
0x10b: {  	[hbm4b:s16+s14] =	stream.linear.scatter [tilespmem:s29], [sflag:$0x7], $0x2800, $0x38;
	[tilespmem:$0x1F080] =	vst v63  }
0x10c: {  	_ =	swait.ge [sflag:s30], $0x2800  }
0x10d: {  	[sflag:s30] =	ssyncset.done $0x0  }
0x10e: {  	[sflag:s30] =	ssyncadd.s32 $0xFFFFD800  }
0x10f: {  	[tilespmem:s29], [sflag:$0x7] =	stream.linear.gather [spmem:s18], $0x2800, $0x38;
	[tilespmem:$0x1F080] =	vst v63  }
0x110: {  	_ =	swait.ge [sflag:s30], $0x2800  }
0x111: {  	[sflag:s30] =	ssyncset.done $0x0  }
0x112: {  	s25 =	rddreg [dreg:$0x8];
	[sflag:s30] =	ssyncadd.s32 $0xFFFFD800  }
0x113: {  	[hbm4b:s25+s14] =	stream.linear.scatter [tilespmem:s29], [sflag:$0x7], $0x2800, $0x38;
	[tilespmem:$0x1F080] =	vst v63  }
0x114: {  	_ =	swait.ge [sflag:s30], $0x2800  }
0x115: {  	[sflag:s30] =	ssyncset.done $0x0  }
0x116: {  	[sflag:s30] =	ssyncadd.s32 $0xFFFFD800  }
0x117: {  	[tilespmem:s29], [sflag:$0x7] =	stream.linear.gather [spmem:s19], $0x2800, $0x38;
	[tilespmem:$0x1F080] =	vst v63  }
0x118: {  	_ =	swait.ge [sflag:s30], $0x2800  }
0x119: {  	[sflag:s30] =	ssyncset.done $0x0  }
0x11a: {  	s26 =	rddreg [dreg:$0x9];
	[sflag:s30] =	ssyncadd.s32 $0xFFFFD800  }
0x11b: {  	[hbm4b:s26+s14] =	stream.linear.scatter [tilespmem:s29], [sflag:$0x7], $0x2800, $0x38;
	[tilespmem:$0x1F080] =	vst v63  }
0x11c: {  	_ =	swait.ge [sflag:s30], $0x2800  }
0x11d: {  	[sflag:s30] =	ssyncset.done $0x0  }
0x11e: {  	[sflag:s30] =	ssyncadd.s32 $0xFFFFD800  }
0x11f: {  	[tilespmem:s29], [sflag:$0x7] =	stream.linear.gather [spmem:s20], $0x2800, $0x38;
	[tilespmem:$0x1F080] =	vst v63  }
0x120: {  	_ =	swait.ge [sflag:s30], $0x2800  }
0x121: {  	[sflag:s30] =	ssyncset.done $0x0  }
0x122: {  	s3 =	rddreg [dreg:$0xa];
	[sflag:s30] =	ssyncadd.s32 $0xFFFFD800  }
0x123: {  	[hbm4b:s3+s14] =	stream.linear.scatter [tilespmem:s29], [sflag:$0x7], $0x2800, $0x38;
	[tilespmem:$0x1F080] =	vst v63  }
0x124: {  	_ =	swait.ge [sflag:s30], $0x2800  }
0x125: {  	[sflag:s30] =	ssyncset.done $0x0  }
0x126: {  	[sflag:s30] =	ssyncadd.s32 $0xFFFFD800  }
0x127: {  	[tilespmem:s29], [sflag:$0x7] =	stream.linear.gather [spmem:s21], $0x2800, $0x38;
	[tilespmem:$0x1F080] =	vst v63  }
0x128: {  	_ =	swait.ge [sflag:s30], $0x2800  }
0x129: {  	[sflag:s30] =	ssyncset.done $0x0  }
0x12a: {  	s25 =	rddreg [dreg:$0xb];
	[sflag:s30] =	ssyncadd.s32 $0xFFFFD800  }
0x12b: {  	[hbm4b:s25+s14] =	stream.linear.scatter [tilespmem:s29], [sflag:$0x7], $0x2800, $0x38;
	[tilespmem:$0x1F080] =	vst v63  }
0x12c: {  	_ =	swait.ge [sflag:s30], $0x2800  }
0x12d: {  	[sflag:s30] =	ssyncset.done $0x0  }
0x12e: {  	[sflag:s30] =	ssyncadd.s32 $0xFFFFD800  }
0x12f: {  	[tilespmem:s29], [sflag:$0x7] =	stream.linear.gather [spmem:s22], $0x2800, $0x38;
	[tilespmem:$0x1F080] =	vst v63  }
0x130: {  	_ =	swait.ge [sflag:s30], $0x2800  }
0x131: {  	[sflag:s30] =	ssyncset.done $0x0  }
0x132: {  	s26 =	rddreg [dreg:$0xc];
	[sflag:s30] =	ssyncadd.s32 $0xFFFFD800  }
0x133: {  	[hbm4b:s26+s14] =	stream.linear.scatter [tilespmem:s29], [sflag:$0x7], $0x2800, $0x38;
	[tilespmem:$0x1F080] =	vst v63  }
0x134: {  	_ =	swait.ge [sflag:s30], $0x2800  }
0x135: {  	[sflag:s30] =	ssyncset.done $0x0  }
0x136: {  	[sflag:s30] =	ssyncadd.s32 $0xFFFFD800  }
0x137: {  	[tilespmem:s29], [sflag:$0x7] =	stream.linear.gather [spmem:s23], $0x2800, $0x38;
	[tilespmem:$0x1F080] =	vst v63  }
0x138: {  	_ =	swait.ge [sflag:s30], $0x2800  }
0x139: {  	[sflag:s30] =	ssyncset.done $0x0  }
0x13a: {  	s3 =	rddreg [dreg:$0xd];
	[sflag:s30] =	ssyncadd.s32 $0xFFFFD800  }
0x13b: {  	[hbm4b:s3+s14] =	stream.linear.scatter [tilespmem:s29], [sflag:$0x7], $0x2800, $0x38;
	[tilespmem:$0x1F080] =	vst v63  }
0x13c: {  	_ =	swait.ge [sflag:s30], $0x2800  }
0x13d: {  	[sflag:s30] =	ssyncset.done $0x0  }
0x13e: {  	[sflag:s30] =	ssyncadd.s32 $0xFFFFD800  }
0x13f: {  	[tilespmem:s29], [sflag:$0x7] =	stream.linear.gather [spmem:s24], $0x2000, $0x38;
	[tilespmem:$0x1F080] =	vst v63  }
0x140: {  	_ =	swait.ge [sflag:s30], $0x2000  }
0x141: {  	[sflag:s30] =	ssyncset.done $0x0  }
0x142: {  	s25 =	rddreg [dreg:$0xe];
	[sflag:s30] =	ssyncadd.s32 $0xFFFFE000  }
0x143: {  	[hbm4b:s25+s14] =	stream.linear.scatter [tilespmem:s29], [sflag:$0x7], $0x2000, $0x38;
	[tilespmem:$0x1F080] =	vst v63  }
0x144: {  	_ =	swait.ge [sflag:s30], $0x2000  }
0x145: {  	[sflag:s30] =	ssyncset.done $0x0  }
0x146: {  	s16 =	simm.s32 @!p0 $0x17880;
	s25 =	simm.s32 @!p0 $0x7;
	[sflag:s30] =	ssyncadd.s32 $0xFFFFE000  }
0x147: {  	[tilespmem:s16], [sflag:$0x7] =	stream.linear.gather @!p0 [spmem:s28], $0x800, $0x38;
	[tilespmem:$0x1F080] =	vst v63  }
0x148: {  	_ =	swait.ge @!p0 [sflag:s25], $0x800  }
0x149: {  	[sflag:s25] =	ssyncset.done @!p0 $0x0  }
0x14a: {  	s26 =	simm.s32 @!p0 $0x0;
	s3 =	rddreg [dreg:$0x10];
	[sflag:s25] =	ssyncadd.s32 @!p0 $0xFFFFF800  }
0x14b: {  	[hbm4b:s3+s26] =	stream.linear.scatter @!p0 [tilespmem:s16], [sflag:$0x7], $0x800, $0x38;
	[tilespmem:$0x1F080] =	vst v63  }
0x14c: {  	_ =	swait.ge @!p0 [sflag:s25], $0x800  }
0x14d: {  	s13 =	sadd.s32 $0x1, s13;
	s26 =	rddreg [dreg:$0x11]  }
0x14e: {  	p1 =	sne.s32 s13, s26  }
.Ltmp2:
0x14f: {  	_ = 	snop;
	(pc) =	sbr.rel @p1 .LBB2_1-.Ltmp2, $3  }
0x150: {  	_ =	sdelay $0x1  }
0x151: {  	[sflag:s25] =	ssyncset.done @!p0 $0x0  }
0x152: {  	s3 =	simm.s32 $0x13900;
	[sflag:s25] =	ssyncadd.s32 @!p0 $0xFFFFF800  }
0x153: {  	_ =	sfence.sel $0x180000  }
0x154: {  	[bflag:$0x0] =	sbarrier.arrive $0xFFFF  }
0x155: {  	_ =	strace $0x90000047  }
0x156: {  	[bflag:$0x2] =	sbarrier.arrive $0xFFFF  }
0x157: {  	s0 =	rddreg [dreg:$0x2]  }
0x158: {  	s0 =	sadd.s32 @!p0 $0x100000, s0  }
0x159: {  	[sflag:s0] =	ssyncadd.tile.s32 @!p0 $0x1;
	_ =	shalt  }
.Lfunc_end2:
_tile_overlayer_lowered:
.L_overlay_start_2:
0x15a: {  	(tag) =	ssettag $0x2  }
0x15b: {  	s0 =	rddreg [dreg:$0x0];
	s2 =	stileid.u32  }
0x15c: {  	s1 =	rddreg [dreg:$0x1];
	p0 =	sne.s32 s2, $0x0  }
0x15d: {  	s3 =	rddreg [dreg:$0x2];
	[bflag:$0x3] =	sbarrier.arrive $0xFFFF;
	s2 =	simm.s32 @!p0 $0x1C07  }
0x15e: {  	[timem:s3], [sflag:s2] =	dma.local @!p0 [hbm:s0], s1  }
0x15f: {  	s0 =	simm.s32 @!p0 $0x7  }
0x160: {  	_ =	swait.ge @!p0 [sflag:s0], s1  }
0x161: {  	s1 =	ssub.s32 @!p0 $0x0, s1;
	[sflag:s0] =	ssyncset.done @!p0 $0x0  }
0x162: {  	[sflag:s0] =	ssyncadd.s32 @!p0 s1  }
0x163: {  	[bflag:$0x3] =	sbarrier.arrive $0xFFFF  }
0x164: {  	_ =	shalt  }

</sc_bundles>
